<compile_context>
chip_gen: v7x
topology: tpu7x:2x2x1
jax: 0.10.2.dev20260603
libtpu: 0.0.44.dev20260713+nightly
codegen_flags: <defaults>
</compile_context>

<pallas_src>
import jax
import jax.numpy as jnp
from jax import lax
from jax.experimental import pallas as pl
from jax.experimental.pallas import tpu as pltpu
from jax.experimental.pallas import tpu_sc as plsc

_B, _T, _P, _H = 8, 4, 1025, 1280
_LG = _H // 16
_CR = 16
_NF = 1024 // _CR
_R = 3


def _sc_body(hid, idx8, table, g16, out,
             idx_v, g_v, my_emb, in0, in1, in2, out0, out1, out2,
             isem, osem, gsem):
    c = lax.axis_index("c")
    s = lax.axis_index("s")
    wid = s * 2 + c
    b = wid // _T
    t = wid % _T

    pltpu.sync_copy(idx8.at[b], idx_v)
    pltpu.async_copy(table.at[idx_v], out0.at[pl.ds(0, 8), :], gsem).wait()

    pltpu.sync_copy(g16, g_v)
    g = g_v[pl.ds(0, 16)]
    scale = 1.0 - 2.0 / (jnp.exp(g * 2.0) + 1.0)

    def scale_body(lg, carry):
        off = lg * 16
        my_emb[0, pl.ds(off, 16)] = out0[t, pl.ds(off, 16)] * scale
        return carry

    lax.fori_loop(0, _LG, scale_body, 0)

    ins = (in0, in1, in2)
    outs = (out0, out1, out2)

    def icopy(k, slot):
        return pltpu.make_async_copy(
            hid.at[b, t, pl.ds(k * _CR, _CR), :], ins[slot], isem.at[slot])

    def ocopy(k, slot):
        return pltpu.make_async_copy(
            outs[slot], out.at[b, t, pl.ds(k * _CR, _CR), :], osem.at[slot])

    def compute(slot):
        ib, ob = ins[slot], outs[slot]

        def lg_body(lg, carry):
            off = lg * 16
            av = my_emb[0, pl.ds(off, 16)]
            for rr in range(_CR):
                ob[rr, pl.ds(off, 16)] = ib[rr, pl.ds(off, 16)] + av
            return carry

        lax.fori_loop(0, _LG, lg_body, 0)

    for j in range(_R):
        icopy(j, j).start()
    for j in range(_R):
        icopy(j, j).wait()
        compute(j)
        ocopy(j, j).start()
        icopy(j + _R, j).start()

    def body(gi, carry):
        k0 = gi * _R
        for j in range(_R):
            k = k0 + j
            icopy(k, j).wait()
            ocopy(k - _R, j).wait()
            compute(j)
            ocopy(k, j).start()
            icopy(k + _R, j).start()
        return carry

    lax.fori_loop(1, _NF // _R - 1, body, 0)

    k0 = (_NF // _R - 1) * _R
    for k in range(k0, _NF):
        j = k % _R
        icopy(k, j).wait()
        ocopy(k - _R, j).wait()
        compute(j)
        ocopy(k, j).start()
        if k + _R < _NF:
            icopy(k + _R, j).start()
    for k in range(_NF - _R, _NF):
        ocopy(k, k % _R).wait()

    r1 = _NF * _CR
    pltpu.sync_copy(hid.at[b, t, pl.ds(r1, 1), :], in1.at[pl.ds(0, 1), :])

    def tail1_body(lg, carry):
        off = lg * 16
        av = my_emb[0, pl.ds(off, 16)]
        out1[0, pl.ds(off, 16)] = in1[0, pl.ds(off, 16)] + av
        return carry

    lax.fori_loop(0, _LG, tail1_body, 0)
    pltpu.sync_copy(out1.at[pl.ds(0, 1), :], out.at[b, t, pl.ds(r1, 1), :])


def kernel(hidden_state, aspect_ratio_ids, embedding_table, gate):
    g16 = jnp.broadcast_to(gate, (16,))
    tiles8 = jnp.tile(jnp.arange(_T, dtype=jnp.int32), 2)
    idx8 = aspect_ratio_ids.astype(jnp.int32)[:, None] * _T + tiles8[None, :]
    table36 = embedding_table.reshape(-1, _H)
    sc_kernel = pl.kernel(
        _sc_body,
        out_type=jax.ShapeDtypeStruct(hidden_state.shape, hidden_state.dtype),
        mesh=plsc.VectorSubcoreMesh(core_axis_name="c", subcore_axis_name="s"),
        scratch_types=[
            pltpu.VMEM((8,), jnp.int32),
            pltpu.VMEM((16,), jnp.float32),
            pltpu.VMEM((1, _H), jnp.float32),
            pltpu.VMEM((_CR, _H), jnp.float32),
            pltpu.VMEM((_CR, _H), jnp.float32),
            pltpu.VMEM((_CR, _H), jnp.float32),
            pltpu.VMEM((_CR, _H), jnp.float32),
            pltpu.VMEM((_CR, _H), jnp.float32),
            pltpu.VMEM((_CR, _H), jnp.float32),
            pltpu.SemaphoreType.DMA((_R,)),
            pltpu.SemaphoreType.DMA((_R,)),
            pltpu.SemaphoreType.DMA,
        ],
        compiler_params=pltpu.CompilerParams(use_tc_tiling_on_sc=True),
    )
    return sc_kernel(hidden_state, idx8, table36, g16)

# --- scband reference (transcript-rebuilt; emitter-appended) ---
"""Pipeline reference for scband-vision-precomputed-aspect-ratio-embedding-86363202388287 (READ-ONLY COPY).

The authoritative reference and input builder live on the scoring server;
editing this copy changes nothing except your own understanding.
"""

import jax, jax.numpy as jnp
import numpy as np

MAX_NUM_TILES = 4
HIDDEN = 1280
MAX_AR_ID = 8
BATCH = 8
NUM_PATCHES = 1025


def setup_inputs(seed: int = 0) -> dict:
    key = jax.random.key(seed)
    k1, k2, k3 = jax.random.split(key, 3)
    hidden_state = jax.random.normal(k1, (BATCH, MAX_NUM_TILES, NUM_PATCHES, HIDDEN), dtype=jnp.float32)
    aspect_ratio_ids = jax.random.randint(k2, (BATCH,), 0, MAX_AR_ID + 1, dtype=jnp.int64 if jax.config.read('jax_enable_x64') else jnp.int32)
    # learned params per init_kwargs
    embedding_table = jax.random.normal(k3, (MAX_AR_ID + 1, MAX_NUM_TILES * HIDDEN), dtype=jnp.float32) * 0.02
    gate = jnp.full((1,), 0.1, dtype=jnp.float32)
    return {
        'hidden_state': hidden_state,
        'aspect_ratio_ids': aspect_ratio_ids,
        'embedding_table': embedding_table,
        'gate': gate,
    }


def reference(hidden_state, aspect_ratio_ids, embedding_table, gate):
    # nn.Embed lookup -> gather rows of the table
    embeddings = jnp.take(embedding_table, aspect_ratio_ids, axis=0)
    embeddings = embeddings.reshape(-1, MAX_NUM_TILES, 1, HIDDEN)
    # is_gated = True
    embeddings = embeddings * jnp.tanh(gate)
    hidden_state = hidden_state + embeddings
    return hidden_state

if __name__ == "__main__":
    import jax
    _d = setup_inputs()
    print(jax.jit(kernel)(*tuple(_d.values())))

</pallas_src>

<mosaic_0001>
#map = affine_map<(d0, d1) -> (0, 0, 0, 0)>
#map1 = affine_map<(d0, d1) -> (0, 0)>
#map2 = affine_map<(d0, d1) -> (0)>
module attributes {stable_mosaic.version = 14 : i64} {
  func.func @_sc_body(%arg0: i32, %arg1: i32, %arg2: memref<8x4x1025x1280xf32, #tpu.memory_space<hbm>>, %arg3: memref<8x8xi32, #tpu.memory_space<hbm>>, %arg4: memref<36x1280xf32, #tpu.memory_space<hbm>>, %arg5: memref<16xf32, #tpu.memory_space<hbm>>, %arg6: memref<8x4x1025x1280xf32, #tpu.memory_space<hbm>>, %arg7: memref<8xi32, #tpu.memory_space<vmem>>, %arg8: memref<16xf32, #tpu.memory_space<vmem>>, %arg9: memref<1x1280xf32, #tpu.memory_space<vmem>>, %arg10: memref<16x1280xf32, #tpu.memory_space<vmem>>, %arg11: memref<16x1280xf32, #tpu.memory_space<vmem>>, %arg12: memref<16x1280xf32, #tpu.memory_space<vmem>>, %arg13: memref<16x1280xf32, #tpu.memory_space<vmem>>, %arg14: memref<16x1280xf32, #tpu.memory_space<vmem>>, %arg15: memref<16x1280xf32, #tpu.memory_space<vmem>>, %arg16: memref<3x!tpu.dma_semaphore, #tpu.memory_space<semaphore_mem>>, %arg17: memref<3x!tpu.dma_semaphore, #tpu.memory_space<semaphore_mem>>, %arg18: memref<!tpu.dma_semaphore, #tpu.memory_space<semaphore_mem>>) attributes {dimension_semantics = [#tpu.dimension_semantics<core_parallel>, #tpu.dimension_semantics<subcore_parallel>], iteration_bounds = array<i64: 2, 16>, scalar_prefetch = 0 : i64, scratch_operands = 12 : i64, tpu.core_type = #tpu.core_type<sc_vector_subcore>, window_params = [{transform_indices = #map}, {transform_indices = #map1}, {transform_indices = #map1}, {transform_indices = #map2}, {transform_indices = #map}]} {
    %mul3A = arith.constant 2 : i32
    %mul3A_0 = arith.muli %arg1, %mul3A : i32
    %add3A = arith.addi %mul3A_0, %arg0 : i32
    %jit3A = arith.constant 4 : i32
    %div3A = arith.divsi %add3A, %jit3A : i32
    %sign3A = arith.constant 0 : i32
    %sign3A_1 = arith.cmpi sgt, %add3A, %sign3A : i32
    %sign3A_2 = arith.extui %sign3A_1 : i1 to i32
    %sign3A_3 = arith.constant 0 : i32
    %sign3A_4 = arith.cmpi slt, %add3A, %sign3A_3 : i32
    %sign3A_5 = arith.extui %sign3A_4 : i1 to i32
    %sign3A_6 = arith.subi %sign3A_2, %sign3A_5 : i32
    %sign3A_7 = arith.constant 0 : i32
    %sign3A_8 = arith.cmpi sgt, %jit3A, %sign3A_7 : i32
    %sign3A_9 = arith.extui %sign3A_8 : i1 to i32
    %sign3A_10 = arith.constant 0 : i32
    %sign3A_11 = arith.cmpi slt, %jit3A, %sign3A_10 : i32
    %sign3A_12 = arith.extui %sign3A_11 : i1 to i32
    %sign3A_13 = arith.subi %sign3A_9, %sign3A_12 : i32
    %ne3A = arith.cmpi ne, %sign3A_6, %sign3A_13 : i32
    %rem3A = arith.remsi %add3A, %jit3A : i32
    %ne3A_14 = arith.constant 0 : i32
    %ne3A_15 = arith.cmpi ne, %rem3A, %ne3A_14 : i32
    %and3A = arith.andi %ne3A, %ne3A_15 : i1
    %sub3A = arith.constant 1 : i32
    %sub3A_16 = arith.subi %div3A, %sub3A : i32
    %select_n3A = arith.select %and3A, %sub3A_16, %div3A : i32
    %jit3A_17 = arith.constant 4 : i32
    %eq3A = arith.constant 0 : i32
    %eq3A_18 = arith.cmpi eq, %jit3A_17, %eq3A : i32
    %jit3A_19 = arith.constant 1 : i32
    %select_n3A_20 = arith.select %eq3A_18, %jit3A_19, %jit3A_17 : i32
    %rem3A_21 = arith.remsi %add3A, %select_n3A_20 : i32
    %ne3A_22 = arith.constant 0 : i32
    %ne3A_23 = arith.cmpi ne, %rem3A_21, %ne3A_22 : i32
    %lt3A = arith.constant 0 : i32
    %lt3A_24 = arith.cmpi slt, %rem3A_21, %lt3A : i32
    %lt3A_25 = arith.constant 0 : i32
    %lt3A_26 = arith.cmpi slt, %select_n3A_20, %lt3A_25 : i32
    %ne3A_27 = arith.xori %lt3A_24, %lt3A_26 : i1
    %and3A_28 = arith.andi %ne3A_27, %ne3A_23 : i1
    %add3A_29 = arith.addi %rem3A_21, %select_n3A_20 : i32
    %select_n3A_30 = arith.select %and3A_28, %add3A_29, %rem3A_21 : i32
    "tpu.region"() ({
      %run_scoped3A = tpu.sem_alloc : memref<!tpu.dma_semaphore, #tpu.memory_space<semaphore_mem>>
      %dma_start3A_422 = arith.constant 0 : i32
      %dma_start3A_423 = tpu.memref_slice %arg3[%select_n3A, %dma_start3A_422] : memref<8x8xi32, #tpu.memory_space<hbm>> -> memref<1x8xi32, #tpu.memory_space<hbm>>
      %dma_start3A_424 = tpu.memref_squeeze %dma_start3A_423 : memref<1x8xi32, #tpu.memory_space<hbm>> -> memref<8xi32, #tpu.memory_space<hbm>>
      %dma_start3A_425 = arith.constant 0 : i32
      %dma_start3A_426 = tpu.memref_slice %arg3[%select_n3A, %dma_start3A_425] : memref<8x8xi32, #tpu.memory_space<hbm>> -> memref<1x8xi32, #tpu.memory_space<hbm>>
      %dma_start3A_427 = tpu.memref_squeeze %dma_start3A_426 : memref<1x8xi32, #tpu.memory_space<hbm>> -> memref<8xi32, #tpu.memory_space<hbm>>
      tpu.enqueue_dma source(%dma_start3A_427 : memref<8xi32, #tpu.memory_space<hbm>>) target(%arg7 : memref<8xi32, #tpu.memory_space<vmem>>) target_semaphore(%run_scoped3A : memref<!tpu.dma_semaphore, #tpu.memory_space<semaphore_mem>>)
      %dma_wait3A_428 = arith.constant 0 : i32
      %dma_wait3A_429 = tpu.memref_slice %arg3[%select_n3A, %dma_wait3A_428] : memref<8x8xi32, #tpu.memory_space<hbm>> -> memref<1x8xi32, #tpu.memory_space<hbm>>
      %dma_wait3A_430 = tpu.memref_squeeze %dma_wait3A_429 : memref<1x8xi32, #tpu.memory_space<hbm>> -> memref<8xi32, #tpu.memory_space<hbm>>
      %dma_wait3A_431 = arith.constant 0 : i32
      %dma_wait3A_432 = tpu.memref_slice %arg3[%select_n3A, %dma_wait3A_431] : memref<8x8xi32, #tpu.memory_space<hbm>> -> memref<1x8xi32, #tpu.memory_space<hbm>>
      %dma_wait3A_433 = tpu.memref_squeeze %dma_wait3A_432 : memref<1x8xi32, #tpu.memory_space<hbm>> -> memref<8xi32, #tpu.memory_space<hbm>>
      tpu.wait_dma2 semaphore(%run_scoped3A : memref<!tpu.dma_semaphore, #tpu.memory_space<semaphore_mem>>) src(%dma_wait3A_433 : memref<8xi32, #tpu.memory_space<hbm>>) dst(%arg7 : memref<8xi32, #tpu.memory_space<vmem>>)
      tpu.yield
    }) : () -> ()
    %dma_start3A = arith.constant 0 : i32
    %dma_start3A_31 = arith.constant 0 : i32
    %dma_start3A_32 = tpu.memref_slice %arg13[%dma_start3A, %dma_start3A_31] : memref<16x1280xf32, #tpu.memory_space<vmem>> -> memref<8x1280xf32, #tpu.memory_space<vmem>>
    %dma_start3A_33 = arith.constant 0 : i32
    %dma_start3A_34 = arith.constant 0 : i32
    %dma_start3A_35 = tpu.memref_slice %arg4[%dma_start3A_33, %dma_start3A_34] : memref<36x1280xf32, #tpu.memory_space<hbm>> -> memref<36x1280xf32, #tpu.memory_space<hbm>>
    tpu.enqueue_indirect_dma source(%dma_start3A_35 : memref<36x1280xf32, #tpu.memory_space<hbm>>) target(%dma_start3A_32 : memref<8x1280xf32, #tpu.memory_space<vmem>>) offsets(%arg7 : memref<8xi32, #tpu.memory_space<vmem>>) semaphore(%arg18 : memref<!tpu.dma_semaphore, #tpu.memory_space<semaphore_mem>>)
    %dma_wait3A = arith.constant 0 : i32
    %dma_wait3A_36 = arith.constant 0 : i32
    %dma_wait3A_37 = tpu.memref_slice %arg13[%dma_wait3A, %dma_wait3A_36] : memref<16x1280xf32, #tpu.memory_space<vmem>> -> memref<8x1280xf32, #tpu.memory_space<vmem>>
    %dma_wait3A_38 = arith.constant 0 : i32
    %dma_wait3A_39 = arith.constant 0 : i32
    %dma_wait3A_40 = tpu.memref_slice %arg4[%dma_wait3A_38, %dma_wait3A_39] : memref<36x1280xf32, #tpu.memory_space<hbm>> -> memref<36x1280xf32, #tpu.memory_space<hbm>>
    tpu.wait_indirect_dma semaphore(%arg18 : memref<!tpu.dma_semaphore, #tpu.memory_space<semaphore_mem>>) src(%dma_wait3A_40 : memref<36x1280xf32, #tpu.memory_space<hbm>>) dst(%dma_wait3A_37 : memref<8x1280xf32, #tpu.memory_space<vmem>>)
    "tpu.region"() ({
      %run_scoped3A = tpu.sem_alloc : memref<!tpu.dma_semaphore, #tpu.memory_space<semaphore_mem>>
      tpu.enqueue_dma source(%arg5 : memref<16xf32, #tpu.memory_space<hbm>>) target(%arg8 : memref<16xf32, #tpu.memory_space<vmem>>) target_semaphore(%run_scoped3A : memref<!tpu.dma_semaphore, #tpu.memory_space<semaphore_mem>>)
      tpu.wait_dma2 semaphore(%run_scoped3A : memref<!tpu.dma_semaphore, #tpu.memory_space<semaphore_mem>>) src(%arg5 : memref<16xf32, #tpu.memory_space<hbm>>) dst(%arg8 : memref<16xf32, #tpu.memory_space<vmem>>)
      tpu.yield
    }) : () -> ()
    %get3A = arith.constant 0 : index
    %get3A_41 = tpu.vector_load %arg8[%get3A] {strides = array<i32>} : memref<16xf32, #tpu.memory_space<vmem>>, vector<16xf32>,
    %get3A_42 = vector.shape_cast %get3A_41 : vector<16xf32> to vector<16xf32>
    %mul3A_43 = arith.constant 2.000000e+00 : f32
    %mul3A_44 = vector.broadcast %mul3A_43 : f32 to vector<16xf32>
    %mul3A_45 = arith.mulf %get3A_42, %mul3A_44 : vector<16xf32>
    %exp3A = math.exp %mul3A_45 : vector<16xf32>
    %add3A_46 = arith.constant 1.000000e+00 : f32
    %add3A_47 = vector.broadcast %add3A_46 : f32 to vector<16xf32>
    %add3A_48 = arith.addf %exp3A, %add3A_47 : vector<16xf32>
    %div3A_49 = arith.constant 2.000000e+00 : f32
    %div3A_50 = vector.broadcast %div3A_49 : f32 to vector<16xf32>
    %div3A_51 = arith.divf %div3A_50, %add3A_48 : vector<16xf32>
    %sub3A_52 = arith.constant 1.000000e+00 : f32
    %sub3A_53 = vector.broadcast %sub3A_52 : f32 to vector<16xf32>
    %sub3A_54 = arith.subf %sub3A_53, %div3A_51 : vector<16xf32>
    %scan3A = arith.constant 0 : i32
    %scan3A_55 = arith.constant 0 : i32
    %scan3A_56 = arith.constant 80 : i32
    %scan3A_57 = arith.addi %scan3A_55, %scan3A_56 : i32
    %scan3A_58 = arith.constant 1 : i32
    scf.for %scan3A_422 = %scan3A_55 to %scan3A_57 step %scan3A_58  : i32 {
      %mul3A_423 = arith.constant 16 : i32
      %mul3A_424 = arith.muli %scan3A_422, %mul3A_423 : i32
      %get3A_425 = arith.index_cast %select_n3A_30 : i32 to index
      %get3A_426 = arith.index_cast %mul3A_424 : i32 to index
      %get3A_427 = tpu.vector_load %arg13[%get3A_425, %get3A_426] {strides = array<i32>} : memref<16x1280xf32, #tpu.memory_space<vmem>>, vector<1x16xf32>,
      %get3A_428 = vector.shape_cast %get3A_427 : vector<1x16xf32> to vector<16xf32>
      %mul3A_429 = arith.mulf %get3A_428, %sub3A_54 : vector<16xf32>
      %swap3A = arith.constant 0 : i32
      %swap3A_430 = arith.index_cast %swap3A : i32 to index
      %swap3A_431 = arith.index_cast %mul3A_424 : i32 to index
      %swap3A_432 = tpu.vector_load %arg9[%swap3A_430, %swap3A_431] {strides = array<i32>} : memref<1x1280xf32, #tpu.memory_space<vmem>>, vector<1x16xf32>,
      %swap3A_433 = vector.shape_cast %swap3A_432 : vector<1x16xf32> to vector<16xf32>
      %swap3A_434 = vector.shape_cast %mul3A_429 : vector<16xf32> to vector<1x16xf32>
      tpu.vector_store %arg9[%swap3A_430, %swap3A_431], %swap3A_434 {strides = array<i32>} : memref<1x1280xf32, #tpu.memory_space<vmem>>, vector<1x16xf32>,
    }
    %scan3A_59 = arith.constant 80 : i32
    %dma_start3A_60 = arith.constant 0 : i32
    %dma_start3A_61 = arith.constant 0 : i32
    %dma_start3A_62 = arith.constant 0 : i32
    %dma_start3A_63 = tpu.memref_slice %arg2[%select_n3A, %select_n3A_30, %dma_start3A_61, %dma_start3A_62] : memref<8x4x1025x1280xf32, #tpu.memory_space<hbm>> -> memref<1x1x16x1280xf32, #tpu.memory_space<hbm>>
    %dma_start3A_64 = tpu.memref_squeeze %dma_start3A_63 : memref<1x1x16x1280xf32, #tpu.memory_space<hbm>> -> memref<16x1280xf32, #tpu.memory_space<hbm>>
    %dma_start3A_65 = tpu.memref_slice %arg16[%dma_start3A_60] : memref<3x!tpu.dma_semaphore, #tpu.memory_space<semaphore_mem>> -> memref<1x!tpu.dma_semaphore, #tpu.memory_space<semaphore_mem>>
    %dma_start3A_66 = tpu.memref_squeeze %dma_start3A_65 : memref<1x!tpu.dma_semaphore, #tpu.memory_space<semaphore_mem>> -> memref<!tpu.dma_semaphore, #tpu.memory_space<semaphore_mem>>
    %dma_start3A_67 = arith.constant 0 : i32
    %dma_start3A_68 = arith.constant 0 : i32
    %dma_start3A_69 = tpu.memref_slice %arg2[%select_n3A, %select_n3A_30, %dma_start3A_67, %dma_start3A_68] : memref<8x4x1025x1280xf32, #tpu.memory_space<hbm>> -> memref<1x1x16x1280xf32, #tpu.memory_space<hbm>>
    %dma_start3A_70 = tpu.memref_squeeze %dma_start3A_69 : memref<1x1x16x1280xf32, #tpu.memory_space<hbm>> -> memref<16x1280xf32, #tpu.memory_space<hbm>>
    tpu.enqueue_dma source(%dma_start3A_70 : memref<16x1280xf32, #tpu.memory_space<hbm>>) target(%arg10 : memref<16x1280xf32, #tpu.memory_space<vmem>>) target_semaphore(%dma_start3A_66 : memref<!tpu.dma_semaphore, #tpu.memory_space<semaphore_mem>>)
    %dma_start3A_71 = arith.constant 1 : i32
    %dma_start3A_72 = arith.constant 16 : i32
    %dma_start3A_73 = arith.constant 0 : i32
    %dma_start3A_74 = tpu.memref_slice %arg2[%select_n3A, %select_n3A_30, %dma_start3A_72, %dma_start3A_73] : memref<8x4x1025x1280xf32, #tpu.memory_space<hbm>> -> memref<1x1x16x1280xf32, #tpu.memory_space<hbm>>
    %dma_start3A_75 = tpu.memref_squeeze %dma_start3A_74 : memref<1x1x16x1280xf32, #tpu.memory_space<hbm>> -> memref<16x1280xf32, #tpu.memory_space<hbm>>
    %dma_start3A_76 = tpu.memref_slice %arg16[%dma_start3A_71] : memref<3x!tpu.dma_semaphore, #tpu.memory_space<semaphore_mem>> -> memref<1x!tpu.dma_semaphore, #tpu.memory_space<semaphore_mem>>
    %dma_start3A_77 = tpu.memref_squeeze %dma_start3A_76 : memref<1x!tpu.dma_semaphore, #tpu.memory_space<semaphore_mem>> -> memref<!tpu.dma_semaphore, #tpu.memory_space<semaphore_mem>>
    %dma_start3A_78 = arith.constant 16 : i32
    %dma_start3A_79 = arith.constant 0 : i32
    %dma_start3A_80 = tpu.memref_slice %arg2[%select_n3A, %select_n3A_30, %dma_start3A_78, %dma_start3A_79] : memref<8x4x1025x1280xf32, #tpu.memory_space<hbm>> -> memref<1x1x16x1280xf32, #tpu.memory_space<hbm>>
    %dma_start3A_81 = tpu.memref_squeeze %dma_start3A_80 : memref<1x1x16x1280xf32, #tpu.memory_space<hbm>> -> memref<16x1280xf32, #tpu.memory_space<hbm>>
    tpu.enqueue_dma source(%dma_start3A_81 : memref<16x1280xf32, #tpu.memory_space<hbm>>) target(%arg11 : memref<16x1280xf32, #tpu.memory_space<vmem>>) target_semaphore(%dma_start3A_77 : memref<!tpu.dma_semaphore, #tpu.memory_space<semaphore_mem>>)
    %dma_start3A_82 = arith.constant 2 : i32
    %dma_start3A_83 = arith.constant 32 : i32
    %dma_start3A_84 = arith.constant 0 : i32
    %dma_start3A_85 = tpu.memref_slice %arg2[%select_n3A, %select_n3A_30, %dma_start3A_83, %dma_start3A_84] : memref<8x4x1025x1280xf32, #tpu.memory_space<hbm>> -> memref<1x1x16x1280xf32, #tpu.memory_space<hbm>>
    %dma_start3A_86 = tpu.memref_squeeze %dma_start3A_85 : memref<1x1x16x1280xf32, #tpu.memory_space<hbm>> -> memref<16x1280xf32, #tpu.memory_space<hbm>>
    %dma_start3A_87 = tpu.memref_slice %arg16[%dma_start3A_82] : memref<3x!tpu.dma_semaphore, #tpu.memory_space<semaphore_mem>> -> memref<1x!tpu.dma_semaphore, #tpu.memory_space<semaphore_mem>>
    %dma_start3A_88 = tpu.memref_squeeze %dma_start3A_87 : memref<1x!tpu.dma_semaphore, #tpu.memory_space<semaphore_mem>> -> memref<!tpu.dma_semaphore, #tpu.memory_space<semaphore_mem>>
    %dma_start3A_89 = arith.constant 32 : i32
    %dma_start3A_90 = arith.constant 0 : i32
    %dma_start3A_91 = tpu.memref_slice %arg2[%select_n3A, %select_n3A_30, %dma_start3A_89, %dma_start3A_90] : memref<8x4x1025x1280xf32, #tpu.memory_space<hbm>> -> memref<1x1x16x1280xf32, #tpu.memory_space<hbm>>
    %dma_start3A_92 = tpu.memref_squeeze %dma_start3A_91 : memref<1x1x16x1280xf32, #tpu.memory_space<hbm>> -> memref<16x1280xf32, #tpu.memory_space<hbm>>
    tpu.enqueue_dma source(%dma_start3A_92 : memref<16x1280xf32, #tpu.memory_space<hbm>>) target(%arg12 : memref<16x1280xf32, #tpu.memory_space<vmem>>) target_semaphore(%dma_start3A_88 : memref<!tpu.dma_semaphore, #tpu.memory_space<semaphore_mem>>)
    %dma_wait3A_93 = arith.constant 0 : i32
    %dma_wait3A_94 = arith.constant 0 : i32
    %dma_wait3A_95 = arith.constant 0 : i32
    %dma_wait3A_96 = tpu.memref_slice %arg2[%select_n3A, %select_n3A_30, %dma_wait3A_94, %dma_wait3A_95] : memref<8x4x1025x1280xf32, #tpu.memory_space<hbm>> -> memref<1x1x16x1280xf32, #tpu.memory_space<hbm>>
    %dma_wait3A_97 = tpu.memref_squeeze %dma_wait3A_96 : memref<1x1x16x1280xf32, #tpu.memory_space<hbm>> -> memref<16x1280xf32, #tpu.memory_space<hbm>>
    %dma_wait3A_98 = tpu.memref_slice %arg16[%dma_wait3A_93] : memref<3x!tpu.dma_semaphore, #tpu.memory_space<semaphore_mem>> -> memref<1x!tpu.dma_semaphore, #tpu.memory_space<semaphore_mem>>
    %dma_wait3A_99 = tpu.memref_squeeze %dma_wait3A_98 : memref<1x!tpu.dma_semaphore, #tpu.memory_space<semaphore_mem>> -> memref<!tpu.dma_semaphore, #tpu.memory_space<semaphore_mem>>
    %dma_wait3A_100 = arith.constant 0 : i32
    %dma_wait3A_101 = arith.constant 0 : i32
    %dma_wait3A_102 = tpu.memref_slice %arg2[%select_n3A, %select_n3A_30, %dma_wait3A_100, %dma_wait3A_101] : memref<8x4x1025x1280xf32, #tpu.memory_space<hbm>> -> memref<1x1x16x1280xf32, #tpu.memory_space<hbm>>
    %dma_wait3A_103 = tpu.memref_squeeze %dma_wait3A_102 : memref<1x1x16x1280xf32, #tpu.memory_space<hbm>> -> memref<16x1280xf32, #tpu.memory_space<hbm>>
    tpu.wait_dma2 semaphore(%dma_wait3A_99 : memref<!tpu.dma_semaphore, #tpu.memory_space<semaphore_mem>>) src(%dma_wait3A_103 : memref<16x1280xf32, #tpu.memory_space<hbm>>) dst(%arg10 : memref<16x1280xf32, #tpu.memory_space<vmem>>)
    %scan3A_104 = arith.constant 0 : i32
    %scan3A_105 = arith.constant 0 : i32
    %scan3A_106 = arith.constant 80 : i32
    %scan3A_107 = arith.addi %scan3A_105, %scan3A_106 : i32
    %scan3A_108 = arith.constant 1 : i32
    scf.for %scan3A_422 = %scan3A_105 to %scan3A_107 step %scan3A_108  : i32 {
      %mul3A_423 = arith.constant 16 : i32
      %mul3A_424 = arith.muli %scan3A_422, %mul3A_423 : i32
      %get3A_425 = arith.constant 0 : i32
      %get3A_426 = arith.index_cast %get3A_425 : i32 to index
      %get3A_427 = arith.index_cast %mul3A_424 : i32 to index
      %get3A_428 = tpu.vector_load %arg9[%get3A_426, %get3A_427] {strides = array<i32>} : memref<1x1280xf32, #tpu.memory_space<vmem>>, vector<1x16xf32>,
      %get3A_429 = vector.shape_cast %get3A_428 : vector<1x16xf32> to vector<16xf32>
      %get3A_430 = arith.constant 0 : i32
      %get3A_431 = arith.index_cast %get3A_430 : i32 to index
      %get3A_432 = arith.index_cast %mul3A_424 : i32 to index
      %get3A_433 = tpu.vector_load %arg10[%get3A_431, %get3A_432] {strides = array<i32>} : memref<16x1280xf32, #tpu.memory_space<vmem>>, vector<1x16xf32>,
      %get3A_434 = vector.shape_cast %get3A_433 : vector<1x16xf32> to vector<16xf32>
      %add3A_435 = arith.addf %get3A_434, %get3A_429 : vector<16xf32>
      %swap3A = arith.constant 0 : i32
      %swap3A_436 = arith.index_cast %swap3A : i32 to index
      %swap3A_437 = arith.index_cast %mul3A_424 : i32 to index
      %swap3A_438 = tpu.vector_load %arg13[%swap3A_436, %swap3A_437] {strides = array<i32>} : memref<16x1280xf32, #tpu.memory_space<vmem>>, vector<1x16xf32>,
      %swap3A_439 = vector.shape_cast %swap3A_438 : vector<1x16xf32> to vector<16xf32>
      %swap3A_440 = vector.shape_cast %add3A_435 : vector<16xf32> to vector<1x16xf32>
      tpu.vector_store %arg13[%swap3A_436, %swap3A_437], %swap3A_440 {strides = array<i32>} : memref<16x1280xf32, #tpu.memory_space<vmem>>, vector<1x16xf32>,
      %get3A_441 = arith.constant 1 : i32
      %get3A_442 = arith.index_cast %get3A_441 : i32 to index
      %get3A_443 = arith.index_cast %mul3A_424 : i32 to index
      %get3A_444 = tpu.vector_load %arg10[%get3A_442, %get3A_443] {strides = array<i32>} : memref<16x1280xf32, #tpu.memory_space<vmem>>, vector<1x16xf32>,
      %get3A_445 = vector.shape_cast %get3A_444 : vector<1x16xf32> to vector<16xf32>
      %add3A_446 = arith.addf %get3A_445, %get3A_429 : vector<16xf32>
      %swap3A_447 = arith.constant 1 : i32
      %swap3A_448 = arith.index_cast %swap3A_447 : i32 to index
      %swap3A_449 = arith.index_cast %mul3A_424 : i32 to index
      %swap3A_450 = tpu.vector_load %arg13[%swap3A_448, %swap3A_449] {strides = array<i32>} : memref<16x1280xf32, #tpu.memory_space<vmem>>, vector<1x16xf32>,
      %swap3A_451 = vector.shape_cast %swap3A_450 : vector<1x16xf32> to vector<16xf32>
      %swap3A_452 = vector.shape_cast %add3A_446 : vector<16xf32> to vector<1x16xf32>
      tpu.vector_store %arg13[%swap3A_448, %swap3A_449], %swap3A_452 {strides = array<i32>} : memref<16x1280xf32, #tpu.memory_space<vmem>>, vector<1x16xf32>,
      %get3A_453 = arith.constant 2 : i32
      %get3A_454 = arith.index_cast %get3A_453 : i32 to index
      %get3A_455 = arith.index_cast %mul3A_424 : i32 to index
      %get3A_456 = tpu.vector_load %arg10[%get3A_454, %get3A_455] {strides = array<i32>} : memref<16x1280xf32, #tpu.memory_space<vmem>>, vector<1x16xf32>,
      %get3A_457 = vector.shape_cast %get3A_456 : vector<1x16xf32> to vector<16xf32>
      %add3A_458 = arith.addf %get3A_457, %get3A_429 : vector<16xf32>
      %swap3A_459 = arith.constant 2 : i32
      %swap3A_460 = arith.index_cast %swap3A_459 : i32 to index
      %swap3A_461 = arith.index_cast %mul3A_424 : i32 to index
      %swap3A_462 = tpu.vector_load %arg13[%swap3A_460, %swap3A_461] {strides = array<i32>} : memref<16x1280xf32, #tpu.memory_space<vmem>>, vector<1x16xf32>,
      %swap3A_463 = vector.shape_cast %swap3A_462 : vector<1x16xf32> to vector<16xf32>
      %swap3A_464 = vector.shape_cast %add3A_458 : vector<16xf32> to vector<1x16xf32>
      tpu.vector_store %arg13[%swap3A_460, %swap3A_461], %swap3A_464 {strides = array<i32>} : memref<16x1280xf32, #tpu.memory_space<vmem>>, vector<1x16xf32>,
      %get3A_465 = arith.constant 3 : i32
      %get3A_466 = arith.index_cast %get3A_465 : i32 to index
      %get3A_467 = arith.index_cast %mul3A_424 : i32 to index
      %get3A_468 = tpu.vector_load %arg10[%get3A_466, %get3A_467] {strides = array<i32>} : memref<16x1280xf32, #tpu.memory_space<vmem>>, vector<1x16xf32>,
      %get3A_469 = vector.shape_cast %get3A_468 : vector<1x16xf32> to vector<16xf32>
      %add3A_470 = arith.addf %get3A_469, %get3A_429 : vector<16xf32>
      %swap3A_471 = arith.constant 3 : i32
      %swap3A_472 = arith.index_cast %swap3A_471 : i32 to index
      %swap3A_473 = arith.index_cast %mul3A_424 : i32 to index
      %swap3A_474 = tpu.vector_load %arg13[%swap3A_472, %swap3A_473] {strides = array<i32>} : memref<16x1280xf32, #tpu.memory_space<vmem>>, vector<1x16xf32>,
      %swap3A_475 = vector.shape_cast %swap3A_474 : vector<1x16xf32> to vector<16xf32>
      %swap3A_476 = vector.shape_cast %add3A_470 : vector<16xf32> to vector<1x16xf32>
      tpu.vector_store %arg13[%swap3A_472, %swap3A_473], %swap3A_476 {strides = array<i32>} : memref<16x1280xf32, #tpu.memory_space<vmem>>, vector<1x16xf32>,
      %get3A_477 = arith.constant 4 : i32
      %get3A_478 = arith.index_cast %get3A_477 : i32 to index
      %get3A_479 = arith.index_cast %mul3A_424 : i32 to index
      %get3A_480 = tpu.vector_load %arg10[%get3A_478, %get3A_479] {strides = array<i32>} : memref<16x1280xf32, #tpu.memory_space<vmem>>, vector<1x16xf32>,
      %get3A_481 = vector.shape_cast %get3A_480 : vector<1x16xf32> to vector<16xf32>
      %add3A_482 = arith.addf %get3A_481, %get3A_429 : vector<16xf32>
      %swap3A_483 = arith.constant 4 : i32
      %swap3A_484 = arith.index_cast %swap3A_483 : i32 to index
      %swap3A_485 = arith.index_cast %mul3A_424 : i32 to index
      %swap3A_486 = tpu.vector_load %arg13[%swap3A_484, %swap3A_485] {strides = array<i32>} : memref<16x1280xf32, #tpu.memory_space<vmem>>, vector<1x16xf32>,
      %swap3A_487 = vector.shape_cast %swap3A_486 : vector<1x16xf32> to vector<16xf32>
      %swap3A_488 = vector.shape_cast %add3A_482 : vector<16xf32> to vector<1x16xf32>
      tpu.vector_store %arg13[%swap3A_484, %swap3A_485], %swap3A_488 {strides = array<i32>} : memref<16x1280xf32, #tpu.memory_space<vmem>>, vector<1x16xf32>,
      %get3A_489 = arith.constant 5 : i32
      %get3A_490 = arith.index_cast %get3A_489 : i32 to index
      %get3A_491 = arith.index_cast %mul3A_424 : i32 to index
      %get3A_492 = tpu.vector_load %arg10[%get3A_490, %get3A_491] {strides = array<i32>} : memref<16x1280xf32, #tpu.memory_space<vmem>>, vector<1x16xf32>,
      %get3A_493 = vector.shape_cast %get3A_492 : vector<1x16xf32> to vector<16xf32>
      %add3A_494 = arith.addf %get3A_493, %get3A_429 : vector<16xf32>
      %swap3A_495 = arith.constant 5 : i32
      %swap3A_496 = arith.index_cast %swap3A_495 : i32 to index
      %swap3A_497 = arith.index_cast %mul3A_424 : i32 to index
      %swap3A_498 = tpu.vector_load %arg13[%swap3A_496, %swap3A_497] {strides = array<i32>} : memref<16x1280xf32, #tpu.memory_space<vmem>>, vector<1x16xf32>,
      %swap3A_499 = vector.shape_cast %swap3A_498 : vector<1x16xf32> to vector<16xf32>
      %swap3A_500 = vector.shape_cast %add3A_494 : vector<16xf32> to vector<1x16xf32>
      tpu.vector_store %arg13[%swap3A_496, %swap3A_497], %swap3A_500 {strides = array<i32>} : memref<16x1280xf32, #tpu.memory_space<vmem>>, vector<1x16xf32>,
      %get3A_501 = arith.constant 6 : i32
      %get3A_502 = arith.index_cast %get3A_501 : i32 to index
      %get3A_503 = arith.index_cast %mul3A_424 : i32 to index
      %get3A_504 = tpu.vector_load %arg10[%get3A_502, %get3A_503] {strides = array<i32>} : memref<16x1280xf32, #tpu.memory_space<vmem>>, vector<1x16xf32>,
      %get3A_505 = vector.shape_cast %get3A_504 : vector<1x16xf32> to vector<16xf32>
      %add3A_506 = arith.addf %get3A_505, %get3A_429 : vector<16xf32>
      %swap3A_507 = arith.constant 6 : i32
      %swap3A_508 = arith.index_cast %swap3A_507 : i32 to index
      %swap3A_509 = arith.index_cast %mul3A_424 : i32 to index
      %swap3A_510 = tpu.vector_load %arg13[%swap3A_508, %swap3A_509] {strides = array<i32>} : memref<16x1280xf32, #tpu.memory_space<vmem>>, vector<1x16xf32>,
      %swap3A_511 = vector.shape_cast %swap3A_510 : vector<1x16xf32> to vector<16xf32>
      %swap3A_512 = vector.shape_cast %add3A_506 : vector<16xf32> to vector<1x16xf32>
      tpu.vector_store %arg13[%swap3A_508, %swap3A_509], %swap3A_512 {strides = array<i32>} : memref<16x1280xf32, #tpu.memory_space<vmem>>, vector<1x16xf32>,
      %get3A_513 = arith.constant 7 : i32
      %get3A_514 = arith.index_cast %get3A_513 : i32 to index
      %get3A_515 = arith.index_cast %mul3A_424 : i32 to index
      %get3A_516 = tpu.vector_load %arg10[%get3A_514, %get3A_515] {strides = array<i32>} : memref<16x1280xf32, #tpu.memory_space<vmem>>, vector<1x16xf32>,
      %get3A_517 = vector.shape_cast %get3A_516 : vector<1x16xf32> to vector<16xf32>
      %add3A_518 = arith.addf %get3A_517, %get3A_429 : vector<16xf32>
      %swap3A_519 = arith.constant 7 : i32
      %swap3A_520 = arith.index_cast %swap3A_519 : i32 to index
      %swap3A_521 = arith.index_cast %mul3A_424 : i32 to index
      %swap3A_522 = tpu.vector_load %arg13[%swap3A_520, %swap3A_521] {strides = array<i32>} : memref<16x1280xf32, #tpu.memory_space<vmem>>, vector<1x16xf32>,
      %swap3A_523 = vector.shape_cast %swap3A_522 : vector<1x16xf32> to vector<16xf32>
      %swap3A_524 = vector.shape_cast %add3A_518 : vector<16xf32> to vector<1x16xf32>
      tpu.vector_store %arg13[%swap3A_520, %swap3A_521], %swap3A_524 {strides = array<i32>} : memref<16x1280xf32, #tpu.memory_space<vmem>>, vector<1x16xf32>,
      %get3A_525 = arith.constant 8 : i32
      %get3A_526 = arith.index_cast %get3A_525 : i32 to index
      %get3A_527 = arith.index_cast %mul3A_424 : i32 to index
      %get3A_528 = tpu.vector_load %arg10[%get3A_526, %get3A_527] {strides = array<i32>} : memref<16x1280xf32, #tpu.memory_space<vmem>>, vector<1x16xf32>,
      %get3A_529 = vector.shape_cast %get3A_528 : vector<1x16xf32> to vector<16xf32>
      %add3A_530 = arith.addf %get3A_529, %get3A_429 : vector<16xf32>
      %swap3A_531 = arith.constant 8 : i32
      %swap3A_532 = arith.index_cast %swap3A_531 : i32 to index
      %swap3A_533 = arith.index_cast %mul3A_424 : i32 to index
      %swap3A_534 = tpu.vector_load %arg13[%swap3A_532, %swap3A_533] {strides = array<i32>} : memref<16x1280xf32, #tpu.memory_space<vmem>>, vector<1x16xf32>,
      %swap3A_535 = vector.shape_cast %swap3A_534 : vector<1x16xf32> to vector<16xf32>
      %swap3A_536 = vector.shape_cast %add3A_530 : vector<16xf32> to vector<1x16xf32>
      tpu.vector_store %arg13[%swap3A_532, %swap3A_533], %swap3A_536 {strides = array<i32>} : memref<16x1280xf32, #tpu.memory_space<vmem>>, vector<1x16xf32>,
      %get3A_537 = arith.constant 9 : i32
      %get3A_538 = arith.index_cast %get3A_537 : i32 to index
      %get3A_539 = arith.index_cast %mul3A_424 : i32 to index
      %get3A_540 = tpu.vector_load %arg10[%get3A_538, %get3A_539] {strides = array<i32>} : memref<16x1280xf32, #tpu.memory_space<vmem>>, vector<1x16xf32>,
      %get3A_541 = vector.shape_cast %get3A_540 : vector<1x16xf32> to vector<16xf32>
      %add3A_542 = arith.addf %get3A_541, %get3A_429 : vector<16xf32>
      %swap3A_543 = arith.constant 9 : i32
      %swap3A_544 = arith.index_cast %swap3A_543 : i32 to index
      %swap3A_545 = arith.index_cast %mul3A_424 : i32 to index
      %swap3A_546 = tpu.vector_load %arg13[%swap3A_544, %swap3A_545] {strides = array<i32>} : memref<16x1280xf32, #tpu.memory_space<vmem>>, vector<1x16xf32>,
      %swap3A_547 = vector.shape_cast %swap3A_546 : vector<1x16xf32> to vector<16xf32>
      %swap3A_548 = vector.shape_cast %add3A_542 : vector<16xf32> to vector<1x16xf32>
      tpu.vector_store %arg13[%swap3A_544, %swap3A_545], %swap3A_548 {strides = array<i32>} : memref<16x1280xf32, #tpu.memory_space<vmem>>, vector<1x16xf32>,
      %get3A_549 = arith.constant 10 : i32
      %get3A_550 = arith.index_cast %get3A_549 : i32 to index
      %get3A_551 = arith.index_cast %mul3A_424 : i32 to index
      %get3A_552 = tpu.vector_load %arg10[%get3A_550, %get3A_551] {strides = array<i32>} : memref<16x1280xf32, #tpu.memory_space<vmem>>, vector<1x16xf32>,
      %get3A_553 = vector.shape_cast %get3A_552 : vector<1x16xf32> to vector<16xf32>
      %add3A_554 = arith.addf %get3A_553, %get3A_429 : vector<16xf32>
      %swap3A_555 = arith.constant 10 : i32
      %swap3A_556 = arith.index_cast %swap3A_555 : i32 to index
      %swap3A_557 = arith.index_cast %mul3A_424 : i32 to index
      %swap3A_558 = tpu.vector_load %arg13[%swap3A_556, %swap3A_557] {strides = array<i32>} : memref<16x1280xf32, #tpu.memory_space<vmem>>, vector<1x16xf32>,
      %swap3A_559 = vector.shape_cast %swap3A_558 : vector<1x16xf32> to vector<16xf32>
      %swap3A_560 = vector.shape_cast %add3A_554 : vector<16xf32> to vector<1x16xf32>
      tpu.vector_store %arg13[%swap3A_556, %swap3A_557], %swap3A_560 {strides = array<i32>} : memref<16x1280xf32, #tpu.memory_space<vmem>>, vector<1x16xf32>,
      %get3A_561 = arith.constant 11 : i32
      %get3A_562 = arith.index_cast %get3A_561 : i32 to index
      %get3A_563 = arith.index_cast %mul3A_424 : i32 to index
      %get3A_564 = tpu.vector_load %arg10[%get3A_562, %get3A_563] {strides = array<i32>} : memref<16x1280xf32, #tpu.memory_space<vmem>>, vector<1x16xf32>,
      %get3A_565 = vector.shape_cast %get3A_564 : vector<1x16xf32> to vector<16xf32>
      %add3A_566 = arith.addf %get3A_565, %get3A_429 : vector<16xf32>
      %swap3A_567 = arith.constant 11 : i32
      %swap3A_568 = arith.index_cast %swap3A_567 : i32 to index
      %swap3A_569 = arith.index_cast %mul3A_424 : i32 to index
      %swap3A_570 = tpu.vector_load %arg13[%swap3A_568, %swap3A_569] {strides = array<i32>} : memref<16x1280xf32, #tpu.memory_space<vmem>>, vector<1x16xf32>,
      %swap3A_571 = vector.shape_cast %swap3A_570 : vector<1x16xf32> to vector<16xf32>
      %swap3A_572 = vector.shape_cast %add3A_566 : vector<16xf32> to vector<1x16xf32>
      tpu.vector_store %arg13[%swap3A_568, %swap3A_569], %swap3A_572 {strides = array<i32>} : memref<16x1280xf32, #tpu.memory_space<vmem>>, vector<1x16xf32>,
      %get3A_573 = arith.constant 12 : i32
      %get3A_574 = arith.index_cast %get3A_573 : i32 to index
      %get3A_575 = arith.index_cast %mul3A_424 : i32 to index
      %get3A_576 = tpu.vector_load %arg10[%get3A_574, %get3A_575] {strides = array<i32>} : memref<16x1280xf32, #tpu.memory_space<vmem>>, vector<1x16xf32>,
      %get3A_577 = vector.shape_cast %get3A_576 : vector<1x16xf32> to vector<16xf32>
      %add3A_578 = arith.addf %get3A_577, %get3A_429 : vector<16xf32>
      %swap3A_579 = arith.constant 12 : i32
      %swap3A_580 = arith.index_cast %swap3A_579 : i32 to index
      %swap3A_581 = arith.index_cast %mul3A_424 : i32 to index
      %swap3A_582 = tpu.vector_load %arg13[%swap3A_580, %swap3A_581] {strides = array<i32>} : memref<16x1280xf32, #tpu.memory_space<vmem>>, vector<1x16xf32>,
      %swap3A_583 = vector.shape_cast %swap3A_582 : vector<1x16xf32> to vector<16xf32>
      %swap3A_584 = vector.shape_cast %add3A_578 : vector<16xf32> to vector<1x16xf32>
      tpu.vector_store %arg13[%swap3A_580, %swap3A_581], %swap3A_584 {strides = array<i32>} : memref<16x1280xf32, #tpu.memory_space<vmem>>, vector<1x16xf32>,
      %get3A_585 = arith.constant 13 : i32
      %get3A_586 = arith.index_cast %get3A_585 : i32 to index
      %get3A_587 = arith.index_cast %mul3A_424 : i32 to index
      %get3A_588 = tpu.vector_load %arg10[%get3A_586, %get3A_587] {strides = array<i32>} : memref<16x1280xf32, #tpu.memory_space<vmem>>, vector<1x16xf32>,
      %get3A_589 = vector.shape_cast %get3A_588 : vector<1x16xf32> to vector<16xf32>
      %add3A_590 = arith.addf %get3A_589, %get3A_429 : vector<16xf32>
      %swap3A_591 = arith.constant 13 : i32
      %swap3A_592 = arith.index_cast %swap3A_591 : i32 to index
      %swap3A_593 = arith.index_cast %mul3A_424 : i32 to index
      %swap3A_594 = tpu.vector_load %arg13[%swap3A_592, %swap3A_593] {strides = array<i32>} : memref<16x1280xf32, #tpu.memory_space<vmem>>, vector<1x16xf32>,
      %swap3A_595 = vector.shape_cast %swap3A_594 : vector<1x16xf32> to vector<16xf32>
      %swap3A_596 = vector.shape_cast %add3A_590 : vector<16xf32> to vector<1x16xf32>
      tpu.vector_store %arg13[%swap3A_592, %swap3A_593], %swap3A_596 {strides = array<i32>} : memref<16x1280xf32, #tpu.memory_space<vmem>>, vector<1x16xf32>,
      %get3A_597 = arith.constant 14 : i32
      %get3A_598 = arith.index_cast %get3A_597 : i32 to index
      %get3A_599 = arith.index_cast %mul3A_424 : i32 to index
      %get3A_600 = tpu.vector_load %arg10[%get3A_598, %get3A_599] {strides = array<i32>} : memref<16x1280xf32, #tpu.memory_space<vmem>>, vector<1x16xf32>,
      %get3A_601 = vector.shape_cast %get3A_600 : vector<1x16xf32> to vector<16xf32>
      %add3A_602 = arith.addf %get3A_601, %get3A_429 : vector<16xf32>
      %swap3A_603 = arith.constant 14 : i32
      %swap3A_604 = arith.index_cast %swap3A_603 : i32 to index
      %swap3A_605 = arith.index_cast %mul3A_424 : i32 to index
      %swap3A_606 = tpu.vector_load %arg13[%swap3A_604, %swap3A_605] {strides = array<i32>} : memref<16x1280xf32, #tpu.memory_space<vmem>>, vector<1x16xf32>,
      %swap3A_607 = vector.shape_cast %swap3A_606 : vector<1x16xf32> to vector<16xf32>
      %swap3A_608 = vector.shape_cast %add3A_602 : vector<16xf32> to vector<1x16xf32>
      tpu.vector_store %arg13[%swap3A_604, %swap3A_605], %swap3A_608 {strides = array<i32>} : memref<16x1280xf32, #tpu.memory_space<vmem>>, vector<1x16xf32>,
      %get3A_609 = arith.constant 15 : i32
      %get3A_610 = arith.index_cast %get3A_609 : i32 to index
      %get3A_611 = arith.index_cast %mul3A_424 : i32 to index
      %get3A_612 = tpu.vector_load %arg10[%get3A_610, %get3A_611] {strides = array<i32>} : memref<16x1280xf32, #tpu.memory_space<vmem>>, vector<1x16xf32>,
      %get3A_613 = vector.shape_cast %get3A_612 : vector<1x16xf32> to vector<16xf32>
      %add3A_614 = arith.addf %get3A_613, %get3A_429 : vector<16xf32>
      %swap3A_615 = arith.constant 15 : i32
      %swap3A_616 = arith.index_cast %swap3A_615 : i32 to index
      %swap3A_617 = arith.index_cast %mul3A_424 : i32 to index
      %swap3A_618 = tpu.vector_load %arg13[%swap3A_616, %swap3A_617] {strides = array<i32>} : memref<16x1280xf32, #tpu.memory_space<vmem>>, vector<1x16xf32>,
      %swap3A_619 = vector.shape_cast %swap3A_618 : vector<1x16xf32> to vector<16xf32>
      %swap3A_620 = vector.shape_cast %add3A_614 : vector<16xf32> to vector<1x16xf32>
      tpu.vector_store %arg13[%swap3A_616, %swap3A_617], %swap3A_620 {strides = array<i32>} : memref<16x1280xf32, #tpu.memory_space<vmem>>, vector<1x16xf32>,
    }
    %scan3A_109 = arith.constant 80 : i32
    %dma_start3A_110 = arith.constant 0 : i32
    %dma_start3A_111 = arith.constant 0 : i32
    %dma_start3A_112 = arith.constant 0 : i32
    %dma_start3A_113 = tpu.memref_slice %arg6[%select_n3A, %select_n3A_30, %dma_start3A_111, %dma_start3A_112] : memref<8x4x1025x1280xf32, #tpu.memory_space<hbm>> -> memref<1x1x16x1280xf32, #tpu.memory_space<hbm>>
    %dma_start3A_114 = tpu.memref_squeeze %dma_start3A_113 : memref<1x1x16x1280xf32, #tpu.memory_space<hbm>> -> memref<16x1280xf32, #tpu.memory_space<hbm>>
    %dma_start3A_115 = tpu.memref_slice %arg17[%dma_start3A_110] : memref<3x!tpu.dma_semaphore, #tpu.memory_space<semaphore_mem>> -> memref<1x!tpu.dma_semaphore, #tpu.memory_space<semaphore_mem>>
    %dma_start3A_116 = tpu.memref_squeeze %dma_start3A_115 : memref<1x!tpu.dma_semaphore, #tpu.memory_space<semaphore_mem>> -> memref<!tpu.dma_semaphore, #tpu.memory_space<semaphore_mem>>
    %dma_start3A_117 = arith.constant 0 : i32
    %dma_start3A_118 = arith.constant 0 : i32
    %dma_start3A_119 = tpu.memref_slice %arg6[%select_n3A, %select_n3A_30, %dma_start3A_117, %dma_start3A_118] : memref<8x4x1025x1280xf32, #tpu.memory_space<hbm>> -> memref<1x1x16x1280xf32, #tpu.memory_space<hbm>>
    %dma_start3A_120 = tpu.memref_squeeze %dma_start3A_119 : memref<1x1x16x1280xf32, #tpu.memory_space<hbm>> -> memref<16x1280xf32, #tpu.memory_space<hbm>>
    tpu.enqueue_dma source(%arg13 : memref<16x1280xf32, #tpu.memory_space<vmem>>) target(%dma_start3A_120 : memref<16x1280xf32, #tpu.memory_space<hbm>>) target_semaphore(%dma_start3A_116 : memref<!tpu.dma_semaphore, #tpu.memory_space<semaphore_mem>>)
    %dma_start3A_121 = arith.constant 0 : i32
    %dma_start3A_122 = arith.constant 48 : i32
    %dma_start3A_123 = arith.constant 0 : i32
    %dma_start3A_124 = tpu.memref_slice %arg2[%select_n3A, %select_n3A_30, %dma_start3A_122, %dma_start3A_123] : memref<8x4x1025x1280xf32, #tpu.memory_space<hbm>> -> memref<1x1x16x1280xf32, #tpu.memory_space<hbm>>
    %dma_start3A_125 = tpu.memref_squeeze %dma_start3A_124 : memref<1x1x16x1280xf32, #tpu.memory_space<hbm>> -> memref<16x1280xf32, #tpu.memory_space<hbm>>
    %dma_start3A_126 = tpu.memref_slice %arg16[%dma_start3A_121] : memref<3x!tpu.dma_semaphore, #tpu.memory_space<semaphore_mem>> -> memref<1x!tpu.dma_semaphore, #tpu.memory_space<semaphore_mem>>
    %dma_start3A_127 = tpu.memref_squeeze %dma_start3A_126 : memref<1x!tpu.dma_semaphore, #tpu.memory_space<semaphore_mem>> -> memref<!tpu.dma_semaphore, #tpu.memory_space<semaphore_mem>>
    %dma_start3A_128 = arith.constant 48 : i32
    %dma_start3A_129 = arith.constant 0 : i32
    %dma_start3A_130 = tpu.memref_slice %arg2[%select_n3A, %select_n3A_30, %dma_start3A_128, %dma_start3A_129] : memref<8x4x1025x1280xf32, #tpu.memory_space<hbm>> -> memref<1x1x16x1280xf32, #tpu.memory_space<hbm>>
    %dma_start3A_131 = tpu.memref_squeeze %dma_start3A_130 : memref<1x1x16x1280xf32, #tpu.memory_space<hbm>> -> memref<16x1280xf32, #tpu.memory_space<hbm>>
    tpu.enqueue_dma source(%dma_start3A_131 : memref<16x1280xf32, #tpu.memory_space<hbm>>) target(%arg10 : memref<16x1280xf32, #tpu.memory_space<vmem>>) target_semaphore(%dma_start3A_127 : memref<!tpu.dma_semaphore, #tpu.memory_space<semaphore_mem>>)
    %dma_wait3A_132 = arith.constant 1 : i32
    %dma_wait3A_133 = arith.constant 16 : i32
    %dma_wait3A_134 = arith.constant 0 : i32
    %dma_wait3A_135 = tpu.memref_slice %arg2[%select_n3A, %select_n3A_30, %dma_wait3A_133, %dma_wait3A_134] : memref<8x4x1025x1280xf32, #tpu.memory_space<hbm>> -> memref<1x1x16x1280xf32, #tpu.memory_space<hbm>>
    %dma_wait3A_136 = tpu.memref_squeeze %dma_wait3A_135 : memref<1x1x16x1280xf32, #tpu.memory_space<hbm>> -> memref<16x1280xf32, #tpu.memory_space<hbm>>
    %dma_wait3A_137 = tpu.memref_slice %arg16[%dma_wait3A_132] : memref<3x!tpu.dma_semaphore, #tpu.memory_space<semaphore_mem>> -> memref<1x!tpu.dma_semaphore, #tpu.memory_space<semaphore_mem>>
    %dma_wait3A_138 = tpu.memref_squeeze %dma_wait3A_137 : memref<1x!tpu.dma_semaphore, #tpu.memory_space<semaphore_mem>> -> memref<!tpu.dma_semaphore, #tpu.memory_space<semaphore_mem>>
    %dma_wait3A_139 = arith.constant 16 : i32
    %dma_wait3A_140 = arith.constant 0 : i32
    %dma_wait3A_141 = tpu.memref_slice %arg2[%select_n3A, %select_n3A_30, %dma_wait3A_139, %dma_wait3A_140] : memref<8x4x1025x1280xf32, #tpu.memory_space<hbm>> -> memref<1x1x16x1280xf32, #tpu.memory_space<hbm>>
    %dma_wait3A_142 = tpu.memref_squeeze %dma_wait3A_141 : memref<1x1x16x1280xf32, #tpu.memory_space<hbm>> -> memref<16x1280xf32, #tpu.memory_space<hbm>>
    tpu.wait_dma2 semaphore(%dma_wait3A_138 : memref<!tpu.dma_semaphore, #tpu.memory_space<semaphore_mem>>) src(%dma_wait3A_142 : memref<16x1280xf32, #tpu.memory_space<hbm>>) dst(%arg11 : memref<16x1280xf32, #tpu.memory_space<vmem>>)
    %scan3A_143 = arith.constant 0 : i32
    %scan3A_144 = arith.constant 0 : i32
    %scan3A_145 = arith.constant 80 : i32
    %scan3A_146 = arith.addi %scan3A_144, %scan3A_145 : i32
    %scan3A_147 = arith.constant 1 : i32
    scf.for %scan3A_422 = %scan3A_144 to %scan3A_146 step %scan3A_147  : i32 {
      %mul3A_423 = arith.constant 16 : i32
      %mul3A_424 = arith.muli %scan3A_422, %mul3A_423 : i32
      %get3A_425 = arith.constant 0 : i32
      %get3A_426 = arith.index_cast %get3A_425 : i32 to index
      %get3A_427 = arith.index_cast %mul3A_424 : i32 to index
      %get3A_428 = tpu.vector_load %arg9[%get3A_426, %get3A_427] {strides = array<i32>} : memref<1x1280xf32, #tpu.memory_space<vmem>>, vector<1x16xf32>,
      %get3A_429 = vector.shape_cast %get3A_428 : vector<1x16xf32> to vector<16xf32>
      %get3A_430 = arith.constant 0 : i32
      %get3A_431 = arith.index_cast %get3A_430 : i32 to index
      %get3A_432 = arith.index_cast %mul3A_424 : i32 to index
      %get3A_433 = tpu.vector_load %arg11[%get3A_431, %get3A_432] {strides = array<i32>} : memref<16x1280xf32, #tpu.memory_space<vmem>>, vector<1x16xf32>,
      %get3A_434 = vector.shape_cast %get3A_433 : vector<1x16xf32> to vector<16xf32>
      %add3A_435 = arith.addf %get3A_434, %get3A_429 : vector<16xf32>
      %swap3A = arith.constant 0 : i32
      %swap3A_436 = arith.index_cast %swap3A : i32 to index
      %swap3A_437 = arith.index_cast %mul3A_424 : i32 to index
      %swap3A_438 = tpu.vector_load %arg14[%swap3A_436, %swap3A_437] {strides = array<i32>} : memref<16x1280xf32, #tpu.memory_space<vmem>>, vector<1x16xf32>,
      %swap3A_439 = vector.shape_cast %swap3A_438 : vector<1x16xf32> to vector<16xf32>
      %swap3A_440 = vector.shape_cast %add3A_435 : vector<16xf32> to vector<1x16xf32>
      tpu.vector_store %arg14[%swap3A_436, %swap3A_437], %swap3A_440 {strides = array<i32>} : memref<16x1280xf32, #tpu.memory_space<vmem>>, vector<1x16xf32>,
      %get3A_441 = arith.constant 1 : i32
      %get3A_442 = arith.index_cast %get3A_441 : i32 to index
      %get3A_443 = arith.index_cast %mul3A_424 : i32 to index
      %get3A_444 = tpu.vector_load %arg11[%get3A_442, %get3A_443] {strides = array<i32>} : memref<16x1280xf32, #tpu.memory_space<vmem>>, vector<1x16xf32>,
      %get3A_445 = vector.shape_cast %get3A_444 : vector<1x16xf32> to vector<16xf32>
      %add3A_446 = arith.addf %get3A_445, %get3A_429 : vector<16xf32>
      %swap3A_447 = arith.constant 1 : i32
      %swap3A_448 = arith.index_cast %swap3A_447 : i32 to index
      %swap3A_449 = arith.index_cast %mul3A_424 : i32 to index
      %swap3A_450 = tpu.vector_load %arg14[%swap3A_448, %swap3A_449] {strides = array<i32>} : memref<16x1280xf32, #tpu.memory_space<vmem>>, vector<1x16xf32>,
      %swap3A_451 = vector.shape_cast %swap3A_450 : vector<1x16xf32> to vector<16xf32>
      %swap3A_452 = vector.shape_cast %add3A_446 : vector<16xf32> to vector<1x16xf32>
      tpu.vector_store %arg14[%swap3A_448, %swap3A_449], %swap3A_452 {strides = array<i32>} : memref<16x1280xf32, #tpu.memory_space<vmem>>, vector<1x16xf32>,
      %get3A_453 = arith.constant 2 : i32
      %get3A_454 = arith.index_cast %get3A_453 : i32 to index
      %get3A_455 = arith.index_cast %mul3A_424 : i32 to index
      %get3A_456 = tpu.vector_load %arg11[%get3A_454, %get3A_455] {strides = array<i32>} : memref<16x1280xf32, #tpu.memory_space<vmem>>, vector<1x16xf32>,
      %get3A_457 = vector.shape_cast %get3A_456 : vector<1x16xf32> to vector<16xf32>
      %add3A_458 = arith.addf %get3A_457, %get3A_429 : vector<16xf32>
      %swap3A_459 = arith.constant 2 : i32
      %swap3A_460 = arith.index_cast %swap3A_459 : i32 to index
      %swap3A_461 = arith.index_cast %mul3A_424 : i32 to index
      %swap3A_462 = tpu.vector_load %arg14[%swap3A_460, %swap3A_461] {strides = array<i32>} : memref<16x1280xf32, #tpu.memory_space<vmem>>, vector<1x16xf32>,
      %swap3A_463 = vector.shape_cast %swap3A_462 : vector<1x16xf32> to vector<16xf32>
      %swap3A_464 = vector.shape_cast %add3A_458 : vector<16xf32> to vector<1x16xf32>
      tpu.vector_store %arg14[%swap3A_460, %swap3A_461], %swap3A_464 {strides = array<i32>} : memref<16x1280xf32, #tpu.memory_space<vmem>>, vector<1x16xf32>,
      %get3A_465 = arith.constant 3 : i32
      %get3A_466 = arith.index_cast %get3A_465 : i32 to index
      %get3A_467 = arith.index_cast %mul3A_424 : i32 to index
      %get3A_468 = tpu.vector_load %arg11[%get3A_466, %get3A_467] {strides = array<i32>} : memref<16x1280xf32, #tpu.memory_space<vmem>>, vector<1x16xf32>,
      %get3A_469 = vector.shape_cast %get3A_468 : vector<1x16xf32> to vector<16xf32>
      %add3A_470 = arith.addf %get3A_469, %get3A_429 : vector<16xf32>
      %swap3A_471 = arith.constant 3 : i32
      %swap3A_472 = arith.index_cast %swap3A_471 : i32 to index
      %swap3A_473 = arith.index_cast %mul3A_424 : i32 to index
      %swap3A_474 = tpu.vector_load %arg14[%swap3A_472, %swap3A_473] {strides = array<i32>} : memref<16x1280xf32, #tpu.memory_space<vmem>>, vector<1x16xf32>,
      %swap3A_475 = vector.shape_cast %swap3A_474 : vector<1x16xf32> to vector<16xf32>
      %swap3A_476 = vector.shape_cast %add3A_470 : vector<16xf32> to vector<1x16xf32>
      tpu.vector_store %arg14[%swap3A_472, %swap3A_473], %swap3A_476 {strides = array<i32>} : memref<16x1280xf32, #tpu.memory_space<vmem>>, vector<1x16xf32>,
      %get3A_477 = arith.constant 4 : i32
      %get3A_478 = arith.index_cast %get3A_477 : i32 to index
      %get3A_479 = arith.index_cast %mul3A_424 : i32 to index
      %get3A_480 = tpu.vector_load %arg11[%get3A_478, %get3A_479] {strides = array<i32>} : memref<16x1280xf32, #tpu.memory_space<vmem>>, vector<1x16xf32>,
      %get3A_481 = vector.shape_cast %get3A_480 : vector<1x16xf32> to vector<16xf32>
      %add3A_482 = arith.addf %get3A_481, %get3A_429 : vector<16xf32>
      %swap3A_483 = arith.constant 4 : i32
      %swap3A_484 = arith.index_cast %swap3A_483 : i32 to index
      %swap3A_485 = arith.index_cast %mul3A_424 : i32 to index
      %swap3A_486 = tpu.vector_load %arg14[%swap3A_484, %swap3A_485] {strides = array<i32>} : memref<16x1280xf32, #tpu.memory_space<vmem>>, vector<1x16xf32>,
      %swap3A_487 = vector.shape_cast %swap3A_486 : vector<1x16xf32> to vector<16xf32>
      %swap3A_488 = vector.shape_cast %add3A_482 : vector<16xf32> to vector<1x16xf32>
      tpu.vector_store %arg14[%swap3A_484, %swap3A_485], %swap3A_488 {strides = array<i32>} : memref<16x1280xf32, #tpu.memory_space<vmem>>, vector<1x16xf32>,
      %get3A_489 = arith.constant 5 : i32
      %get3A_490 = arith.index_cast %get3A_489 : i32 to index
      %get3A_491 = arith.index_cast %mul3A_424 : i32 to index
      %get3A_492 = tpu.vector_load %arg11[%get3A_490, %get3A_491] {strides = array<i32>} : memref<16x1280xf32, #tpu.memory_space<vmem>>, vector<1x16xf32>,
      %get3A_493 = vector.shape_cast %get3A_492 : vector<1x16xf32> to vector<16xf32>
      %add3A_494 = arith.addf %get3A_493, %get3A_429 : vector<16xf32>
      %swap3A_495 = arith.constant 5 : i32
      %swap3A_496 = arith.index_cast %swap3A_495 : i32 to index
      %swap3A_497 = arith.index_cast %mul3A_424 : i32 to index
      %swap3A_498 = tpu.vector_load %arg14[%swap3A_496, %swap3A_497] {strides = array<i32>} : memref<16x1280xf32, #tpu.memory_space<vmem>>, vector<1x16xf32>,
      %swap3A_499 = vector.shape_cast %swap3A_498 : vector<1x16xf32> to vector<16xf32>
      %swap3A_500 = vector.shape_cast %add3A_494 : vector<16xf32> to vector<1x16xf32>
      tpu.vector_store %arg14[%swap3A_496, %swap3A_497], %swap3A_500 {strides = array<i32>} : memref<16x1280xf32, #tpu.memory_space<vmem>>, vector<1x16xf32>,
      %get3A_501 = arith.constant 6 : i32
      %get3A_502 = arith.index_cast %get3A_501 : i32 to index
      %get3A_503 = arith.index_cast %mul3A_424 : i32 to index
      %get3A_504 = tpu.vector_load %arg11[%get3A_502, %get3A_503] {strides = array<i32>} : memref<16x1280xf32, #tpu.memory_space<vmem>>, vector<1x16xf32>,
      %get3A_505 = vector.shape_cast %get3A_504 : vector<1x16xf32> to vector<16xf32>
      %add3A_506 = arith.addf %get3A_505, %get3A_429 : vector<16xf32>
      %swap3A_507 = arith.constant 6 : i32
      %swap3A_508 = arith.index_cast %swap3A_507 : i32 to index
      %swap3A_509 = arith.index_cast %mul3A_424 : i32 to index
      %swap3A_510 = tpu.vector_load %arg14[%swap3A_508, %swap3A_509] {strides = array<i32>} : memref<16x1280xf32, #tpu.memory_space<vmem>>, vector<1x16xf32>,
      %swap3A_511 = vector.shape_cast %swap3A_510 : vector<1x16xf32> to vector<16xf32>
      %swap3A_512 = vector.shape_cast %add3A_506 : vector<16xf32> to vector<1x16xf32>
      tpu.vector_store %arg14[%swap3A_508, %swap3A_509], %swap3A_512 {strides = array<i32>} : memref<16x1280xf32, #tpu.memory_space<vmem>>, vector<1x16xf32>,
      %get3A_513 = arith.constant 7 : i32
      %get3A_514 = arith.index_cast %get3A_513 : i32 to index
      %get3A_515 = arith.index_cast %mul3A_424 : i32 to index
      %get3A_516 = tpu.vector_load %arg11[%get3A_514, %get3A_515] {strides = array<i32>} : memref<16x1280xf32, #tpu.memory_space<vmem>>, vector<1x16xf32>,
      %get3A_517 = vector.shape_cast %get3A_516 : vector<1x16xf32> to vector<16xf32>
      %add3A_518 = arith.addf %get3A_517, %get3A_429 : vector<16xf32>
      %swap3A_519 = arith.constant 7 : i32
      %swap3A_520 = arith.index_cast %swap3A_519 : i32 to index
      %swap3A_521 = arith.index_cast %mul3A_424 : i32 to index
      %swap3A_522 = tpu.vector_load %arg14[%swap3A_520, %swap3A_521] {strides = array<i32>} : memref<16x1280xf32, #tpu.memory_space<vmem>>, vector<1x16xf32>,
      %swap3A_523 = vector.shape_cast %swap3A_522 : vector<1x16xf32> to vector<16xf32>
      %swap3A_524 = vector.shape_cast %add3A_518 : vector<16xf32> to vector<1x16xf32>
      tpu.vector_store %arg14[%swap3A_520, %swap3A_521], %swap3A_524 {strides = array<i32>} : memref<16x1280xf32, #tpu.memory_space<vmem>>, vector<1x16xf32>,
      %get3A_525 = arith.constant 8 : i32
      %get3A_526 = arith.index_cast %get3A_525 : i32 to index
      %get3A_527 = arith.index_cast %mul3A_424 : i32 to index
      %get3A_528 = tpu.vector_load %arg11[%get3A_526, %get3A_527] {strides = array<i32>} : memref<16x1280xf32, #tpu.memory_space<vmem>>, vector<1x16xf32>,
      %get3A_529 = vector.shape_cast %get3A_528 : vector<1x16xf32> to vector<16xf32>
      %add3A_530 = arith.addf %get3A_529, %get3A_429 : vector<16xf32>
      %swap3A_531 = arith.constant 8 : i32
      %swap3A_532 = arith.index_cast %swap3A_531 : i32 to index
      %swap3A_533 = arith.index_cast %mul3A_424 : i32 to index
      %swap3A_534 = tpu.vector_load %arg14[%swap3A_532, %swap3A_533] {strides = array<i32>} : memref<16x1280xf32, #tpu.memory_space<vmem>>, vector<1x16xf32>,
      %swap3A_535 = vector.shape_cast %swap3A_534 : vector<1x16xf32> to vector<16xf32>
      %swap3A_536 = vector.shape_cast %add3A_530 : vector<16xf32> to vector<1x16xf32>
      tpu.vector_store %arg14[%swap3A_532, %swap3A_533], %swap3A_536 {strides = array<i32>} : memref<16x1280xf32, #tpu.memory_space<vmem>>, vector<1x16xf32>,
      %get3A_537 = arith.constant 9 : i32
      %get3A_538 = arith.index_cast %get3A_537 : i32 to index
      %get3A_539 = arith.index_cast %mul3A_424 : i32 to index
      %get3A_540 = tpu.vector_load %arg11[%get3A_538, %get3A_539] {strides = array<i32>} : memref<16x1280xf32, #tpu.memory_space<vmem>>, vector<1x16xf32>,
      %get3A_541 = vector.shape_cast %get3A_540 : vector<1x16xf32> to vector<16xf32>
      %add3A_542 = arith.addf %get3A_541, %get3A_429 : vector<16xf32>
      %swap3A_543 = arith.constant 9 : i32
      %swap3A_544 = arith.index_cast %swap3A_543 : i32 to index
      %swap3A_545 = arith.index_cast %mul3A_424 : i32 to index
      %swap3A_546 = tpu.vector_load %arg14[%swap3A_544, %swap3A_545] {strides = array<i32>} : memref<16x1280xf32, #tpu.memory_space<vmem>>, vector<1x16xf32>,
      %swap3A_547 = vector.shape_cast %swap3A_546 : vector<1x16xf32> to vector<16xf32>
      %swap3A_548 = vector.shape_cast %add3A_542 : vector<16xf32> to vector<1x16xf32>
      tpu.vector_store %arg14[%swap3A_544, %swap3A_545], %swap3A_548 {strides = array<i32>} : memref<16x1280xf32, #tpu.memory_space<vmem>>, vector<1x16xf32>,
      %get3A_549 = arith.constant 10 : i32
      %get3A_550 = arith.index_cast %get3A_549 : i32 to index
      %get3A_551 = arith.index_cast %mul3A_424 : i32 to index
      %get3A_552 = tpu.vector_load %arg11[%get3A_550, %get3A_551] {strides = array<i32>} : memref<16x1280xf32, #tpu.memory_space<vmem>>, vector<1x16xf32>,
      %get3A_553 = vector.shape_cast %get3A_552 : vector<1x16xf32> to vector<16xf32>
      %add3A_554 = arith.addf %get3A_553, %get3A_429 : vector<16xf32>
      %swap3A_555 = arith.constant 10 : i32
      %swap3A_556 = arith.index_cast %swap3A_555 : i32 to index
      %swap3A_557 = arith.index_cast %mul3A_424 : i32 to index
      %swap3A_558 = tpu.vector_load %arg14[%swap3A_556, %swap3A_557] {strides = array<i32>} : memref<16x1280xf32, #tpu.memory_space<vmem>>, vector<1x16xf32>,
      %swap3A_559 = vector.shape_cast %swap3A_558 : vector<1x16xf32> to vector<16xf32>
      %swap3A_560 = vector.shape_cast %add3A_554 : vector<16xf32> to vector<1x16xf32>
      tpu.vector_store %arg14[%swap3A_556, %swap3A_557], %swap3A_560 {strides = array<i32>} : memref<16x1280xf32, #tpu.memory_space<vmem>>, vector<1x16xf32>,
      %get3A_561 = arith.constant 11 : i32
      %get3A_562 = arith.index_cast %get3A_561 : i32 to index
      %get3A_563 = arith.index_cast %mul3A_424 : i32 to index
      %get3A_564 = tpu.vector_load %arg11[%get3A_562, %get3A_563] {strides = array<i32>} : memref<16x1280xf32, #tpu.memory_space<vmem>>, vector<1x16xf32>,
      %get3A_565 = vector.shape_cast %get3A_564 : vector<1x16xf32> to vector<16xf32>
      %add3A_566 = arith.addf %get3A_565, %get3A_429 : vector<16xf32>
      %swap3A_567 = arith.constant 11 : i32
      %swap3A_568 = arith.index_cast %swap3A_567 : i32 to index
      %swap3A_569 = arith.index_cast %mul3A_424 : i32 to index
      %swap3A_570 = tpu.vector_load %arg14[%swap3A_568, %swap3A_569] {strides = array<i32>} : memref<16x1280xf32, #tpu.memory_space<vmem>>, vector<1x16xf32>,
      %swap3A_571 = vector.shape_cast %swap3A_570 : vector<1x16xf32> to vector<16xf32>
      %swap3A_572 = vector.shape_cast %add3A_566 : vector<16xf32> to vector<1x16xf32>
      tpu.vector_store %arg14[%swap3A_568, %swap3A_569], %swap3A_572 {strides = array<i32>} : memref<16x1280xf32, #tpu.memory_space<vmem>>, vector<1x16xf32>,
      %get3A_573 = arith.constant 12 : i32
      %get3A_574 = arith.index_cast %get3A_573 : i32 to index
      %get3A_575 = arith.index_cast %mul3A_424 : i32 to index
      %get3A_576 = tpu.vector_load %arg11[%get3A_574, %get3A_575] {strides = array<i32>} : memref<16x1280xf32, #tpu.memory_space<vmem>>, vector<1x16xf32>,
      %get3A_577 = vector.shape_cast %get3A_576 : vector<1x16xf32> to vector<16xf32>
      %add3A_578 = arith.addf %get3A_577, %get3A_429 : vector<16xf32>
      %swap3A_579 = arith.constant 12 : i32
      %swap3A_580 = arith.index_cast %swap3A_579 : i32 to index
      %swap3A_581 = arith.index_cast %mul3A_424 : i32 to index
      %swap3A_582 = tpu.vector_load %arg14[%swap3A_580, %swap3A_581] {strides = array<i32>} : memref<16x1280xf32, #tpu.memory_space<vmem>>, vector<1x16xf32>,
      %swap3A_583 = vector.shape_cast %swap3A_582 : vector<1x16xf32> to vector<16xf32>
      %swap3A_584 = vector.shape_cast %add3A_578 : vector<16xf32> to vector<1x16xf32>
      tpu.vector_store %arg14[%swap3A_580, %swap3A_581], %swap3A_584 {strides = array<i32>} : memref<16x1280xf32, #tpu.memory_space<vmem>>, vector<1x16xf32>,
      %get3A_585 = arith.constant 13 : i32
      %get3A_586 = arith.index_cast %get3A_585 : i32 to index
      %get3A_587 = arith.index_cast %mul3A_424 : i32 to index
      %get3A_588 = tpu.vector_load %arg11[%get3A_586, %get3A_587] {strides = array<i32>} : memref<16x1280xf32, #tpu.memory_space<vmem>>, vector<1x16xf32>,
      %get3A_589 = vector.shape_cast %get3A_588 : vector<1x16xf32> to vector<16xf32>
      %add3A_590 = arith.addf %get3A_589, %get3A_429 : vector<16xf32>
      %swap3A_591 = arith.constant 13 : i32
      %swap3A_592 = arith.index_cast %swap3A_591 : i32 to index
      %swap3A_593 = arith.index_cast %mul3A_424 : i32 to index
      %swap3A_594 = tpu.vector_load %arg14[%swap3A_592, %swap3A_593] {strides = array<i32>} : memref<16x1280xf32, #tpu.memory_space<vmem>>, vector<1x16xf32>,
      %swap3A_595 = vector.shape_cast %swap3A_594 : vector<1x16xf32> to vector<16xf32>
      %swap3A_596 = vector.shape_cast %add3A_590 : vector<16xf32> to vector<1x16xf32>
      tpu.vector_store %arg14[%swap3A_592, %swap3A_593], %swap3A_596 {strides = array<i32>} : memref<16x1280xf32, #tpu.memory_space<vmem>>, vector<1x16xf32>,
      %get3A_597 = arith.constant 14 : i32
      %get3A_598 = arith.index_cast %get3A_597 : i32 to index
      %get3A_599 = arith.index_cast %mul3A_424 : i32 to index
      %get3A_600 = tpu.vector_load %arg11[%get3A_598, %get3A_599] {strides = array<i32>} : memref<16x1280xf32, #tpu.memory_space<vmem>>, vector<1x16xf32>,
      %get3A_601 = vector.shape_cast %get3A_600 : vector<1x16xf32> to vector<16xf32>
      %add3A_602 = arith.addf %get3A_601, %get3A_429 : vector<16xf32>
      %swap3A_603 = arith.constant 14 : i32
      %swap3A_604 = arith.index_cast %swap3A_603 : i32 to index
      %swap3A_605 = arith.index_cast %mul3A_424 : i32 to index
      %swap3A_606 = tpu.vector_load %arg14[%swap3A_604, %swap3A_605] {strides = array<i32>} : memref<16x1280xf32, #tpu.memory_space<vmem>>, vector<1x16xf32>,
      %swap3A_607 = vector.shape_cast %swap3A_606 : vector<1x16xf32> to vector<16xf32>
      %swap3A_608 = vector.shape_cast %add3A_602 : vector<16xf32> to vector<1x16xf32>
      tpu.vector_store %arg14[%swap3A_604, %swap3A_605], %swap3A_608 {strides = array<i32>} : memref<16x1280xf32, #tpu.memory_space<vmem>>, vector<1x16xf32>,
      %get3A_609 = arith.constant 15 : i32
      %get3A_610 = arith.index_cast %get3A_609 : i32 to index
      %get3A_611 = arith.index_cast %mul3A_424 : i32 to index
      %get3A_612 = tpu.vector_load %arg11[%get3A_610, %get3A_611] {strides = array<i32>} : memref<16x1280xf32, #tpu.memory_space<vmem>>, vector<1x16xf32>,
      %get3A_613 = vector.shape_cast %get3A_612 : vector<1x16xf32> to vector<16xf32>
      %add3A_614 = arith.addf %get3A_613, %get3A_429 : vector<16xf32>
      %swap3A_615 = arith.constant 15 : i32
      %swap3A_616 = arith.index_cast %swap3A_615 : i32 to index
      %swap3A_617 = arith.index_cast %mul3A_424 : i32 to index
      %swap3A_618 = tpu.vector_load %arg14[%swap3A_616, %swap3A_617] {strides = array<i32>} : memref<16x1280xf32, #tpu.memory_space<vmem>>, vector<1x16xf32>,
      %swap3A_619 = vector.shape_cast %swap3A_618 : vector<1x16xf32> to vector<16xf32>
      %swap3A_620 = vector.shape_cast %add3A_614 : vector<16xf32> to vector<1x16xf32>
      tpu.vector_store %arg14[%swap3A_616, %swap3A_617], %swap3A_620 {strides = array<i32>} : memref<16x1280xf32, #tpu.memory_space<vmem>>, vector<1x16xf32>,
    }
    %scan3A_148 = arith.constant 80 : i32
    %dma_start3A_149 = arith.constant 1 : i32
    %dma_start3A_150 = arith.constant 16 : i32
    %dma_start3A_151 = arith.constant 0 : i32
    %dma_start3A_152 = tpu.memref_slice %arg6[%select_n3A, %select_n3A_30, %dma_start3A_150, %dma_start3A_151] : memref<8x4x1025x1280xf32, #tpu.memory_space<hbm>> -> memref<1x1x16x1280xf32, #tpu.memory_space<hbm>>
    %dma_start3A_153 = tpu.memref_squeeze %dma_start3A_152 : memref<1x1x16x1280xf32, #tpu.memory_space<hbm>> -> memref<16x1280xf32, #tpu.memory_space<hbm>>
    %dma_start3A_154 = tpu.memref_slice %arg17[%dma_start3A_149] : memref<3x!tpu.dma_semaphore, #tpu.memory_space<semaphore_mem>> -> memref<1x!tpu.dma_semaphore, #tpu.memory_space<semaphore_mem>>
    %dma_start3A_155 = tpu.memref_squeeze %dma_start3A_154 : memref<1x!tpu.dma_semaphore, #tpu.memory_space<semaphore_mem>> -> memref<!tpu.dma_semaphore, #tpu.memory_space<semaphore_mem>>
    %dma_start3A_156 = arith.constant 16 : i32
    %dma_start3A_157 = arith.constant 0 : i32
    %dma_start3A_158 = tpu.memref_slice %arg6[%select_n3A, %select_n3A_30, %dma_start3A_156, %dma_start3A_157] : memref<8x4x1025x1280xf32, #tpu.memory_space<hbm>> -> memref<1x1x16x1280xf32, #tpu.memory_space<hbm>>
    %dma_start3A_159 = tpu.memref_squeeze %dma_start3A_158 : memref<1x1x16x1280xf32, #tpu.memory_space<hbm>> -> memref<16x1280xf32, #tpu.memory_space<hbm>>
    tpu.enqueue_dma source(%arg14 : memref<16x1280xf32, #tpu.memory_space<vmem>>) target(%dma_start3A_159 : memref<16x1280xf32, #tpu.memory_space<hbm>>) target_semaphore(%dma_start3A_155 : memref<!tpu.dma_semaphore, #tpu.memory_space<semaphore_mem>>)
    %dma_start3A_160 = arith.constant 1 : i32
    %dma_start3A_161 = arith.constant 64 : i32
    %dma_start3A_162 = arith.constant 0 : i32
    %dma_start3A_163 = tpu.memref_slice %arg2[%select_n3A, %select_n3A_30, %dma_start3A_161, %dma_start3A_162] : memref<8x4x1025x1280xf32, #tpu.memory_space<hbm>> -> memref<1x1x16x1280xf32, #tpu.memory_space<hbm>>
    %dma_start3A_164 = tpu.memref_squeeze %dma_start3A_163 : memref<1x1x16x1280xf32, #tpu.memory_space<hbm>> -> memref<16x1280xf32, #tpu.memory_space<hbm>>
    %dma_start3A_165 = tpu.memref_slice %arg16[%dma_start3A_160] : memref<3x!tpu.dma_semaphore, #tpu.memory_space<semaphore_mem>> -> memref<1x!tpu.dma_semaphore, #tpu.memory_space<semaphore_mem>>
    %dma_start3A_166 = tpu.memref_squeeze %dma_start3A_165 : memref<1x!tpu.dma_semaphore, #tpu.memory_space<semaphore_mem>> -> memref<!tpu.dma_semaphore, #tpu.memory_space<semaphore_mem>>
    %dma_start3A_167 = arith.constant 64 : i32
    %dma_start3A_168 = arith.constant 0 : i32
    %dma_start3A_169 = tpu.memref_slice %arg2[%select_n3A, %select_n3A_30, %dma_start3A_167, %dma_start3A_168] : memref<8x4x1025x1280xf32, #tpu.memory_space<hbm>> -> memref<1x1x16x1280xf32, #tpu.memory_space<hbm>>
    %dma_start3A_170 = tpu.memref_squeeze %dma_start3A_169 : memref<1x1x16x1280xf32, #tpu.memory_space<hbm>> -> memref<16x1280xf32, #tpu.memory_space<hbm>>
    tpu.enqueue_dma source(%dma_start3A_170 : memref<16x1280xf32, #tpu.memory_space<hbm>>) target(%arg11 : memref<16x1280xf32, #tpu.memory_space<vmem>>) target_semaphore(%dma_start3A_166 : memref<!tpu.dma_semaphore, #tpu.memory_space<semaphore_mem>>)
    %dma_wait3A_171 = arith.constant 2 : i32
    %dma_wait3A_172 = arith.constant 32 : i32
    %dma_wait3A_173 = arith.constant 0 : i32
    %dma_wait3A_174 = tpu.memref_slice %arg2[%select_n3A, %select_n3A_30, %dma_wait3A_172, %dma_wait3A_173] : memref<8x4x1025x1280xf32, #tpu.memory_space<hbm>> -> memref<1x1x16x1280xf32, #tpu.memory_space<hbm>>
    %dma_wait3A_175 = tpu.memref_squeeze %dma_wait3A_174 : memref<1x1x16x1280xf32, #tpu.memory_space<hbm>> -> memref<16x1280xf32, #tpu.memory_space<hbm>>
    %dma_wait3A_176 = tpu.memref_slice %arg16[%dma_wait3A_171] : memref<3x!tpu.dma_semaphore, #tpu.memory_space<semaphore_mem>> -> memref<1x!tpu.dma_semaphore, #tpu.memory_space<semaphore_mem>>
    %dma_wait3A_177 = tpu.memref_squeeze %dma_wait3A_176 : memref<1x!tpu.dma_semaphore, #tpu.memory_space<semaphore_mem>> -> memref<!tpu.dma_semaphore, #tpu.memory_space<semaphore_mem>>
    %dma_wait3A_178 = arith.constant 32 : i32
    %dma_wait3A_179 = arith.constant 0 : i32
    %dma_wait3A_180 = tpu.memref_slice %arg2[%select_n3A, %select_n3A_30, %dma_wait3A_178, %dma_wait3A_179] : memref<8x4x1025x1280xf32, #tpu.memory_space<hbm>> -> memref<1x1x16x1280xf32, #tpu.memory_space<hbm>>
    %dma_wait3A_181 = tpu.memref_squeeze %dma_wait3A_180 : memref<1x1x16x1280xf32, #tpu.memory_space<hbm>> -> memref<16x1280xf32, #tpu.memory_space<hbm>>
    tpu.wait_dma2 semaphore(%dma_wait3A_177 : memref<!tpu.dma_semaphore, #tpu.memory_space<semaphore_mem>>) src(%dma_wait3A_181 : memref<16x1280xf32, #tpu.memory_space<hbm>>) dst(%arg12 : memref<16x1280xf32, #tpu.memory_space<vmem>>)
    %scan3A_182 = arith.constant 0 : i32
    %scan3A_183 = arith.constant 0 : i32
    %scan3A_184 = arith.constant 80 : i32
    %scan3A_185 = arith.addi %scan3A_183, %scan3A_184 : i32
    %scan3A_186 = arith.constant 1 : i32
    scf.for %scan3A_422 = %scan3A_183 to %scan3A_185 step %scan3A_186  : i32 {
      %mul3A_423 = arith.constant 16 : i32
      %mul3A_424 = arith.muli %scan3A_422, %mul3A_423 : i32
      %get3A_425 = arith.constant 0 : i32
      %get3A_426 = arith.index_cast %get3A_425 : i32 to index
      %get3A_427 = arith.index_cast %mul3A_424 : i32 to index
      %get3A_428 = tpu.vector_load %arg9[%get3A_426, %get3A_427] {strides = array<i32>} : memref<1x1280xf32, #tpu.memory_space<vmem>>, vector<1x16xf32>,
      %get3A_429 = vector.shape_cast %get3A_428 : vector<1x16xf32> to vector<16xf32>
      %get3A_430 = arith.constant 0 : i32
      %get3A_431 = arith.index_cast %get3A_430 : i32 to index
      %get3A_432 = arith.index_cast %mul3A_424 : i32 to index
      %get3A_433 = tpu.vector_load %arg12[%get3A_431, %get3A_432] {strides = array<i32>} : memref<16x1280xf32, #tpu.memory_space<vmem>>, vector<1x16xf32>,
      %get3A_434 = vector.shape_cast %get3A_433 : vector<1x16xf32> to vector<16xf32>
      %add3A_435 = arith.addf %get3A_434, %get3A_429 : vector<16xf32>
      %swap3A = arith.constant 0 : i32
      %swap3A_436 = arith.index_cast %swap3A : i32 to index
      %swap3A_437 = arith.index_cast %mul3A_424 : i32 to index
      %swap3A_438 = tpu.vector_load %arg15[%swap3A_436, %swap3A_437] {strides = array<i32>} : memref<16x1280xf32, #tpu.memory_space<vmem>>, vector<1x16xf32>,
      %swap3A_439 = vector.shape_cast %swap3A_438 : vector<1x16xf32> to vector<16xf32>
      %swap3A_440 = vector.shape_cast %add3A_435 : vector<16xf32> to vector<1x16xf32>
      tpu.vector_store %arg15[%swap3A_436, %swap3A_437], %swap3A_440 {strides = array<i32>} : memref<16x1280xf32, #tpu.memory_space<vmem>>, vector<1x16xf32>,
      %get3A_441 = arith.constant 1 : i32
      %get3A_442 = arith.index_cast %get3A_441 : i32 to index
      %get3A_443 = arith.index_cast %mul3A_424 : i32 to index
      %get3A_444 = tpu.vector_load %arg12[%get3A_442, %get3A_443] {strides = array<i32>} : memref<16x1280xf32, #tpu.memory_space<vmem>>, vector<1x16xf32>,
      %get3A_445 = vector.shape_cast %get3A_444 : vector<1x16xf32> to vector<16xf32>
      %add3A_446 = arith.addf %get3A_445, %get3A_429 : vector<16xf32>
      %swap3A_447 = arith.constant 1 : i32
      %swap3A_448 = arith.index_cast %swap3A_447 : i32 to index
      %swap3A_449 = arith.index_cast %mul3A_424 : i32 to index
      %swap3A_450 = tpu.vector_load %arg15[%swap3A_448, %swap3A_449] {strides = array<i32>} : memref<16x1280xf32, #tpu.memory_space<vmem>>, vector<1x16xf32>,
      %swap3A_451 = vector.shape_cast %swap3A_450 : vector<1x16xf32> to vector<16xf32>
      %swap3A_452 = vector.shape_cast %add3A_446 : vector<16xf32> to vector<1x16xf32>
      tpu.vector_store %arg15[%swap3A_448, %swap3A_449], %swap3A_452 {strides = array<i32>} : memref<16x1280xf32, #tpu.memory_space<vmem>>, vector<1x16xf32>,
      %get3A_453 = arith.constant 2 : i32
      %get3A_454 = arith.index_cast %get3A_453 : i32 to index
      %get3A_455 = arith.index_cast %mul3A_424 : i32 to index
      %get3A_456 = tpu.vector_load %arg12[%get3A_454, %get3A_455] {strides = array<i32>} : memref<16x1280xf32, #tpu.memory_space<vmem>>, vector<1x16xf32>,
      %get3A_457 = vector.shape_cast %get3A_456 : vector<1x16xf32> to vector<16xf32>
      %add3A_458 = arith.addf %get3A_457, %get3A_429 : vector<16xf32>
      %swap3A_459 = arith.constant 2 : i32
      %swap3A_460 = arith.index_cast %swap3A_459 : i32 to index
      %swap3A_461 = arith.index_cast %mul3A_424 : i32 to index
      %swap3A_462 = tpu.vector_load %arg15[%swap3A_460, %swap3A_461] {strides = array<i32>} : memref<16x1280xf32, #tpu.memory_space<vmem>>, vector<1x16xf32>,
      %swap3A_463 = vector.shape_cast %swap3A_462 : vector<1x16xf32> to vector<16xf32>
      %swap3A_464 = vector.shape_cast %add3A_458 : vector<16xf32> to vector<1x16xf32>
      tpu.vector_store %arg15[%swap3A_460, %swap3A_461], %swap3A_464 {strides = array<i32>} : memref<16x1280xf32, #tpu.memory_space<vmem>>, vector<1x16xf32>,
      %get3A_465 = arith.constant 3 : i32
      %get3A_466 = arith.index_cast %get3A_465 : i32 to index
      %get3A_467 = arith.index_cast %mul3A_424 : i32 to index
      %get3A_468 = tpu.vector_load %arg12[%get3A_466, %get3A_467] {strides = array<i32>} : memref<16x1280xf32, #tpu.memory_space<vmem>>, vector<1x16xf32>,
      %get3A_469 = vector.shape_cast %get3A_468 : vector<1x16xf32> to vector<16xf32>
      %add3A_470 = arith.addf %get3A_469, %get3A_429 : vector<16xf32>
      %swap3A_471 = arith.constant 3 : i32
      %swap3A_472 = arith.index_cast %swap3A_471 : i32 to index
      %swap3A_473 = arith.index_cast %mul3A_424 : i32 to index
      %swap3A_474 = tpu.vector_load %arg15[%swap3A_472, %swap3A_473] {strides = array<i32>} : memref<16x1280xf32, #tpu.memory_space<vmem>>, vector<1x16xf32>,
      %swap3A_475 = vector.shape_cast %swap3A_474 : vector<1x16xf32> to vector<16xf32>
      %swap3A_476 = vector.shape_cast %add3A_470 : vector<16xf32> to vector<1x16xf32>
      tpu.vector_store %arg15[%swap3A_472, %swap3A_473], %swap3A_476 {strides = array<i32>} : memref<16x1280xf32, #tpu.memory_space<vmem>>, vector<1x16xf32>,
      %get3A_477 = arith.constant 4 : i32
      %get3A_478 = arith.index_cast %get3A_477 : i32 to index
      %get3A_479 = arith.index_cast %mul3A_424 : i32 to index
      %get3A_480 = tpu.vector_load %arg12[%get3A_478, %get3A_479] {strides = array<i32>} : memref<16x1280xf32, #tpu.memory_space<vmem>>, vector<1x16xf32>,
      %get3A_481 = vector.shape_cast %get3A_480 : vector<1x16xf32> to vector<16xf32>
      %add3A_482 = arith.addf %get3A_481, %get3A_429 : vector<16xf32>
      %swap3A_483 = arith.constant 4 : i32
      %swap3A_484 = arith.index_cast %swap3A_483 : i32 to index
      %swap3A_485 = arith.index_cast %mul3A_424 : i32 to index
      %swap3A_486 = tpu.vector_load %arg15[%swap3A_484, %swap3A_485] {strides = array<i32>} : memref<16x1280xf32, #tpu.memory_space<vmem>>, vector<1x16xf32>,
      %swap3A_487 = vector.shape_cast %swap3A_486 : vector<1x16xf32> to vector<16xf32>
      %swap3A_488 = vector.shape_cast %add3A_482 : vector<16xf32> to vector<1x16xf32>
      tpu.vector_store %arg15[%swap3A_484, %swap3A_485], %swap3A_488 {strides = array<i32>} : memref<16x1280xf32, #tpu.memory_space<vmem>>, vector<1x16xf32>,
      %get3A_489 = arith.constant 5 : i32
      %get3A_490 = arith.index_cast %get3A_489 : i32 to index
      %get3A_491 = arith.index_cast %mul3A_424 : i32 to index
      %get3A_492 = tpu.vector_load %arg12[%get3A_490, %get3A_491] {strides = array<i32>} : memref<16x1280xf32, #tpu.memory_space<vmem>>, vector<1x16xf32>,
      %get3A_493 = vector.shape_cast %get3A_492 : vector<1x16xf32> to vector<16xf32>
      %add3A_494 = arith.addf %get3A_493, %get3A_429 : vector<16xf32>
      %swap3A_495 = arith.constant 5 : i32
      %swap3A_496 = arith.index_cast %swap3A_495 : i32 to index
      %swap3A_497 = arith.index_cast %mul3A_424 : i32 to index
      %swap3A_498 = tpu.vector_load %arg15[%swap3A_496, %swap3A_497] {strides = array<i32>} : memref<16x1280xf32, #tpu.memory_space<vmem>>, vector<1x16xf32>,
      %swap3A_499 = vector.shape_cast %swap3A_498 : vector<1x16xf32> to vector<16xf32>
      %swap3A_500 = vector.shape_cast %add3A_494 : vector<16xf32> to vector<1x16xf32>
      tpu.vector_store %arg15[%swap3A_496, %swap3A_497], %swap3A_500 {strides = array<i32>} : memref<16x1280xf32, #tpu.memory_space<vmem>>, vector<1x16xf32>,
      %get3A_501 = arith.constant 6 : i32
      %get3A_502 = arith.index_cast %get3A_501 : i32 to index
      %get3A_503 = arith.index_cast %mul3A_424 : i32 to index
      %get3A_504 = tpu.vector_load %arg12[%get3A_502, %get3A_503] {strides = array<i32>} : memref<16x1280xf32, #tpu.memory_space<vmem>>, vector<1x16xf32>,
      %get3A_505 = vector.shape_cast %get3A_504 : vector<1x16xf32> to vector<16xf32>
      %add3A_506 = arith.addf %get3A_505, %get3A_429 : vector<16xf32>
      %swap3A_507 = arith.constant 6 : i32
      %swap3A_508 = arith.index_cast %swap3A_507 : i32 to index
      %swap3A_509 = arith.index_cast %mul3A_424 : i32 to index
      %swap3A_510 = tpu.vector_load %arg15[%swap3A_508, %swap3A_509] {strides = array<i32>} : memref<16x1280xf32, #tpu.memory_space<vmem>>, vector<1x16xf32>,
      %swap3A_511 = vector.shape_cast %swap3A_510 : vector<1x16xf32> to vector<16xf32>
      %swap3A_512 = vector.shape_cast %add3A_506 : vector<16xf32> to vector<1x16xf32>
      tpu.vector_store %arg15[%swap3A_508, %swap3A_509], %swap3A_512 {strides = array<i32>} : memref<16x1280xf32, #tpu.memory_space<vmem>>, vector<1x16xf32>,
      %get3A_513 = arith.constant 7 : i32
      %get3A_514 = arith.index_cast %get3A_513 : i32 to index
      %get3A_515 = arith.index_cast %mul3A_424 : i32 to index
      %get3A_516 = tpu.vector_load %arg12[%get3A_514, %get3A_515] {strides = array<i32>} : memref<16x1280xf32, #tpu.memory_space<vmem>>, vector<1x16xf32>,
      %get3A_517 = vector.shape_cast %get3A_516 : vector<1x16xf32> to vector<16xf32>
      %add3A_518 = arith.addf %get3A_517, %get3A_429 : vector<16xf32>
      %swap3A_519 = arith.constant 7 : i32
      %swap3A_520 = arith.index_cast %swap3A_519 : i32 to index
      %swap3A_521 = arith.index_cast %mul3A_424 : i32 to index
      %swap3A_522 = tpu.vector_load %arg15[%swap3A_520, %swap3A_521] {strides = array<i32>} : memref<16x1280xf32, #tpu.memory_space<vmem>>, vector<1x16xf32>,
      %swap3A_523 = vector.shape_cast %swap3A_522 : vector<1x16xf32> to vector<16xf32>
      %swap3A_524 = vector.shape_cast %add3A_518 : vector<16xf32> to vector<1x16xf32>
      tpu.vector_store %arg15[%swap3A_520, %swap3A_521], %swap3A_524 {strides = array<i32>} : memref<16x1280xf32, #tpu.memory_space<vmem>>, vector<1x16xf32>,
      %get3A_525 = arith.constant 8 : i32
      %get3A_526 = arith.index_cast %get3A_525 : i32 to index
      %get3A_527 = arith.index_cast %mul3A_424 : i32 to index
      %get3A_528 = tpu.vector_load %arg12[%get3A_526, %get3A_527] {strides = array<i32>} : memref<16x1280xf32, #tpu.memory_space<vmem>>, vector<1x16xf32>,
      %get3A_529 = vector.shape_cast %get3A_528 : vector<1x16xf32> to vector<16xf32>
      %add3A_530 = arith.addf %get3A_529, %get3A_429 : vector<16xf32>
      %swap3A_531 = arith.constant 8 : i32
      %swap3A_532 = arith.index_cast %swap3A_531 : i32 to index
      %swap3A_533 = arith.index_cast %mul3A_424 : i32 to index
      %swap3A_534 = tpu.vector_load %arg15[%swap3A_532, %swap3A_533] {strides = array<i32>} : memref<16x1280xf32, #tpu.memory_space<vmem>>, vector<1x16xf32>,
      %swap3A_535 = vector.shape_cast %swap3A_534 : vector<1x16xf32> to vector<16xf32>
      %swap3A_536 = vector.shape_cast %add3A_530 : vector<16xf32> to vector<1x16xf32>
      tpu.vector_store %arg15[%swap3A_532, %swap3A_533], %swap3A_536 {strides = array<i32>} : memref<16x1280xf32, #tpu.memory_space<vmem>>, vector<1x16xf32>,
      %get3A_537 = arith.constant 9 : i32
      %get3A_538 = arith.index_cast %get3A_537 : i32 to index
      %get3A_539 = arith.index_cast %mul3A_424 : i32 to index
      %get3A_540 = tpu.vector_load %arg12[%get3A_538, %get3A_539] {strides = array<i32>} : memref<16x1280xf32, #tpu.memory_space<vmem>>, vector<1x16xf32>,
      %get3A_541 = vector.shape_cast %get3A_540 : vector<1x16xf32> to vector<16xf32>
      %add3A_542 = arith.addf %get3A_541, %get3A_429 : vector<16xf32>
      %swap3A_543 = arith.constant 9 : i32
      %swap3A_544 = arith.index_cast %swap3A_543 : i32 to index
      %swap3A_545 = arith.index_cast %mul3A_424 : i32 to index
      %swap3A_546 = tpu.vector_load %arg15[%swap3A_544, %swap3A_545] {strides = array<i32>} : memref<16x1280xf32, #tpu.memory_space<vmem>>, vector<1x16xf32>,
      %swap3A_547 = vector.shape_cast %swap3A_546 : vector<1x16xf32> to vector<16xf32>
      %swap3A_548 = vector.shape_cast %add3A_542 : vector<16xf32> to vector<1x16xf32>
      tpu.vector_store %arg15[%swap3A_544, %swap3A_545], %swap3A_548 {strides = array<i32>} : memref<16x1280xf32, #tpu.memory_space<vmem>>, vector<1x16xf32>,
      %get3A_549 = arith.constant 10 : i32
      %get3A_550 = arith.index_cast %get3A_549 : i32 to index
      %get3A_551 = arith.index_cast %mul3A_424 : i32 to index
      %get3A_552 = tpu.vector_load %arg12[%get3A_550, %get3A_551] {strides = array<i32>} : memref<16x1280xf32, #tpu.memory_space<vmem>>, vector<1x16xf32>,
      %get3A_553 = vector.shape_cast %get3A_552 : vector<1x16xf32> to vector<16xf32>
      %add3A_554 = arith.addf %get3A_553, %get3A_429 : vector<16xf32>
      %swap3A_555 = arith.constant 10 : i32
      %swap3A_556 = arith.index_cast %swap3A_555 : i32 to index
      %swap3A_557 = arith.index_cast %mul3A_424 : i32 to index
      %swap3A_558 = tpu.vector_load %arg15[%swap3A_556, %swap3A_557] {strides = array<i32>} : memref<16x1280xf32, #tpu.memory_space<vmem>>, vector<1x16xf32>,
      %swap3A_559 = vector.shape_cast %swap3A_558 : vector<1x16xf32> to vector<16xf32>
      %swap3A_560 = vector.shape_cast %add3A_554 : vector<16xf32> to vector<1x16xf32>
      tpu.vector_store %arg15[%swap3A_556, %swap3A_557], %swap3A_560 {strides = array<i32>} : memref<16x1280xf32, #tpu.memory_space<vmem>>, vector<1x16xf32>,
      %get3A_561 = arith.constant 11 : i32
      %get3A_562 = arith.index_cast %get3A_561 : i32 to index
      %get3A_563 = arith.index_cast %mul3A_424 : i32 to index
      %get3A_564 = tpu.vector_load %arg12[%get3A_562, %get3A_563] {strides = array<i32>} : memref<16x1280xf32, #tpu.memory_space<vmem>>, vector<1x16xf32>,
      %get3A_565 = vector.shape_cast %get3A_564 : vector<1x16xf32> to vector<16xf32>
      %add3A_566 = arith.addf %get3A_565, %get3A_429 : vector<16xf32>
      %swap3A_567 = arith.constant 11 : i32
      %swap3A_568 = arith.index_cast %swap3A_567 : i32 to index
      %swap3A_569 = arith.index_cast %mul3A_424 : i32 to index
      %swap3A_570 = tpu.vector_load %arg15[%swap3A_568, %swap3A_569] {strides = array<i32>} : memref<16x1280xf32, #tpu.memory_space<vmem>>, vector<1x16xf32>,
      %swap3A_571 = vector.shape_cast %swap3A_570 : vector<1x16xf32> to vector<16xf32>
      %swap3A_572 = vector.shape_cast %add3A_566 : vector<16xf32> to vector<1x16xf32>
      tpu.vector_store %arg15[%swap3A_568, %swap3A_569], %swap3A_572 {strides = array<i32>} : memref<16x1280xf32, #tpu.memory_space<vmem>>, vector<1x16xf32>,
      %get3A_573 = arith.constant 12 : i32
      %get3A_574 = arith.index_cast %get3A_573 : i32 to index
      %get3A_575 = arith.index_cast %mul3A_424 : i32 to index
      %get3A_576 = tpu.vector_load %arg12[%get3A_574, %get3A_575] {strides = array<i32>} : memref<16x1280xf32, #tpu.memory_space<vmem>>, vector<1x16xf32>,
      %get3A_577 = vector.shape_cast %get3A_576 : vector<1x16xf32> to vector<16xf32>
      %add3A_578 = arith.addf %get3A_577, %get3A_429 : vector<16xf32>
      %swap3A_579 = arith.constant 12 : i32
      %swap3A_580 = arith.index_cast %swap3A_579 : i32 to index
      %swap3A_581 = arith.index_cast %mul3A_424 : i32 to index
      %swap3A_582 = tpu.vector_load %arg15[%swap3A_580, %swap3A_581] {strides = array<i32>} : memref<16x1280xf32, #tpu.memory_space<vmem>>, vector<1x16xf32>,
      %swap3A_583 = vector.shape_cast %swap3A_582 : vector<1x16xf32> to vector<16xf32>
      %swap3A_584 = vector.shape_cast %add3A_578 : vector<16xf32> to vector<1x16xf32>
      tpu.vector_store %arg15[%swap3A_580, %swap3A_581], %swap3A_584 {strides = array<i32>} : memref<16x1280xf32, #tpu.memory_space<vmem>>, vector<1x16xf32>,
      %get3A_585 = arith.constant 13 : i32
      %get3A_586 = arith.index_cast %get3A_585 : i32 to index
      %get3A_587 = arith.index_cast %mul3A_424 : i32 to index
      %get3A_588 = tpu.vector_load %arg12[%get3A_586, %get3A_587] {strides = array<i32>} : memref<16x1280xf32, #tpu.memory_space<vmem>>, vector<1x16xf32>,
      %get3A_589 = vector.shape_cast %get3A_588 : vector<1x16xf32> to vector<16xf32>
      %add3A_590 = arith.addf %get3A_589, %get3A_429 : vector<16xf32>
      %swap3A_591 = arith.constant 13 : i32
      %swap3A_592 = arith.index_cast %swap3A_591 : i32 to index
      %swap3A_593 = arith.index_cast %mul3A_424 : i32 to index
      %swap3A_594 = tpu.vector_load %arg15[%swap3A_592, %swap3A_593] {strides = array<i32>} : memref<16x1280xf32, #tpu.memory_space<vmem>>, vector<1x16xf32>,
      %swap3A_595 = vector.shape_cast %swap3A_594 : vector<1x16xf32> to vector<16xf32>
      %swap3A_596 = vector.shape_cast %add3A_590 : vector<16xf32> to vector<1x16xf32>
      tpu.vector_store %arg15[%swap3A_592, %swap3A_593], %swap3A_596 {strides = array<i32>} : memref<16x1280xf32, #tpu.memory_space<vmem>>, vector<1x16xf32>,
      %get3A_597 = arith.constant 14 : i32
      %get3A_598 = arith.index_cast %get3A_597 : i32 to index
      %get3A_599 = arith.index_cast %mul3A_424 : i32 to index
      %get3A_600 = tpu.vector_load %arg12[%get3A_598, %get3A_599] {strides = array<i32>} : memref<16x1280xf32, #tpu.memory_space<vmem>>, vector<1x16xf32>,
      %get3A_601 = vector.shape_cast %get3A_600 : vector<1x16xf32> to vector<16xf32>
      %add3A_602 = arith.addf %get3A_601, %get3A_429 : vector<16xf32>
      %swap3A_603 = arith.constant 14 : i32
      %swap3A_604 = arith.index_cast %swap3A_603 : i32 to index
      %swap3A_605 = arith.index_cast %mul3A_424 : i32 to index
      %swap3A_606 = tpu.vector_load %arg15[%swap3A_604, %swap3A_605] {strides = array<i32>} : memref<16x1280xf32, #tpu.memory_space<vmem>>, vector<1x16xf32>,
      %swap3A_607 = vector.shape_cast %swap3A_606 : vector<1x16xf32> to vector<16xf32>
      %swap3A_608 = vector.shape_cast %add3A_602 : vector<16xf32> to vector<1x16xf32>
      tpu.vector_store %arg15[%swap3A_604, %swap3A_605], %swap3A_608 {strides = array<i32>} : memref<16x1280xf32, #tpu.memory_space<vmem>>, vector<1x16xf32>,
      %get3A_609 = arith.constant 15 : i32
      %get3A_610 = arith.index_cast %get3A_609 : i32 to index
      %get3A_611 = arith.index_cast %mul3A_424 : i32 to index
      %get3A_612 = tpu.vector_load %arg12[%get3A_610, %get3A_611] {strides = array<i32>} : memref<16x1280xf32, #tpu.memory_space<vmem>>, vector<1x16xf32>,
      %get3A_613 = vector.shape_cast %get3A_612 : vector<1x16xf32> to vector<16xf32>
      %add3A_614 = arith.addf %get3A_613, %get3A_429 : vector<16xf32>
      %swap3A_615 = arith.constant 15 : i32
      %swap3A_616 = arith.index_cast %swap3A_615 : i32 to index
      %swap3A_617 = arith.index_cast %mul3A_424 : i32 to index
      %swap3A_618 = tpu.vector_load %arg15[%swap3A_616, %swap3A_617] {strides = array<i32>} : memref<16x1280xf32, #tpu.memory_space<vmem>>, vector<1x16xf32>,
      %swap3A_619 = vector.shape_cast %swap3A_618 : vector<1x16xf32> to vector<16xf32>
      %swap3A_620 = vector.shape_cast %add3A_614 : vector<16xf32> to vector<1x16xf32>
      tpu.vector_store %arg15[%swap3A_616, %swap3A_617], %swap3A_620 {strides = array<i32>} : memref<16x1280xf32, #tpu.memory_space<vmem>>, vector<1x16xf32>,
    }
    %scan3A_187 = arith.constant 80 : i32
    %dma_start3A_188 = arith.constant 2 : i32
    %dma_start3A_189 = arith.constant 32 : i32
    %dma_start3A_190 = arith.constant 0 : i32
    %dma_start3A_191 = tpu.memref_slice %arg6[%select_n3A, %select_n3A_30, %dma_start3A_189, %dma_start3A_190] : memref<8x4x1025x1280xf32, #tpu.memory_space<hbm>> -> memref<1x1x16x1280xf32, #tpu.memory_space<hbm>>
    %dma_start3A_192 = tpu.memref_squeeze %dma_start3A_191 : memref<1x1x16x1280xf32, #tpu.memory_space<hbm>> -> memref<16x1280xf32, #tpu.memory_space<hbm>>
    %dma_start3A_193 = tpu.memref_slice %arg17[%dma_start3A_188] : memref<3x!tpu.dma_semaphore, #tpu.memory_space<semaphore_mem>> -> memref<1x!tpu.dma_semaphore, #tpu.memory_space<semaphore_mem>>
    %dma_start3A_194 = tpu.memref_squeeze %dma_start3A_193 : memref<1x!tpu.dma_semaphore, #tpu.memory_space<semaphore_mem>> -> memref<!tpu.dma_semaphore, #tpu.memory_space<semaphore_mem>>
    %dma_start3A_195 = arith.constant 32 : i32
    %dma_start3A_196 = arith.constant 0 : i32
    %dma_start3A_197 = tpu.memref_slice %arg6[%select_n3A, %select_n3A_30, %dma_start3A_195, %dma_start3A_196] : memref<8x4x1025x1280xf32, #tpu.memory_space<hbm>> -> memref<1x1x16x1280xf32, #tpu.memory_space<hbm>>
    %dma_start3A_198 = tpu.memref_squeeze %dma_start3A_197 : memref<1x1x16x1280xf32, #tpu.memory_space<hbm>> -> memref<16x1280xf32, #tpu.memory_space<hbm>>
    tpu.enqueue_dma source(%arg15 : memref<16x1280xf32, #tpu.memory_space<vmem>>) target(%dma_start3A_198 : memref<16x1280xf32, #tpu.memory_space<hbm>>) target_semaphore(%dma_start3A_194 : memref<!tpu.dma_semaphore, #tpu.memory_space<semaphore_mem>>)
    %dma_start3A_199 = arith.constant 2 : i32
    %dma_start3A_200 = arith.constant 80 : i32
    %dma_start3A_201 = arith.constant 0 : i32
    %dma_start3A_202 = tpu.memref_slice %arg2[%select_n3A, %select_n3A_30, %dma_start3A_200, %dma_start3A_201] : memref<8x4x1025x1280xf32, #tpu.memory_space<hbm>> -> memref<1x1x16x1280xf32, #tpu.memory_space<hbm>>
    %dma_start3A_203 = tpu.memref_squeeze %dma_start3A_202 : memref<1x1x16x1280xf32, #tpu.memory_space<hbm>> -> memref<16x1280xf32, #tpu.memory_space<hbm>>
    %dma_start3A_204 = tpu.memref_slice %arg16[%dma_start3A_199] : memref<3x!tpu.dma_semaphore, #tpu.memory_space<semaphore_mem>> -> memref<1x!tpu.dma_semaphore, #tpu.memory_space<semaphore_mem>>
    %dma_start3A_205 = tpu.memref_squeeze %dma_start3A_204 : memref<1x!tpu.dma_semaphore, #tpu.memory_space<semaphore_mem>> -> memref<!tpu.dma_semaphore, #tpu.memory_space<semaphore_mem>>
    %dma_start3A_206 = arith.constant 80 : i32
    %dma_start3A_207 = arith.constant 0 : i32
    %dma_start3A_208 = tpu.memref_slice %arg2[%select_n3A, %select_n3A_30, %dma_start3A_206, %dma_start3A_207] : memref<8x4x1025x1280xf32, #tpu.memory_space<hbm>> -> memref<1x1x16x1280xf32, #tpu.memory_space<hbm>>
    %dma_start3A_209 = tpu.memref_squeeze %dma_start3A_208 : memref<1x1x16x1280xf32, #tpu.memory_space<hbm>> -> memref<16x1280xf32, #tpu.memory_space<hbm>>
    tpu.enqueue_dma source(%dma_start3A_209 : memref<16x1280xf32, #tpu.memory_space<hbm>>) target(%arg12 : memref<16x1280xf32, #tpu.memory_space<vmem>>) target_semaphore(%dma_start3A_205 : memref<!tpu.dma_semaphore, #tpu.memory_space<semaphore_mem>>)
    %scan3A_210 = arith.constant 0 : i32
    %scan3A_211 = arith.constant 1 : i32
    %scan3A_212 = arith.constant 19 : i32
    %scan3A_213 = arith.addi %scan3A_211, %scan3A_212 : i32
    %scan3A_214 = arith.constant 1 : i32
    scf.for %scan3A_422 = %scan3A_211 to %scan3A_213 step %scan3A_214  : i32 {
      %mul3A_423 = arith.constant 3 : i32
      %mul3A_424 = arith.muli %scan3A_422, %mul3A_423 : i32
      %add3A_425 = arith.constant 0 : i32
      %add3A_426 = arith.addi %mul3A_424, %add3A_425 : i32
      %mul3A_427 = arith.constant 16 : i32
      %mul3A_428 = arith.muli %add3A_426, %mul3A_427 : i32
      %dma_wait3A_429 = arith.constant 0 : i32
      %dma_wait3A_430 = arith.constant 0 : i32
      %dma_wait3A_431 = tpu.memref_slice %arg2[%select_n3A, %select_n3A_30, %mul3A_428, %dma_wait3A_430] : memref<8x4x1025x1280xf32, #tpu.memory_space<hbm>> -> memref<1x1x16x1280xf32, #tpu.memory_space<hbm>>
      %dma_wait3A_432 = tpu.memref_squeeze %dma_wait3A_431 : memref<1x1x16x1280xf32, #tpu.memory_space<hbm>> -> memref<16x1280xf32, #tpu.memory_space<hbm>>
      %dma_wait3A_433 = tpu.memref_slice %arg16[%dma_wait3A_429] : memref<3x!tpu.dma_semaphore, #tpu.memory_space<semaphore_mem>> -> memref<1x!tpu.dma_semaphore, #tpu.memory_space<semaphore_mem>>
      %dma_wait3A_434 = tpu.memref_squeeze %dma_wait3A_433 : memref<1x!tpu.dma_semaphore, #tpu.memory_space<semaphore_mem>> -> memref<!tpu.dma_semaphore, #tpu.memory_space<semaphore_mem>>
      %dma_wait3A_435 = arith.constant 0 : i32
      %dma_wait3A_436 = tpu.memref_slice %arg2[%select_n3A, %select_n3A_30, %mul3A_428, %dma_wait3A_435] : memref<8x4x1025x1280xf32, #tpu.memory_space<hbm>> -> memref<1x1x16x1280xf32, #tpu.memory_space<hbm>>
      %dma_wait3A_437 = tpu.memref_squeeze %dma_wait3A_436 : memref<1x1x16x1280xf32, #tpu.memory_space<hbm>> -> memref<16x1280xf32, #tpu.memory_space<hbm>>
      tpu.wait_dma2 semaphore(%dma_wait3A_434 : memref<!tpu.dma_semaphore, #tpu.memory_space<semaphore_mem>>) src(%dma_wait3A_437 : memref<16x1280xf32, #tpu.memory_space<hbm>>) dst(%arg10 : memref<16x1280xf32, #tpu.memory_space<vmem>>)
      %sub3A_438 = arith.constant 3 : i32
      %sub3A_439 = arith.subi %add3A_426, %sub3A_438 : i32
      %mul3A_440 = arith.constant 16 : i32
      %mul3A_441 = arith.muli %sub3A_439, %mul3A_440 : i32
      %dma_wait3A_442 = arith.constant 0 : i32
      %dma_wait3A_443 = arith.constant 0 : i32
      %dma_wait3A_444 = tpu.memref_slice %arg6[%select_n3A, %select_n3A_30, %mul3A_441, %dma_wait3A_443] : memref<8x4x1025x1280xf32, #tpu.memory_space<hbm>> -> memref<1x1x16x1280xf32, #tpu.memory_space<hbm>>
      %dma_wait3A_445 = tpu.memref_squeeze %dma_wait3A_444 : memref<1x1x16x1280xf32, #tpu.memory_space<hbm>> -> memref<16x1280xf32, #tpu.memory_space<hbm>>
      %dma_wait3A_446 = tpu.memref_slice %arg17[%dma_wait3A_442] : memref<3x!tpu.dma_semaphore, #tpu.memory_space<semaphore_mem>> -> memref<1x!tpu.dma_semaphore, #tpu.memory_space<semaphore_mem>>
      %dma_wait3A_447 = tpu.memref_squeeze %dma_wait3A_446 : memref<1x!tpu.dma_semaphore, #tpu.memory_space<semaphore_mem>> -> memref<!tpu.dma_semaphore, #tpu.memory_space<semaphore_mem>>
      %dma_wait3A_448 = arith.constant 0 : i32
      %dma_wait3A_449 = tpu.memref_slice %arg6[%select_n3A, %select_n3A_30, %mul3A_441, %dma_wait3A_448] : memref<8x4x1025x1280xf32, #tpu.memory_space<hbm>> -> memref<1x1x16x1280xf32, #tpu.memory_space<hbm>>
      %dma_wait3A_450 = tpu.memref_squeeze %dma_wait3A_449 : memref<1x1x16x1280xf32, #tpu.memory_space<hbm>> -> memref<16x1280xf32, #tpu.memory_space<hbm>>
      tpu.wait_dma2 semaphore(%dma_wait3A_447 : memref<!tpu.dma_semaphore, #tpu.memory_space<semaphore_mem>>) src(%arg13 : memref<16x1280xf32, #tpu.memory_space<vmem>>) dst(%dma_wait3A_450 : memref<16x1280xf32, #tpu.memory_space<hbm>>)
      %scan3A_451 = arith.constant 0 : i32
      %scan3A_452 = arith.constant 0 : i32
      %scan3A_453 = arith.constant 80 : i32
      %scan3A_454 = arith.addi %scan3A_452, %scan3A_453 : i32
      %scan3A_455 = arith.constant 1 : i32
      scf.for %scan3A_593 = %scan3A_452 to %scan3A_454 step %scan3A_455  : i32 {
        %mul3A_594 = arith.constant 16 : i32
        %mul3A_595 = arith.muli %scan3A_593, %mul3A_594 : i32
        %get3A_596 = arith.constant 0 : i32
        %get3A_597 = arith.index_cast %get3A_596 : i32 to index
        %get3A_598 = arith.index_cast %mul3A_595 : i32 to index
        %get3A_599 = tpu.vector_load %arg9[%get3A_597, %get3A_598] {strides = array<i32>} : memref<1x1280xf32, #tpu.memory_space<vmem>>, vector<1x16xf32>,
        %get3A_600 = vector.shape_cast %get3A_599 : vector<1x16xf32> to vector<16xf32>
        %get3A_601 = arith.constant 0 : i32
        %get3A_602 = arith.index_cast %get3A_601 : i32 to index
        %get3A_603 = arith.index_cast %mul3A_595 : i32 to index
        %get3A_604 = tpu.vector_load %arg10[%get3A_602, %get3A_603] {strides = array<i32>} : memref<16x1280xf32, #tpu.memory_space<vmem>>, vector<1x16xf32>,
        %get3A_605 = vector.shape_cast %get3A_604 : vector<1x16xf32> to vector<16xf32>
        %add3A_606 = arith.addf %get3A_605, %get3A_600 : vector<16xf32>
        %swap3A = arith.constant 0 : i32
        %swap3A_607 = arith.index_cast %swap3A : i32 to index
        %swap3A_608 = arith.index_cast %mul3A_595 : i32 to index
        %swap3A_609 = tpu.vector_load %arg13[%swap3A_607, %swap3A_608] {strides = array<i32>} : memref<16x1280xf32, #tpu.memory_space<vmem>>, vector<1x16xf32>,
        %swap3A_610 = vector.shape_cast %swap3A_609 : vector<1x16xf32> to vector<16xf32>
        %swap3A_611 = vector.shape_cast %add3A_606 : vector<16xf32> to vector<1x16xf32>
        tpu.vector_store %arg13[%swap3A_607, %swap3A_608], %swap3A_611 {strides = array<i32>} : memref<16x1280xf32, #tpu.memory_space<vmem>>, vector<1x16xf32>,
        %get3A_612 = arith.constant 1 : i32
        %get3A_613 = arith.index_cast %get3A_612 : i32 to index
        %get3A_614 = arith.index_cast %mul3A_595 : i32 to index
        %get3A_615 = tpu.vector_load %arg10[%get3A_613, %get3A_614] {strides = array<i32>} : memref<16x1280xf32, #tpu.memory_space<vmem>>, vector<1x16xf32>,
        %get3A_616 = vector.shape_cast %get3A_615 : vector<1x16xf32> to vector<16xf32>
        %add3A_617 = arith.addf %get3A_616, %get3A_600 : vector<16xf32>
        %swap3A_618 = arith.constant 1 : i32
        %swap3A_619 = arith.index_cast %swap3A_618 : i32 to index
        %swap3A_620 = arith.index_cast %mul3A_595 : i32 to index
        %swap3A_621 = tpu.vector_load %arg13[%swap3A_619, %swap3A_620] {strides = array<i32>} : memref<16x1280xf32, #tpu.memory_space<vmem>>, vector<1x16xf32>,
        %swap3A_622 = vector.shape_cast %swap3A_621 : vector<1x16xf32> to vector<16xf32>
        %swap3A_623 = vector.shape_cast %add3A_617 : vector<16xf32> to vector<1x16xf32>
        tpu.vector_store %arg13[%swap3A_619, %swap3A_620], %swap3A_623 {strides = array<i32>} : memref<16x1280xf32, #tpu.memory_space<vmem>>, vector<1x16xf32>,
        %get3A_624 = arith.constant 2 : i32
        %get3A_625 = arith.index_cast %get3A_624 : i32 to index
        %get3A_626 = arith.index_cast %mul3A_595 : i32 to index
        %get3A_627 = tpu.vector_load %arg10[%get3A_625, %get3A_626] {strides = array<i32>} : memref<16x1280xf32, #tpu.memory_space<vmem>>, vector<1x16xf32>,
        %get3A_628 = vector.shape_cast %get3A_627 : vector<1x16xf32> to vector<16xf32>
        %add3A_629 = arith.addf %get3A_628, %get3A_600 : vector<16xf32>
        %swap3A_630 = arith.constant 2 : i32
        %swap3A_631 = arith.index_cast %swap3A_630 : i32 to index
        %swap3A_632 = arith.index_cast %mul3A_595 : i32 to index
        %swap3A_633 = tpu.vector_load %arg13[%swap3A_631, %swap3A_632] {strides = array<i32>} : memref<16x1280xf32, #tpu.memory_space<vmem>>, vector<1x16xf32>,
        %swap3A_634 = vector.shape_cast %swap3A_633 : vector<1x16xf32> to vector<16xf32>
        %swap3A_635 = vector.shape_cast %add3A_629 : vector<16xf32> to vector<1x16xf32>
        tpu.vector_store %arg13[%swap3A_631, %swap3A_632], %swap3A_635 {strides = array<i32>} : memref<16x1280xf32, #tpu.memory_space<vmem>>, vector<1x16xf32>,
        %get3A_636 = arith.constant 3 : i32
        %get3A_637 = arith.index_cast %get3A_636 : i32 to index
        %get3A_638 = arith.index_cast %mul3A_595 : i32 to index
        %get3A_639 = tpu.vector_load %arg10[%get3A_637, %get3A_638] {strides = array<i32>} : memref<16x1280xf32, #tpu.memory_space<vmem>>, vector<1x16xf32>,
        %get3A_640 = vector.shape_cast %get3A_639 : vector<1x16xf32> to vector<16xf32>
        %add3A_641 = arith.addf %get3A_640, %get3A_600 : vector<16xf32>
        %swap3A_642 = arith.constant 3 : i32
        %swap3A_643 = arith.index_cast %swap3A_642 : i32 to index
        %swap3A_644 = arith.index_cast %mul3A_595 : i32 to index
        %swap3A_645 = tpu.vector_load %arg13[%swap3A_643, %swap3A_644] {strides = array<i32>} : memref<16x1280xf32, #tpu.memory_space<vmem>>, vector<1x16xf32>,
        %swap3A_646 = vector.shape_cast %swap3A_645 : vector<1x16xf32> to vector<16xf32>
        %swap3A_647 = vector.shape_cast %add3A_641 : vector<16xf32> to vector<1x16xf32>
        tpu.vector_store %arg13[%swap3A_643, %swap3A_644], %swap3A_647 {strides = array<i32>} : memref<16x1280xf32, #tpu.memory_space<vmem>>, vector<1x16xf32>,
        %get3A_648 = arith.constant 4 : i32
        %get3A_649 = arith.index_cast %get3A_648 : i32 to index
        %get3A_650 = arith.index_cast %mul3A_595 : i32 to index
        %get3A_651 = tpu.vector_load %arg10[%get3A_649, %get3A_650] {strides = array<i32>} : memref<16x1280xf32, #tpu.memory_space<vmem>>, vector<1x16xf32>,
        %get3A_652 = vector.shape_cast %get3A_651 : vector<1x16xf32> to vector<16xf32>
        %add3A_653 = arith.addf %get3A_652, %get3A_600 : vector<16xf32>
        %swap3A_654 = arith.constant 4 : i32
        %swap3A_655 = arith.index_cast %swap3A_654 : i32 to index
        %swap3A_656 = arith.index_cast %mul3A_595 : i32 to index
        %swap3A_657 = tpu.vector_load %arg13[%swap3A_655, %swap3A_656] {strides = array<i32>} : memref<16x1280xf32, #tpu.memory_space<vmem>>, vector<1x16xf32>,
        %swap3A_658 = vector.shape_cast %swap3A_657 : vector<1x16xf32> to vector<16xf32>
        %swap3A_659 = vector.shape_cast %add3A_653 : vector<16xf32> to vector<1x16xf32>
        tpu.vector_store %arg13[%swap3A_655, %swap3A_656], %swap3A_659 {strides = array<i32>} : memref<16x1280xf32, #tpu.memory_space<vmem>>, vector<1x16xf32>,
        %get3A_660 = arith.constant 5 : i32
        %get3A_661 = arith.index_cast %get3A_660 : i32 to index
        %get3A_662 = arith.index_cast %mul3A_595 : i32 to index
        %get3A_663 = tpu.vector_load %arg10[%get3A_661, %get3A_662] {strides = array<i32>} : memref<16x1280xf32, #tpu.memory_space<vmem>>, vector<1x16xf32>,
        %get3A_664 = vector.shape_cast %get3A_663 : vector<1x16xf32> to vector<16xf32>
        %add3A_665 = arith.addf %get3A_664, %get3A_600 : vector<16xf32>
        %swap3A_666 = arith.constant 5 : i32
        %swap3A_667 = arith.index_cast %swap3A_666 : i32 to index
        %swap3A_668 = arith.index_cast %mul3A_595 : i32 to index
        %swap3A_669 = tpu.vector_load %arg13[%swap3A_667, %swap3A_668] {strides = array<i32>} : memref<16x1280xf32, #tpu.memory_space<vmem>>, vector<1x16xf32>,
        %swap3A_670 = vector.shape_cast %swap3A_669 : vector<1x16xf32> to vector<16xf32>
        %swap3A_671 = vector.shape_cast %add3A_665 : vector<16xf32> to vector<1x16xf32>
        tpu.vector_store %arg13[%swap3A_667, %swap3A_668], %swap3A_671 {strides = array<i32>} : memref<16x1280xf32, #tpu.memory_space<vmem>>, vector<1x16xf32>,
        %get3A_672 = arith.constant 6 : i32
        %get3A_673 = arith.index_cast %get3A_672 : i32 to index
        %get3A_674 = arith.index_cast %mul3A_595 : i32 to index
        %get3A_675 = tpu.vector_load %arg10[%get3A_673, %get3A_674] {strides = array<i32>} : memref<16x1280xf32, #tpu.memory_space<vmem>>, vector<1x16xf32>,
        %get3A_676 = vector.shape_cast %get3A_675 : vector<1x16xf32> to vector<16xf32>
        %add3A_677 = arith.addf %get3A_676, %get3A_600 : vector<16xf32>
        %swap3A_678 = arith.constant 6 : i32
        %swap3A_679 = arith.index_cast %swap3A_678 : i32 to index
        %swap3A_680 = arith.index_cast %mul3A_595 : i32 to index
        %swap3A_681 = tpu.vector_load %arg13[%swap3A_679, %swap3A_680] {strides = array<i32>} : memref<16x1280xf32, #tpu.memory_space<vmem>>, vector<1x16xf32>,
        %swap3A_682 = vector.shape_cast %swap3A_681 : vector<1x16xf32> to vector<16xf32>
        %swap3A_683 = vector.shape_cast %add3A_677 : vector<16xf32> to vector<1x16xf32>
        tpu.vector_store %arg13[%swap3A_679, %swap3A_680], %swap3A_683 {strides = array<i32>} : memref<16x1280xf32, #tpu.memory_space<vmem>>, vector<1x16xf32>,
        %get3A_684 = arith.constant 7 : i32
        %get3A_685 = arith.index_cast %get3A_684 : i32 to index
        %get3A_686 = arith.index_cast %mul3A_595 : i32 to index
        %get3A_687 = tpu.vector_load %arg10[%get3A_685, %get3A_686] {strides = array<i32>} : memref<16x1280xf32, #tpu.memory_space<vmem>>, vector<1x16xf32>,
        %get3A_688 = vector.shape_cast %get3A_687 : vector<1x16xf32> to vector<16xf32>
        %add3A_689 = arith.addf %get3A_688, %get3A_600 : vector<16xf32>
        %swap3A_690 = arith.constant 7 : i32
        %swap3A_691 = arith.index_cast %swap3A_690 : i32 to index
        %swap3A_692 = arith.index_cast %mul3A_595 : i32 to index
        %swap3A_693 = tpu.vector_load %arg13[%swap3A_691, %swap3A_692] {strides = array<i32>} : memref<16x1280xf32, #tpu.memory_space<vmem>>, vector<1x16xf32>,
        %swap3A_694 = vector.shape_cast %swap3A_693 : vector<1x16xf32> to vector<16xf32>
        %swap3A_695 = vector.shape_cast %add3A_689 : vector<16xf32> to vector<1x16xf32>
        tpu.vector_store %arg13[%swap3A_691, %swap3A_692], %swap3A_695 {strides = array<i32>} : memref<16x1280xf32, #tpu.memory_space<vmem>>, vector<1x16xf32>,
        %get3A_696 = arith.constant 8 : i32
        %get3A_697 = arith.index_cast %get3A_696 : i32 to index
        %get3A_698 = arith.index_cast %mul3A_595 : i32 to index
        %get3A_699 = tpu.vector_load %arg10[%get3A_697, %get3A_698] {strides = array<i32>} : memref<16x1280xf32, #tpu.memory_space<vmem>>, vector<1x16xf32>,
        %get3A_700 = vector.shape_cast %get3A_699 : vector<1x16xf32> to vector<16xf32>
        %add3A_701 = arith.addf %get3A_700, %get3A_600 : vector<16xf32>
        %swap3A_702 = arith.constant 8 : i32
        %swap3A_703 = arith.index_cast %swap3A_702 : i32 to index
        %swap3A_704 = arith.index_cast %mul3A_595 : i32 to index
        %swap3A_705 = tpu.vector_load %arg13[%swap3A_703, %swap3A_704] {strides = array<i32>} : memref<16x1280xf32, #tpu.memory_space<vmem>>, vector<1x16xf32>,
        %swap3A_706 = vector.shape_cast %swap3A_705 : vector<1x16xf32> to vector<16xf32>
        %swap3A_707 = vector.shape_cast %add3A_701 : vector<16xf32> to vector<1x16xf32>
        tpu.vector_store %arg13[%swap3A_703, %swap3A_704], %swap3A_707 {strides = array<i32>} : memref<16x1280xf32, #tpu.memory_space<vmem>>, vector<1x16xf32>,
        %get3A_708 = arith.constant 9 : i32
        %get3A_709 = arith.index_cast %get3A_708 : i32 to index
        %get3A_710 = arith.index_cast %mul3A_595 : i32 to index
        %get3A_711 = tpu.vector_load %arg10[%get3A_709, %get3A_710] {strides = array<i32>} : memref<16x1280xf32, #tpu.memory_space<vmem>>, vector<1x16xf32>,
        %get3A_712 = vector.shape_cast %get3A_711 : vector<1x16xf32> to vector<16xf32>
        %add3A_713 = arith.addf %get3A_712, %get3A_600 : vector<16xf32>
        %swap3A_714 = arith.constant 9 : i32
        %swap3A_715 = arith.index_cast %swap3A_714 : i32 to index
        %swap3A_716 = arith.index_cast %mul3A_595 : i32 to index
        %swap3A_717 = tpu.vector_load %arg13[%swap3A_715, %swap3A_716] {strides = array<i32>} : memref<16x1280xf32, #tpu.memory_space<vmem>>, vector<1x16xf32>,
        %swap3A_718 = vector.shape_cast %swap3A_717 : vector<1x16xf32> to vector<16xf32>
        %swap3A_719 = vector.shape_cast %add3A_713 : vector<16xf32> to vector<1x16xf32>
        tpu.vector_store %arg13[%swap3A_715, %swap3A_716], %swap3A_719 {strides = array<i32>} : memref<16x1280xf32, #tpu.memory_space<vmem>>, vector<1x16xf32>,
        %get3A_720 = arith.constant 10 : i32
        %get3A_721 = arith.index_cast %get3A_720 : i32 to index
        %get3A_722 = arith.index_cast %mul3A_595 : i32 to index
        %get3A_723 = tpu.vector_load %arg10[%get3A_721, %get3A_722] {strides = array<i32>} : memref<16x1280xf32, #tpu.memory_space<vmem>>, vector<1x16xf32>,
        %get3A_724 = vector.shape_cast %get3A_723 : vector<1x16xf32> to vector<16xf32>
        %add3A_725 = arith.addf %get3A_724, %get3A_600 : vector<16xf32>
        %swap3A_726 = arith.constant 10 : i32
        %swap3A_727 = arith.index_cast %swap3A_726 : i32 to index
        %swap3A_728 = arith.index_cast %mul3A_595 : i32 to index
        %swap3A_729 = tpu.vector_load %arg13[%swap3A_727, %swap3A_728] {strides = array<i32>} : memref<16x1280xf32, #tpu.memory_space<vmem>>, vector<1x16xf32>,
        %swap3A_730 = vector.shape_cast %swap3A_729 : vector<1x16xf32> to vector<16xf32>
        %swap3A_731 = vector.shape_cast %add3A_725 : vector<16xf32> to vector<1x16xf32>
        tpu.vector_store %arg13[%swap3A_727, %swap3A_728], %swap3A_731 {strides = array<i32>} : memref<16x1280xf32, #tpu.memory_space<vmem>>, vector<1x16xf32>,
        %get3A_732 = arith.constant 11 : i32
        %get3A_733 = arith.index_cast %get3A_732 : i32 to index
        %get3A_734 = arith.index_cast %mul3A_595 : i32 to index
        %get3A_735 = tpu.vector_load %arg10[%get3A_733, %get3A_734] {strides = array<i32>} : memref<16x1280xf32, #tpu.memory_space<vmem>>, vector<1x16xf32>,
        %get3A_736 = vector.shape_cast %get3A_735 : vector<1x16xf32> to vector<16xf32>
        %add3A_737 = arith.addf %get3A_736, %get3A_600 : vector<16xf32>
        %swap3A_738 = arith.constant 11 : i32
        %swap3A_739 = arith.index_cast %swap3A_738 : i32 to index
        %swap3A_740 = arith.index_cast %mul3A_595 : i32 to index
        %swap3A_741 = tpu.vector_load %arg13[%swap3A_739, %swap3A_740] {strides = array<i32>} : memref<16x1280xf32, #tpu.memory_space<vmem>>, vector<1x16xf32>,
        %swap3A_742 = vector.shape_cast %swap3A_741 : vector<1x16xf32> to vector<16xf32>
        %swap3A_743 = vector.shape_cast %add3A_737 : vector<16xf32> to vector<1x16xf32>
        tpu.vector_store %arg13[%swap3A_739, %swap3A_740], %swap3A_743 {strides = array<i32>} : memref<16x1280xf32, #tpu.memory_space<vmem>>, vector<1x16xf32>,
        %get3A_744 = arith.constant 12 : i32
        %get3A_745 = arith.index_cast %get3A_744 : i32 to index
        %get3A_746 = arith.index_cast %mul3A_595 : i32 to index
        %get3A_747 = tpu.vector_load %arg10[%get3A_745, %get3A_746] {strides = array<i32>} : memref<16x1280xf32, #tpu.memory_space<vmem>>, vector<1x16xf32>,
        %get3A_748 = vector.shape_cast %get3A_747 : vector<1x16xf32> to vector<16xf32>
        %add3A_749 = arith.addf %get3A_748, %get3A_600 : vector<16xf32>
        %swap3A_750 = arith.constant 12 : i32
        %swap3A_751 = arith.index_cast %swap3A_750 : i32 to index
        %swap3A_752 = arith.index_cast %mul3A_595 : i32 to index
        %swap3A_753 = tpu.vector_load %arg13[%swap3A_751, %swap3A_752] {strides = array<i32>} : memref<16x1280xf32, #tpu.memory_space<vmem>>, vector<1x16xf32>,
        %swap3A_754 = vector.shape_cast %swap3A_753 : vector<1x16xf32> to vector<16xf32>
        %swap3A_755 = vector.shape_cast %add3A_749 : vector<16xf32> to vector<1x16xf32>
        tpu.vector_store %arg13[%swap3A_751, %swap3A_752], %swap3A_755 {strides = array<i32>} : memref<16x1280xf32, #tpu.memory_space<vmem>>, vector<1x16xf32>,
        %get3A_756 = arith.constant 13 : i32
        %get3A_757 = arith.index_cast %get3A_756 : i32 to index
        %get3A_758 = arith.index_cast %mul3A_595 : i32 to index
        %get3A_759 = tpu.vector_load %arg10[%get3A_757, %get3A_758] {strides = array<i32>} : memref<16x1280xf32, #tpu.memory_space<vmem>>, vector<1x16xf32>,
        %get3A_760 = vector.shape_cast %get3A_759 : vector<1x16xf32> to vector<16xf32>
        %add3A_761 = arith.addf %get3A_760, %get3A_600 : vector<16xf32>
        %swap3A_762 = arith.constant 13 : i32
        %swap3A_763 = arith.index_cast %swap3A_762 : i32 to index
        %swap3A_764 = arith.index_cast %mul3A_595 : i32 to index
        %swap3A_765 = tpu.vector_load %arg13[%swap3A_763, %swap3A_764] {strides = array<i32>} : memref<16x1280xf32, #tpu.memory_space<vmem>>, vector<1x16xf32>,
        %swap3A_766 = vector.shape_cast %swap3A_765 : vector<1x16xf32> to vector<16xf32>
        %swap3A_767 = vector.shape_cast %add3A_761 : vector<16xf32> to vector<1x16xf32>
        tpu.vector_store %arg13[%swap3A_763, %swap3A_764], %swap3A_767 {strides = array<i32>} : memref<16x1280xf32, #tpu.memory_space<vmem>>, vector<1x16xf32>,
        %get3A_768 = arith.constant 14 : i32
        %get3A_769 = arith.index_cast %get3A_768 : i32 to index
        %get3A_770 = arith.index_cast %mul3A_595 : i32 to index
        %get3A_771 = tpu.vector_load %arg10[%get3A_769, %get3A_770] {strides = array<i32>} : memref<16x1280xf32, #tpu.memory_space<vmem>>, vector<1x16xf32>,
        %get3A_772 = vector.shape_cast %get3A_771 : vector<1x16xf32> to vector<16xf32>
        %add3A_773 = arith.addf %get3A_772, %get3A_600 : vector<16xf32>
        %swap3A_774 = arith.constant 14 : i32
        %swap3A_775 = arith.index_cast %swap3A_774 : i32 to index
        %swap3A_776 = arith.index_cast %mul3A_595 : i32 to index
        %swap3A_777 = tpu.vector_load %arg13[%swap3A_775, %swap3A_776] {strides = array<i32>} : memref<16x1280xf32, #tpu.memory_space<vmem>>, vector<1x16xf32>,
        %swap3A_778 = vector.shape_cast %swap3A_777 : vector<1x16xf32> to vector<16xf32>
        %swap3A_779 = vector.shape_cast %add3A_773 : vector<16xf32> to vector<1x16xf32>
        tpu.vector_store %arg13[%swap3A_775, %swap3A_776], %swap3A_779 {strides = array<i32>} : memref<16x1280xf32, #tpu.memory_space<vmem>>, vector<1x16xf32>,
        %get3A_780 = arith.constant 15 : i32
        %get3A_781 = arith.index_cast %get3A_780 : i32 to index
        %get3A_782 = arith.index_cast %mul3A_595 : i32 to index
        %get3A_783 = tpu.vector_load %arg10[%get3A_781, %get3A_782] {strides = array<i32>} : memref<16x1280xf32, #tpu.memory_space<vmem>>, vector<1x16xf32>,
        %get3A_784 = vector.shape_cast %get3A_783 : vector<1x16xf32> to vector<16xf32>
        %add3A_785 = arith.addf %get3A_784, %get3A_600 : vector<16xf32>
        %swap3A_786 = arith.constant 15 : i32
        %swap3A_787 = arith.index_cast %swap3A_786 : i32 to index
        %swap3A_788 = arith.index_cast %mul3A_595 : i32 to index
        %swap3A_789 = tpu.vector_load %arg13[%swap3A_787, %swap3A_788] {strides = array<i32>} : memref<16x1280xf32, #tpu.memory_space<vmem>>, vector<1x16xf32>,
        %swap3A_790 = vector.shape_cast %swap3A_789 : vector<1x16xf32> to vector<16xf32>
        %swap3A_791 = vector.shape_cast %add3A_785 : vector<16xf32> to vector<1x16xf32>
        tpu.vector_store %arg13[%swap3A_787, %swap3A_788], %swap3A_791 {strides = array<i32>} : memref<16x1280xf32, #tpu.memory_space<vmem>>, vector<1x16xf32>,
      }
      %scan3A_456 = arith.constant 80 : i32
      %mul3A_457 = arith.constant 16 : i32
      %mul3A_458 = arith.muli %add3A_426, %mul3A_457 : i32
      %dma_start3A_459 = arith.constant 0 : i32
      %dma_start3A_460 = arith.constant 0 : i32
      %dma_start3A_461 = tpu.memref_slice %arg6[%select_n3A, %select_n3A_30, %mul3A_458, %dma_start3A_460] : memref<8x4x1025x1280xf32, #tpu.memory_space<hbm>> -> memref<1x1x16x1280xf32, #tpu.memory_space<hbm>>
      %dma_start3A_462 = tpu.memref_squeeze %dma_start3A_461 : memref<1x1x16x1280xf32, #tpu.memory_space<hbm>> -> memref<16x1280xf32, #tpu.memory_space<hbm>>
      %dma_start3A_463 = tpu.memref_slice %arg17[%dma_start3A_459] : memref<3x!tpu.dma_semaphore, #tpu.memory_space<semaphore_mem>> -> memref<1x!tpu.dma_semaphore, #tpu.memory_space<semaphore_mem>>
      %dma_start3A_464 = tpu.memref_squeeze %dma_start3A_463 : memref<1x!tpu.dma_semaphore, #tpu.memory_space<semaphore_mem>> -> memref<!tpu.dma_semaphore, #tpu.memory_space<semaphore_mem>>
      %dma_start3A_465 = arith.constant 0 : i32
      %dma_start3A_466 = tpu.memref_slice %arg6[%select_n3A, %select_n3A_30, %mul3A_458, %dma_start3A_465] : memref<8x4x1025x1280xf32, #tpu.memory_space<hbm>> -> memref<1x1x16x1280xf32, #tpu.memory_space<hbm>>
      %dma_start3A_467 = tpu.memref_squeeze %dma_start3A_466 : memref<1x1x16x1280xf32, #tpu.memory_space<hbm>> -> memref<16x1280xf32, #tpu.memory_space<hbm>>
      tpu.enqueue_dma source(%arg13 : memref<16x1280xf32, #tpu.memory_space<vmem>>) target(%dma_start3A_467 : memref<16x1280xf32, #tpu.memory_space<hbm>>) target_semaphore(%dma_start3A_464 : memref<!tpu.dma_semaphore, #tpu.memory_space<semaphore_mem>>)
      %add3A_468 = arith.constant 3 : i32
      %add3A_469 = arith.addi %add3A_426, %add3A_468 : i32
      %mul3A_470 = arith.constant 16 : i32
      %mul3A_471 = arith.muli %add3A_469, %mul3A_470 : i32
      %dma_start3A_472 = arith.constant 0 : i32
      %dma_start3A_473 = arith.constant 0 : i32
      %dma_start3A_474 = tpu.memref_slice %arg2[%select_n3A, %select_n3A_30, %mul3A_471, %dma_start3A_473] : memref<8x4x1025x1280xf32, #tpu.memory_space<hbm>> -> memref<1x1x16x1280xf32, #tpu.memory_space<hbm>>
      %dma_start3A_475 = tpu.memref_squeeze %dma_start3A_474 : memref<1x1x16x1280xf32, #tpu.memory_space<hbm>> -> memref<16x1280xf32, #tpu.memory_space<hbm>>
      %dma_start3A_476 = tpu.memref_slice %arg16[%dma_start3A_472] : memref<3x!tpu.dma_semaphore, #tpu.memory_space<semaphore_mem>> -> memref<1x!tpu.dma_semaphore, #tpu.memory_space<semaphore_mem>>
      %dma_start3A_477 = tpu.memref_squeeze %dma_start3A_476 : memref<1x!tpu.dma_semaphore, #tpu.memory_space<semaphore_mem>> -> memref<!tpu.dma_semaphore, #tpu.memory_space<semaphore_mem>>
      %dma_start3A_478 = arith.constant 0 : i32
      %dma_start3A_479 = tpu.memref_slice %arg2[%select_n3A, %select_n3A_30, %mul3A_471, %dma_start3A_478] : memref<8x4x1025x1280xf32, #tpu.memory_space<hbm>> -> memref<1x1x16x1280xf32, #tpu.memory_space<hbm>>
      %dma_start3A_480 = tpu.memref_squeeze %dma_start3A_479 : memref<1x1x16x1280xf32, #tpu.memory_space<hbm>> -> memref<16x1280xf32, #tpu.memory_space<hbm>>
      tpu.enqueue_dma source(%dma_start3A_480 : memref<16x1280xf32, #tpu.memory_space<hbm>>) target(%arg10 : memref<16x1280xf32, #tpu.memory_space<vmem>>) target_semaphore(%dma_start3A_477 : memref<!tpu.dma_semaphore, #tpu.memory_space<semaphore_mem>>)
      %add3A_481 = arith.constant 1 : i32
      %add3A_482 = arith.addi %mul3A_424, %add3A_481 : i32
      %mul3A_483 = arith.constant 16 : i32
      %mul3A_484 = arith.muli %add3A_482, %mul3A_483 : i32
      %dma_wait3A_485 = arith.constant 1 : i32
      %dma_wait3A_486 = arith.constant 0 : i32
      %dma_wait3A_487 = tpu.memref_slice %arg2[%select_n3A, %select_n3A_30, %mul3A_484, %dma_wait3A_486] : memref<8x4x1025x1280xf32, #tpu.memory_space<hbm>> -> memref<1x1x16x1280xf32, #tpu.memory_space<hbm>>
      %dma_wait3A_488 = tpu.memref_squeeze %dma_wait3A_487 : memref<1x1x16x1280xf32, #tpu.memory_space<hbm>> -> memref<16x1280xf32, #tpu.memory_space<hbm>>
      %dma_wait3A_489 = tpu.memref_slice %arg16[%dma_wait3A_485] : memref<3x!tpu.dma_semaphore, #tpu.memory_space<semaphore_mem>> -> memref<1x!tpu.dma_semaphore, #tpu.memory_space<semaphore_mem>>
      %dma_wait3A_490 = tpu.memref_squeeze %dma_wait3A_489 : memref<1x!tpu.dma_semaphore, #tpu.memory_space<semaphore_mem>> -> memref<!tpu.dma_semaphore, #tpu.memory_space<semaphore_mem>>
      %dma_wait3A_491 = arith.constant 0 : i32
      %dma_wait3A_492 = tpu.memref_slice %arg2[%select_n3A, %select_n3A_30, %mul3A_484, %dma_wait3A_491] : memref<8x4x1025x1280xf32, #tpu.memory_space<hbm>> -> memref<1x1x16x1280xf32, #tpu.memory_space<hbm>>
      %dma_wait3A_493 = tpu.memref_squeeze %dma_wait3A_492 : memref<1x1x16x1280xf32, #tpu.memory_space<hbm>> -> memref<16x1280xf32, #tpu.memory_space<hbm>>
      tpu.wait_dma2 semaphore(%dma_wait3A_490 : memref<!tpu.dma_semaphore, #tpu.memory_space<semaphore_mem>>) src(%dma_wait3A_493 : memref<16x1280xf32, #tpu.memory_space<hbm>>) dst(%arg11 : memref<16x1280xf32, #tpu.memory_space<vmem>>)
      %sub3A_494 = arith.constant 3 : i32
      %sub3A_495 = arith.subi %add3A_482, %sub3A_494 : i32
      %mul3A_496 = arith.constant 16 : i32
      %mul3A_497 = arith.muli %sub3A_495, %mul3A_496 : i32
      %dma_wait3A_498 = arith.constant 1 : i32
      %dma_wait3A_499 = arith.constant 0 : i32
      %dma_wait3A_500 = tpu.memref_slice %arg6[%select_n3A, %select_n3A_30, %mul3A_497, %dma_wait3A_499] : memref<8x4x1025x1280xf32, #tpu.memory_space<hbm>> -> memref<1x1x16x1280xf32, #tpu.memory_space<hbm>>
      %dma_wait3A_501 = tpu.memref_squeeze %dma_wait3A_500 : memref<1x1x16x1280xf32, #tpu.memory_space<hbm>> -> memref<16x1280xf32, #tpu.memory_space<hbm>>
      %dma_wait3A_502 = tpu.memref_slice %arg17[%dma_wait3A_498] : memref<3x!tpu.dma_semaphore, #tpu.memory_space<semaphore_mem>> -> memref<1x!tpu.dma_semaphore, #tpu.memory_space<semaphore_mem>>
      %dma_wait3A_503 = tpu.memref_squeeze %dma_wait3A_502 : memref<1x!tpu.dma_semaphore, #tpu.memory_space<semaphore_mem>> -> memref<!tpu.dma_semaphore, #tpu.memory_space<semaphore_mem>>
      %dma_wait3A_504 = arith.constant 0 : i32
      %dma_wait3A_505 = tpu.memref_slice %arg6[%select_n3A, %select_n3A_30, %mul3A_497, %dma_wait3A_504] : memref<8x4x1025x1280xf32, #tpu.memory_space<hbm>> -> memref<1x1x16x1280xf32, #tpu.memory_space<hbm>>
      %dma_wait3A_506 = tpu.memref_squeeze %dma_wait3A_505 : memref<1x1x16x1280xf32, #tpu.memory_space<hbm>> -> memref<16x1280xf32, #tpu.memory_space<hbm>>
      tpu.wait_dma2 semaphore(%dma_wait3A_503 : memref<!tpu.dma_semaphore, #tpu.memory_space<semaphore_mem>>) src(%arg14 : memref<16x1280xf32, #tpu.memory_space<vmem>>) dst(%dma_wait3A_506 : memref<16x1280xf32, #tpu.memory_space<hbm>>)
      %scan3A_507 = arith.constant 0 : i32
      %scan3A_508 = arith.constant 0 : i32
      %scan3A_509 = arith.constant 80 : i32
      %scan3A_510 = arith.addi %scan3A_508, %scan3A_509 : i32
      %scan3A_511 = arith.constant 1 : i32
      scf.for %scan3A_593 = %scan3A_508 to %scan3A_510 step %scan3A_511  : i32 {
        %mul3A_594 = arith.constant 16 : i32
        %mul3A_595 = arith.muli %scan3A_593, %mul3A_594 : i32
        %get3A_596 = arith.constant 0 : i32
        %get3A_597 = arith.index_cast %get3A_596 : i32 to index
        %get3A_598 = arith.index_cast %mul3A_595 : i32 to index
        %get3A_599 = tpu.vector_load %arg9[%get3A_597, %get3A_598] {strides = array<i32>} : memref<1x1280xf32, #tpu.memory_space<vmem>>, vector<1x16xf32>,
        %get3A_600 = vector.shape_cast %get3A_599 : vector<1x16xf32> to vector<16xf32>
        %get3A_601 = arith.constant 0 : i32
        %get3A_602 = arith.index_cast %get3A_601 : i32 to index
        %get3A_603 = arith.index_cast %mul3A_595 : i32 to index
        %get3A_604 = tpu.vector_load %arg11[%get3A_602, %get3A_603] {strides = array<i32>} : memref<16x1280xf32, #tpu.memory_space<vmem>>, vector<1x16xf32>,
        %get3A_605 = vector.shape_cast %get3A_604 : vector<1x16xf32> to vector<16xf32>
        %add3A_606 = arith.addf %get3A_605, %get3A_600 : vector<16xf32>
        %swap3A = arith.constant 0 : i32
        %swap3A_607 = arith.index_cast %swap3A : i32 to index
        %swap3A_608 = arith.index_cast %mul3A_595 : i32 to index
        %swap3A_609 = tpu.vector_load %arg14[%swap3A_607, %swap3A_608] {strides = array<i32>} : memref<16x1280xf32, #tpu.memory_space<vmem>>, vector<1x16xf32>,
        %swap3A_610 = vector.shape_cast %swap3A_609 : vector<1x16xf32> to vector<16xf32>
        %swap3A_611 = vector.shape_cast %add3A_606 : vector<16xf32> to vector<1x16xf32>
        tpu.vector_store %arg14[%swap3A_607, %swap3A_608], %swap3A_611 {strides = array<i32>} : memref<16x1280xf32, #tpu.memory_space<vmem>>, vector<1x16xf32>,
        %get3A_612 = arith.constant 1 : i32
        %get3A_613 = arith.index_cast %get3A_612 : i32 to index
        %get3A_614 = arith.index_cast %mul3A_595 : i32 to index
        %get3A_615 = tpu.vector_load %arg11[%get3A_613, %get3A_614] {strides = array<i32>} : memref<16x1280xf32, #tpu.memory_space<vmem>>, vector<1x16xf32>,
        %get3A_616 = vector.shape_cast %get3A_615 : vector<1x16xf32> to vector<16xf32>
        %add3A_617 = arith.addf %get3A_616, %get3A_600 : vector<16xf32>
        %swap3A_618 = arith.constant 1 : i32
        %swap3A_619 = arith.index_cast %swap3A_618 : i32 to index
        %swap3A_620 = arith.index_cast %mul3A_595 : i32 to index
        %swap3A_621 = tpu.vector_load %arg14[%swap3A_619, %swap3A_620] {strides = array<i32>} : memref<16x1280xf32, #tpu.memory_space<vmem>>, vector<1x16xf32>,
        %swap3A_622 = vector.shape_cast %swap3A_621 : vector<1x16xf32> to vector<16xf32>
        %swap3A_623 = vector.shape_cast %add3A_617 : vector<16xf32> to vector<1x16xf32>
        tpu.vector_store %arg14[%swap3A_619, %swap3A_620], %swap3A_623 {strides = array<i32>} : memref<16x1280xf32, #tpu.memory_space<vmem>>, vector<1x16xf32>,
        %get3A_624 = arith.constant 2 : i32
        %get3A_625 = arith.index_cast %get3A_624 : i32 to index
        %get3A_626 = arith.index_cast %mul3A_595 : i32 to index
        %get3A_627 = tpu.vector_load %arg11[%get3A_625, %get3A_626] {strides = array<i32>} : memref<16x1280xf32, #tpu.memory_space<vmem>>, vector<1x16xf32>,
        %get3A_628 = vector.shape_cast %get3A_627 : vector<1x16xf32> to vector<16xf32>
        %add3A_629 = arith.addf %get3A_628, %get3A_600 : vector<16xf32>
        %swap3A_630 = arith.constant 2 : i32
        %swap3A_631 = arith.index_cast %swap3A_630 : i32 to index
        %swap3A_632 = arith.index_cast %mul3A_595 : i32 to index
        %swap3A_633 = tpu.vector_load %arg14[%swap3A_631, %swap3A_632] {strides = array<i32>} : memref<16x1280xf32, #tpu.memory_space<vmem>>, vector<1x16xf32>,
        %swap3A_634 = vector.shape_cast %swap3A_633 : vector<1x16xf32> to vector<16xf32>
        %swap3A_635 = vector.shape_cast %add3A_629 : vector<16xf32> to vector<1x16xf32>
        tpu.vector_store %arg14[%swap3A_631, %swap3A_632], %swap3A_635 {strides = array<i32>} : memref<16x1280xf32, #tpu.memory_space<vmem>>, vector<1x16xf32>,
        %get3A_636 = arith.constant 3 : i32
        %get3A_637 = arith.index_cast %get3A_636 : i32 to index
        %get3A_638 = arith.index_cast %mul3A_595 : i32 to index
        %get3A_639 = tpu.vector_load %arg11[%get3A_637, %get3A_638] {strides = array<i32>} : memref<16x1280xf32, #tpu.memory_space<vmem>>, vector<1x16xf32>,
        %get3A_640 = vector.shape_cast %get3A_639 : vector<1x16xf32> to vector<16xf32>
        %add3A_641 = arith.addf %get3A_640, %get3A_600 : vector<16xf32>
        %swap3A_642 = arith.constant 3 : i32
        %swap3A_643 = arith.index_cast %swap3A_642 : i32 to index
        %swap3A_644 = arith.index_cast %mul3A_595 : i32 to index
        %swap3A_645 = tpu.vector_load %arg14[%swap3A_643, %swap3A_644] {strides = array<i32>} : memref<16x1280xf32, #tpu.memory_space<vmem>>, vector<1x16xf32>,
        %swap3A_646 = vector.shape_cast %swap3A_645 : vector<1x16xf32> to vector<16xf32>
        %swap3A_647 = vector.shape_cast %add3A_641 : vector<16xf32> to vector<1x16xf32>
        tpu.vector_store %arg14[%swap3A_643, %swap3A_644], %swap3A_647 {strides = array<i32>} : memref<16x1280xf32, #tpu.memory_space<vmem>>, vector<1x16xf32>,
        %get3A_648 = arith.constant 4 : i32
        %get3A_649 = arith.index_cast %get3A_648 : i32 to index
        %get3A_650 = arith.index_cast %mul3A_595 : i32 to index
        %get3A_651 = tpu.vector_load %arg11[%get3A_649, %get3A_650] {strides = array<i32>} : memref<16x1280xf32, #tpu.memory_space<vmem>>, vector<1x16xf32>,
        %get3A_652 = vector.shape_cast %get3A_651 : vector<1x16xf32> to vector<16xf32>
        %add3A_653 = arith.addf %get3A_652, %get3A_600 : vector<16xf32>
        %swap3A_654 = arith.constant 4 : i32
        %swap3A_655 = arith.index_cast %swap3A_654 : i32 to index
        %swap3A_656 = arith.index_cast %mul3A_595 : i32 to index
        %swap3A_657 = tpu.vector_load %arg14[%swap3A_655, %swap3A_656] {strides = array<i32>} : memref<16x1280xf32, #tpu.memory_space<vmem>>, vector<1x16xf32>,
        %swap3A_658 = vector.shape_cast %swap3A_657 : vector<1x16xf32> to vector<16xf32>
        %swap3A_659 = vector.shape_cast %add3A_653 : vector<16xf32> to vector<1x16xf32>
        tpu.vector_store %arg14[%swap3A_655, %swap3A_656], %swap3A_659 {strides = array<i32>} : memref<16x1280xf32, #tpu.memory_space<vmem>>, vector<1x16xf32>,
        %get3A_660 = arith.constant 5 : i32
        %get3A_661 = arith.index_cast %get3A_660 : i32 to index
        %get3A_662 = arith.index_cast %mul3A_595 : i32 to index
        %get3A_663 = tpu.vector_load %arg11[%get3A_661, %get3A_662] {strides = array<i32>} : memref<16x1280xf32, #tpu.memory_space<vmem>>, vector<1x16xf32>,
        %get3A_664 = vector.shape_cast %get3A_663 : vector<1x16xf32> to vector<16xf32>
        %add3A_665 = arith.addf %get3A_664, %get3A_600 : vector<16xf32>
        %swap3A_666 = arith.constant 5 : i32
        %swap3A_667 = arith.index_cast %swap3A_666 : i32 to index
        %swap3A_668 = arith.index_cast %mul3A_595 : i32 to index
        %swap3A_669 = tpu.vector_load %arg14[%swap3A_667, %swap3A_668] {strides = array<i32>} : memref<16x1280xf32, #tpu.memory_space<vmem>>, vector<1x16xf32>,
        %swap3A_670 = vector.shape_cast %swap3A_669 : vector<1x16xf32> to vector<16xf32>
        %swap3A_671 = vector.shape_cast %add3A_665 : vector<16xf32> to vector<1x16xf32>
        tpu.vector_store %arg14[%swap3A_667, %swap3A_668], %swap3A_671 {strides = array<i32>} : memref<16x1280xf32, #tpu.memory_space<vmem>>, vector<1x16xf32>,
        %get3A_672 = arith.constant 6 : i32
        %get3A_673 = arith.index_cast %get3A_672 : i32 to index
        %get3A_674 = arith.index_cast %mul3A_595 : i32 to index
        %get3A_675 = tpu.vector_load %arg11[%get3A_673, %get3A_674] {strides = array<i32>} : memref<16x1280xf32, #tpu.memory_space<vmem>>, vector<1x16xf32>,
        %get3A_676 = vector.shape_cast %get3A_675 : vector<1x16xf32> to vector<16xf32>
        %add3A_677 = arith.addf %get3A_676, %get3A_600 : vector<16xf32>
        %swap3A_678 = arith.constant 6 : i32
        %swap3A_679 = arith.index_cast %swap3A_678 : i32 to index
        %swap3A_680 = arith.index_cast %mul3A_595 : i32 to index
        %swap3A_681 = tpu.vector_load %arg14[%swap3A_679, %swap3A_680] {strides = array<i32>} : memref<16x1280xf32, #tpu.memory_space<vmem>>, vector<1x16xf32>,
        %swap3A_682 = vector.shape_cast %swap3A_681 : vector<1x16xf32> to vector<16xf32>
        %swap3A_683 = vector.shape_cast %add3A_677 : vector<16xf32> to vector<1x16xf32>
        tpu.vector_store %arg14[%swap3A_679, %swap3A_680], %swap3A_683 {strides = array<i32>} : memref<16x1280xf32, #tpu.memory_space<vmem>>, vector<1x16xf32>,
        %get3A_684 = arith.constant 7 : i32
        %get3A_685 = arith.index_cast %get3A_684 : i32 to index
        %get3A_686 = arith.index_cast %mul3A_595 : i32 to index
        %get3A_687 = tpu.vector_load %arg11[%get3A_685, %get3A_686] {strides = array<i32>} : memref<16x1280xf32, #tpu.memory_space<vmem>>, vector<1x16xf32>,
        %get3A_688 = vector.shape_cast %get3A_687 : vector<1x16xf32> to vector<16xf32>
        %add3A_689 = arith.addf %get3A_688, %get3A_600 : vector<16xf32>
        %swap3A_690 = arith.constant 7 : i32
        %swap3A_691 = arith.index_cast %swap3A_690 : i32 to index
        %swap3A_692 = arith.index_cast %mul3A_595 : i32 to index
        %swap3A_693 = tpu.vector_load %arg14[%swap3A_691, %swap3A_692] {strides = array<i32>} : memref<16x1280xf32, #tpu.memory_space<vmem>>, vector<1x16xf32>,
        %swap3A_694 = vector.shape_cast %swap3A_693 : vector<1x16xf32> to vector<16xf32>
        %swap3A_695 = vector.shape_cast %add3A_689 : vector<16xf32> to vector<1x16xf32>
        tpu.vector_store %arg14[%swap3A_691, %swap3A_692], %swap3A_695 {strides = array<i32>} : memref<16x1280xf32, #tpu.memory_space<vmem>>, vector<1x16xf32>,
        %get3A_696 = arith.constant 8 : i32
        %get3A_697 = arith.index_cast %get3A_696 : i32 to index
        %get3A_698 = arith.index_cast %mul3A_595 : i32 to index
        %get3A_699 = tpu.vector_load %arg11[%get3A_697, %get3A_698] {strides = array<i32>} : memref<16x1280xf32, #tpu.memory_space<vmem>>, vector<1x16xf32>,
        %get3A_700 = vector.shape_cast %get3A_699 : vector<1x16xf32> to vector<16xf32>
        %add3A_701 = arith.addf %get3A_700, %get3A_600 : vector<16xf32>
        %swap3A_702 = arith.constant 8 : i32
        %swap3A_703 = arith.index_cast %swap3A_702 : i32 to index
        %swap3A_704 = arith.index_cast %mul3A_595 : i32 to index
        %swap3A_705 = tpu.vector_load %arg14[%swap3A_703, %swap3A_704] {strides = array<i32>} : memref<16x1280xf32, #tpu.memory_space<vmem>>, vector<1x16xf32>,
        %swap3A_706 = vector.shape_cast %swap3A_705 : vector<1x16xf32> to vector<16xf32>
        %swap3A_707 = vector.shape_cast %add3A_701 : vector<16xf32> to vector<1x16xf32>
        tpu.vector_store %arg14[%swap3A_703, %swap3A_704], %swap3A_707 {strides = array<i32>} : memref<16x1280xf32, #tpu.memory_space<vmem>>, vector<1x16xf32>,
        %get3A_708 = arith.constant 9 : i32
        %get3A_709 = arith.index_cast %get3A_708 : i32 to index
        %get3A_710 = arith.index_cast %mul3A_595 : i32 to index
        %get3A_711 = tpu.vector_load %arg11[%get3A_709, %get3A_710] {strides = array<i32>} : memref<16x1280xf32, #tpu.memory_space<vmem>>, vector<1x16xf32>,
        %get3A_712 = vector.shape_cast %get3A_711 : vector<1x16xf32> to vector<16xf32>
        %add3A_713 = arith.addf %get3A_712, %get3A_600 : vector<16xf32>
        %swap3A_714 = arith.constant 9 : i32
        %swap3A_715 = arith.index_cast %swap3A_714 : i32 to index
        %swap3A_716 = arith.index_cast %mul3A_595 : i32 to index
        %swap3A_717 = tpu.vector_load %arg14[%swap3A_715, %swap3A_716] {strides = array<i32>} : memref<16x1280xf32, #tpu.memory_space<vmem>>, vector<1x16xf32>,
        %swap3A_718 = vector.shape_cast %swap3A_717 : vector<1x16xf32> to vector<16xf32>
        %swap3A_719 = vector.shape_cast %add3A_713 : vector<16xf32> to vector<1x16xf32>
        tpu.vector_store %arg14[%swap3A_715, %swap3A_716], %swap3A_719 {strides = array<i32>} : memref<16x1280xf32, #tpu.memory_space<vmem>>, vector<1x16xf32>,
        %get3A_720 = arith.constant 10 : i32
        %get3A_721 = arith.index_cast %get3A_720 : i32 to index
        %get3A_722 = arith.index_cast %mul3A_595 : i32 to index
        %get3A_723 = tpu.vector_load %arg11[%get3A_721, %get3A_722] {strides = array<i32>} : memref<16x1280xf32, #tpu.memory_space<vmem>>, vector<1x16xf32>,
        %get3A_724 = vector.shape_cast %get3A_723 : vector<1x16xf32> to vector<16xf32>
        %add3A_725 = arith.addf %get3A_724, %get3A_600 : vector<16xf32>
        %swap3A_726 = arith.constant 10 : i32
        %swap3A_727 = arith.index_cast %swap3A_726 : i32 to index
        %swap3A_728 = arith.index_cast %mul3A_595 : i32 to index
        %swap3A_729 = tpu.vector_load %arg14[%swap3A_727, %swap3A_728] {strides = array<i32>} : memref<16x1280xf32, #tpu.memory_space<vmem>>, vector<1x16xf32>,
        %swap3A_730 = vector.shape_cast %swap3A_729 : vector<1x16xf32> to vector<16xf32>
        %swap3A_731 = vector.shape_cast %add3A_725 : vector<16xf32> to vector<1x16xf32>
        tpu.vector_store %arg14[%swap3A_727, %swap3A_728], %swap3A_731 {strides = array<i32>} : memref<16x1280xf32, #tpu.memory_space<vmem>>, vector<1x16xf32>,
        %get3A_732 = arith.constant 11 : i32
        %get3A_733 = arith.index_cast %get3A_732 : i32 to index
        %get3A_734 = arith.index_cast %mul3A_595 : i32 to index
        %get3A_735 = tpu.vector_load %arg11[%get3A_733, %get3A_734] {strides = array<i32>} : memref<16x1280xf32, #tpu.memory_space<vmem>>, vector<1x16xf32>,
        %get3A_736 = vector.shape_cast %get3A_735 : vector<1x16xf32> to vector<16xf32>
        %add3A_737 = arith.addf %get3A_736, %get3A_600 : vector<16xf32>
        %swap3A_738 = arith.constant 11 : i32
        %swap3A_739 = arith.index_cast %swap3A_738 : i32 to index
        %swap3A_740 = arith.index_cast %mul3A_595 : i32 to index
        %swap3A_741 = tpu.vector_load %arg14[%swap3A_739, %swap3A_740] {strides = array<i32>} : memref<16x1280xf32, #tpu.memory_space<vmem>>, vector<1x16xf32>,
        %swap3A_742 = vector.shape_cast %swap3A_741 : vector<1x16xf32> to vector<16xf32>
        %swap3A_743 = vector.shape_cast %add3A_737 : vector<16xf32> to vector<1x16xf32>
        tpu.vector_store %arg14[%swap3A_739, %swap3A_740], %swap3A_743 {strides = array<i32>} : memref<16x1280xf32, #tpu.memory_space<vmem>>, vector<1x16xf32>,
        %get3A_744 = arith.constant 12 : i32
        %get3A_745 = arith.index_cast %get3A_744 : i32 to index
        %get3A_746 = arith.index_cast %mul3A_595 : i32 to index
        %get3A_747 = tpu.vector_load %arg11[%get3A_745, %get3A_746] {strides = array<i32>} : memref<16x1280xf32, #tpu.memory_space<vmem>>, vector<1x16xf32>,
        %get3A_748 = vector.shape_cast %get3A_747 : vector<1x16xf32> to vector<16xf32>
        %add3A_749 = arith.addf %get3A_748, %get3A_600 : vector<16xf32>
        %swap3A_750 = arith.constant 12 : i32
        %swap3A_751 = arith.index_cast %swap3A_750 : i32 to index
        %swap3A_752 = arith.index_cast %mul3A_595 : i32 to index
        %swap3A_753 = tpu.vector_load %arg14[%swap3A_751, %swap3A_752] {strides = array<i32>} : memref<16x1280xf32, #tpu.memory_space<vmem>>, vector<1x16xf32>,
        %swap3A_754 = vector.shape_cast %swap3A_753 : vector<1x16xf32> to vector<16xf32>
        %swap3A_755 = vector.shape_cast %add3A_749 : vector<16xf32> to vector<1x16xf32>
        tpu.vector_store %arg14[%swap3A_751, %swap3A_752], %swap3A_755 {strides = array<i32>} : memref<16x1280xf32, #tpu.memory_space<vmem>>, vector<1x16xf32>,
        %get3A_756 = arith.constant 13 : i32
        %get3A_757 = arith.index_cast %get3A_756 : i32 to index
        %get3A_758 = arith.index_cast %mul3A_595 : i32 to index
        %get3A_759 = tpu.vector_load %arg11[%get3A_757, %get3A_758] {strides = array<i32>} : memref<16x1280xf32, #tpu.memory_space<vmem>>, vector<1x16xf32>,
        %get3A_760 = vector.shape_cast %get3A_759 : vector<1x16xf32> to vector<16xf32>
        %add3A_761 = arith.addf %get3A_760, %get3A_600 : vector<16xf32>
        %swap3A_762 = arith.constant 13 : i32
        %swap3A_763 = arith.index_cast %swap3A_762 : i32 to index
        %swap3A_764 = arith.index_cast %mul3A_595 : i32 to index
        %swap3A_765 = tpu.vector_load %arg14[%swap3A_763, %swap3A_764] {strides = array<i32>} : memref<16x1280xf32, #tpu.memory_space<vmem>>, vector<1x16xf32>,
        %swap3A_766 = vector.shape_cast %swap3A_765 : vector<1x16xf32> to vector<16xf32>
        %swap3A_767 = vector.shape_cast %add3A_761 : vector<16xf32> to vector<1x16xf32>
        tpu.vector_store %arg14[%swap3A_763, %swap3A_764], %swap3A_767 {strides = array<i32>} : memref<16x1280xf32, #tpu.memory_space<vmem>>, vector<1x16xf32>,
        %get3A_768 = arith.constant 14 : i32
        %get3A_769 = arith.index_cast %get3A_768 : i32 to index
        %get3A_770 = arith.index_cast %mul3A_595 : i32 to index
        %get3A_771 = tpu.vector_load %arg11[%get3A_769, %get3A_770] {strides = array<i32>} : memref<16x1280xf32, #tpu.memory_space<vmem>>, vector<1x16xf32>,
        %get3A_772 = vector.shape_cast %get3A_771 : vector<1x16xf32> to vector<16xf32>
        %add3A_773 = arith.addf %get3A_772, %get3A_600 : vector<16xf32>
        %swap3A_774 = arith.constant 14 : i32
        %swap3A_775 = arith.index_cast %swap3A_774 : i32 to index
        %swap3A_776 = arith.index_cast %mul3A_595 : i32 to index
        %swap3A_777 = tpu.vector_load %arg14[%swap3A_775, %swap3A_776] {strides = array<i32>} : memref<16x1280xf32, #tpu.memory_space<vmem>>, vector<1x16xf32>,
        %swap3A_778 = vector.shape_cast %swap3A_777 : vector<1x16xf32> to vector<16xf32>
        %swap3A_779 = vector.shape_cast %add3A_773 : vector<16xf32> to vector<1x16xf32>
        tpu.vector_store %arg14[%swap3A_775, %swap3A_776], %swap3A_779 {strides = array<i32>} : memref<16x1280xf32, #tpu.memory_space<vmem>>, vector<1x16xf32>,
        %get3A_780 = arith.constant 15 : i32
        %get3A_781 = arith.index_cast %get3A_780 : i32 to index
        %get3A_782 = arith.index_cast %mul3A_595 : i32 to index
        %get3A_783 = tpu.vector_load %arg11[%get3A_781, %get3A_782] {strides = array<i32>} : memref<16x1280xf32, #tpu.memory_space<vmem>>, vector<1x16xf32>,
        %get3A_784 = vector.shape_cast %get3A_783 : vector<1x16xf32> to vector<16xf32>
        %add3A_785 = arith.addf %get3A_784, %get3A_600 : vector<16xf32>
        %swap3A_786 = arith.constant 15 : i32
        %swap3A_787 = arith.index_cast %swap3A_786 : i32 to index
        %swap3A_788 = arith.index_cast %mul3A_595 : i32 to index
        %swap3A_789 = tpu.vector_load %arg14[%swap3A_787, %swap3A_788] {strides = array<i32>} : memref<16x1280xf32, #tpu.memory_space<vmem>>, vector<1x16xf32>,
        %swap3A_790 = vector.shape_cast %swap3A_789 : vector<1x16xf32> to vector<16xf32>
        %swap3A_791 = vector.shape_cast %add3A_785 : vector<16xf32> to vector<1x16xf32>
        tpu.vector_store %arg14[%swap3A_787, %swap3A_788], %swap3A_791 {strides = array<i32>} : memref<16x1280xf32, #tpu.memory_space<vmem>>, vector<1x16xf32>,
      }
      %scan3A_512 = arith.constant 80 : i32
      %mul3A_513 = arith.constant 16 : i32
      %mul3A_514 = arith.muli %add3A_482, %mul3A_513 : i32
      %dma_start3A_515 = arith.constant 1 : i32
      %dma_start3A_516 = arith.constant 0 : i32
      %dma_start3A_517 = tpu.memref_slice %arg6[%select_n3A, %select_n3A_30, %mul3A_514, %dma_start3A_516] : memref<8x4x1025x1280xf32, #tpu.memory_space<hbm>> -> memref<1x1x16x1280xf32, #tpu.memory_space<hbm>>
      %dma_start3A_518 = tpu.memref_squeeze %dma_start3A_517 : memref<1x1x16x1280xf32, #tpu.memory_space<hbm>> -> memref<16x1280xf32, #tpu.memory_space<hbm>>
      %dma_start3A_519 = tpu.memref_slice %arg17[%dma_start3A_515] : memref<3x!tpu.dma_semaphore, #tpu.memory_space<semaphore_mem>> -> memref<1x!tpu.dma_semaphore, #tpu.memory_space<semaphore_mem>>
      %dma_start3A_520 = tpu.memref_squeeze %dma_start3A_519 : memref<1x!tpu.dma_semaphore, #tpu.memory_space<semaphore_mem>> -> memref<!tpu.dma_semaphore, #tpu.memory_space<semaphore_mem>>
      %dma_start3A_521 = arith.constant 0 : i32
      %dma_start3A_522 = tpu.memref_slice %arg6[%select_n3A, %select_n3A_30, %mul3A_514, %dma_start3A_521] : memref<8x4x1025x1280xf32, #tpu.memory_space<hbm>> -> memref<1x1x16x1280xf32, #tpu.memory_space<hbm>>
      %dma_start3A_523 = tpu.memref_squeeze %dma_start3A_522 : memref<1x1x16x1280xf32, #tpu.memory_space<hbm>> -> memref<16x1280xf32, #tpu.memory_space<hbm>>
      tpu.enqueue_dma source(%arg14 : memref<16x1280xf32, #tpu.memory_space<vmem>>) target(%dma_start3A_523 : memref<16x1280xf32, #tpu.memory_space<hbm>>) target_semaphore(%dma_start3A_520 : memref<!tpu.dma_semaphore, #tpu.memory_space<semaphore_mem>>)
      %add3A_524 = arith.constant 3 : i32
      %add3A_525 = arith.addi %add3A_482, %add3A_524 : i32
      %mul3A_526 = arith.constant 16 : i32
      %mul3A_527 = arith.muli %add3A_525, %mul3A_526 : i32
      %dma_start3A_528 = arith.constant 1 : i32
      %dma_start3A_529 = arith.constant 0 : i32
      %dma_start3A_530 = tpu.memref_slice %arg2[%select_n3A, %select_n3A_30, %mul3A_527, %dma_start3A_529] : memref<8x4x1025x1280xf32, #tpu.memory_space<hbm>> -> memref<1x1x16x1280xf32, #tpu.memory_space<hbm>>
      %dma_start3A_531 = tpu.memref_squeeze %dma_start3A_530 : memref<1x1x16x1280xf32, #tpu.memory_space<hbm>> -> memref<16x1280xf32, #tpu.memory_space<hbm>>
      %dma_start3A_532 = tpu.memref_slice %arg16[%dma_start3A_528] : memref<3x!tpu.dma_semaphore, #tpu.memory_space<semaphore_mem>> -> memref<1x!tpu.dma_semaphore, #tpu.memory_space<semaphore_mem>>
      %dma_start3A_533 = tpu.memref_squeeze %dma_start3A_532 : memref<1x!tpu.dma_semaphore, #tpu.memory_space<semaphore_mem>> -> memref<!tpu.dma_semaphore, #tpu.memory_space<semaphore_mem>>
      %dma_start3A_534 = arith.constant 0 : i32
      %dma_start3A_535 = tpu.memref_slice %arg2[%select_n3A, %select_n3A_30, %mul3A_527, %dma_start3A_534] : memref<8x4x1025x1280xf32, #tpu.memory_space<hbm>> -> memref<1x1x16x1280xf32, #tpu.memory_space<hbm>>
      %dma_start3A_536 = tpu.memref_squeeze %dma_start3A_535 : memref<1x1x16x1280xf32, #tpu.memory_space<hbm>> -> memref<16x1280xf32, #tpu.memory_space<hbm>>
      tpu.enqueue_dma source(%dma_start3A_536 : memref<16x1280xf32, #tpu.memory_space<hbm>>) target(%arg11 : memref<16x1280xf32, #tpu.memory_space<vmem>>) target_semaphore(%dma_start3A_533 : memref<!tpu.dma_semaphore, #tpu.memory_space<semaphore_mem>>)
      %add3A_537 = arith.constant 2 : i32
      %add3A_538 = arith.addi %mul3A_424, %add3A_537 : i32
      %mul3A_539 = arith.constant 16 : i32
      %mul3A_540 = arith.muli %add3A_538, %mul3A_539 : i32
      %dma_wait3A_541 = arith.constant 2 : i32
      %dma_wait3A_542 = arith.constant 0 : i32
      %dma_wait3A_543 = tpu.memref_slice %arg2[%select_n3A, %select_n3A_30, %mul3A_540, %dma_wait3A_542] : memref<8x4x1025x1280xf32, #tpu.memory_space<hbm>> -> memref<1x1x16x1280xf32, #tpu.memory_space<hbm>>
      %dma_wait3A_544 = tpu.memref_squeeze %dma_wait3A_543 : memref<1x1x16x1280xf32, #tpu.memory_space<hbm>> -> memref<16x1280xf32, #tpu.memory_space<hbm>>
      %dma_wait3A_545 = tpu.memref_slice %arg16[%dma_wait3A_541] : memref<3x!tpu.dma_semaphore, #tpu.memory_space<semaphore_mem>> -> memref<1x!tpu.dma_semaphore, #tpu.memory_space<semaphore_mem>>
      %dma_wait3A_546 = tpu.memref_squeeze %dma_wait3A_545 : memref<1x!tpu.dma_semaphore, #tpu.memory_space<semaphore_mem>> -> memref<!tpu.dma_semaphore, #tpu.memory_space<semaphore_mem>>
      %dma_wait3A_547 = arith.constant 0 : i32
      %dma_wait3A_548 = tpu.memref_slice %arg2[%select_n3A, %select_n3A_30, %mul3A_540, %dma_wait3A_547] : memref<8x4x1025x1280xf32, #tpu.memory_space<hbm>> -> memref<1x1x16x1280xf32, #tpu.memory_space<hbm>>
      %dma_wait3A_549 = tpu.memref_squeeze %dma_wait3A_548 : memref<1x1x16x1280xf32, #tpu.memory_space<hbm>> -> memref<16x1280xf32, #tpu.memory_space<hbm>>
      tpu.wait_dma2 semaphore(%dma_wait3A_546 : memref<!tpu.dma_semaphore, #tpu.memory_space<semaphore_mem>>) src(%dma_wait3A_549 : memref<16x1280xf32, #tpu.memory_space<hbm>>) dst(%arg12 : memref<16x1280xf32, #tpu.memory_space<vmem>>)
      %sub3A_550 = arith.constant 3 : i32
      %sub3A_551 = arith.subi %add3A_538, %sub3A_550 : i32
      %mul3A_552 = arith.constant 16 : i32
      %mul3A_553 = arith.muli %sub3A_551, %mul3A_552 : i32
      %dma_wait3A_554 = arith.constant 2 : i32
      %dma_wait3A_555 = arith.constant 0 : i32
      %dma_wait3A_556 = tpu.memref_slice %arg6[%select_n3A, %select_n3A_30, %mul3A_553, %dma_wait3A_555] : memref<8x4x1025x1280xf32, #tpu.memory_space<hbm>> -> memref<1x1x16x1280xf32, #tpu.memory_space<hbm>>
      %dma_wait3A_557 = tpu.memref_squeeze %dma_wait3A_556 : memref<1x1x16x1280xf32, #tpu.memory_space<hbm>> -> memref<16x1280xf32, #tpu.memory_space<hbm>>
      %dma_wait3A_558 = tpu.memref_slice %arg17[%dma_wait3A_554] : memref<3x!tpu.dma_semaphore, #tpu.memory_space<semaphore_mem>> -> memref<1x!tpu.dma_semaphore, #tpu.memory_space<semaphore_mem>>
      %dma_wait3A_559 = tpu.memref_squeeze %dma_wait3A_558 : memref<1x!tpu.dma_semaphore, #tpu.memory_space<semaphore_mem>> -> memref<!tpu.dma_semaphore, #tpu.memory_space<semaphore_mem>>
      %dma_wait3A_560 = arith.constant 0 : i32
      %dma_wait3A_561 = tpu.memref_slice %arg6[%select_n3A, %select_n3A_30, %mul3A_553, %dma_wait3A_560] : memref<8x4x1025x1280xf32, #tpu.memory_space<hbm>> -> memref<1x1x16x1280xf32, #tpu.memory_space<hbm>>
      %dma_wait3A_562 = tpu.memref_squeeze %dma_wait3A_561 : memref<1x1x16x1280xf32, #tpu.memory_space<hbm>> -> memref<16x1280xf32, #tpu.memory_space<hbm>>
      tpu.wait_dma2 semaphore(%dma_wait3A_559 : memref<!tpu.dma_semaphore, #tpu.memory_space<semaphore_mem>>) src(%arg15 : memref<16x1280xf32, #tpu.memory_space<vmem>>) dst(%dma_wait3A_562 : memref<16x1280xf32, #tpu.memory_space<hbm>>)
      %scan3A_563 = arith.constant 0 : i32
      %scan3A_564 = arith.constant 0 : i32
      %scan3A_565 = arith.constant 80 : i32
      %scan3A_566 = arith.addi %scan3A_564, %scan3A_565 : i32
      %scan3A_567 = arith.constant 1 : i32
      scf.for %scan3A_593 = %scan3A_564 to %scan3A_566 step %scan3A_567  : i32 {
        %mul3A_594 = arith.constant 16 : i32
        %mul3A_595 = arith.muli %scan3A_593, %mul3A_594 : i32
        %get3A_596 = arith.constant 0 : i32
        %get3A_597 = arith.index_cast %get3A_596 : i32 to index
        %get3A_598 = arith.index_cast %mul3A_595 : i32 to index
        %get3A_599 = tpu.vector_load %arg9[%get3A_597, %get3A_598] {strides = array<i32>} : memref<1x1280xf32, #tpu.memory_space<vmem>>, vector<1x16xf32>,
        %get3A_600 = vector.shape_cast %get3A_599 : vector<1x16xf32> to vector<16xf32>
        %get3A_601 = arith.constant 0 : i32
        %get3A_602 = arith.index_cast %get3A_601 : i32 to index
        %get3A_603 = arith.index_cast %mul3A_595 : i32 to index
        %get3A_604 = tpu.vector_load %arg12[%get3A_602, %get3A_603] {strides = array<i32>} : memref<16x1280xf32, #tpu.memory_space<vmem>>, vector<1x16xf32>,
        %get3A_605 = vector.shape_cast %get3A_604 : vector<1x16xf32> to vector<16xf32>
        %add3A_606 = arith.addf %get3A_605, %get3A_600 : vector<16xf32>
        %swap3A = arith.constant 0 : i32
        %swap3A_607 = arith.index_cast %swap3A : i32 to index
        %swap3A_608 = arith.index_cast %mul3A_595 : i32 to index
        %swap3A_609 = tpu.vector_load %arg15[%swap3A_607, %swap3A_608] {strides = array<i32>} : memref<16x1280xf32, #tpu.memory_space<vmem>>, vector<1x16xf32>,
        %swap3A_610 = vector.shape_cast %swap3A_609 : vector<1x16xf32> to vector<16xf32>
        %swap3A_611 = vector.shape_cast %add3A_606 : vector<16xf32> to vector<1x16xf32>
        tpu.vector_store %arg15[%swap3A_607, %swap3A_608], %swap3A_611 {strides = array<i32>} : memref<16x1280xf32, #tpu.memory_space<vmem>>, vector<1x16xf32>,
        %get3A_612 = arith.constant 1 : i32
        %get3A_613 = arith.index_cast %get3A_612 : i32 to index
        %get3A_614 = arith.index_cast %mul3A_595 : i32 to index
        %get3A_615 = tpu.vector_load %arg12[%get3A_613, %get3A_614] {strides = array<i32>} : memref<16x1280xf32, #tpu.memory_space<vmem>>, vector<1x16xf32>,
        %get3A_616 = vector.shape_cast %get3A_615 : vector<1x16xf32> to vector<16xf32>
        %add3A_617 = arith.addf %get3A_616, %get3A_600 : vector<16xf32>
        %swap3A_618 = arith.constant 1 : i32
        %swap3A_619 = arith.index_cast %swap3A_618 : i32 to index
        %swap3A_620 = arith.index_cast %mul3A_595 : i32 to index
        %swap3A_621 = tpu.vector_load %arg15[%swap3A_619, %swap3A_620] {strides = array<i32>} : memref<16x1280xf32, #tpu.memory_space<vmem>>, vector<1x16xf32>,
        %swap3A_622 = vector.shape_cast %swap3A_621 : vector<1x16xf32> to vector<16xf32>
        %swap3A_623 = vector.shape_cast %add3A_617 : vector<16xf32> to vector<1x16xf32>
        tpu.vector_store %arg15[%swap3A_619, %swap3A_620], %swap3A_623 {strides = array<i32>} : memref<16x1280xf32, #tpu.memory_space<vmem>>, vector<1x16xf32>,
        %get3A_624 = arith.constant 2 : i32
        %get3A_625 = arith.index_cast %get3A_624 : i32 to index
        %get3A_626 = arith.index_cast %mul3A_595 : i32 to index
        %get3A_627 = tpu.vector_load %arg12[%get3A_625, %get3A_626] {strides = array<i32>} : memref<16x1280xf32, #tpu.memory_space<vmem>>, vector<1x16xf32>,
        %get3A_628 = vector.shape_cast %get3A_627 : vector<1x16xf32> to vector<16xf32>
        %add3A_629 = arith.addf %get3A_628, %get3A_600 : vector<16xf32>
        %swap3A_630 = arith.constant 2 : i32
        %swap3A_631 = arith.index_cast %swap3A_630 : i32 to index
        %swap3A_632 = arith.index_cast %mul3A_595 : i32 to index
        %swap3A_633 = tpu.vector_load %arg15[%swap3A_631, %swap3A_632] {strides = array<i32>} : memref<16x1280xf32, #tpu.memory_space<vmem>>, vector<1x16xf32>,
        %swap3A_634 = vector.shape_cast %swap3A_633 : vector<1x16xf32> to vector<16xf32>
        %swap3A_635 = vector.shape_cast %add3A_629 : vector<16xf32> to vector<1x16xf32>
        tpu.vector_store %arg15[%swap3A_631, %swap3A_632], %swap3A_635 {strides = array<i32>} : memref<16x1280xf32, #tpu.memory_space<vmem>>, vector<1x16xf32>,
        %get3A_636 = arith.constant 3 : i32
        %get3A_637 = arith.index_cast %get3A_636 : i32 to index
        %get3A_638 = arith.index_cast %mul3A_595 : i32 to index
        %get3A_639 = tpu.vector_load %arg12[%get3A_637, %get3A_638] {strides = array<i32>} : memref<16x1280xf32, #tpu.memory_space<vmem>>, vector<1x16xf32>,
        %get3A_640 = vector.shape_cast %get3A_639 : vector<1x16xf32> to vector<16xf32>
        %add3A_641 = arith.addf %get3A_640, %get3A_600 : vector<16xf32>
        %swap3A_642 = arith.constant 3 : i32
        %swap3A_643 = arith.index_cast %swap3A_642 : i32 to index
        %swap3A_644 = arith.index_cast %mul3A_595 : i32 to index
        %swap3A_645 = tpu.vector_load %arg15[%swap3A_643, %swap3A_644] {strides = array<i32>} : memref<16x1280xf32, #tpu.memory_space<vmem>>, vector<1x16xf32>,
        %swap3A_646 = vector.shape_cast %swap3A_645 : vector<1x16xf32> to vector<16xf32>
        %swap3A_647 = vector.shape_cast %add3A_641 : vector<16xf32> to vector<1x16xf32>
        tpu.vector_store %arg15[%swap3A_643, %swap3A_644], %swap3A_647 {strides = array<i32>} : memref<16x1280xf32, #tpu.memory_space<vmem>>, vector<1x16xf32>,
        %get3A_648 = arith.constant 4 : i32
        %get3A_649 = arith.index_cast %get3A_648 : i32 to index
        %get3A_650 = arith.index_cast %mul3A_595 : i32 to index
        %get3A_651 = tpu.vector_load %arg12[%get3A_649, %get3A_650] {strides = array<i32>} : memref<16x1280xf32, #tpu.memory_space<vmem>>, vector<1x16xf32>,
        %get3A_652 = vector.shape_cast %get3A_651 : vector<1x16xf32> to vector<16xf32>
        %add3A_653 = arith.addf %get3A_652, %get3A_600 : vector<16xf32>
        %swap3A_654 = arith.constant 4 : i32
        %swap3A_655 = arith.index_cast %swap3A_654 : i32 to index
        %swap3A_656 = arith.index_cast %mul3A_595 : i32 to index
        %swap3A_657 = tpu.vector_load %arg15[%swap3A_655, %swap3A_656] {strides = array<i32>} : memref<16x1280xf32, #tpu.memory_space<vmem>>, vector<1x16xf32>,
        %swap3A_658 = vector.shape_cast %swap3A_657 : vector<1x16xf32> to vector<16xf32>
        %swap3A_659 = vector.shape_cast %add3A_653 : vector<16xf32> to vector<1x16xf32>
        tpu.vector_store %arg15[%swap3A_655, %swap3A_656], %swap3A_659 {strides = array<i32>} : memref<16x1280xf32, #tpu.memory_space<vmem>>, vector<1x16xf32>,
        %get3A_660 = arith.constant 5 : i32
        %get3A_661 = arith.index_cast %get3A_660 : i32 to index
        %get3A_662 = arith.index_cast %mul3A_595 : i32 to index
        %get3A_663 = tpu.vector_load %arg12[%get3A_661, %get3A_662] {strides = array<i32>} : memref<16x1280xf32, #tpu.memory_space<vmem>>, vector<1x16xf32>,
        %get3A_664 = vector.shape_cast %get3A_663 : vector<1x16xf32> to vector<16xf32>
        %add3A_665 = arith.addf %get3A_664, %get3A_600 : vector<16xf32>
        %swap3A_666 = arith.constant 5 : i32
        %swap3A_667 = arith.index_cast %swap3A_666 : i32 to index
        %swap3A_668 = arith.index_cast %mul3A_595 : i32 to index
        %swap3A_669 = tpu.vector_load %arg15[%swap3A_667, %swap3A_668] {strides = array<i32>} : memref<16x1280xf32, #tpu.memory_space<vmem>>, vector<1x16xf32>,
        %swap3A_670 = vector.shape_cast %swap3A_669 : vector<1x16xf32> to vector<16xf32>
        %swap3A_671 = vector.shape_cast %add3A_665 : vector<16xf32> to vector<1x16xf32>
        tpu.vector_store %arg15[%swap3A_667, %swap3A_668], %swap3A_671 {strides = array<i32>} : memref<16x1280xf32, #tpu.memory_space<vmem>>, vector<1x16xf32>,
        %get3A_672 = arith.constant 6 : i32
        %get3A_673 = arith.index_cast %get3A_672 : i32 to index
        %get3A_674 = arith.index_cast %mul3A_595 : i32 to index
        %get3A_675 = tpu.vector_load %arg12[%get3A_673, %get3A_674] {strides = array<i32>} : memref<16x1280xf32, #tpu.memory_space<vmem>>, vector<1x16xf32>,
        %get3A_676 = vector.shape_cast %get3A_675 : vector<1x16xf32> to vector<16xf32>
        %add3A_677 = arith.addf %get3A_676, %get3A_600 : vector<16xf32>
        %swap3A_678 = arith.constant 6 : i32
        %swap3A_679 = arith.index_cast %swap3A_678 : i32 to index
        %swap3A_680 = arith.index_cast %mul3A_595 : i32 to index
        %swap3A_681 = tpu.vector_load %arg15[%swap3A_679, %swap3A_680] {strides = array<i32>} : memref<16x1280xf32, #tpu.memory_space<vmem>>, vector<1x16xf32>,
        %swap3A_682 = vector.shape_cast %swap3A_681 : vector<1x16xf32> to vector<16xf32>
        %swap3A_683 = vector.shape_cast %add3A_677 : vector<16xf32> to vector<1x16xf32>
        tpu.vector_store %arg15[%swap3A_679, %swap3A_680], %swap3A_683 {strides = array<i32>} : memref<16x1280xf32, #tpu.memory_space<vmem>>, vector<1x16xf32>,
        %get3A_684 = arith.constant 7 : i32
        %get3A_685 = arith.index_cast %get3A_684 : i32 to index
        %get3A_686 = arith.index_cast %mul3A_595 : i32 to index
        %get3A_687 = tpu.vector_load %arg12[%get3A_685, %get3A_686] {strides = array<i32>} : memref<16x1280xf32, #tpu.memory_space<vmem>>, vector<1x16xf32>,
        %get3A_688 = vector.shape_cast %get3A_687 : vector<1x16xf32> to vector<16xf32>
        %add3A_689 = arith.addf %get3A_688, %get3A_600 : vector<16xf32>
        %swap3A_690 = arith.constant 7 : i32
        %swap3A_691 = arith.index_cast %swap3A_690 : i32 to index
        %swap3A_692 = arith.index_cast %mul3A_595 : i32 to index
        %swap3A_693 = tpu.vector_load %arg15[%swap3A_691, %swap3A_692] {strides = array<i32>} : memref<16x1280xf32, #tpu.memory_space<vmem>>, vector<1x16xf32>,
        %swap3A_694 = vector.shape_cast %swap3A_693 : vector<1x16xf32> to vector<16xf32>
        %swap3A_695 = vector.shape_cast %add3A_689 : vector<16xf32> to vector<1x16xf32>
        tpu.vector_store %arg15[%swap3A_691, %swap3A_692], %swap3A_695 {strides = array<i32>} : memref<16x1280xf32, #tpu.memory_space<vmem>>, vector<1x16xf32>,
        %get3A_696 = arith.constant 8 : i32
        %get3A_697 = arith.index_cast %get3A_696 : i32 to index
        %get3A_698 = arith.index_cast %mul3A_595 : i32 to index
        %get3A_699 = tpu.vector_load %arg12[%get3A_697, %get3A_698] {strides = array<i32>} : memref<16x1280xf32, #tpu.memory_space<vmem>>, vector<1x16xf32>,
        %get3A_700 = vector.shape_cast %get3A_699 : vector<1x16xf32> to vector<16xf32>
        %add3A_701 = arith.addf %get3A_700, %get3A_600 : vector<16xf32>
        %swap3A_702 = arith.constant 8 : i32
        %swap3A_703 = arith.index_cast %swap3A_702 : i32 to index
        %swap3A_704 = arith.index_cast %mul3A_595 : i32 to index
        %swap3A_705 = tpu.vector_load %arg15[%swap3A_703, %swap3A_704] {strides = array<i32>} : memref<16x1280xf32, #tpu.memory_space<vmem>>, vector<1x16xf32>,
        %swap3A_706 = vector.shape_cast %swap3A_705 : vector<1x16xf32> to vector<16xf32>
        %swap3A_707 = vector.shape_cast %add3A_701 : vector<16xf32> to vector<1x16xf32>
        tpu.vector_store %arg15[%swap3A_703, %swap3A_704], %swap3A_707 {strides = array<i32>} : memref<16x1280xf32, #tpu.memory_space<vmem>>, vector<1x16xf32>,
        %get3A_708 = arith.constant 9 : i32
        %get3A_709 = arith.index_cast %get3A_708 : i32 to index
        %get3A_710 = arith.index_cast %mul3A_595 : i32 to index
        %get3A_711 = tpu.vector_load %arg12[%get3A_709, %get3A_710] {strides = array<i32>} : memref<16x1280xf32, #tpu.memory_space<vmem>>, vector<1x16xf32>,
        %get3A_712 = vector.shape_cast %get3A_711 : vector<1x16xf32> to vector<16xf32>
        %add3A_713 = arith.addf %get3A_712, %get3A_600 : vector<16xf32>
        %swap3A_714 = arith.constant 9 : i32
        %swap3A_715 = arith.index_cast %swap3A_714 : i32 to index
        %swap3A_716 = arith.index_cast %mul3A_595 : i32 to index
        %swap3A_717 = tpu.vector_load %arg15[%swap3A_715, %swap3A_716] {strides = array<i32>} : memref<16x1280xf32, #tpu.memory_space<vmem>>, vector<1x16xf32>,
        %swap3A_718 = vector.shape_cast %swap3A_717 : vector<1x16xf32> to vector<16xf32>
        %swap3A_719 = vector.shape_cast %add3A_713 : vector<16xf32> to vector<1x16xf32>
        tpu.vector_store %arg15[%swap3A_715, %swap3A_716], %swap3A_719 {strides = array<i32>} : memref<16x1280xf32, #tpu.memory_space<vmem>>, vector<1x16xf32>,
        %get3A_720 = arith.constant 10 : i32
        %get3A_721 = arith.index_cast %get3A_720 : i32 to index
        %get3A_722 = arith.index_cast %mul3A_595 : i32 to index
        %get3A_723 = tpu.vector_load %arg12[%get3A_721, %get3A_722] {strides = array<i32>} : memref<16x1280xf32, #tpu.memory_space<vmem>>, vector<1x16xf32>,
        %get3A_724 = vector.shape_cast %get3A_723 : vector<1x16xf32> to vector<16xf32>
        %add3A_725 = arith.addf %get3A_724, %get3A_600 : vector<16xf32>
        %swap3A_726 = arith.constant 10 : i32
        %swap3A_727 = arith.index_cast %swap3A_726 : i32 to index
        %swap3A_728 = arith.index_cast %mul3A_595 : i32 to index
        %swap3A_729 = tpu.vector_load %arg15[%swap3A_727, %swap3A_728] {strides = array<i32>} : memref<16x1280xf32, #tpu.memory_space<vmem>>, vector<1x16xf32>,
        %swap3A_730 = vector.shape_cast %swap3A_729 : vector<1x16xf32> to vector<16xf32>
        %swap3A_731 = vector.shape_cast %add3A_725 : vector<16xf32> to vector<1x16xf32>
        tpu.vector_store %arg15[%swap3A_727, %swap3A_728], %swap3A_731 {strides = array<i32>} : memref<16x1280xf32, #tpu.memory_space<vmem>>, vector<1x16xf32>,
        %get3A_732 = arith.constant 11 : i32
        %get3A_733 = arith.index_cast %get3A_732 : i32 to index
        %get3A_734 = arith.index_cast %mul3A_595 : i32 to index
        %get3A_735 = tpu.vector_load %arg12[%get3A_733, %get3A_734] {strides = array<i32>} : memref<16x1280xf32, #tpu.memory_space<vmem>>, vector<1x16xf32>,
        %get3A_736 = vector.shape_cast %get3A_735 : vector<1x16xf32> to vector<16xf32>
        %add3A_737 = arith.addf %get3A_736, %get3A_600 : vector<16xf32>
        %swap3A_738 = arith.constant 11 : i32
        %swap3A_739 = arith.index_cast %swap3A_738 : i32 to index
        %swap3A_740 = arith.index_cast %mul3A_595 : i32 to index
        %swap3A_741 = tpu.vector_load %arg15[%swap3A_739, %swap3A_740] {strides = array<i32>} : memref<16x1280xf32, #tpu.memory_space<vmem>>, vector<1x16xf32>,
        %swap3A_742 = vector.shape_cast %swap3A_741 : vector<1x16xf32> to vector<16xf32>
        %swap3A_743 = vector.shape_cast %add3A_737 : vector<16xf32> to vector<1x16xf32>
        tpu.vector_store %arg15[%swap3A_739, %swap3A_740], %swap3A_743 {strides = array<i32>} : memref<16x1280xf32, #tpu.memory_space<vmem>>, vector<1x16xf32>,
        %get3A_744 = arith.constant 12 : i32
        %get3A_745 = arith.index_cast %get3A_744 : i32 to index
        %get3A_746 = arith.index_cast %mul3A_595 : i32 to index
        %get3A_747 = tpu.vector_load %arg12[%get3A_745, %get3A_746] {strides = array<i32>} : memref<16x1280xf32, #tpu.memory_space<vmem>>, vector<1x16xf32>,
        %get3A_748 = vector.shape_cast %get3A_747 : vector<1x16xf32> to vector<16xf32>
        %add3A_749 = arith.addf %get3A_748, %get3A_600 : vector<16xf32>
        %swap3A_750 = arith.constant 12 : i32
        %swap3A_751 = arith.index_cast %swap3A_750 : i32 to index
        %swap3A_752 = arith.index_cast %mul3A_595 : i32 to index
        %swap3A_753 = tpu.vector_load %arg15[%swap3A_751, %swap3A_752] {strides = array<i32>} : memref<16x1280xf32, #tpu.memory_space<vmem>>, vector<1x16xf32>,
        %swap3A_754 = vector.shape_cast %swap3A_753 : vector<1x16xf32> to vector<16xf32>
        %swap3A_755 = vector.shape_cast %add3A_749 : vector<16xf32> to vector<1x16xf32>
        tpu.vector_store %arg15[%swap3A_751, %swap3A_752], %swap3A_755 {strides = array<i32>} : memref<16x1280xf32, #tpu.memory_space<vmem>>, vector<1x16xf32>,
        %get3A_756 = arith.constant 13 : i32
        %get3A_757 = arith.index_cast %get3A_756 : i32 to index
        %get3A_758 = arith.index_cast %mul3A_595 : i32 to index
        %get3A_759 = tpu.vector_load %arg12[%get3A_757, %get3A_758] {strides = array<i32>} : memref<16x1280xf32, #tpu.memory_space<vmem>>, vector<1x16xf32>,
        %get3A_760 = vector.shape_cast %get3A_759 : vector<1x16xf32> to vector<16xf32>
        %add3A_761 = arith.addf %get3A_760, %get3A_600 : vector<16xf32>
        %swap3A_762 = arith.constant 13 : i32
        %swap3A_763 = arith.index_cast %swap3A_762 : i32 to index
        %swap3A_764 = arith.index_cast %mul3A_595 : i32 to index
        %swap3A_765 = tpu.vector_load %arg15[%swap3A_763, %swap3A_764] {strides = array<i32>} : memref<16x1280xf32, #tpu.memory_space<vmem>>, vector<1x16xf32>,
        %swap3A_766 = vector.shape_cast %swap3A_765 : vector<1x16xf32> to vector<16xf32>
        %swap3A_767 = vector.shape_cast %add3A_761 : vector<16xf32> to vector<1x16xf32>
        tpu.vector_store %arg15[%swap3A_763, %swap3A_764], %swap3A_767 {strides = array<i32>} : memref<16x1280xf32, #tpu.memory_space<vmem>>, vector<1x16xf32>,
        %get3A_768 = arith.constant 14 : i32
        %get3A_769 = arith.index_cast %get3A_768 : i32 to index
        %get3A_770 = arith.index_cast %mul3A_595 : i32 to index
        %get3A_771 = tpu.vector_load %arg12[%get3A_769, %get3A_770] {strides = array<i32>} : memref<16x1280xf32, #tpu.memory_space<vmem>>, vector<1x16xf32>,
        %get3A_772 = vector.shape_cast %get3A_771 : vector<1x16xf32> to vector<16xf32>
        %add3A_773 = arith.addf %get3A_772, %get3A_600 : vector<16xf32>
        %swap3A_774 = arith.constant 14 : i32
        %swap3A_775 = arith.index_cast %swap3A_774 : i32 to index
        %swap3A_776 = arith.index_cast %mul3A_595 : i32 to index
        %swap3A_777 = tpu.vector_load %arg15[%swap3A_775, %swap3A_776] {strides = array<i32>} : memref<16x1280xf32, #tpu.memory_space<vmem>>, vector<1x16xf32>,
        %swap3A_778 = vector.shape_cast %swap3A_777 : vector<1x16xf32> to vector<16xf32>
        %swap3A_779 = vector.shape_cast %add3A_773 : vector<16xf32> to vector<1x16xf32>
        tpu.vector_store %arg15[%swap3A_775, %swap3A_776], %swap3A_779 {strides = array<i32>} : memref<16x1280xf32, #tpu.memory_space<vmem>>, vector<1x16xf32>,
        %get3A_780 = arith.constant 15 : i32
        %get3A_781 = arith.index_cast %get3A_780 : i32 to index
        %get3A_782 = arith.index_cast %mul3A_595 : i32 to index
        %get3A_783 = tpu.vector_load %arg12[%get3A_781, %get3A_782] {strides = array<i32>} : memref<16x1280xf32, #tpu.memory_space<vmem>>, vector<1x16xf32>,
        %get3A_784 = vector.shape_cast %get3A_783 : vector<1x16xf32> to vector<16xf32>
        %add3A_785 = arith.addf %get3A_784, %get3A_600 : vector<16xf32>
        %swap3A_786 = arith.constant 15 : i32
        %swap3A_787 = arith.index_cast %swap3A_786 : i32 to index
        %swap3A_788 = arith.index_cast %mul3A_595 : i32 to index
        %swap3A_789 = tpu.vector_load %arg15[%swap3A_787, %swap3A_788] {strides = array<i32>} : memref<16x1280xf32, #tpu.memory_space<vmem>>, vector<1x16xf32>,
        %swap3A_790 = vector.shape_cast %swap3A_789 : vector<1x16xf32> to vector<16xf32>
        %swap3A_791 = vector.shape_cast %add3A_785 : vector<16xf32> to vector<1x16xf32>
        tpu.vector_store %arg15[%swap3A_787, %swap3A_788], %swap3A_791 {strides = array<i32>} : memref<16x1280xf32, #tpu.memory_space<vmem>>, vector<1x16xf32>,
      }
      %scan3A_568 = arith.constant 80 : i32
      %mul3A_569 = arith.constant 16 : i32
      %mul3A_570 = arith.muli %add3A_538, %mul3A_569 : i32
      %dma_start3A_571 = arith.constant 2 : i32
      %dma_start3A_572 = arith.constant 0 : i32
      %dma_start3A_573 = tpu.memref_slice %arg6[%select_n3A, %select_n3A_30, %mul3A_570, %dma_start3A_572] : memref<8x4x1025x1280xf32, #tpu.memory_space<hbm>> -> memref<1x1x16x1280xf32, #tpu.memory_space<hbm>>
      %dma_start3A_574 = tpu.memref_squeeze %dma_start3A_573 : memref<1x1x16x1280xf32, #tpu.memory_space<hbm>> -> memref<16x1280xf32, #tpu.memory_space<hbm>>
      %dma_start3A_575 = tpu.memref_slice %arg17[%dma_start3A_571] : memref<3x!tpu.dma_semaphore, #tpu.memory_space<semaphore_mem>> -> memref<1x!tpu.dma_semaphore, #tpu.memory_space<semaphore_mem>>
      %dma_start3A_576 = tpu.memref_squeeze %dma_start3A_575 : memref<1x!tpu.dma_semaphore, #tpu.memory_space<semaphore_mem>> -> memref<!tpu.dma_semaphore, #tpu.memory_space<semaphore_mem>>
      %dma_start3A_577 = arith.constant 0 : i32
      %dma_start3A_578 = tpu.memref_slice %arg6[%select_n3A, %select_n3A_30, %mul3A_570, %dma_start3A_577] : memref<8x4x1025x1280xf32, #tpu.memory_space<hbm>> -> memref<1x1x16x1280xf32, #tpu.memory_space<hbm>>
      %dma_start3A_579 = tpu.memref_squeeze %dma_start3A_578 : memref<1x1x16x1280xf32, #tpu.memory_space<hbm>> -> memref<16x1280xf32, #tpu.memory_space<hbm>>
      tpu.enqueue_dma source(%arg15 : memref<16x1280xf32, #tpu.memory_space<vmem>>) target(%dma_start3A_579 : memref<16x1280xf32, #tpu.memory_space<hbm>>) target_semaphore(%dma_start3A_576 : memref<!tpu.dma_semaphore, #tpu.memory_space<semaphore_mem>>)
      %add3A_580 = arith.constant 3 : i32
      %add3A_581 = arith.addi %add3A_538, %add3A_580 : i32
      %mul3A_582 = arith.constant 16 : i32
      %mul3A_583 = arith.muli %add3A_581, %mul3A_582 : i32
      %dma_start3A_584 = arith.constant 2 : i32
      %dma_start3A_585 = arith.constant 0 : i32
      %dma_start3A_586 = tpu.memref_slice %arg2[%select_n3A, %select_n3A_30, %mul3A_583, %dma_start3A_585] : memref<8x4x1025x1280xf32, #tpu.memory_space<hbm>> -> memref<1x1x16x1280xf32, #tpu.memory_space<hbm>>
      %dma_start3A_587 = tpu.memref_squeeze %dma_start3A_586 : memref<1x1x16x1280xf32, #tpu.memory_space<hbm>> -> memref<16x1280xf32, #tpu.memory_space<hbm>>
      %dma_start3A_588 = tpu.memref_slice %arg16[%dma_start3A_584] : memref<3x!tpu.dma_semaphore, #tpu.memory_space<semaphore_mem>> -> memref<1x!tpu.dma_semaphore, #tpu.memory_space<semaphore_mem>>
      %dma_start3A_589 = tpu.memref_squeeze %dma_start3A_588 : memref<1x!tpu.dma_semaphore, #tpu.memory_space<semaphore_mem>> -> memref<!tpu.dma_semaphore, #tpu.memory_space<semaphore_mem>>
      %dma_start3A_590 = arith.constant 0 : i32
      %dma_start3A_591 = tpu.memref_slice %arg2[%select_n3A, %select_n3A_30, %mul3A_583, %dma_start3A_590] : memref<8x4x1025x1280xf32, #tpu.memory_space<hbm>> -> memref<1x1x16x1280xf32, #tpu.memory_space<hbm>>
      %dma_start3A_592 = tpu.memref_squeeze %dma_start3A_591 : memref<1x1x16x1280xf32, #tpu.memory_space<hbm>> -> memref<16x1280xf32, #tpu.memory_space<hbm>>
      tpu.enqueue_dma source(%dma_start3A_592 : memref<16x1280xf32, #tpu.memory_space<hbm>>) target(%arg12 : memref<16x1280xf32, #tpu.memory_space<vmem>>) target_semaphore(%dma_start3A_589 : memref<!tpu.dma_semaphore, #tpu.memory_space<semaphore_mem>>)
    }
    %scan3A_215 = arith.constant 19 : i32
    %dma_wait3A_216 = arith.constant 0 : i32
    %dma_wait3A_217 = arith.constant 960 : i32
    %dma_wait3A_218 = arith.constant 0 : i32
    %dma_wait3A_219 = tpu.memref_slice %arg2[%select_n3A, %select_n3A_30, %dma_wait3A_217, %dma_wait3A_218] : memref<8x4x1025x1280xf32, #tpu.memory_space<hbm>> -> memref<1x1x16x1280xf32, #tpu.memory_space<hbm>>
    %dma_wait3A_220 = tpu.memref_squeeze %dma_wait3A_219 : memref<1x1x16x1280xf32, #tpu.memory_space<hbm>> -> memref<16x1280xf32, #tpu.memory_space<hbm>>
    %dma_wait3A_221 = tpu.memref_slice %arg16[%dma_wait3A_216] : memref<3x!tpu.dma_semaphore, #tpu.memory_space<semaphore_mem>> -> memref<1x!tpu.dma_semaphore, #tpu.memory_space<semaphore_mem>>
    %dma_wait3A_222 = tpu.memref_squeeze %dma_wait3A_221 : memref<1x!tpu.dma_semaphore, #tpu.memory_space<semaphore_mem>> -> memref<!tpu.dma_semaphore, #tpu.memory_space<semaphore_mem>>
    %dma_wait3A_223 = arith.constant 960 : i32
    %dma_wait3A_224 = arith.constant 0 : i32
    %dma_wait3A_225 = tpu.memref_slice %arg2[%select_n3A, %select_n3A_30, %dma_wait3A_223, %dma_wait3A_224] : memref<8x4x1025x1280xf32, #tpu.memory_space<hbm>> -> memref<1x1x16x1280xf32, #tpu.memory_space<hbm>>
    %dma_wait3A_226 = tpu.memref_squeeze %dma_wait3A_225 : memref<1x1x16x1280xf32, #tpu.memory_space<hbm>> -> memref<16x1280xf32, #tpu.memory_space<hbm>>
    tpu.wait_dma2 semaphore(%dma_wait3A_222 : memref<!tpu.dma_semaphore, #tpu.memory_space<semaphore_mem>>) src(%dma_wait3A_226 : memref<16x1280xf32, #tpu.memory_space<hbm>>) dst(%arg10 : memref<16x1280xf32, #tpu.memory_space<vmem>>)
    %dma_wait3A_227 = arith.constant 0 : i32
    %dma_wait3A_228 = arith.constant 912 : i32
    %dma_wait3A_229 = arith.constant 0 : i32
    %dma_wait3A_230 = tpu.memref_slice %arg6[%select_n3A, %select_n3A_30, %dma_wait3A_228, %dma_wait3A_229] : memref<8x4x1025x1280xf32, #tpu.memory_space<hbm>> -> memref<1x1x16x1280xf32, #tpu.memory_space<hbm>>
    %dma_wait3A_231 = tpu.memref_squeeze %dma_wait3A_230 : memref<1x1x16x1280xf32, #tpu.memory_space<hbm>> -> memref<16x1280xf32, #tpu.memory_space<hbm>>
    %dma_wait3A_232 = tpu.memref_slice %arg17[%dma_wait3A_227] : memref<3x!tpu.dma_semaphore, #tpu.memory_space<semaphore_mem>> -> memref<1x!tpu.dma_semaphore, #tpu.memory_space<semaphore_mem>>
    %dma_wait3A_233 = tpu.memref_squeeze %dma_wait3A_232 : memref<1x!tpu.dma_semaphore, #tpu.memory_space<semaphore_mem>> -> memref<!tpu.dma_semaphore, #tpu.memory_space<semaphore_mem>>
    %dma_wait3A_234 = arith.constant 912 : i32
    %dma_wait3A_235 = arith.constant 0 : i32
    %dma_wait3A_236 = tpu.memref_slice %arg6[%select_n3A, %select_n3A_30, %dma_wait3A_234, %dma_wait3A_235] : memref<8x4x1025x1280xf32, #tpu.memory_space<hbm>> -> memref<1x1x16x1280xf32, #tpu.memory_space<hbm>>
    %dma_wait3A_237 = tpu.memref_squeeze %dma_wait3A_236 : memref<1x1x16x1280xf32, #tpu.memory_space<hbm>> -> memref<16x1280xf32, #tpu.memory_space<hbm>>
    tpu.wait_dma2 semaphore(%dma_wait3A_233 : memref<!tpu.dma_semaphore, #tpu.memory_space<semaphore_mem>>) src(%arg13 : memref<16x1280xf32, #tpu.memory_space<vmem>>) dst(%dma_wait3A_237 : memref<16x1280xf32, #tpu.memory_space<hbm>>)
    %scan3A_238 = arith.constant 0 : i32
    %scan3A_239 = arith.constant 0 : i32
    %scan3A_240 = arith.constant 80 : i32
    %scan3A_241 = arith.addi %scan3A_239, %scan3A_240 : i32
    %scan3A_242 = arith.constant 1 : i32
    scf.for %scan3A_422 = %scan3A_239 to %scan3A_241 step %scan3A_242  : i32 {
      %mul3A_423 = arith.constant 16 : i32
      %mul3A_424 = arith.muli %scan3A_422, %mul3A_423 : i32
      %get3A_425 = arith.constant 0 : i32
      %get3A_426 = arith.index_cast %get3A_425 : i32 to index
      %get3A_427 = arith.index_cast %mul3A_424 : i32 to index
      %get3A_428 = tpu.vector_load %arg9[%get3A_426, %get3A_427] {strides = array<i32>} : memref<1x1280xf32, #tpu.memory_space<vmem>>, vector<1x16xf32>,
      %get3A_429 = vector.shape_cast %get3A_428 : vector<1x16xf32> to vector<16xf32>
      %get3A_430 = arith.constant 0 : i32
      %get3A_431 = arith.index_cast %get3A_430 : i32 to index
      %get3A_432 = arith.index_cast %mul3A_424 : i32 to index
      %get3A_433 = tpu.vector_load %arg10[%get3A_431, %get3A_432] {strides = array<i32>} : memref<16x1280xf32, #tpu.memory_space<vmem>>, vector<1x16xf32>,
      %get3A_434 = vector.shape_cast %get3A_433 : vector<1x16xf32> to vector<16xf32>
      %add3A_435 = arith.addf %get3A_434, %get3A_429 : vector<16xf32>
      %swap3A = arith.constant 0 : i32
      %swap3A_436 = arith.index_cast %swap3A : i32 to index
      %swap3A_437 = arith.index_cast %mul3A_424 : i32 to index
      %swap3A_438 = tpu.vector_load %arg13[%swap3A_436, %swap3A_437] {strides = array<i32>} : memref<16x1280xf32, #tpu.memory_space<vmem>>, vector<1x16xf32>,
      %swap3A_439 = vector.shape_cast %swap3A_438 : vector<1x16xf32> to vector<16xf32>
      %swap3A_440 = vector.shape_cast %add3A_435 : vector<16xf32> to vector<1x16xf32>
      tpu.vector_store %arg13[%swap3A_436, %swap3A_437], %swap3A_440 {strides = array<i32>} : memref<16x1280xf32, #tpu.memory_space<vmem>>, vector<1x16xf32>,
      %get3A_441 = arith.constant 1 : i32
      %get3A_442 = arith.index_cast %get3A_441 : i32 to index
      %get3A_443 = arith.index_cast %mul3A_424 : i32 to index
      %get3A_444 = tpu.vector_load %arg10[%get3A_442, %get3A_443] {strides = array<i32>} : memref<16x1280xf32, #tpu.memory_space<vmem>>, vector<1x16xf32>,
      %get3A_445 = vector.shape_cast %get3A_444 : vector<1x16xf32> to vector<16xf32>
      %add3A_446 = arith.addf %get3A_445, %get3A_429 : vector<16xf32>
      %swap3A_447 = arith.constant 1 : i32
      %swap3A_448 = arith.index_cast %swap3A_447 : i32 to index
      %swap3A_449 = arith.index_cast %mul3A_424 : i32 to index
      %swap3A_450 = tpu.vector_load %arg13[%swap3A_448, %swap3A_449] {strides = array<i32>} : memref<16x1280xf32, #tpu.memory_space<vmem>>, vector<1x16xf32>,
      %swap3A_451 = vector.shape_cast %swap3A_450 : vector<1x16xf32> to vector<16xf32>
      %swap3A_452 = vector.shape_cast %add3A_446 : vector<16xf32> to vector<1x16xf32>
      tpu.vector_store %arg13[%swap3A_448, %swap3A_449], %swap3A_452 {strides = array<i32>} : memref<16x1280xf32, #tpu.memory_space<vmem>>, vector<1x16xf32>,
      %get3A_453 = arith.constant 2 : i32
      %get3A_454 = arith.index_cast %get3A_453 : i32 to index
      %get3A_455 = arith.index_cast %mul3A_424 : i32 to index
      %get3A_456 = tpu.vector_load %arg10[%get3A_454, %get3A_455] {strides = array<i32>} : memref<16x1280xf32, #tpu.memory_space<vmem>>, vector<1x16xf32>,
      %get3A_457 = vector.shape_cast %get3A_456 : vector<1x16xf32> to vector<16xf32>
      %add3A_458 = arith.addf %get3A_457, %get3A_429 : vector<16xf32>
      %swap3A_459 = arith.constant 2 : i32
      %swap3A_460 = arith.index_cast %swap3A_459 : i32 to index
      %swap3A_461 = arith.index_cast %mul3A_424 : i32 to index
      %swap3A_462 = tpu.vector_load %arg13[%swap3A_460, %swap3A_461] {strides = array<i32>} : memref<16x1280xf32, #tpu.memory_space<vmem>>, vector<1x16xf32>,
      %swap3A_463 = vector.shape_cast %swap3A_462 : vector<1x16xf32> to vector<16xf32>
      %swap3A_464 = vector.shape_cast %add3A_458 : vector<16xf32> to vector<1x16xf32>
      tpu.vector_store %arg13[%swap3A_460, %swap3A_461], %swap3A_464 {strides = array<i32>} : memref<16x1280xf32, #tpu.memory_space<vmem>>, vector<1x16xf32>,
      %get3A_465 = arith.constant 3 : i32
      %get3A_466 = arith.index_cast %get3A_465 : i32 to index
      %get3A_467 = arith.index_cast %mul3A_424 : i32 to index
      %get3A_468 = tpu.vector_load %arg10[%get3A_466, %get3A_467] {strides = array<i32>} : memref<16x1280xf32, #tpu.memory_space<vmem>>, vector<1x16xf32>,
      %get3A_469 = vector.shape_cast %get3A_468 : vector<1x16xf32> to vector<16xf32>
      %add3A_470 = arith.addf %get3A_469, %get3A_429 : vector<16xf32>
      %swap3A_471 = arith.constant 3 : i32
      %swap3A_472 = arith.index_cast %swap3A_471 : i32 to index
      %swap3A_473 = arith.index_cast %mul3A_424 : i32 to index
      %swap3A_474 = tpu.vector_load %arg13[%swap3A_472, %swap3A_473] {strides = array<i32>} : memref<16x1280xf32, #tpu.memory_space<vmem>>, vector<1x16xf32>,
      %swap3A_475 = vector.shape_cast %swap3A_474 : vector<1x16xf32> to vector<16xf32>
      %swap3A_476 = vector.shape_cast %add3A_470 : vector<16xf32> to vector<1x16xf32>
      tpu.vector_store %arg13[%swap3A_472, %swap3A_473], %swap3A_476 {strides = array<i32>} : memref<16x1280xf32, #tpu.memory_space<vmem>>, vector<1x16xf32>,
      %get3A_477 = arith.constant 4 : i32
      %get3A_478 = arith.index_cast %get3A_477 : i32 to index
      %get3A_479 = arith.index_cast %mul3A_424 : i32 to index
      %get3A_480 = tpu.vector_load %arg10[%get3A_478, %get3A_479] {strides = array<i32>} : memref<16x1280xf32, #tpu.memory_space<vmem>>, vector<1x16xf32>,
      %get3A_481 = vector.shape_cast %get3A_480 : vector<1x16xf32> to vector<16xf32>
      %add3A_482 = arith.addf %get3A_481, %get3A_429 : vector<16xf32>
      %swap3A_483 = arith.constant 4 : i32
      %swap3A_484 = arith.index_cast %swap3A_483 : i32 to index
      %swap3A_485 = arith.index_cast %mul3A_424 : i32 to index
      %swap3A_486 = tpu.vector_load %arg13[%swap3A_484, %swap3A_485] {strides = array<i32>} : memref<16x1280xf32, #tpu.memory_space<vmem>>, vector<1x16xf32>,
      %swap3A_487 = vector.shape_cast %swap3A_486 : vector<1x16xf32> to vector<16xf32>
      %swap3A_488 = vector.shape_cast %add3A_482 : vector<16xf32> to vector<1x16xf32>
      tpu.vector_store %arg13[%swap3A_484, %swap3A_485], %swap3A_488 {strides = array<i32>} : memref<16x1280xf32, #tpu.memory_space<vmem>>, vector<1x16xf32>,
      %get3A_489 = arith.constant 5 : i32
      %get3A_490 = arith.index_cast %get3A_489 : i32 to index
      %get3A_491 = arith.index_cast %mul3A_424 : i32 to index
      %get3A_492 = tpu.vector_load %arg10[%get3A_490, %get3A_491] {strides = array<i32>} : memref<16x1280xf32, #tpu.memory_space<vmem>>, vector<1x16xf32>,
      %get3A_493 = vector.shape_cast %get3A_492 : vector<1x16xf32> to vector<16xf32>
      %add3A_494 = arith.addf %get3A_493, %get3A_429 : vector<16xf32>
      %swap3A_495 = arith.constant 5 : i32
      %swap3A_496 = arith.index_cast %swap3A_495 : i32 to index
      %swap3A_497 = arith.index_cast %mul3A_424 : i32 to index
      %swap3A_498 = tpu.vector_load %arg13[%swap3A_496, %swap3A_497] {strides = array<i32>} : memref<16x1280xf32, #tpu.memory_space<vmem>>, vector<1x16xf32>,
      %swap3A_499 = vector.shape_cast %swap3A_498 : vector<1x16xf32> to vector<16xf32>
      %swap3A_500 = vector.shape_cast %add3A_494 : vector<16xf32> to vector<1x16xf32>
      tpu.vector_store %arg13[%swap3A_496, %swap3A_497], %swap3A_500 {strides = array<i32>} : memref<16x1280xf32, #tpu.memory_space<vmem>>, vector<1x16xf32>,
      %get3A_501 = arith.constant 6 : i32
      %get3A_502 = arith.index_cast %get3A_501 : i32 to index
      %get3A_503 = arith.index_cast %mul3A_424 : i32 to index
      %get3A_504 = tpu.vector_load %arg10[%get3A_502, %get3A_503] {strides = array<i32>} : memref<16x1280xf32, #tpu.memory_space<vmem>>, vector<1x16xf32>,
      %get3A_505 = vector.shape_cast %get3A_504 : vector<1x16xf32> to vector<16xf32>
      %add3A_506 = arith.addf %get3A_505, %get3A_429 : vector<16xf32>
      %swap3A_507 = arith.constant 6 : i32
      %swap3A_508 = arith.index_cast %swap3A_507 : i32 to index
      %swap3A_509 = arith.index_cast %mul3A_424 : i32 to index
      %swap3A_510 = tpu.vector_load %arg13[%swap3A_508, %swap3A_509] {strides = array<i32>} : memref<16x1280xf32, #tpu.memory_space<vmem>>, vector<1x16xf32>,
      %swap3A_511 = vector.shape_cast %swap3A_510 : vector<1x16xf32> to vector<16xf32>
      %swap3A_512 = vector.shape_cast %add3A_506 : vector<16xf32> to vector<1x16xf32>
      tpu.vector_store %arg13[%swap3A_508, %swap3A_509], %swap3A_512 {strides = array<i32>} : memref<16x1280xf32, #tpu.memory_space<vmem>>, vector<1x16xf32>,
      %get3A_513 = arith.constant 7 : i32
      %get3A_514 = arith.index_cast %get3A_513 : i32 to index
      %get3A_515 = arith.index_cast %mul3A_424 : i32 to index
      %get3A_516 = tpu.vector_load %arg10[%get3A_514, %get3A_515] {strides = array<i32>} : memref<16x1280xf32, #tpu.memory_space<vmem>>, vector<1x16xf32>,
      %get3A_517 = vector.shape_cast %get3A_516 : vector<1x16xf32> to vector<16xf32>
      %add3A_518 = arith.addf %get3A_517, %get3A_429 : vector<16xf32>
      %swap3A_519 = arith.constant 7 : i32
      %swap3A_520 = arith.index_cast %swap3A_519 : i32 to index
      %swap3A_521 = arith.index_cast %mul3A_424 : i32 to index
      %swap3A_522 = tpu.vector_load %arg13[%swap3A_520, %swap3A_521] {strides = array<i32>} : memref<16x1280xf32, #tpu.memory_space<vmem>>, vector<1x16xf32>,
      %swap3A_523 = vector.shape_cast %swap3A_522 : vector<1x16xf32> to vector<16xf32>
      %swap3A_524 = vector.shape_cast %add3A_518 : vector<16xf32> to vector<1x16xf32>
      tpu.vector_store %arg13[%swap3A_520, %swap3A_521], %swap3A_524 {strides = array<i32>} : memref<16x1280xf32, #tpu.memory_space<vmem>>, vector<1x16xf32>,
      %get3A_525 = arith.constant 8 : i32
      %get3A_526 = arith.index_cast %get3A_525 : i32 to index
      %get3A_527 = arith.index_cast %mul3A_424 : i32 to index
      %get3A_528 = tpu.vector_load %arg10[%get3A_526, %get3A_527] {strides = array<i32>} : memref<16x1280xf32, #tpu.memory_space<vmem>>, vector<1x16xf32>,
      %get3A_529 = vector.shape_cast %get3A_528 : vector<1x16xf32> to vector<16xf32>
      %add3A_530 = arith.addf %get3A_529, %get3A_429 : vector<16xf32>
      %swap3A_531 = arith.constant 8 : i32
      %swap3A_532 = arith.index_cast %swap3A_531 : i32 to index
      %swap3A_533 = arith.index_cast %mul3A_424 : i32 to index
      %swap3A_534 = tpu.vector_load %arg13[%swap3A_532, %swap3A_533] {strides = array<i32>} : memref<16x1280xf32, #tpu.memory_space<vmem>>, vector<1x16xf32>,
      %swap3A_535 = vector.shape_cast %swap3A_534 : vector<1x16xf32> to vector<16xf32>
      %swap3A_536 = vector.shape_cast %add3A_530 : vector<16xf32> to vector<1x16xf32>
      tpu.vector_store %arg13[%swap3A_532, %swap3A_533], %swap3A_536 {strides = array<i32>} : memref<16x1280xf32, #tpu.memory_space<vmem>>, vector<1x16xf32>,
      %get3A_537 = arith.constant 9 : i32
      %get3A_538 = arith.index_cast %get3A_537 : i32 to index
      %get3A_539 = arith.index_cast %mul3A_424 : i32 to index
      %get3A_540 = tpu.vector_load %arg10[%get3A_538, %get3A_539] {strides = array<i32>} : memref<16x1280xf32, #tpu.memory_space<vmem>>, vector<1x16xf32>,
      %get3A_541 = vector.shape_cast %get3A_540 : vector<1x16xf32> to vector<16xf32>
      %add3A_542 = arith.addf %get3A_541, %get3A_429 : vector<16xf32>
      %swap3A_543 = arith.constant 9 : i32
      %swap3A_544 = arith.index_cast %swap3A_543 : i32 to index
      %swap3A_545 = arith.index_cast %mul3A_424 : i32 to index
      %swap3A_546 = tpu.vector_load %arg13[%swap3A_544, %swap3A_545] {strides = array<i32>} : memref<16x1280xf32, #tpu.memory_space<vmem>>, vector<1x16xf32>,
      %swap3A_547 = vector.shape_cast %swap3A_546 : vector<1x16xf32> to vector<16xf32>
      %swap3A_548 = vector.shape_cast %add3A_542 : vector<16xf32> to vector<1x16xf32>
      tpu.vector_store %arg13[%swap3A_544, %swap3A_545], %swap3A_548 {strides = array<i32>} : memref<16x1280xf32, #tpu.memory_space<vmem>>, vector<1x16xf32>,
      %get3A_549 = arith.constant 10 : i32
      %get3A_550 = arith.index_cast %get3A_549 : i32 to index
      %get3A_551 = arith.index_cast %mul3A_424 : i32 to index
      %get3A_552 = tpu.vector_load %arg10[%get3A_550, %get3A_551] {strides = array<i32>} : memref<16x1280xf32, #tpu.memory_space<vmem>>, vector<1x16xf32>,
      %get3A_553 = vector.shape_cast %get3A_552 : vector<1x16xf32> to vector<16xf32>
      %add3A_554 = arith.addf %get3A_553, %get3A_429 : vector<16xf32>
      %swap3A_555 = arith.constant 10 : i32
      %swap3A_556 = arith.index_cast %swap3A_555 : i32 to index
      %swap3A_557 = arith.index_cast %mul3A_424 : i32 to index
      %swap3A_558 = tpu.vector_load %arg13[%swap3A_556, %swap3A_557] {strides = array<i32>} : memref<16x1280xf32, #tpu.memory_space<vmem>>, vector<1x16xf32>,
      %swap3A_559 = vector.shape_cast %swap3A_558 : vector<1x16xf32> to vector<16xf32>
      %swap3A_560 = vector.shape_cast %add3A_554 : vector<16xf32> to vector<1x16xf32>
      tpu.vector_store %arg13[%swap3A_556, %swap3A_557], %swap3A_560 {strides = array<i32>} : memref<16x1280xf32, #tpu.memory_space<vmem>>, vector<1x16xf32>,
      %get3A_561 = arith.constant 11 : i32
      %get3A_562 = arith.index_cast %get3A_561 : i32 to index
      %get3A_563 = arith.index_cast %mul3A_424 : i32 to index
      %get3A_564 = tpu.vector_load %arg10[%get3A_562, %get3A_563] {strides = array<i32>} : memref<16x1280xf32, #tpu.memory_space<vmem>>, vector<1x16xf32>,
      %get3A_565 = vector.shape_cast %get3A_564 : vector<1x16xf32> to vector<16xf32>
      %add3A_566 = arith.addf %get3A_565, %get3A_429 : vector<16xf32>
      %swap3A_567 = arith.constant 11 : i32
      %swap3A_568 = arith.index_cast %swap3A_567 : i32 to index
      %swap3A_569 = arith.index_cast %mul3A_424 : i32 to index
      %swap3A_570 = tpu.vector_load %arg13[%swap3A_568, %swap3A_569] {strides = array<i32>} : memref<16x1280xf32, #tpu.memory_space<vmem>>, vector<1x16xf32>,
      %swap3A_571 = vector.shape_cast %swap3A_570 : vector<1x16xf32> to vector<16xf32>
      %swap3A_572 = vector.shape_cast %add3A_566 : vector<16xf32> to vector<1x16xf32>
      tpu.vector_store %arg13[%swap3A_568, %swap3A_569], %swap3A_572 {strides = array<i32>} : memref<16x1280xf32, #tpu.memory_space<vmem>>, vector<1x16xf32>,
      %get3A_573 = arith.constant 12 : i32
      %get3A_574 = arith.index_cast %get3A_573 : i32 to index
      %get3A_575 = arith.index_cast %mul3A_424 : i32 to index
      %get3A_576 = tpu.vector_load %arg10[%get3A_574, %get3A_575] {strides = array<i32>} : memref<16x1280xf32, #tpu.memory_space<vmem>>, vector<1x16xf32>,
      %get3A_577 = vector.shape_cast %get3A_576 : vector<1x16xf32> to vector<16xf32>
      %add3A_578 = arith.addf %get3A_577, %get3A_429 : vector<16xf32>
      %swap3A_579 = arith.constant 12 : i32
      %swap3A_580 = arith.index_cast %swap3A_579 : i32 to index
      %swap3A_581 = arith.index_cast %mul3A_424 : i32 to index
      %swap3A_582 = tpu.vector_load %arg13[%swap3A_580, %swap3A_581] {strides = array<i32>} : memref<16x1280xf32, #tpu.memory_space<vmem>>, vector<1x16xf32>,
      %swap3A_583 = vector.shape_cast %swap3A_582 : vector<1x16xf32> to vector<16xf32>
      %swap3A_584 = vector.shape_cast %add3A_578 : vector<16xf32> to vector<1x16xf32>
      tpu.vector_store %arg13[%swap3A_580, %swap3A_581], %swap3A_584 {strides = array<i32>} : memref<16x1280xf32, #tpu.memory_space<vmem>>, vector<1x16xf32>,
      %get3A_585 = arith.constant 13 : i32
      %get3A_586 = arith.index_cast %get3A_585 : i32 to index
      %get3A_587 = arith.index_cast %mul3A_424 : i32 to index
      %get3A_588 = tpu.vector_load %arg10[%get3A_586, %get3A_587] {strides = array<i32>} : memref<16x1280xf32, #tpu.memory_space<vmem>>, vector<1x16xf32>,
      %get3A_589 = vector.shape_cast %get3A_588 : vector<1x16xf32> to vector<16xf32>
      %add3A_590 = arith.addf %get3A_589, %get3A_429 : vector<16xf32>
      %swap3A_591 = arith.constant 13 : i32
      %swap3A_592 = arith.index_cast %swap3A_591 : i32 to index
      %swap3A_593 = arith.index_cast %mul3A_424 : i32 to index
      %swap3A_594 = tpu.vector_load %arg13[%swap3A_592, %swap3A_593] {strides = array<i32>} : memref<16x1280xf32, #tpu.memory_space<vmem>>, vector<1x16xf32>,
      %swap3A_595 = vector.shape_cast %swap3A_594 : vector<1x16xf32> to vector<16xf32>
      %swap3A_596 = vector.shape_cast %add3A_590 : vector<16xf32> to vector<1x16xf32>
      tpu.vector_store %arg13[%swap3A_592, %swap3A_593], %swap3A_596 {strides = array<i32>} : memref<16x1280xf32, #tpu.memory_space<vmem>>, vector<1x16xf32>,
      %get3A_597 = arith.constant 14 : i32
      %get3A_598 = arith.index_cast %get3A_597 : i32 to index
      %get3A_599 = arith.index_cast %mul3A_424 : i32 to index
      %get3A_600 = tpu.vector_load %arg10[%get3A_598, %get3A_599] {strides = array<i32>} : memref<16x1280xf32, #tpu.memory_space<vmem>>, vector<1x16xf32>,
      %get3A_601 = vector.shape_cast %get3A_600 : vector<1x16xf32> to vector<16xf32>
      %add3A_602 = arith.addf %get3A_601, %get3A_429 : vector<16xf32>
      %swap3A_603 = arith.constant 14 : i32
      %swap3A_604 = arith.index_cast %swap3A_603 : i32 to index
      %swap3A_605 = arith.index_cast %mul3A_424 : i32 to index
      %swap3A_606 = tpu.vector_load %arg13[%swap3A_604, %swap3A_605] {strides = array<i32>} : memref<16x1280xf32, #tpu.memory_space<vmem>>, vector<1x16xf32>,
      %swap3A_607 = vector.shape_cast %swap3A_606 : vector<1x16xf32> to vector<16xf32>
      %swap3A_608 = vector.shape_cast %add3A_602 : vector<16xf32> to vector<1x16xf32>
      tpu.vector_store %arg13[%swap3A_604, %swap3A_605], %swap3A_608 {strides = array<i32>} : memref<16x1280xf32, #tpu.memory_space<vmem>>, vector<1x16xf32>,
      %get3A_609 = arith.constant 15 : i32
      %get3A_610 = arith.index_cast %get3A_609 : i32 to index
      %get3A_611 = arith.index_cast %mul3A_424 : i32 to index
      %get3A_612 = tpu.vector_load %arg10[%get3A_610, %get3A_611] {strides = array<i32>} : memref<16x1280xf32, #tpu.memory_space<vmem>>, vector<1x16xf32>,
      %get3A_613 = vector.shape_cast %get3A_612 : vector<1x16xf32> to vector<16xf32>
      %add3A_614 = arith.addf %get3A_613, %get3A_429 : vector<16xf32>
      %swap3A_615 = arith.constant 15 : i32
      %swap3A_616 = arith.index_cast %swap3A_615 : i32 to index
      %swap3A_617 = arith.index_cast %mul3A_424 : i32 to index
      %swap3A_618 = tpu.vector_load %arg13[%swap3A_616, %swap3A_617] {strides = array<i32>} : memref<16x1280xf32, #tpu.memory_space<vmem>>, vector<1x16xf32>,
      %swap3A_619 = vector.shape_cast %swap3A_618 : vector<1x16xf32> to vector<16xf32>
      %swap3A_620 = vector.shape_cast %add3A_614 : vector<16xf32> to vector<1x16xf32>
      tpu.vector_store %arg13[%swap3A_616, %swap3A_617], %swap3A_620 {strides = array<i32>} : memref<16x1280xf32, #tpu.memory_space<vmem>>, vector<1x16xf32>,
    }
    %scan3A_243 = arith.constant 80 : i32
    %dma_start3A_244 = arith.constant 0 : i32
    %dma_start3A_245 = arith.constant 960 : i32
    %dma_start3A_246 = arith.constant 0 : i32
    %dma_start3A_247 = tpu.memref_slice %arg6[%select_n3A, %select_n3A_30, %dma_start3A_245, %dma_start3A_246] : memref<8x4x1025x1280xf32, #tpu.memory_space<hbm>> -> memref<1x1x16x1280xf32, #tpu.memory_space<hbm>>
    %dma_start3A_248 = tpu.memref_squeeze %dma_start3A_247 : memref<1x1x16x1280xf32, #tpu.memory_space<hbm>> -> memref<16x1280xf32, #tpu.memory_space<hbm>>
    %dma_start3A_249 = tpu.memref_slice %arg17[%dma_start3A_244] : memref<3x!tpu.dma_semaphore, #tpu.memory_space<semaphore_mem>> -> memref<1x!tpu.dma_semaphore, #tpu.memory_space<semaphore_mem>>
    %dma_start3A_250 = tpu.memref_squeeze %dma_start3A_249 : memref<1x!tpu.dma_semaphore, #tpu.memory_space<semaphore_mem>> -> memref<!tpu.dma_semaphore, #tpu.memory_space<semaphore_mem>>
    %dma_start3A_251 = arith.constant 960 : i32
    %dma_start3A_252 = arith.constant 0 : i32
    %dma_start3A_253 = tpu.memref_slice %arg6[%select_n3A, %select_n3A_30, %dma_start3A_251, %dma_start3A_252] : memref<8x4x1025x1280xf32, #tpu.memory_space<hbm>> -> memref<1x1x16x1280xf32, #tpu.memory_space<hbm>>
    %dma_start3A_254 = tpu.memref_squeeze %dma_start3A_253 : memref<1x1x16x1280xf32, #tpu.memory_space<hbm>> -> memref<16x1280xf32, #tpu.memory_space<hbm>>
    tpu.enqueue_dma source(%arg13 : memref<16x1280xf32, #tpu.memory_space<vmem>>) target(%dma_start3A_254 : memref<16x1280xf32, #tpu.memory_space<hbm>>) target_semaphore(%dma_start3A_250 : memref<!tpu.dma_semaphore, #tpu.memory_space<semaphore_mem>>)
    %dma_start3A_255 = arith.constant 0 : i32
    %dma_start3A_256 = arith.constant 1008 : i32
    %dma_start3A_257 = arith.constant 0 : i32
    %dma_start3A_258 = tpu.memref_slice %arg2[%select_n3A, %select_n3A_30, %dma_start3A_256, %dma_start3A_257] : memref<8x4x1025x1280xf32, #tpu.memory_space<hbm>> -> memref<1x1x16x1280xf32, #tpu.memory_space<hbm>>
    %dma_start3A_259 = tpu.memref_squeeze %dma_start3A_258 : memref<1x1x16x1280xf32, #tpu.memory_space<hbm>> -> memref<16x1280xf32, #tpu.memory_space<hbm>>
    %dma_start3A_260 = tpu.memref_slice %arg16[%dma_start3A_255] : memref<3x!tpu.dma_semaphore, #tpu.memory_space<semaphore_mem>> -> memref<1x!tpu.dma_semaphore, #tpu.memory_space<semaphore_mem>>
    %dma_start3A_261 = tpu.memref_squeeze %dma_start3A_260 : memref<1x!tpu.dma_semaphore, #tpu.memory_space<semaphore_mem>> -> memref<!tpu.dma_semaphore, #tpu.memory_space<semaphore_mem>>
    %dma_start3A_262 = arith.constant 1008 : i32
    %dma_start3A_263 = arith.constant 0 : i32
    %dma_start3A_264 = tpu.memref_slice %arg2[%select_n3A, %select_n3A_30, %dma_start3A_262, %dma_start3A_263] : memref<8x4x1025x1280xf32, #tpu.memory_space<hbm>> -> memref<1x1x16x1280xf32, #tpu.memory_space<hbm>>
    %dma_start3A_265 = tpu.memref_squeeze %dma_start3A_264 : memref<1x1x16x1280xf32, #tpu.memory_space<hbm>> -> memref<16x1280xf32, #tpu.memory_space<hbm>>
    tpu.enqueue_dma source(%dma_start3A_265 : memref<16x1280xf32, #tpu.memory_space<hbm>>) target(%arg10 : memref<16x1280xf32, #tpu.memory_space<vmem>>) target_semaphore(%dma_start3A_261 : memref<!tpu.dma_semaphore, #tpu.memory_space<semaphore_mem>>)
    %dma_wait3A_266 = arith.constant 1 : i32
    %dma_wait3A_267 = arith.constant 976 : i32
    %dma_wait3A_268 = arith.constant 0 : i32
    %dma_wait3A_269 = tpu.memref_slice %arg2[%select_n3A, %select_n3A_30, %dma_wait3A_267, %dma_wait3A_268] : memref<8x4x1025x1280xf32, #tpu.memory_space<hbm>> -> memref<1x1x16x1280xf32, #tpu.memory_space<hbm>>
    %dma_wait3A_270 = tpu.memref_squeeze %dma_wait3A_269 : memref<1x1x16x1280xf32, #tpu.memory_space<hbm>> -> memref<16x1280xf32, #tpu.memory_space<hbm>>
    %dma_wait3A_271 = tpu.memref_slice %arg16[%dma_wait3A_266] : memref<3x!tpu.dma_semaphore, #tpu.memory_space<semaphore_mem>> -> memref<1x!tpu.dma_semaphore, #tpu.memory_space<semaphore_mem>>
    %dma_wait3A_272 = tpu.memref_squeeze %dma_wait3A_271 : memref<1x!tpu.dma_semaphore, #tpu.memory_space<semaphore_mem>> -> memref<!tpu.dma_semaphore, #tpu.memory_space<semaphore_mem>>
    %dma_wait3A_273 = arith.constant 976 : i32
    %dma_wait3A_274 = arith.constant 0 : i32
    %dma_wait3A_275 = tpu.memref_slice %arg2[%select_n3A, %select_n3A_30, %dma_wait3A_273, %dma_wait3A_274] : memref<8x4x1025x1280xf32, #tpu.memory_space<hbm>> -> memref<1x1x16x1280xf32, #tpu.memory_space<hbm>>
    %dma_wait3A_276 = tpu.memref_squeeze %dma_wait3A_275 : memref<1x1x16x1280xf32, #tpu.memory_space<hbm>> -> memref<16x1280xf32, #tpu.memory_space<hbm>>
    tpu.wait_dma2 semaphore(%dma_wait3A_272 : memref<!tpu.dma_semaphore, #tpu.memory_space<semaphore_mem>>) src(%dma_wait3A_276 : memref<16x1280xf32, #tpu.memory_space<hbm>>) dst(%arg11 : memref<16x1280xf32, #tpu.memory_space<vmem>>)
    %dma_wait3A_277 = arith.constant 1 : i32
    %dma_wait3A_278 = arith.constant 928 : i32
    %dma_wait3A_279 = arith.constant 0 : i32
    %dma_wait3A_280 = tpu.memref_slice %arg6[%select_n3A, %select_n3A_30, %dma_wait3A_278, %dma_wait3A_279] : memref<8x4x1025x1280xf32, #tpu.memory_space<hbm>> -> memref<1x1x16x1280xf32, #tpu.memory_space<hbm>>
    %dma_wait3A_281 = tpu.memref_squeeze %dma_wait3A_280 : memref<1x1x16x1280xf32, #tpu.memory_space<hbm>> -> memref<16x1280xf32, #tpu.memory_space<hbm>>
    %dma_wait3A_282 = tpu.memref_slice %arg17[%dma_wait3A_277] : memref<3x!tpu.dma_semaphore, #tpu.memory_space<semaphore_mem>> -> memref<1x!tpu.dma_semaphore, #tpu.memory_space<semaphore_mem>>
    %dma_wait3A_283 = tpu.memref_squeeze %dma_wait3A_282 : memref<1x!tpu.dma_semaphore, #tpu.memory_space<semaphore_mem>> -> memref<!tpu.dma_semaphore, #tpu.memory_space<semaphore_mem>>
    %dma_wait3A_284 = arith.constant 928 : i32
    %dma_wait3A_285 = arith.constant 0 : i32
    %dma_wait3A_286 = tpu.memref_slice %arg6[%select_n3A, %select_n3A_30, %dma_wait3A_284, %dma_wait3A_285] : memref<8x4x1025x1280xf32, #tpu.memory_space<hbm>> -> memref<1x1x16x1280xf32, #tpu.memory_space<hbm>>
    %dma_wait3A_287 = tpu.memref_squeeze %dma_wait3A_286 : memref<1x1x16x1280xf32, #tpu.memory_space<hbm>> -> memref<16x1280xf32, #tpu.memory_space<hbm>>
    tpu.wait_dma2 semaphore(%dma_wait3A_283 : memref<!tpu.dma_semaphore, #tpu.memory_space<semaphore_mem>>) src(%arg14 : memref<16x1280xf32, #tpu.memory_space<vmem>>) dst(%dma_wait3A_287 : memref<16x1280xf32, #tpu.memory_space<hbm>>)
    %scan3A_288 = arith.constant 0 : i32
    %scan3A_289 = arith.constant 0 : i32
    %scan3A_290 = arith.constant 80 : i32
    %scan3A_291 = arith.addi %scan3A_289, %scan3A_290 : i32
    %scan3A_292 = arith.constant 1 : i32
    scf.for %scan3A_422 = %scan3A_289 to %scan3A_291 step %scan3A_292  : i32 {
      %mul3A_423 = arith.constant 16 : i32
      %mul3A_424 = arith.muli %scan3A_422, %mul3A_423 : i32
      %get3A_425 = arith.constant 0 : i32
      %get3A_426 = arith.index_cast %get3A_425 : i32 to index
      %get3A_427 = arith.index_cast %mul3A_424 : i32 to index
      %get3A_428 = tpu.vector_load %arg9[%get3A_426, %get3A_427] {strides = array<i32>} : memref<1x1280xf32, #tpu.memory_space<vmem>>, vector<1x16xf32>,
      %get3A_429 = vector.shape_cast %get3A_428 : vector<1x16xf32> to vector<16xf32>
      %get3A_430 = arith.constant 0 : i32
      %get3A_431 = arith.index_cast %get3A_430 : i32 to index
      %get3A_432 = arith.index_cast %mul3A_424 : i32 to index
      %get3A_433 = tpu.vector_load %arg11[%get3A_431, %get3A_432] {strides = array<i32>} : memref<16x1280xf32, #tpu.memory_space<vmem>>, vector<1x16xf32>,
      %get3A_434 = vector.shape_cast %get3A_433 : vector<1x16xf32> to vector<16xf32>
      %add3A_435 = arith.addf %get3A_434, %get3A_429 : vector<16xf32>
      %swap3A = arith.constant 0 : i32
      %swap3A_436 = arith.index_cast %swap3A : i32 to index
      %swap3A_437 = arith.index_cast %mul3A_424 : i32 to index
      %swap3A_438 = tpu.vector_load %arg14[%swap3A_436, %swap3A_437] {strides = array<i32>} : memref<16x1280xf32, #tpu.memory_space<vmem>>, vector<1x16xf32>,
      %swap3A_439 = vector.shape_cast %swap3A_438 : vector<1x16xf32> to vector<16xf32>
      %swap3A_440 = vector.shape_cast %add3A_435 : vector<16xf32> to vector<1x16xf32>
      tpu.vector_store %arg14[%swap3A_436, %swap3A_437], %swap3A_440 {strides = array<i32>} : memref<16x1280xf32, #tpu.memory_space<vmem>>, vector<1x16xf32>,
      %get3A_441 = arith.constant 1 : i32
      %get3A_442 = arith.index_cast %get3A_441 : i32 to index
      %get3A_443 = arith.index_cast %mul3A_424 : i32 to index
      %get3A_444 = tpu.vector_load %arg11[%get3A_442, %get3A_443] {strides = array<i32>} : memref<16x1280xf32, #tpu.memory_space<vmem>>, vector<1x16xf32>,
      %get3A_445 = vector.shape_cast %get3A_444 : vector<1x16xf32> to vector<16xf32>
      %add3A_446 = arith.addf %get3A_445, %get3A_429 : vector<16xf32>
      %swap3A_447 = arith.constant 1 : i32
      %swap3A_448 = arith.index_cast %swap3A_447 : i32 to index
      %swap3A_449 = arith.index_cast %mul3A_424 : i32 to index
      %swap3A_450 = tpu.vector_load %arg14[%swap3A_448, %swap3A_449] {strides = array<i32>} : memref<16x1280xf32, #tpu.memory_space<vmem>>, vector<1x16xf32>,
      %swap3A_451 = vector.shape_cast %swap3A_450 : vector<1x16xf32> to vector<16xf32>
      %swap3A_452 = vector.shape_cast %add3A_446 : vector<16xf32> to vector<1x16xf32>
      tpu.vector_store %arg14[%swap3A_448, %swap3A_449], %swap3A_452 {strides = array<i32>} : memref<16x1280xf32, #tpu.memory_space<vmem>>, vector<1x16xf32>,
      %get3A_453 = arith.constant 2 : i32
      %get3A_454 = arith.index_cast %get3A_453 : i32 to index
      %get3A_455 = arith.index_cast %mul3A_424 : i32 to index
      %get3A_456 = tpu.vector_load %arg11[%get3A_454, %get3A_455] {strides = array<i32>} : memref<16x1280xf32, #tpu.memory_space<vmem>>, vector<1x16xf32>,
      %get3A_457 = vector.shape_cast %get3A_456 : vector<1x16xf32> to vector<16xf32>
      %add3A_458 = arith.addf %get3A_457, %get3A_429 : vector<16xf32>
      %swap3A_459 = arith.constant 2 : i32
      %swap3A_460 = arith.index_cast %swap3A_459 : i32 to index
      %swap3A_461 = arith.index_cast %mul3A_424 : i32 to index
      %swap3A_462 = tpu.vector_load %arg14[%swap3A_460, %swap3A_461] {strides = array<i32>} : memref<16x1280xf32, #tpu.memory_space<vmem>>, vector<1x16xf32>,
      %swap3A_463 = vector.shape_cast %swap3A_462 : vector<1x16xf32> to vector<16xf32>
      %swap3A_464 = vector.shape_cast %add3A_458 : vector<16xf32> to vector<1x16xf32>
      tpu.vector_store %arg14[%swap3A_460, %swap3A_461], %swap3A_464 {strides = array<i32>} : memref<16x1280xf32, #tpu.memory_space<vmem>>, vector<1x16xf32>,
      %get3A_465 = arith.constant 3 : i32
      %get3A_466 = arith.index_cast %get3A_465 : i32 to index
      %get3A_467 = arith.index_cast %mul3A_424 : i32 to index
      %get3A_468 = tpu.vector_load %arg11[%get3A_466, %get3A_467] {strides = array<i32>} : memref<16x1280xf32, #tpu.memory_space<vmem>>, vector<1x16xf32>,
      %get3A_469 = vector.shape_cast %get3A_468 : vector<1x16xf32> to vector<16xf32>
      %add3A_470 = arith.addf %get3A_469, %get3A_429 : vector<16xf32>
      %swap3A_471 = arith.constant 3 : i32
      %swap3A_472 = arith.index_cast %swap3A_471 : i32 to index
      %swap3A_473 = arith.index_cast %mul3A_424 : i32 to index
      %swap3A_474 = tpu.vector_load %arg14[%swap3A_472, %swap3A_473] {strides = array<i32>} : memref<16x1280xf32, #tpu.memory_space<vmem>>, vector<1x16xf32>,
      %swap3A_475 = vector.shape_cast %swap3A_474 : vector<1x16xf32> to vector<16xf32>
      %swap3A_476 = vector.shape_cast %add3A_470 : vector<16xf32> to vector<1x16xf32>
      tpu.vector_store %arg14[%swap3A_472, %swap3A_473], %swap3A_476 {strides = array<i32>} : memref<16x1280xf32, #tpu.memory_space<vmem>>, vector<1x16xf32>,
      %get3A_477 = arith.constant 4 : i32
      %get3A_478 = arith.index_cast %get3A_477 : i32 to index
      %get3A_479 = arith.index_cast %mul3A_424 : i32 to index
      %get3A_480 = tpu.vector_load %arg11[%get3A_478, %get3A_479] {strides = array<i32>} : memref<16x1280xf32, #tpu.memory_space<vmem>>, vector<1x16xf32>,
      %get3A_481 = vector.shape_cast %get3A_480 : vector<1x16xf32> to vector<16xf32>
      %add3A_482 = arith.addf %get3A_481, %get3A_429 : vector<16xf32>
      %swap3A_483 = arith.constant 4 : i32
      %swap3A_484 = arith.index_cast %swap3A_483 : i32 to index
      %swap3A_485 = arith.index_cast %mul3A_424 : i32 to index
      %swap3A_486 = tpu.vector_load %arg14[%swap3A_484, %swap3A_485] {strides = array<i32>} : memref<16x1280xf32, #tpu.memory_space<vmem>>, vector<1x16xf32>,
      %swap3A_487 = vector.shape_cast %swap3A_486 : vector<1x16xf32> to vector<16xf32>
      %swap3A_488 = vector.shape_cast %add3A_482 : vector<16xf32> to vector<1x16xf32>
      tpu.vector_store %arg14[%swap3A_484, %swap3A_485], %swap3A_488 {strides = array<i32>} : memref<16x1280xf32, #tpu.memory_space<vmem>>, vector<1x16xf32>,
      %get3A_489 = arith.constant 5 : i32
      %get3A_490 = arith.index_cast %get3A_489 : i32 to index
      %get3A_491 = arith.index_cast %mul3A_424 : i32 to index
      %get3A_492 = tpu.vector_load %arg11[%get3A_490, %get3A_491] {strides = array<i32>} : memref<16x1280xf32, #tpu.memory_space<vmem>>, vector<1x16xf32>,
      %get3A_493 = vector.shape_cast %get3A_492 : vector<1x16xf32> to vector<16xf32>
      %add3A_494 = arith.addf %get3A_493, %get3A_429 : vector<16xf32>
      %swap3A_495 = arith.constant 5 : i32
      %swap3A_496 = arith.index_cast %swap3A_495 : i32 to index
      %swap3A_497 = arith.index_cast %mul3A_424 : i32 to index
      %swap3A_498 = tpu.vector_load %arg14[%swap3A_496, %swap3A_497] {strides = array<i32>} : memref<16x1280xf32, #tpu.memory_space<vmem>>, vector<1x16xf32>,
      %swap3A_499 = vector.shape_cast %swap3A_498 : vector<1x16xf32> to vector<16xf32>
      %swap3A_500 = vector.shape_cast %add3A_494 : vector<16xf32> to vector<1x16xf32>
      tpu.vector_store %arg14[%swap3A_496, %swap3A_497], %swap3A_500 {strides = array<i32>} : memref<16x1280xf32, #tpu.memory_space<vmem>>, vector<1x16xf32>,
      %get3A_501 = arith.constant 6 : i32
      %get3A_502 = arith.index_cast %get3A_501 : i32 to index
      %get3A_503 = arith.index_cast %mul3A_424 : i32 to index
      %get3A_504 = tpu.vector_load %arg11[%get3A_502, %get3A_503] {strides = array<i32>} : memref<16x1280xf32, #tpu.memory_space<vmem>>, vector<1x16xf32>,
      %get3A_505 = vector.shape_cast %get3A_504 : vector<1x16xf32> to vector<16xf32>
      %add3A_506 = arith.addf %get3A_505, %get3A_429 : vector<16xf32>
      %swap3A_507 = arith.constant 6 : i32
      %swap3A_508 = arith.index_cast %swap3A_507 : i32 to index
      %swap3A_509 = arith.index_cast %mul3A_424 : i32 to index
      %swap3A_510 = tpu.vector_load %arg14[%swap3A_508, %swap3A_509] {strides = array<i32>} : memref<16x1280xf32, #tpu.memory_space<vmem>>, vector<1x16xf32>,
      %swap3A_511 = vector.shape_cast %swap3A_510 : vector<1x16xf32> to vector<16xf32>
      %swap3A_512 = vector.shape_cast %add3A_506 : vector<16xf32> to vector<1x16xf32>
      tpu.vector_store %arg14[%swap3A_508, %swap3A_509], %swap3A_512 {strides = array<i32>} : memref<16x1280xf32, #tpu.memory_space<vmem>>, vector<1x16xf32>,
      %get3A_513 = arith.constant 7 : i32
      %get3A_514 = arith.index_cast %get3A_513 : i32 to index
      %get3A_515 = arith.index_cast %mul3A_424 : i32 to index
      %get3A_516 = tpu.vector_load %arg11[%get3A_514, %get3A_515] {strides = array<i32>} : memref<16x1280xf32, #tpu.memory_space<vmem>>, vector<1x16xf32>,
      %get3A_517 = vector.shape_cast %get3A_516 : vector<1x16xf32> to vector<16xf32>
      %add3A_518 = arith.addf %get3A_517, %get3A_429 : vector<16xf32>
      %swap3A_519 = arith.constant 7 : i32
      %swap3A_520 = arith.index_cast %swap3A_519 : i32 to index
      %swap3A_521 = arith.index_cast %mul3A_424 : i32 to index
      %swap3A_522 = tpu.vector_load %arg14[%swap3A_520, %swap3A_521] {strides = array<i32>} : memref<16x1280xf32, #tpu.memory_space<vmem>>, vector<1x16xf32>,
      %swap3A_523 = vector.shape_cast %swap3A_522 : vector<1x16xf32> to vector<16xf32>
      %swap3A_524 = vector.shape_cast %add3A_518 : vector<16xf32> to vector<1x16xf32>
      tpu.vector_store %arg14[%swap3A_520, %swap3A_521], %swap3A_524 {strides = array<i32>} : memref<16x1280xf32, #tpu.memory_space<vmem>>, vector<1x16xf32>,
      %get3A_525 = arith.constant 8 : i32
      %get3A_526 = arith.index_cast %get3A_525 : i32 to index
      %get3A_527 = arith.index_cast %mul3A_424 : i32 to index
      %get3A_528 = tpu.vector_load %arg11[%get3A_526, %get3A_527] {strides = array<i32>} : memref<16x1280xf32, #tpu.memory_space<vmem>>, vector<1x16xf32>,
      %get3A_529 = vector.shape_cast %get3A_528 : vector<1x16xf32> to vector<16xf32>
      %add3A_530 = arith.addf %get3A_529, %get3A_429 : vector<16xf32>
      %swap3A_531 = arith.constant 8 : i32
      %swap3A_532 = arith.index_cast %swap3A_531 : i32 to index
      %swap3A_533 = arith.index_cast %mul3A_424 : i32 to index
      %swap3A_534 = tpu.vector_load %arg14[%swap3A_532, %swap3A_533] {strides = array<i32>} : memref<16x1280xf32, #tpu.memory_space<vmem>>, vector<1x16xf32>,
      %swap3A_535 = vector.shape_cast %swap3A_534 : vector<1x16xf32> to vector<16xf32>
      %swap3A_536 = vector.shape_cast %add3A_530 : vector<16xf32> to vector<1x16xf32>
      tpu.vector_store %arg14[%swap3A_532, %swap3A_533], %swap3A_536 {strides = array<i32>} : memref<16x1280xf32, #tpu.memory_space<vmem>>, vector<1x16xf32>,
      %get3A_537 = arith.constant 9 : i32
      %get3A_538 = arith.index_cast %get3A_537 : i32 to index
      %get3A_539 = arith.index_cast %mul3A_424 : i32 to index
      %get3A_540 = tpu.vector_load %arg11[%get3A_538, %get3A_539] {strides = array<i32>} : memref<16x1280xf32, #tpu.memory_space<vmem>>, vector<1x16xf32>,
      %get3A_541 = vector.shape_cast %get3A_540 : vector<1x16xf32> to vector<16xf32>
      %add3A_542 = arith.addf %get3A_541, %get3A_429 : vector<16xf32>
      %swap3A_543 = arith.constant 9 : i32
      %swap3A_544 = arith.index_cast %swap3A_543 : i32 to index
      %swap3A_545 = arith.index_cast %mul3A_424 : i32 to index
      %swap3A_546 = tpu.vector_load %arg14[%swap3A_544, %swap3A_545] {strides = array<i32>} : memref<16x1280xf32, #tpu.memory_space<vmem>>, vector<1x16xf32>,
      %swap3A_547 = vector.shape_cast %swap3A_546 : vector<1x16xf32> to vector<16xf32>
      %swap3A_548 = vector.shape_cast %add3A_542 : vector<16xf32> to vector<1x16xf32>
      tpu.vector_store %arg14[%swap3A_544, %swap3A_545], %swap3A_548 {strides = array<i32>} : memref<16x1280xf32, #tpu.memory_space<vmem>>, vector<1x16xf32>,
      %get3A_549 = arith.constant 10 : i32
      %get3A_550 = arith.index_cast %get3A_549 : i32 to index
      %get3A_551 = arith.index_cast %mul3A_424 : i32 to index
      %get3A_552 = tpu.vector_load %arg11[%get3A_550, %get3A_551] {strides = array<i32>} : memref<16x1280xf32, #tpu.memory_space<vmem>>, vector<1x16xf32>,
      %get3A_553 = vector.shape_cast %get3A_552 : vector<1x16xf32> to vector<16xf32>
      %add3A_554 = arith.addf %get3A_553, %get3A_429 : vector<16xf32>
      %swap3A_555 = arith.constant 10 : i32
      %swap3A_556 = arith.index_cast %swap3A_555 : i32 to index
      %swap3A_557 = arith.index_cast %mul3A_424 : i32 to index
      %swap3A_558 = tpu.vector_load %arg14[%swap3A_556, %swap3A_557] {strides = array<i32>} : memref<16x1280xf32, #tpu.memory_space<vmem>>, vector<1x16xf32>,
      %swap3A_559 = vector.shape_cast %swap3A_558 : vector<1x16xf32> to vector<16xf32>
      %swap3A_560 = vector.shape_cast %add3A_554 : vector<16xf32> to vector<1x16xf32>
      tpu.vector_store %arg14[%swap3A_556, %swap3A_557], %swap3A_560 {strides = array<i32>} : memref<16x1280xf32, #tpu.memory_space<vmem>>, vector<1x16xf32>,
      %get3A_561 = arith.constant 11 : i32
      %get3A_562 = arith.index_cast %get3A_561 : i32 to index
      %get3A_563 = arith.index_cast %mul3A_424 : i32 to index
      %get3A_564 = tpu.vector_load %arg11[%get3A_562, %get3A_563] {strides = array<i32>} : memref<16x1280xf32, #tpu.memory_space<vmem>>, vector<1x16xf32>,
      %get3A_565 = vector.shape_cast %get3A_564 : vector<1x16xf32> to vector<16xf32>
      %add3A_566 = arith.addf %get3A_565, %get3A_429 : vector<16xf32>
      %swap3A_567 = arith.constant 11 : i32
      %swap3A_568 = arith.index_cast %swap3A_567 : i32 to index
      %swap3A_569 = arith.index_cast %mul3A_424 : i32 to index
      %swap3A_570 = tpu.vector_load %arg14[%swap3A_568, %swap3A_569] {strides = array<i32>} : memref<16x1280xf32, #tpu.memory_space<vmem>>, vector<1x16xf32>,
      %swap3A_571 = vector.shape_cast %swap3A_570 : vector<1x16xf32> to vector<16xf32>
      %swap3A_572 = vector.shape_cast %add3A_566 : vector<16xf32> to vector<1x16xf32>
      tpu.vector_store %arg14[%swap3A_568, %swap3A_569], %swap3A_572 {strides = array<i32>} : memref<16x1280xf32, #tpu.memory_space<vmem>>, vector<1x16xf32>,
      %get3A_573 = arith.constant 12 : i32
      %get3A_574 = arith.index_cast %get3A_573 : i32 to index
      %get3A_575 = arith.index_cast %mul3A_424 : i32 to index
      %get3A_576 = tpu.vector_load %arg11[%get3A_574, %get3A_575] {strides = array<i32>} : memref<16x1280xf32, #tpu.memory_space<vmem>>, vector<1x16xf32>,
      %get3A_577 = vector.shape_cast %get3A_576 : vector<1x16xf32> to vector<16xf32>
      %add3A_578 = arith.addf %get3A_577, %get3A_429 : vector<16xf32>
      %swap3A_579 = arith.constant 12 : i32
      %swap3A_580 = arith.index_cast %swap3A_579 : i32 to index
      %swap3A_581 = arith.index_cast %mul3A_424 : i32 to index
      %swap3A_582 = tpu.vector_load %arg14[%swap3A_580, %swap3A_581] {strides = array<i32>} : memref<16x1280xf32, #tpu.memory_space<vmem>>, vector<1x16xf32>,
      %swap3A_583 = vector.shape_cast %swap3A_582 : vector<1x16xf32> to vector<16xf32>
      %swap3A_584 = vector.shape_cast %add3A_578 : vector<16xf32> to vector<1x16xf32>
      tpu.vector_store %arg14[%swap3A_580, %swap3A_581], %swap3A_584 {strides = array<i32>} : memref<16x1280xf32, #tpu.memory_space<vmem>>, vector<1x16xf32>,
      %get3A_585 = arith.constant 13 : i32
      %get3A_586 = arith.index_cast %get3A_585 : i32 to index
      %get3A_587 = arith.index_cast %mul3A_424 : i32 to index
      %get3A_588 = tpu.vector_load %arg11[%get3A_586, %get3A_587] {strides = array<i32>} : memref<16x1280xf32, #tpu.memory_space<vmem>>, vector<1x16xf32>,
      %get3A_589 = vector.shape_cast %get3A_588 : vector<1x16xf32> to vector<16xf32>
      %add3A_590 = arith.addf %get3A_589, %get3A_429 : vector<16xf32>
      %swap3A_591 = arith.constant 13 : i32
      %swap3A_592 = arith.index_cast %swap3A_591 : i32 to index
      %swap3A_593 = arith.index_cast %mul3A_424 : i32 to index
      %swap3A_594 = tpu.vector_load %arg14[%swap3A_592, %swap3A_593] {strides = array<i32>} : memref<16x1280xf32, #tpu.memory_space<vmem>>, vector<1x16xf32>,
      %swap3A_595 = vector.shape_cast %swap3A_594 : vector<1x16xf32> to vector<16xf32>
      %swap3A_596 = vector.shape_cast %add3A_590 : vector<16xf32> to vector<1x16xf32>
      tpu.vector_store %arg14[%swap3A_592, %swap3A_593], %swap3A_596 {strides = array<i32>} : memref<16x1280xf32, #tpu.memory_space<vmem>>, vector<1x16xf32>,
      %get3A_597 = arith.constant 14 : i32
      %get3A_598 = arith.index_cast %get3A_597 : i32 to index
      %get3A_599 = arith.index_cast %mul3A_424 : i32 to index
      %get3A_600 = tpu.vector_load %arg11[%get3A_598, %get3A_599] {strides = array<i32>} : memref<16x1280xf32, #tpu.memory_space<vmem>>, vector<1x16xf32>,
      %get3A_601 = vector.shape_cast %get3A_600 : vector<1x16xf32> to vector<16xf32>
      %add3A_602 = arith.addf %get3A_601, %get3A_429 : vector<16xf32>
      %swap3A_603 = arith.constant 14 : i32
      %swap3A_604 = arith.index_cast %swap3A_603 : i32 to index
      %swap3A_605 = arith.index_cast %mul3A_424 : i32 to index
      %swap3A_606 = tpu.vector_load %arg14[%swap3A_604, %swap3A_605] {strides = array<i32>} : memref<16x1280xf32, #tpu.memory_space<vmem>>, vector<1x16xf32>,
      %swap3A_607 = vector.shape_cast %swap3A_606 : vector<1x16xf32> to vector<16xf32>
      %swap3A_608 = vector.shape_cast %add3A_602 : vector<16xf32> to vector<1x16xf32>
      tpu.vector_store %arg14[%swap3A_604, %swap3A_605], %swap3A_608 {strides = array<i32>} : memref<16x1280xf32, #tpu.memory_space<vmem>>, vector<1x16xf32>,
      %get3A_609 = arith.constant 15 : i32
      %get3A_610 = arith.index_cast %get3A_609 : i32 to index
      %get3A_611 = arith.index_cast %mul3A_424 : i32 to index
      %get3A_612 = tpu.vector_load %arg11[%get3A_610, %get3A_611] {strides = array<i32>} : memref<16x1280xf32, #tpu.memory_space<vmem>>, vector<1x16xf32>,
      %get3A_613 = vector.shape_cast %get3A_612 : vector<1x16xf32> to vector<16xf32>
      %add3A_614 = arith.addf %get3A_613, %get3A_429 : vector<16xf32>
      %swap3A_615 = arith.constant 15 : i32
      %swap3A_616 = arith.index_cast %swap3A_615 : i32 to index
      %swap3A_617 = arith.index_cast %mul3A_424 : i32 to index
      %swap3A_618 = tpu.vector_load %arg14[%swap3A_616, %swap3A_617] {strides = array<i32>} : memref<16x1280xf32, #tpu.memory_space<vmem>>, vector<1x16xf32>,
      %swap3A_619 = vector.shape_cast %swap3A_618 : vector<1x16xf32> to vector<16xf32>
      %swap3A_620 = vector.shape_cast %add3A_614 : vector<16xf32> to vector<1x16xf32>
      tpu.vector_store %arg14[%swap3A_616, %swap3A_617], %swap3A_620 {strides = array<i32>} : memref<16x1280xf32, #tpu.memory_space<vmem>>, vector<1x16xf32>,
    }
    %scan3A_293 = arith.constant 80 : i32
    %dma_start3A_294 = arith.constant 1 : i32
    %dma_start3A_295 = arith.constant 976 : i32
    %dma_start3A_296 = arith.constant 0 : i32
    %dma_start3A_297 = tpu.memref_slice %arg6[%select_n3A, %select_n3A_30, %dma_start3A_295, %dma_start3A_296] : memref<8x4x1025x1280xf32, #tpu.memory_space<hbm>> -> memref<1x1x16x1280xf32, #tpu.memory_space<hbm>>
    %dma_start3A_298 = tpu.memref_squeeze %dma_start3A_297 : memref<1x1x16x1280xf32, #tpu.memory_space<hbm>> -> memref<16x1280xf32, #tpu.memory_space<hbm>>
    %dma_start3A_299 = tpu.memref_slice %arg17[%dma_start3A_294] : memref<3x!tpu.dma_semaphore, #tpu.memory_space<semaphore_mem>> -> memref<1x!tpu.dma_semaphore, #tpu.memory_space<semaphore_mem>>
    %dma_start3A_300 = tpu.memref_squeeze %dma_start3A_299 : memref<1x!tpu.dma_semaphore, #tpu.memory_space<semaphore_mem>> -> memref<!tpu.dma_semaphore, #tpu.memory_space<semaphore_mem>>
    %dma_start3A_301 = arith.constant 976 : i32
    %dma_start3A_302 = arith.constant 0 : i32
    %dma_start3A_303 = tpu.memref_slice %arg6[%select_n3A, %select_n3A_30, %dma_start3A_301, %dma_start3A_302] : memref<8x4x1025x1280xf32, #tpu.memory_space<hbm>> -> memref<1x1x16x1280xf32, #tpu.memory_space<hbm>>
    %dma_start3A_304 = tpu.memref_squeeze %dma_start3A_303 : memref<1x1x16x1280xf32, #tpu.memory_space<hbm>> -> memref<16x1280xf32, #tpu.memory_space<hbm>>
    tpu.enqueue_dma source(%arg14 : memref<16x1280xf32, #tpu.memory_space<vmem>>) target(%dma_start3A_304 : memref<16x1280xf32, #tpu.memory_space<hbm>>) target_semaphore(%dma_start3A_300 : memref<!tpu.dma_semaphore, #tpu.memory_space<semaphore_mem>>)
    %dma_wait3A_305 = arith.constant 2 : i32
    %dma_wait3A_306 = arith.constant 992 : i32
    %dma_wait3A_307 = arith.constant 0 : i32
    %dma_wait3A_308 = tpu.memref_slice %arg2[%select_n3A, %select_n3A_30, %dma_wait3A_306, %dma_wait3A_307] : memref<8x4x1025x1280xf32, #tpu.memory_space<hbm>> -> memref<1x1x16x1280xf32, #tpu.memory_space<hbm>>
    %dma_wait3A_309 = tpu.memref_squeeze %dma_wait3A_308 : memref<1x1x16x1280xf32, #tpu.memory_space<hbm>> -> memref<16x1280xf32, #tpu.memory_space<hbm>>
    %dma_wait3A_310 = tpu.memref_slice %arg16[%dma_wait3A_305] : memref<3x!tpu.dma_semaphore, #tpu.memory_space<semaphore_mem>> -> memref<1x!tpu.dma_semaphore, #tpu.memory_space<semaphore_mem>>
    %dma_wait3A_311 = tpu.memref_squeeze %dma_wait3A_310 : memref<1x!tpu.dma_semaphore, #tpu.memory_space<semaphore_mem>> -> memref<!tpu.dma_semaphore, #tpu.memory_space<semaphore_mem>>
    %dma_wait3A_312 = arith.constant 992 : i32
    %dma_wait3A_313 = arith.constant 0 : i32
    %dma_wait3A_314 = tpu.memref_slice %arg2[%select_n3A, %select_n3A_30, %dma_wait3A_312, %dma_wait3A_313] : memref<8x4x1025x1280xf32, #tpu.memory_space<hbm>> -> memref<1x1x16x1280xf32, #tpu.memory_space<hbm>>
    %dma_wait3A_315 = tpu.memref_squeeze %dma_wait3A_314 : memref<1x1x16x1280xf32, #tpu.memory_space<hbm>> -> memref<16x1280xf32, #tpu.memory_space<hbm>>
    tpu.wait_dma2 semaphore(%dma_wait3A_311 : memref<!tpu.dma_semaphore, #tpu.memory_space<semaphore_mem>>) src(%dma_wait3A_315 : memref<16x1280xf32, #tpu.memory_space<hbm>>) dst(%arg12 : memref<16x1280xf32, #tpu.memory_space<vmem>>)
    %dma_wait3A_316 = arith.constant 2 : i32
    %dma_wait3A_317 = arith.constant 944 : i32
    %dma_wait3A_318 = arith.constant 0 : i32
    %dma_wait3A_319 = tpu.memref_slice %arg6[%select_n3A, %select_n3A_30, %dma_wait3A_317, %dma_wait3A_318] : memref<8x4x1025x1280xf32, #tpu.memory_space<hbm>> -> memref<1x1x16x1280xf32, #tpu.memory_space<hbm>>
    %dma_wait3A_320 = tpu.memref_squeeze %dma_wait3A_319 : memref<1x1x16x1280xf32, #tpu.memory_space<hbm>> -> memref<16x1280xf32, #tpu.memory_space<hbm>>
    %dma_wait3A_321 = tpu.memref_slice %arg17[%dma_wait3A_316] : memref<3x!tpu.dma_semaphore, #tpu.memory_space<semaphore_mem>> -> memref<1x!tpu.dma_semaphore, #tpu.memory_space<semaphore_mem>>
    %dma_wait3A_322 = tpu.memref_squeeze %dma_wait3A_321 : memref<1x!tpu.dma_semaphore, #tpu.memory_space<semaphore_mem>> -> memref<!tpu.dma_semaphore, #tpu.memory_space<semaphore_mem>>
    %dma_wait3A_323 = arith.constant 944 : i32
    %dma_wait3A_324 = arith.constant 0 : i32
    %dma_wait3A_325 = tpu.memref_slice %arg6[%select_n3A, %select_n3A_30, %dma_wait3A_323, %dma_wait3A_324] : memref<8x4x1025x1280xf32, #tpu.memory_space<hbm>> -> memref<1x1x16x1280xf32, #tpu.memory_space<hbm>>
    %dma_wait3A_326 = tpu.memref_squeeze %dma_wait3A_325 : memref<1x1x16x1280xf32, #tpu.memory_space<hbm>> -> memref<16x1280xf32, #tpu.memory_space<hbm>>
    tpu.wait_dma2 semaphore(%dma_wait3A_322 : memref<!tpu.dma_semaphore, #tpu.memory_space<semaphore_mem>>) src(%arg15 : memref<16x1280xf32, #tpu.memory_space<vmem>>) dst(%dma_wait3A_326 : memref<16x1280xf32, #tpu.memory_space<hbm>>)
    %scan3A_327 = arith.constant 0 : i32
    %scan3A_328 = arith.constant 0 : i32
    %scan3A_329 = arith.constant 80 : i32
    %scan3A_330 = arith.addi %scan3A_328, %scan3A_329 : i32
    %scan3A_331 = arith.constant 1 : i32
    scf.for %scan3A_422 = %scan3A_328 to %scan3A_330 step %scan3A_331  : i32 {
      %mul3A_423 = arith.constant 16 : i32
      %mul3A_424 = arith.muli %scan3A_422, %mul3A_423 : i32
      %get3A_425 = arith.constant 0 : i32
      %get3A_426 = arith.index_cast %get3A_425 : i32 to index
      %get3A_427 = arith.index_cast %mul3A_424 : i32 to index
      %get3A_428 = tpu.vector_load %arg9[%get3A_426, %get3A_427] {strides = array<i32>} : memref<1x1280xf32, #tpu.memory_space<vmem>>, vector<1x16xf32>,
      %get3A_429 = vector.shape_cast %get3A_428 : vector<1x16xf32> to vector<16xf32>
      %get3A_430 = arith.constant 0 : i32
      %get3A_431 = arith.index_cast %get3A_430 : i32 to index
      %get3A_432 = arith.index_cast %mul3A_424 : i32 to index
      %get3A_433 = tpu.vector_load %arg12[%get3A_431, %get3A_432] {strides = array<i32>} : memref<16x1280xf32, #tpu.memory_space<vmem>>, vector<1x16xf32>,
      %get3A_434 = vector.shape_cast %get3A_433 : vector<1x16xf32> to vector<16xf32>
      %add3A_435 = arith.addf %get3A_434, %get3A_429 : vector<16xf32>
      %swap3A = arith.constant 0 : i32
      %swap3A_436 = arith.index_cast %swap3A : i32 to index
      %swap3A_437 = arith.index_cast %mul3A_424 : i32 to index
      %swap3A_438 = tpu.vector_load %arg15[%swap3A_436, %swap3A_437] {strides = array<i32>} : memref<16x1280xf32, #tpu.memory_space<vmem>>, vector<1x16xf32>,
      %swap3A_439 = vector.shape_cast %swap3A_438 : vector<1x16xf32> to vector<16xf32>
      %swap3A_440 = vector.shape_cast %add3A_435 : vector<16xf32> to vector<1x16xf32>
      tpu.vector_store %arg15[%swap3A_436, %swap3A_437], %swap3A_440 {strides = array<i32>} : memref<16x1280xf32, #tpu.memory_space<vmem>>, vector<1x16xf32>,
      %get3A_441 = arith.constant 1 : i32
      %get3A_442 = arith.index_cast %get3A_441 : i32 to index
      %get3A_443 = arith.index_cast %mul3A_424 : i32 to index
      %get3A_444 = tpu.vector_load %arg12[%get3A_442, %get3A_443] {strides = array<i32>} : memref<16x1280xf32, #tpu.memory_space<vmem>>, vector<1x16xf32>,
      %get3A_445 = vector.shape_cast %get3A_444 : vector<1x16xf32> to vector<16xf32>
      %add3A_446 = arith.addf %get3A_445, %get3A_429 : vector<16xf32>
      %swap3A_447 = arith.constant 1 : i32
      %swap3A_448 = arith.index_cast %swap3A_447 : i32 to index
      %swap3A_449 = arith.index_cast %mul3A_424 : i32 to index
      %swap3A_450 = tpu.vector_load %arg15[%swap3A_448, %swap3A_449] {strides = array<i32>} : memref<16x1280xf32, #tpu.memory_space<vmem>>, vector<1x16xf32>,
      %swap3A_451 = vector.shape_cast %swap3A_450 : vector<1x16xf32> to vector<16xf32>
      %swap3A_452 = vector.shape_cast %add3A_446 : vector<16xf32> to vector<1x16xf32>
      tpu.vector_store %arg15[%swap3A_448, %swap3A_449], %swap3A_452 {strides = array<i32>} : memref<16x1280xf32, #tpu.memory_space<vmem>>, vector<1x16xf32>,
      %get3A_453 = arith.constant 2 : i32
      %get3A_454 = arith.index_cast %get3A_453 : i32 to index
      %get3A_455 = arith.index_cast %mul3A_424 : i32 to index
      %get3A_456 = tpu.vector_load %arg12[%get3A_454, %get3A_455] {strides = array<i32>} : memref<16x1280xf32, #tpu.memory_space<vmem>>, vector<1x16xf32>,
      %get3A_457 = vector.shape_cast %get3A_456 : vector<1x16xf32> to vector<16xf32>
      %add3A_458 = arith.addf %get3A_457, %get3A_429 : vector<16xf32>
      %swap3A_459 = arith.constant 2 : i32
      %swap3A_460 = arith.index_cast %swap3A_459 : i32 to index
      %swap3A_461 = arith.index_cast %mul3A_424 : i32 to index
      %swap3A_462 = tpu.vector_load %arg15[%swap3A_460, %swap3A_461] {strides = array<i32>} : memref<16x1280xf32, #tpu.memory_space<vmem>>, vector<1x16xf32>,
      %swap3A_463 = vector.shape_cast %swap3A_462 : vector<1x16xf32> to vector<16xf32>
      %swap3A_464 = vector.shape_cast %add3A_458 : vector<16xf32> to vector<1x16xf32>
      tpu.vector_store %arg15[%swap3A_460, %swap3A_461], %swap3A_464 {strides = array<i32>} : memref<16x1280xf32, #tpu.memory_space<vmem>>, vector<1x16xf32>,
      %get3A_465 = arith.constant 3 : i32
      %get3A_466 = arith.index_cast %get3A_465 : i32 to index
      %get3A_467 = arith.index_cast %mul3A_424 : i32 to index
      %get3A_468 = tpu.vector_load %arg12[%get3A_466, %get3A_467] {strides = array<i32>} : memref<16x1280xf32, #tpu.memory_space<vmem>>, vector<1x16xf32>,
      %get3A_469 = vector.shape_cast %get3A_468 : vector<1x16xf32> to vector<16xf32>
      %add3A_470 = arith.addf %get3A_469, %get3A_429 : vector<16xf32>
      %swap3A_471 = arith.constant 3 : i32
      %swap3A_472 = arith.index_cast %swap3A_471 : i32 to index
      %swap3A_473 = arith.index_cast %mul3A_424 : i32 to index
      %swap3A_474 = tpu.vector_load %arg15[%swap3A_472, %swap3A_473] {strides = array<i32>} : memref<16x1280xf32, #tpu.memory_space<vmem>>, vector<1x16xf32>,
      %swap3A_475 = vector.shape_cast %swap3A_474 : vector<1x16xf32> to vector<16xf32>
      %swap3A_476 = vector.shape_cast %add3A_470 : vector<16xf32> to vector<1x16xf32>
      tpu.vector_store %arg15[%swap3A_472, %swap3A_473], %swap3A_476 {strides = array<i32>} : memref<16x1280xf32, #tpu.memory_space<vmem>>, vector<1x16xf32>,
      %get3A_477 = arith.constant 4 : i32
      %get3A_478 = arith.index_cast %get3A_477 : i32 to index
      %get3A_479 = arith.index_cast %mul3A_424 : i32 to index
      %get3A_480 = tpu.vector_load %arg12[%get3A_478, %get3A_479] {strides = array<i32>} : memref<16x1280xf32, #tpu.memory_space<vmem>>, vector<1x16xf32>,
      %get3A_481 = vector.shape_cast %get3A_480 : vector<1x16xf32> to vector<16xf32>
      %add3A_482 = arith.addf %get3A_481, %get3A_429 : vector<16xf32>
      %swap3A_483 = arith.constant 4 : i32
      %swap3A_484 = arith.index_cast %swap3A_483 : i32 to index
      %swap3A_485 = arith.index_cast %mul3A_424 : i32 to index
      %swap3A_486 = tpu.vector_load %arg15[%swap3A_484, %swap3A_485] {strides = array<i32>} : memref<16x1280xf32, #tpu.memory_space<vmem>>, vector<1x16xf32>,
      %swap3A_487 = vector.shape_cast %swap3A_486 : vector<1x16xf32> to vector<16xf32>
      %swap3A_488 = vector.shape_cast %add3A_482 : vector<16xf32> to vector<1x16xf32>
      tpu.vector_store %arg15[%swap3A_484, %swap3A_485], %swap3A_488 {strides = array<i32>} : memref<16x1280xf32, #tpu.memory_space<vmem>>, vector<1x16xf32>,
      %get3A_489 = arith.constant 5 : i32
      %get3A_490 = arith.index_cast %get3A_489 : i32 to index
      %get3A_491 = arith.index_cast %mul3A_424 : i32 to index
      %get3A_492 = tpu.vector_load %arg12[%get3A_490, %get3A_491] {strides = array<i32>} : memref<16x1280xf32, #tpu.memory_space<vmem>>, vector<1x16xf32>,
      %get3A_493 = vector.shape_cast %get3A_492 : vector<1x16xf32> to vector<16xf32>
      %add3A_494 = arith.addf %get3A_493, %get3A_429 : vector<16xf32>
      %swap3A_495 = arith.constant 5 : i32
      %swap3A_496 = arith.index_cast %swap3A_495 : i32 to index
      %swap3A_497 = arith.index_cast %mul3A_424 : i32 to index
      %swap3A_498 = tpu.vector_load %arg15[%swap3A_496, %swap3A_497] {strides = array<i32>} : memref<16x1280xf32, #tpu.memory_space<vmem>>, vector<1x16xf32>,
      %swap3A_499 = vector.shape_cast %swap3A_498 : vector<1x16xf32> to vector<16xf32>
      %swap3A_500 = vector.shape_cast %add3A_494 : vector<16xf32> to vector<1x16xf32>
      tpu.vector_store %arg15[%swap3A_496, %swap3A_497], %swap3A_500 {strides = array<i32>} : memref<16x1280xf32, #tpu.memory_space<vmem>>, vector<1x16xf32>,
      %get3A_501 = arith.constant 6 : i32
      %get3A_502 = arith.index_cast %get3A_501 : i32 to index
      %get3A_503 = arith.index_cast %mul3A_424 : i32 to index
      %get3A_504 = tpu.vector_load %arg12[%get3A_502, %get3A_503] {strides = array<i32>} : memref<16x1280xf32, #tpu.memory_space<vmem>>, vector<1x16xf32>,
      %get3A_505 = vector.shape_cast %get3A_504 : vector<1x16xf32> to vector<16xf32>
      %add3A_506 = arith.addf %get3A_505, %get3A_429 : vector<16xf32>
      %swap3A_507 = arith.constant 6 : i32
      %swap3A_508 = arith.index_cast %swap3A_507 : i32 to index
      %swap3A_509 = arith.index_cast %mul3A_424 : i32 to index
      %swap3A_510 = tpu.vector_load %arg15[%swap3A_508, %swap3A_509] {strides = array<i32>} : memref<16x1280xf32, #tpu.memory_space<vmem>>, vector<1x16xf32>,
      %swap3A_511 = vector.shape_cast %swap3A_510 : vector<1x16xf32> to vector<16xf32>
      %swap3A_512 = vector.shape_cast %add3A_506 : vector<16xf32> to vector<1x16xf32>
      tpu.vector_store %arg15[%swap3A_508, %swap3A_509], %swap3A_512 {strides = array<i32>} : memref<16x1280xf32, #tpu.memory_space<vmem>>, vector<1x16xf32>,
      %get3A_513 = arith.constant 7 : i32
      %get3A_514 = arith.index_cast %get3A_513 : i32 to index
      %get3A_515 = arith.index_cast %mul3A_424 : i32 to index
      %get3A_516 = tpu.vector_load %arg12[%get3A_514, %get3A_515] {strides = array<i32>} : memref<16x1280xf32, #tpu.memory_space<vmem>>, vector<1x16xf32>,
      %get3A_517 = vector.shape_cast %get3A_516 : vector<1x16xf32> to vector<16xf32>
      %add3A_518 = arith.addf %get3A_517, %get3A_429 : vector<16xf32>
      %swap3A_519 = arith.constant 7 : i32
      %swap3A_520 = arith.index_cast %swap3A_519 : i32 to index
      %swap3A_521 = arith.index_cast %mul3A_424 : i32 to index
      %swap3A_522 = tpu.vector_load %arg15[%swap3A_520, %swap3A_521] {strides = array<i32>} : memref<16x1280xf32, #tpu.memory_space<vmem>>, vector<1x16xf32>,
      %swap3A_523 = vector.shape_cast %swap3A_522 : vector<1x16xf32> to vector<16xf32>
      %swap3A_524 = vector.shape_cast %add3A_518 : vector<16xf32> to vector<1x16xf32>
      tpu.vector_store %arg15[%swap3A_520, %swap3A_521], %swap3A_524 {strides = array<i32>} : memref<16x1280xf32, #tpu.memory_space<vmem>>, vector<1x16xf32>,
      %get3A_525 = arith.constant 8 : i32
      %get3A_526 = arith.index_cast %get3A_525 : i32 to index
      %get3A_527 = arith.index_cast %mul3A_424 : i32 to index
      %get3A_528 = tpu.vector_load %arg12[%get3A_526, %get3A_527] {strides = array<i32>} : memref<16x1280xf32, #tpu.memory_space<vmem>>, vector<1x16xf32>,
      %get3A_529 = vector.shape_cast %get3A_528 : vector<1x16xf32> to vector<16xf32>
      %add3A_530 = arith.addf %get3A_529, %get3A_429 : vector<16xf32>
      %swap3A_531 = arith.constant 8 : i32
      %swap3A_532 = arith.index_cast %swap3A_531 : i32 to index
      %swap3A_533 = arith.index_cast %mul3A_424 : i32 to index
      %swap3A_534 = tpu.vector_load %arg15[%swap3A_532, %swap3A_533] {strides = array<i32>} : memref<16x1280xf32, #tpu.memory_space<vmem>>, vector<1x16xf32>,
      %swap3A_535 = vector.shape_cast %swap3A_534 : vector<1x16xf32> to vector<16xf32>
      %swap3A_536 = vector.shape_cast %add3A_530 : vector<16xf32> to vector<1x16xf32>
      tpu.vector_store %arg15[%swap3A_532, %swap3A_533], %swap3A_536 {strides = array<i32>} : memref<16x1280xf32, #tpu.memory_space<vmem>>, vector<1x16xf32>,
      %get3A_537 = arith.constant 9 : i32
      %get3A_538 = arith.index_cast %get3A_537 : i32 to index
      %get3A_539 = arith.index_cast %mul3A_424 : i32 to index
      %get3A_540 = tpu.vector_load %arg12[%get3A_538, %get3A_539] {strides = array<i32>} : memref<16x1280xf32, #tpu.memory_space<vmem>>, vector<1x16xf32>,
      %get3A_541 = vector.shape_cast %get3A_540 : vector<1x16xf32> to vector<16xf32>
      %add3A_542 = arith.addf %get3A_541, %get3A_429 : vector<16xf32>
      %swap3A_543 = arith.constant 9 : i32
      %swap3A_544 = arith.index_cast %swap3A_543 : i32 to index
      %swap3A_545 = arith.index_cast %mul3A_424 : i32 to index
      %swap3A_546 = tpu.vector_load %arg15[%swap3A_544, %swap3A_545] {strides = array<i32>} : memref<16x1280xf32, #tpu.memory_space<vmem>>, vector<1x16xf32>,
      %swap3A_547 = vector.shape_cast %swap3A_546 : vector<1x16xf32> to vector<16xf32>
      %swap3A_548 = vector.shape_cast %add3A_542 : vector<16xf32> to vector<1x16xf32>
      tpu.vector_store %arg15[%swap3A_544, %swap3A_545], %swap3A_548 {strides = array<i32>} : memref<16x1280xf32, #tpu.memory_space<vmem>>, vector<1x16xf32>,
      %get3A_549 = arith.constant 10 : i32
      %get3A_550 = arith.index_cast %get3A_549 : i32 to index
      %get3A_551 = arith.index_cast %mul3A_424 : i32 to index
      %get3A_552 = tpu.vector_load %arg12[%get3A_550, %get3A_551] {strides = array<i32>} : memref<16x1280xf32, #tpu.memory_space<vmem>>, vector<1x16xf32>,
      %get3A_553 = vector.shape_cast %get3A_552 : vector<1x16xf32> to vector<16xf32>
      %add3A_554 = arith.addf %get3A_553, %get3A_429 : vector<16xf32>
      %swap3A_555 = arith.constant 10 : i32
      %swap3A_556 = arith.index_cast %swap3A_555 : i32 to index
      %swap3A_557 = arith.index_cast %mul3A_424 : i32 to index
      %swap3A_558 = tpu.vector_load %arg15[%swap3A_556, %swap3A_557] {strides = array<i32>} : memref<16x1280xf32, #tpu.memory_space<vmem>>, vector<1x16xf32>,
      %swap3A_559 = vector.shape_cast %swap3A_558 : vector<1x16xf32> to vector<16xf32>
      %swap3A_560 = vector.shape_cast %add3A_554 : vector<16xf32> to vector<1x16xf32>
      tpu.vector_store %arg15[%swap3A_556, %swap3A_557], %swap3A_560 {strides = array<i32>} : memref<16x1280xf32, #tpu.memory_space<vmem>>, vector<1x16xf32>,
      %get3A_561 = arith.constant 11 : i32
      %get3A_562 = arith.index_cast %get3A_561 : i32 to index
      %get3A_563 = arith.index_cast %mul3A_424 : i32 to index
      %get3A_564 = tpu.vector_load %arg12[%get3A_562, %get3A_563] {strides = array<i32>} : memref<16x1280xf32, #tpu.memory_space<vmem>>, vector<1x16xf32>,
      %get3A_565 = vector.shape_cast %get3A_564 : vector<1x16xf32> to vector<16xf32>
      %add3A_566 = arith.addf %get3A_565, %get3A_429 : vector<16xf32>
      %swap3A_567 = arith.constant 11 : i32
      %swap3A_568 = arith.index_cast %swap3A_567 : i32 to index
      %swap3A_569 = arith.index_cast %mul3A_424 : i32 to index
      %swap3A_570 = tpu.vector_load %arg15[%swap3A_568, %swap3A_569] {strides = array<i32>} : memref<16x1280xf32, #tpu.memory_space<vmem>>, vector<1x16xf32>,
      %swap3A_571 = vector.shape_cast %swap3A_570 : vector<1x16xf32> to vector<16xf32>
      %swap3A_572 = vector.shape_cast %add3A_566 : vector<16xf32> to vector<1x16xf32>
      tpu.vector_store %arg15[%swap3A_568, %swap3A_569], %swap3A_572 {strides = array<i32>} : memref<16x1280xf32, #tpu.memory_space<vmem>>, vector<1x16xf32>,
      %get3A_573 = arith.constant 12 : i32
      %get3A_574 = arith.index_cast %get3A_573 : i32 to index
      %get3A_575 = arith.index_cast %mul3A_424 : i32 to index
      %get3A_576 = tpu.vector_load %arg12[%get3A_574, %get3A_575] {strides = array<i32>} : memref<16x1280xf32, #tpu.memory_space<vmem>>, vector<1x16xf32>,
      %get3A_577 = vector.shape_cast %get3A_576 : vector<1x16xf32> to vector<16xf32>
      %add3A_578 = arith.addf %get3A_577, %get3A_429 : vector<16xf32>
      %swap3A_579 = arith.constant 12 : i32
      %swap3A_580 = arith.index_cast %swap3A_579 : i32 to index
      %swap3A_581 = arith.index_cast %mul3A_424 : i32 to index
      %swap3A_582 = tpu.vector_load %arg15[%swap3A_580, %swap3A_581] {strides = array<i32>} : memref<16x1280xf32, #tpu.memory_space<vmem>>, vector<1x16xf32>,
      %swap3A_583 = vector.shape_cast %swap3A_582 : vector<1x16xf32> to vector<16xf32>
      %swap3A_584 = vector.shape_cast %add3A_578 : vector<16xf32> to vector<1x16xf32>
      tpu.vector_store %arg15[%swap3A_580, %swap3A_581], %swap3A_584 {strides = array<i32>} : memref<16x1280xf32, #tpu.memory_space<vmem>>, vector<1x16xf32>,
      %get3A_585 = arith.constant 13 : i32
      %get3A_586 = arith.index_cast %get3A_585 : i32 to index
      %get3A_587 = arith.index_cast %mul3A_424 : i32 to index
      %get3A_588 = tpu.vector_load %arg12[%get3A_586, %get3A_587] {strides = array<i32>} : memref<16x1280xf32, #tpu.memory_space<vmem>>, vector<1x16xf32>,
      %get3A_589 = vector.shape_cast %get3A_588 : vector<1x16xf32> to vector<16xf32>
      %add3A_590 = arith.addf %get3A_589, %get3A_429 : vector<16xf32>
      %swap3A_591 = arith.constant 13 : i32
      %swap3A_592 = arith.index_cast %swap3A_591 : i32 to index
      %swap3A_593 = arith.index_cast %mul3A_424 : i32 to index
      %swap3A_594 = tpu.vector_load %arg15[%swap3A_592, %swap3A_593] {strides = array<i32>} : memref<16x1280xf32, #tpu.memory_space<vmem>>, vector<1x16xf32>,
      %swap3A_595 = vector.shape_cast %swap3A_594 : vector<1x16xf32> to vector<16xf32>
      %swap3A_596 = vector.shape_cast %add3A_590 : vector<16xf32> to vector<1x16xf32>
      tpu.vector_store %arg15[%swap3A_592, %swap3A_593], %swap3A_596 {strides = array<i32>} : memref<16x1280xf32, #tpu.memory_space<vmem>>, vector<1x16xf32>,
      %get3A_597 = arith.constant 14 : i32
      %get3A_598 = arith.index_cast %get3A_597 : i32 to index
      %get3A_599 = arith.index_cast %mul3A_424 : i32 to index
      %get3A_600 = tpu.vector_load %arg12[%get3A_598, %get3A_599] {strides = array<i32>} : memref<16x1280xf32, #tpu.memory_space<vmem>>, vector<1x16xf32>,
      %get3A_601 = vector.shape_cast %get3A_600 : vector<1x16xf32> to vector<16xf32>
      %add3A_602 = arith.addf %get3A_601, %get3A_429 : vector<16xf32>
      %swap3A_603 = arith.constant 14 : i32
      %swap3A_604 = arith.index_cast %swap3A_603 : i32 to index
      %swap3A_605 = arith.index_cast %mul3A_424 : i32 to index
      %swap3A_606 = tpu.vector_load %arg15[%swap3A_604, %swap3A_605] {strides = array<i32>} : memref<16x1280xf32, #tpu.memory_space<vmem>>, vector<1x16xf32>,
      %swap3A_607 = vector.shape_cast %swap3A_606 : vector<1x16xf32> to vector<16xf32>
      %swap3A_608 = vector.shape_cast %add3A_602 : vector<16xf32> to vector<1x16xf32>
      tpu.vector_store %arg15[%swap3A_604, %swap3A_605], %swap3A_608 {strides = array<i32>} : memref<16x1280xf32, #tpu.memory_space<vmem>>, vector<1x16xf32>,
      %get3A_609 = arith.constant 15 : i32
      %get3A_610 = arith.index_cast %get3A_609 : i32 to index
      %get3A_611 = arith.index_cast %mul3A_424 : i32 to index
      %get3A_612 = tpu.vector_load %arg12[%get3A_610, %get3A_611] {strides = array<i32>} : memref<16x1280xf32, #tpu.memory_space<vmem>>, vector<1x16xf32>,
      %get3A_613 = vector.shape_cast %get3A_612 : vector<1x16xf32> to vector<16xf32>
      %add3A_614 = arith.addf %get3A_613, %get3A_429 : vector<16xf32>
      %swap3A_615 = arith.constant 15 : i32
      %swap3A_616 = arith.index_cast %swap3A_615 : i32 to index
      %swap3A_617 = arith.index_cast %mul3A_424 : i32 to index
      %swap3A_618 = tpu.vector_load %arg15[%swap3A_616, %swap3A_617] {strides = array<i32>} : memref<16x1280xf32, #tpu.memory_space<vmem>>, vector<1x16xf32>,
      %swap3A_619 = vector.shape_cast %swap3A_618 : vector<1x16xf32> to vector<16xf32>
      %swap3A_620 = vector.shape_cast %add3A_614 : vector<16xf32> to vector<1x16xf32>
      tpu.vector_store %arg15[%swap3A_616, %swap3A_617], %swap3A_620 {strides = array<i32>} : memref<16x1280xf32, #tpu.memory_space<vmem>>, vector<1x16xf32>,
    }
    %scan3A_332 = arith.constant 80 : i32
    %dma_start3A_333 = arith.constant 2 : i32
    %dma_start3A_334 = arith.constant 992 : i32
    %dma_start3A_335 = arith.constant 0 : i32
    %dma_start3A_336 = tpu.memref_slice %arg6[%select_n3A, %select_n3A_30, %dma_start3A_334, %dma_start3A_335] : memref<8x4x1025x1280xf32, #tpu.memory_space<hbm>> -> memref<1x1x16x1280xf32, #tpu.memory_space<hbm>>
    %dma_start3A_337 = tpu.memref_squeeze %dma_start3A_336 : memref<1x1x16x1280xf32, #tpu.memory_space<hbm>> -> memref<16x1280xf32, #tpu.memory_space<hbm>>
    %dma_start3A_338 = tpu.memref_slice %arg17[%dma_start3A_333] : memref<3x!tpu.dma_semaphore, #tpu.memory_space<semaphore_mem>> -> memref<1x!tpu.dma_semaphore, #tpu.memory_space<semaphore_mem>>
    %dma_start3A_339 = tpu.memref_squeeze %dma_start3A_338 : memref<1x!tpu.dma_semaphore, #tpu.memory_space<semaphore_mem>> -> memref<!tpu.dma_semaphore, #tpu.memory_space<semaphore_mem>>
    %dma_start3A_340 = arith.constant 992 : i32
    %dma_start3A_341 = arith.constant 0 : i32
    %dma_start3A_342 = tpu.memref_slice %arg6[%select_n3A, %select_n3A_30, %dma_start3A_340, %dma_start3A_341] : memref<8x4x1025x1280xf32, #tpu.memory_space<hbm>> -> memref<1x1x16x1280xf32, #tpu.memory_space<hbm>>
    %dma_start3A_343 = tpu.memref_squeeze %dma_start3A_342 : memref<1x1x16x1280xf32, #tpu.memory_space<hbm>> -> memref<16x1280xf32, #tpu.memory_space<hbm>>
    tpu.enqueue_dma source(%arg15 : memref<16x1280xf32, #tpu.memory_space<vmem>>) target(%dma_start3A_343 : memref<16x1280xf32, #tpu.memory_space<hbm>>) target_semaphore(%dma_start3A_339 : memref<!tpu.dma_semaphore, #tpu.memory_space<semaphore_mem>>)
    %dma_wait3A_344 = arith.constant 0 : i32
    %dma_wait3A_345 = arith.constant 1008 : i32
    %dma_wait3A_346 = arith.constant 0 : i32
    %dma_wait3A_347 = tpu.memref_slice %arg2[%select_n3A, %select_n3A_30, %dma_wait3A_345, %dma_wait3A_346] : memref<8x4x1025x1280xf32, #tpu.memory_space<hbm>> -> memref<1x1x16x1280xf32, #tpu.memory_space<hbm>>
    %dma_wait3A_348 = tpu.memref_squeeze %dma_wait3A_347 : memref<1x1x16x1280xf32, #tpu.memory_space<hbm>> -> memref<16x1280xf32, #tpu.memory_space<hbm>>
    %dma_wait3A_349 = tpu.memref_slice %arg16[%dma_wait3A_344] : memref<3x!tpu.dma_semaphore, #tpu.memory_space<semaphore_mem>> -> memref<1x!tpu.dma_semaphore, #tpu.memory_space<semaphore_mem>>
    %dma_wait3A_350 = tpu.memref_squeeze %dma_wait3A_349 : memref<1x!tpu.dma_semaphore, #tpu.memory_space<semaphore_mem>> -> memref<!tpu.dma_semaphore, #tpu.memory_space<semaphore_mem>>
    %dma_wait3A_351 = arith.constant 1008 : i32
    %dma_wait3A_352 = arith.constant 0 : i32
    %dma_wait3A_353 = tpu.memref_slice %arg2[%select_n3A, %select_n3A_30, %dma_wait3A_351, %dma_wait3A_352] : memref<8x4x1025x1280xf32, #tpu.memory_space<hbm>> -> memref<1x1x16x1280xf32, #tpu.memory_space<hbm>>
    %dma_wait3A_354 = tpu.memref_squeeze %dma_wait3A_353 : memref<1x1x16x1280xf32, #tpu.memory_space<hbm>> -> memref<16x1280xf32, #tpu.memory_space<hbm>>
    tpu.wait_dma2 semaphore(%dma_wait3A_350 : memref<!tpu.dma_semaphore, #tpu.memory_space<semaphore_mem>>) src(%dma_wait3A_354 : memref<16x1280xf32, #tpu.memory_space<hbm>>) dst(%arg10 : memref<16x1280xf32, #tpu.memory_space<vmem>>)
    %dma_wait3A_355 = arith.constant 0 : i32
    %dma_wait3A_356 = arith.constant 960 : i32
    %dma_wait3A_357 = arith.constant 0 : i32
    %dma_wait3A_358 = tpu.memref_slice %arg6[%select_n3A, %select_n3A_30, %dma_wait3A_356, %dma_wait3A_357] : memref<8x4x1025x1280xf32, #tpu.memory_space<hbm>> -> memref<1x1x16x1280xf32, #tpu.memory_space<hbm>>
    %dma_wait3A_359 = tpu.memref_squeeze %dma_wait3A_358 : memref<1x1x16x1280xf32, #tpu.memory_space<hbm>> -> memref<16x1280xf32, #tpu.memory_space<hbm>>
    %dma_wait3A_360 = tpu.memref_slice %arg17[%dma_wait3A_355] : memref<3x!tpu.dma_semaphore, #tpu.memory_space<semaphore_mem>> -> memref<1x!tpu.dma_semaphore, #tpu.memory_space<semaphore_mem>>
    %dma_wait3A_361 = tpu.memref_squeeze %dma_wait3A_360 : memref<1x!tpu.dma_semaphore, #tpu.memory_space<semaphore_mem>> -> memref<!tpu.dma_semaphore, #tpu.memory_space<semaphore_mem>>
    %dma_wait3A_362 = arith.constant 960 : i32
    %dma_wait3A_363 = arith.constant 0 : i32
    %dma_wait3A_364 = tpu.memref_slice %arg6[%select_n3A, %select_n3A_30, %dma_wait3A_362, %dma_wait3A_363] : memref<8x4x1025x1280xf32, #tpu.memory_space<hbm>> -> memref<1x1x16x1280xf32, #tpu.memory_space<hbm>>
    %dma_wait3A_365 = tpu.memref_squeeze %dma_wait3A_364 : memref<1x1x16x1280xf32, #tpu.memory_space<hbm>> -> memref<16x1280xf32, #tpu.memory_space<hbm>>
    tpu.wait_dma2 semaphore(%dma_wait3A_361 : memref<!tpu.dma_semaphore, #tpu.memory_space<semaphore_mem>>) src(%arg13 : memref<16x1280xf32, #tpu.memory_space<vmem>>) dst(%dma_wait3A_365 : memref<16x1280xf32, #tpu.memory_space<hbm>>)
    %scan3A_366 = arith.constant 0 : i32
    %scan3A_367 = arith.constant 0 : i32
    %scan3A_368 = arith.constant 80 : i32
    %scan3A_369 = arith.addi %scan3A_367, %scan3A_368 : i32
    %scan3A_370 = arith.constant 1 : i32
    scf.for %scan3A_422 = %scan3A_367 to %scan3A_369 step %scan3A_370  : i32 {
      %mul3A_423 = arith.constant 16 : i32
      %mul3A_424 = arith.muli %scan3A_422, %mul3A_423 : i32
      %get3A_425 = arith.constant 0 : i32
      %get3A_426 = arith.index_cast %get3A_425 : i32 to index
      %get3A_427 = arith.index_cast %mul3A_424 : i32 to index
      %get3A_428 = tpu.vector_load %arg9[%get3A_426, %get3A_427] {strides = array<i32>} : memref<1x1280xf32, #tpu.memory_space<vmem>>, vector<1x16xf32>,
      %get3A_429 = vector.shape_cast %get3A_428 : vector<1x16xf32> to vector<16xf32>
      %get3A_430 = arith.constant 0 : i32
      %get3A_431 = arith.index_cast %get3A_430 : i32 to index
      %get3A_432 = arith.index_cast %mul3A_424 : i32 to index
      %get3A_433 = tpu.vector_load %arg10[%get3A_431, %get3A_432] {strides = array<i32>} : memref<16x1280xf32, #tpu.memory_space<vmem>>, vector<1x16xf32>,
      %get3A_434 = vector.shape_cast %get3A_433 : vector<1x16xf32> to vector<16xf32>
      %add3A_435 = arith.addf %get3A_434, %get3A_429 : vector<16xf32>
      %swap3A = arith.constant 0 : i32
      %swap3A_436 = arith.index_cast %swap3A : i32 to index
      %swap3A_437 = arith.index_cast %mul3A_424 : i32 to index
      %swap3A_438 = tpu.vector_load %arg13[%swap3A_436, %swap3A_437] {strides = array<i32>} : memref<16x1280xf32, #tpu.memory_space<vmem>>, vector<1x16xf32>,
      %swap3A_439 = vector.shape_cast %swap3A_438 : vector<1x16xf32> to vector<16xf32>
      %swap3A_440 = vector.shape_cast %add3A_435 : vector<16xf32> to vector<1x16xf32>
      tpu.vector_store %arg13[%swap3A_436, %swap3A_437], %swap3A_440 {strides = array<i32>} : memref<16x1280xf32, #tpu.memory_space<vmem>>, vector<1x16xf32>,
      %get3A_441 = arith.constant 1 : i32
      %get3A_442 = arith.index_cast %get3A_441 : i32 to index
      %get3A_443 = arith.index_cast %mul3A_424 : i32 to index
      %get3A_444 = tpu.vector_load %arg10[%get3A_442, %get3A_443] {strides = array<i32>} : memref<16x1280xf32, #tpu.memory_space<vmem>>, vector<1x16xf32>,
      %get3A_445 = vector.shape_cast %get3A_444 : vector<1x16xf32> to vector<16xf32>
      %add3A_446 = arith.addf %get3A_445, %get3A_429 : vector<16xf32>
      %swap3A_447 = arith.constant 1 : i32
      %swap3A_448 = arith.index_cast %swap3A_447 : i32 to index
      %swap3A_449 = arith.index_cast %mul3A_424 : i32 to index
      %swap3A_450 = tpu.vector_load %arg13[%swap3A_448, %swap3A_449] {strides = array<i32>} : memref<16x1280xf32, #tpu.memory_space<vmem>>, vector<1x16xf32>,
      %swap3A_451 = vector.shape_cast %swap3A_450 : vector<1x16xf32> to vector<16xf32>
      %swap3A_452 = vector.shape_cast %add3A_446 : vector<16xf32> to vector<1x16xf32>
      tpu.vector_store %arg13[%swap3A_448, %swap3A_449], %swap3A_452 {strides = array<i32>} : memref<16x1280xf32, #tpu.memory_space<vmem>>, vector<1x16xf32>,
      %get3A_453 = arith.constant 2 : i32
      %get3A_454 = arith.index_cast %get3A_453 : i32 to index
      %get3A_455 = arith.index_cast %mul3A_424 : i32 to index
      %get3A_456 = tpu.vector_load %arg10[%get3A_454, %get3A_455] {strides = array<i32>} : memref<16x1280xf32, #tpu.memory_space<vmem>>, vector<1x16xf32>,
      %get3A_457 = vector.shape_cast %get3A_456 : vector<1x16xf32> to vector<16xf32>
      %add3A_458 = arith.addf %get3A_457, %get3A_429 : vector<16xf32>
      %swap3A_459 = arith.constant 2 : i32
      %swap3A_460 = arith.index_cast %swap3A_459 : i32 to index
      %swap3A_461 = arith.index_cast %mul3A_424 : i32 to index
      %swap3A_462 = tpu.vector_load %arg13[%swap3A_460, %swap3A_461] {strides = array<i32>} : memref<16x1280xf32, #tpu.memory_space<vmem>>, vector<1x16xf32>,
      %swap3A_463 = vector.shape_cast %swap3A_462 : vector<1x16xf32> to vector<16xf32>
      %swap3A_464 = vector.shape_cast %add3A_458 : vector<16xf32> to vector<1x16xf32>
      tpu.vector_store %arg13[%swap3A_460, %swap3A_461], %swap3A_464 {strides = array<i32>} : memref<16x1280xf32, #tpu.memory_space<vmem>>, vector<1x16xf32>,
      %get3A_465 = arith.constant 3 : i32
      %get3A_466 = arith.index_cast %get3A_465 : i32 to index
      %get3A_467 = arith.index_cast %mul3A_424 : i32 to index
      %get3A_468 = tpu.vector_load %arg10[%get3A_466, %get3A_467] {strides = array<i32>} : memref<16x1280xf32, #tpu.memory_space<vmem>>, vector<1x16xf32>,
      %get3A_469 = vector.shape_cast %get3A_468 : vector<1x16xf32> to vector<16xf32>
      %add3A_470 = arith.addf %get3A_469, %get3A_429 : vector<16xf32>
      %swap3A_471 = arith.constant 3 : i32
      %swap3A_472 = arith.index_cast %swap3A_471 : i32 to index
      %swap3A_473 = arith.index_cast %mul3A_424 : i32 to index
      %swap3A_474 = tpu.vector_load %arg13[%swap3A_472, %swap3A_473] {strides = array<i32>} : memref<16x1280xf32, #tpu.memory_space<vmem>>, vector<1x16xf32>,
      %swap3A_475 = vector.shape_cast %swap3A_474 : vector<1x16xf32> to vector<16xf32>
      %swap3A_476 = vector.shape_cast %add3A_470 : vector<16xf32> to vector<1x16xf32>
      tpu.vector_store %arg13[%swap3A_472, %swap3A_473], %swap3A_476 {strides = array<i32>} : memref<16x1280xf32, #tpu.memory_space<vmem>>, vector<1x16xf32>,
      %get3A_477 = arith.constant 4 : i32
      %get3A_478 = arith.index_cast %get3A_477 : i32 to index
      %get3A_479 = arith.index_cast %mul3A_424 : i32 to index
      %get3A_480 = tpu.vector_load %arg10[%get3A_478, %get3A_479] {strides = array<i32>} : memref<16x1280xf32, #tpu.memory_space<vmem>>, vector<1x16xf32>,
      %get3A_481 = vector.shape_cast %get3A_480 : vector<1x16xf32> to vector<16xf32>
      %add3A_482 = arith.addf %get3A_481, %get3A_429 : vector<16xf32>
      %swap3A_483 = arith.constant 4 : i32
      %swap3A_484 = arith.index_cast %swap3A_483 : i32 to index
      %swap3A_485 = arith.index_cast %mul3A_424 : i32 to index
      %swap3A_486 = tpu.vector_load %arg13[%swap3A_484, %swap3A_485] {strides = array<i32>} : memref<16x1280xf32, #tpu.memory_space<vmem>>, vector<1x16xf32>,
      %swap3A_487 = vector.shape_cast %swap3A_486 : vector<1x16xf32> to vector<16xf32>
      %swap3A_488 = vector.shape_cast %add3A_482 : vector<16xf32> to vector<1x16xf32>
      tpu.vector_store %arg13[%swap3A_484, %swap3A_485], %swap3A_488 {strides = array<i32>} : memref<16x1280xf32, #tpu.memory_space<vmem>>, vector<1x16xf32>,
      %get3A_489 = arith.constant 5 : i32
      %get3A_490 = arith.index_cast %get3A_489 : i32 to index
      %get3A_491 = arith.index_cast %mul3A_424 : i32 to index
      %get3A_492 = tpu.vector_load %arg10[%get3A_490, %get3A_491] {strides = array<i32>} : memref<16x1280xf32, #tpu.memory_space<vmem>>, vector<1x16xf32>,
      %get3A_493 = vector.shape_cast %get3A_492 : vector<1x16xf32> to vector<16xf32>
      %add3A_494 = arith.addf %get3A_493, %get3A_429 : vector<16xf32>
      %swap3A_495 = arith.constant 5 : i32
      %swap3A_496 = arith.index_cast %swap3A_495 : i32 to index
      %swap3A_497 = arith.index_cast %mul3A_424 : i32 to index
      %swap3A_498 = tpu.vector_load %arg13[%swap3A_496, %swap3A_497] {strides = array<i32>} : memref<16x1280xf32, #tpu.memory_space<vmem>>, vector<1x16xf32>,
      %swap3A_499 = vector.shape_cast %swap3A_498 : vector<1x16xf32> to vector<16xf32>
      %swap3A_500 = vector.shape_cast %add3A_494 : vector<16xf32> to vector<1x16xf32>
      tpu.vector_store %arg13[%swap3A_496, %swap3A_497], %swap3A_500 {strides = array<i32>} : memref<16x1280xf32, #tpu.memory_space<vmem>>, vector<1x16xf32>,
      %get3A_501 = arith.constant 6 : i32
      %get3A_502 = arith.index_cast %get3A_501 : i32 to index
      %get3A_503 = arith.index_cast %mul3A_424 : i32 to index
      %get3A_504 = tpu.vector_load %arg10[%get3A_502, %get3A_503] {strides = array<i32>} : memref<16x1280xf32, #tpu.memory_space<vmem>>, vector<1x16xf32>,
      %get3A_505 = vector.shape_cast %get3A_504 : vector<1x16xf32> to vector<16xf32>
      %add3A_506 = arith.addf %get3A_505, %get3A_429 : vector<16xf32>
      %swap3A_507 = arith.constant 6 : i32
      %swap3A_508 = arith.index_cast %swap3A_507 : i32 to index
      %swap3A_509 = arith.index_cast %mul3A_424 : i32 to index
      %swap3A_510 = tpu.vector_load %arg13[%swap3A_508, %swap3A_509] {strides = array<i32>} : memref<16x1280xf32, #tpu.memory_space<vmem>>, vector<1x16xf32>,
      %swap3A_511 = vector.shape_cast %swap3A_510 : vector<1x16xf32> to vector<16xf32>
      %swap3A_512 = vector.shape_cast %add3A_506 : vector<16xf32> to vector<1x16xf32>
      tpu.vector_store %arg13[%swap3A_508, %swap3A_509], %swap3A_512 {strides = array<i32>} : memref<16x1280xf32, #tpu.memory_space<vmem>>, vector<1x16xf32>,
      %get3A_513 = arith.constant 7 : i32
      %get3A_514 = arith.index_cast %get3A_513 : i32 to index
      %get3A_515 = arith.index_cast %mul3A_424 : i32 to index
      %get3A_516 = tpu.vector_load %arg10[%get3A_514, %get3A_515] {strides = array<i32>} : memref<16x1280xf32, #tpu.memory_space<vmem>>, vector<1x16xf32>,
      %get3A_517 = vector.shape_cast %get3A_516 : vector<1x16xf32> to vector<16xf32>
      %add3A_518 = arith.addf %get3A_517, %get3A_429 : vector<16xf32>
      %swap3A_519 = arith.constant 7 : i32
      %swap3A_520 = arith.index_cast %swap3A_519 : i32 to index
      %swap3A_521 = arith.index_cast %mul3A_424 : i32 to index
      %swap3A_522 = tpu.vector_load %arg13[%swap3A_520, %swap3A_521] {strides = array<i32>} : memref<16x1280xf32, #tpu.memory_space<vmem>>, vector<1x16xf32>,
      %swap3A_523 = vector.shape_cast %swap3A_522 : vector<1x16xf32> to vector<16xf32>
      %swap3A_524 = vector.shape_cast %add3A_518 : vector<16xf32> to vector<1x16xf32>
      tpu.vector_store %arg13[%swap3A_520, %swap3A_521], %swap3A_524 {strides = array<i32>} : memref<16x1280xf32, #tpu.memory_space<vmem>>, vector<1x16xf32>,
      %get3A_525 = arith.constant 8 : i32
      %get3A_526 = arith.index_cast %get3A_525 : i32 to index
      %get3A_527 = arith.index_cast %mul3A_424 : i32 to index
      %get3A_528 = tpu.vector_load %arg10[%get3A_526, %get3A_527] {strides = array<i32>} : memref<16x1280xf32, #tpu.memory_space<vmem>>, vector<1x16xf32>,
      %get3A_529 = vector.shape_cast %get3A_528 : vector<1x16xf32> to vector<16xf32>
      %add3A_530 = arith.addf %get3A_529, %get3A_429 : vector<16xf32>
      %swap3A_531 = arith.constant 8 : i32
      %swap3A_532 = arith.index_cast %swap3A_531 : i32 to index
      %swap3A_533 = arith.index_cast %mul3A_424 : i32 to index
      %swap3A_534 = tpu.vector_load %arg13[%swap3A_532, %swap3A_533] {strides = array<i32>} : memref<16x1280xf32, #tpu.memory_space<vmem>>, vector<1x16xf32>,
      %swap3A_535 = vector.shape_cast %swap3A_534 : vector<1x16xf32> to vector<16xf32>
      %swap3A_536 = vector.shape_cast %add3A_530 : vector<16xf32> to vector<1x16xf32>
      tpu.vector_store %arg13[%swap3A_532, %swap3A_533], %swap3A_536 {strides = array<i32>} : memref<16x1280xf32, #tpu.memory_space<vmem>>, vector<1x16xf32>,
      %get3A_537 = arith.constant 9 : i32
      %get3A_538 = arith.index_cast %get3A_537 : i32 to index
      %get3A_539 = arith.index_cast %mul3A_424 : i32 to index
      %get3A_540 = tpu.vector_load %arg10[%get3A_538, %get3A_539] {strides = array<i32>} : memref<16x1280xf32, #tpu.memory_space<vmem>>, vector<1x16xf32>,
      %get3A_541 = vector.shape_cast %get3A_540 : vector<1x16xf32> to vector<16xf32>
      %add3A_542 = arith.addf %get3A_541, %get3A_429 : vector<16xf32>
      %swap3A_543 = arith.constant 9 : i32
      %swap3A_544 = arith.index_cast %swap3A_543 : i32 to index
      %swap3A_545 = arith.index_cast %mul3A_424 : i32 to index
      %swap3A_546 = tpu.vector_load %arg13[%swap3A_544, %swap3A_545] {strides = array<i32>} : memref<16x1280xf32, #tpu.memory_space<vmem>>, vector<1x16xf32>,
      %swap3A_547 = vector.shape_cast %swap3A_546 : vector<1x16xf32> to vector<16xf32>
      %swap3A_548 = vector.shape_cast %add3A_542 : vector<16xf32> to vector<1x16xf32>
      tpu.vector_store %arg13[%swap3A_544, %swap3A_545], %swap3A_548 {strides = array<i32>} : memref<16x1280xf32, #tpu.memory_space<vmem>>, vector<1x16xf32>,
      %get3A_549 = arith.constant 10 : i32
      %get3A_550 = arith.index_cast %get3A_549 : i32 to index
      %get3A_551 = arith.index_cast %mul3A_424 : i32 to index
      %get3A_552 = tpu.vector_load %arg10[%get3A_550, %get3A_551] {strides = array<i32>} : memref<16x1280xf32, #tpu.memory_space<vmem>>, vector<1x16xf32>,
      %get3A_553 = vector.shape_cast %get3A_552 : vector<1x16xf32> to vector<16xf32>
      %add3A_554 = arith.addf %get3A_553, %get3A_429 : vector<16xf32>
      %swap3A_555 = arith.constant 10 : i32
      %swap3A_556 = arith.index_cast %swap3A_555 : i32 to index
      %swap3A_557 = arith.index_cast %mul3A_424 : i32 to index
      %swap3A_558 = tpu.vector_load %arg13[%swap3A_556, %swap3A_557] {strides = array<i32>} : memref<16x1280xf32, #tpu.memory_space<vmem>>, vector<1x16xf32>,
      %swap3A_559 = vector.shape_cast %swap3A_558 : vector<1x16xf32> to vector<16xf32>
      %swap3A_560 = vector.shape_cast %add3A_554 : vector<16xf32> to vector<1x16xf32>
      tpu.vector_store %arg13[%swap3A_556, %swap3A_557], %swap3A_560 {strides = array<i32>} : memref<16x1280xf32, #tpu.memory_space<vmem>>, vector<1x16xf32>,
      %get3A_561 = arith.constant 11 : i32
      %get3A_562 = arith.index_cast %get3A_561 : i32 to index
      %get3A_563 = arith.index_cast %mul3A_424 : i32 to index
      %get3A_564 = tpu.vector_load %arg10[%get3A_562, %get3A_563] {strides = array<i32>} : memref<16x1280xf32, #tpu.memory_space<vmem>>, vector<1x16xf32>,
      %get3A_565 = vector.shape_cast %get3A_564 : vector<1x16xf32> to vector<16xf32>
      %add3A_566 = arith.addf %get3A_565, %get3A_429 : vector<16xf32>
      %swap3A_567 = arith.constant 11 : i32
      %swap3A_568 = arith.index_cast %swap3A_567 : i32 to index
      %swap3A_569 = arith.index_cast %mul3A_424 : i32 to index
      %swap3A_570 = tpu.vector_load %arg13[%swap3A_568, %swap3A_569] {strides = array<i32>} : memref<16x1280xf32, #tpu.memory_space<vmem>>, vector<1x16xf32>,
      %swap3A_571 = vector.shape_cast %swap3A_570 : vector<1x16xf32> to vector<16xf32>
      %swap3A_572 = vector.shape_cast %add3A_566 : vector<16xf32> to vector<1x16xf32>
      tpu.vector_store %arg13[%swap3A_568, %swap3A_569], %swap3A_572 {strides = array<i32>} : memref<16x1280xf32, #tpu.memory_space<vmem>>, vector<1x16xf32>,
      %get3A_573 = arith.constant 12 : i32
      %get3A_574 = arith.index_cast %get3A_573 : i32 to index
      %get3A_575 = arith.index_cast %mul3A_424 : i32 to index
      %get3A_576 = tpu.vector_load %arg10[%get3A_574, %get3A_575] {strides = array<i32>} : memref<16x1280xf32, #tpu.memory_space<vmem>>, vector<1x16xf32>,
      %get3A_577 = vector.shape_cast %get3A_576 : vector<1x16xf32> to vector<16xf32>
      %add3A_578 = arith.addf %get3A_577, %get3A_429 : vector<16xf32>
      %swap3A_579 = arith.constant 12 : i32
      %swap3A_580 = arith.index_cast %swap3A_579 : i32 to index
      %swap3A_581 = arith.index_cast %mul3A_424 : i32 to index
      %swap3A_582 = tpu.vector_load %arg13[%swap3A_580, %swap3A_581] {strides = array<i32>} : memref<16x1280xf32, #tpu.memory_space<vmem>>, vector<1x16xf32>,
      %swap3A_583 = vector.shape_cast %swap3A_582 : vector<1x16xf32> to vector<16xf32>
      %swap3A_584 = vector.shape_cast %add3A_578 : vector<16xf32> to vector<1x16xf32>
      tpu.vector_store %arg13[%swap3A_580, %swap3A_581], %swap3A_584 {strides = array<i32>} : memref<16x1280xf32, #tpu.memory_space<vmem>>, vector<1x16xf32>,
      %get3A_585 = arith.constant 13 : i32
      %get3A_586 = arith.index_cast %get3A_585 : i32 to index
      %get3A_587 = arith.index_cast %mul3A_424 : i32 to index
      %get3A_588 = tpu.vector_load %arg10[%get3A_586, %get3A_587] {strides = array<i32>} : memref<16x1280xf32, #tpu.memory_space<vmem>>, vector<1x16xf32>,
      %get3A_589 = vector.shape_cast %get3A_588 : vector<1x16xf32> to vector<16xf32>
      %add3A_590 = arith.addf %get3A_589, %get3A_429 : vector<16xf32>
      %swap3A_591 = arith.constant 13 : i32
      %swap3A_592 = arith.index_cast %swap3A_591 : i32 to index
      %swap3A_593 = arith.index_cast %mul3A_424 : i32 to index
      %swap3A_594 = tpu.vector_load %arg13[%swap3A_592, %swap3A_593] {strides = array<i32>} : memref<16x1280xf32, #tpu.memory_space<vmem>>, vector<1x16xf32>,
      %swap3A_595 = vector.shape_cast %swap3A_594 : vector<1x16xf32> to vector<16xf32>
      %swap3A_596 = vector.shape_cast %add3A_590 : vector<16xf32> to vector<1x16xf32>
      tpu.vector_store %arg13[%swap3A_592, %swap3A_593], %swap3A_596 {strides = array<i32>} : memref<16x1280xf32, #tpu.memory_space<vmem>>, vector<1x16xf32>,
      %get3A_597 = arith.constant 14 : i32
      %get3A_598 = arith.index_cast %get3A_597 : i32 to index
      %get3A_599 = arith.index_cast %mul3A_424 : i32 to index
      %get3A_600 = tpu.vector_load %arg10[%get3A_598, %get3A_599] {strides = array<i32>} : memref<16x1280xf32, #tpu.memory_space<vmem>>, vector<1x16xf32>,
      %get3A_601 = vector.shape_cast %get3A_600 : vector<1x16xf32> to vector<16xf32>
      %add3A_602 = arith.addf %get3A_601, %get3A_429 : vector<16xf32>
      %swap3A_603 = arith.constant 14 : i32
      %swap3A_604 = arith.index_cast %swap3A_603 : i32 to index
      %swap3A_605 = arith.index_cast %mul3A_424 : i32 to index
      %swap3A_606 = tpu.vector_load %arg13[%swap3A_604, %swap3A_605] {strides = array<i32>} : memref<16x1280xf32, #tpu.memory_space<vmem>>, vector<1x16xf32>,
      %swap3A_607 = vector.shape_cast %swap3A_606 : vector<1x16xf32> to vector<16xf32>
      %swap3A_608 = vector.shape_cast %add3A_602 : vector<16xf32> to vector<1x16xf32>
      tpu.vector_store %arg13[%swap3A_604, %swap3A_605], %swap3A_608 {strides = array<i32>} : memref<16x1280xf32, #tpu.memory_space<vmem>>, vector<1x16xf32>,
      %get3A_609 = arith.constant 15 : i32
      %get3A_610 = arith.index_cast %get3A_609 : i32 to index
      %get3A_611 = arith.index_cast %mul3A_424 : i32 to index
      %get3A_612 = tpu.vector_load %arg10[%get3A_610, %get3A_611] {strides = array<i32>} : memref<16x1280xf32, #tpu.memory_space<vmem>>, vector<1x16xf32>,
      %get3A_613 = vector.shape_cast %get3A_612 : vector<1x16xf32> to vector<16xf32>
      %add3A_614 = arith.addf %get3A_613, %get3A_429 : vector<16xf32>
      %swap3A_615 = arith.constant 15 : i32
      %swap3A_616 = arith.index_cast %swap3A_615 : i32 to index
      %swap3A_617 = arith.index_cast %mul3A_424 : i32 to index
      %swap3A_618 = tpu.vector_load %arg13[%swap3A_616, %swap3A_617] {strides = array<i32>} : memref<16x1280xf32, #tpu.memory_space<vmem>>, vector<1x16xf32>,
      %swap3A_619 = vector.shape_cast %swap3A_618 : vector<1x16xf32> to vector<16xf32>
      %swap3A_620 = vector.shape_cast %add3A_614 : vector<16xf32> to vector<1x16xf32>
      tpu.vector_store %arg13[%swap3A_616, %swap3A_617], %swap3A_620 {strides = array<i32>} : memref<16x1280xf32, #tpu.memory_space<vmem>>, vector<1x16xf32>,
    }
    %scan3A_371 = arith.constant 80 : i32
    %dma_start3A_372 = arith.constant 0 : i32
    %dma_start3A_373 = arith.constant 1008 : i32
    %dma_start3A_374 = arith.constant 0 : i32
    %dma_start3A_375 = tpu.memref_slice %arg6[%select_n3A, %select_n3A_30, %dma_start3A_373, %dma_start3A_374] : memref<8x4x1025x1280xf32, #tpu.memory_space<hbm>> -> memref<1x1x16x1280xf32, #tpu.memory_space<hbm>>
    %dma_start3A_376 = tpu.memref_squeeze %dma_start3A_375 : memref<1x1x16x1280xf32, #tpu.memory_space<hbm>> -> memref<16x1280xf32, #tpu.memory_space<hbm>>
    %dma_start3A_377 = tpu.memref_slice %arg17[%dma_start3A_372] : memref<3x!tpu.dma_semaphore, #tpu.memory_space<semaphore_mem>> -> memref<1x!tpu.dma_semaphore, #tpu.memory_space<semaphore_mem>>
    %dma_start3A_378 = tpu.memref_squeeze %dma_start3A_377 : memref<1x!tpu.dma_semaphore, #tpu.memory_space<semaphore_mem>> -> memref<!tpu.dma_semaphore, #tpu.memory_space<semaphore_mem>>
    %dma_start3A_379 = arith.constant 1008 : i32
    %dma_start3A_380 = arith.constant 0 : i32
    %dma_start3A_381 = tpu.memref_slice %arg6[%select_n3A, %select_n3A_30, %dma_start3A_379, %dma_start3A_380] : memref<8x4x1025x1280xf32, #tpu.memory_space<hbm>> -> memref<1x1x16x1280xf32, #tpu.memory_space<hbm>>
    %dma_start3A_382 = tpu.memref_squeeze %dma_start3A_381 : memref<1x1x16x1280xf32, #tpu.memory_space<hbm>> -> memref<16x1280xf32, #tpu.memory_space<hbm>>
    tpu.enqueue_dma source(%arg13 : memref<16x1280xf32, #tpu.memory_space<vmem>>) target(%dma_start3A_382 : memref<16x1280xf32, #tpu.memory_space<hbm>>) target_semaphore(%dma_start3A_378 : memref<!tpu.dma_semaphore, #tpu.memory_space<semaphore_mem>>)
    %dma_wait3A_383 = arith.constant 1 : i32
    %dma_wait3A_384 = arith.constant 976 : i32
    %dma_wait3A_385 = arith.constant 0 : i32
    %dma_wait3A_386 = tpu.memref_slice %arg6[%select_n3A, %select_n3A_30, %dma_wait3A_384, %dma_wait3A_385] : memref<8x4x1025x1280xf32, #tpu.memory_space<hbm>> -> memref<1x1x16x1280xf32, #tpu.memory_space<hbm>>
    %dma_wait3A_387 = tpu.memref_squeeze %dma_wait3A_386 : memref<1x1x16x1280xf32, #tpu.memory_space<hbm>> -> memref<16x1280xf32, #tpu.memory_space<hbm>>
    %dma_wait3A_388 = tpu.memref_slice %arg17[%dma_wait3A_383] : memref<3x!tpu.dma_semaphore, #tpu.memory_space<semaphore_mem>> -> memref<1x!tpu.dma_semaphore, #tpu.memory_space<semaphore_mem>>
    %dma_wait3A_389 = tpu.memref_squeeze %dma_wait3A_388 : memref<1x!tpu.dma_semaphore, #tpu.memory_space<semaphore_mem>> -> memref<!tpu.dma_semaphore, #tpu.memory_space<semaphore_mem>>
    %dma_wait3A_390 = arith.constant 976 : i32
    %dma_wait3A_391 = arith.constant 0 : i32
    %dma_wait3A_392 = tpu.memref_slice %arg6[%select_n3A, %select_n3A_30, %dma_wait3A_390, %dma_wait3A_391] : memref<8x4x1025x1280xf32, #tpu.memory_space<hbm>> -> memref<1x1x16x1280xf32, #tpu.memory_space<hbm>>
    %dma_wait3A_393 = tpu.memref_squeeze %dma_wait3A_392 : memref<1x1x16x1280xf32, #tpu.memory_space<hbm>> -> memref<16x1280xf32, #tpu.memory_space<hbm>>
    tpu.wait_dma2 semaphore(%dma_wait3A_389 : memref<!tpu.dma_semaphore, #tpu.memory_space<semaphore_mem>>) src(%arg14 : memref<16x1280xf32, #tpu.memory_space<vmem>>) dst(%dma_wait3A_393 : memref<16x1280xf32, #tpu.memory_space<hbm>>)
    %dma_wait3A_394 = arith.constant 2 : i32
    %dma_wait3A_395 = arith.constant 992 : i32
    %dma_wait3A_396 = arith.constant 0 : i32
    %dma_wait3A_397 = tpu.memref_slice %arg6[%select_n3A, %select_n3A_30, %dma_wait3A_395, %dma_wait3A_396] : memref<8x4x1025x1280xf32, #tpu.memory_space<hbm>> -> memref<1x1x16x1280xf32, #tpu.memory_space<hbm>>
    %dma_wait3A_398 = tpu.memref_squeeze %dma_wait3A_397 : memref<1x1x16x1280xf32, #tpu.memory_space<hbm>> -> memref<16x1280xf32, #tpu.memory_space<hbm>>
    %dma_wait3A_399 = tpu.memref_slice %arg17[%dma_wait3A_394] : memref<3x!tpu.dma_semaphore, #tpu.memory_space<semaphore_mem>> -> memref<1x!tpu.dma_semaphore, #tpu.memory_space<semaphore_mem>>
    %dma_wait3A_400 = tpu.memref_squeeze %dma_wait3A_399 : memref<1x!tpu.dma_semaphore, #tpu.memory_space<semaphore_mem>> -> memref<!tpu.dma_semaphore, #tpu.memory_space<semaphore_mem>>
    %dma_wait3A_401 = arith.constant 992 : i32
    %dma_wait3A_402 = arith.constant 0 : i32
    %dma_wait3A_403 = tpu.memref_slice %arg6[%select_n3A, %select_n3A_30, %dma_wait3A_401, %dma_wait3A_402] : memref<8x4x1025x1280xf32, #tpu.memory_space<hbm>> -> memref<1x1x16x1280xf32, #tpu.memory_space<hbm>>
    %dma_wait3A_404 = tpu.memref_squeeze %dma_wait3A_403 : memref<1x1x16x1280xf32, #tpu.memory_space<hbm>> -> memref<16x1280xf32, #tpu.memory_space<hbm>>
    tpu.wait_dma2 semaphore(%dma_wait3A_400 : memref<!tpu.dma_semaphore, #tpu.memory_space<semaphore_mem>>) src(%arg15 : memref<16x1280xf32, #tpu.memory_space<vmem>>) dst(%dma_wait3A_404 : memref<16x1280xf32, #tpu.memory_space<hbm>>)
    %dma_wait3A_405 = arith.constant 0 : i32
    %dma_wait3A_406 = arith.constant 1008 : i32
    %dma_wait3A_407 = arith.constant 0 : i32
    %dma_wait3A_408 = tpu.memref_slice %arg6[%select_n3A, %select_n3A_30, %dma_wait3A_406, %dma_wait3A_407] : memref<8x4x1025x1280xf32, #tpu.memory_space<hbm>> -> memref<1x1x16x1280xf32, #tpu.memory_space<hbm>>
    %dma_wait3A_409 = tpu.memref_squeeze %dma_wait3A_408 : memref<1x1x16x1280xf32, #tpu.memory_space<hbm>> -> memref<16x1280xf32, #tpu.memory_space<hbm>>
    %dma_wait3A_410 = tpu.memref_slice %arg17[%dma_wait3A_405] : memref<3x!tpu.dma_semaphore, #tpu.memory_space<semaphore_mem>> -> memref<1x!tpu.dma_semaphore, #tpu.memory_space<semaphore_mem>>
    %dma_wait3A_411 = tpu.memref_squeeze %dma_wait3A_410 : memref<1x!tpu.dma_semaphore, #tpu.memory_space<semaphore_mem>> -> memref<!tpu.dma_semaphore, #tpu.memory_space<semaphore_mem>>
    %dma_wait3A_412 = arith.constant 1008 : i32
    %dma_wait3A_413 = arith.constant 0 : i32
    %dma_wait3A_414 = tpu.memref_slice %arg6[%select_n3A, %select_n3A_30, %dma_wait3A_412, %dma_wait3A_413] : memref<8x4x1025x1280xf32, #tpu.memory_space<hbm>> -> memref<1x1x16x1280xf32, #tpu.memory_space<hbm>>
    %dma_wait3A_415 = tpu.memref_squeeze %dma_wait3A_414 : memref<1x1x16x1280xf32, #tpu.memory_space<hbm>> -> memref<16x1280xf32, #tpu.memory_space<hbm>>
    tpu.wait_dma2 semaphore(%dma_wait3A_411 : memref<!tpu.dma_semaphore, #tpu.memory_space<semaphore_mem>>) src(%arg13 : memref<16x1280xf32, #tpu.memory_space<vmem>>) dst(%dma_wait3A_415 : memref<16x1280xf32, #tpu.memory_space<hbm>>)
    "tpu.region"() ({
      %run_scoped3A = tpu.sem_alloc : memref<!tpu.dma_semaphore, #tpu.memory_space<semaphore_mem>>
      %dma_start3A_422 = arith.constant 0 : i32
      %dma_start3A_423 = arith.constant 0 : i32
      %dma_start3A_424 = tpu.memref_slice %arg11[%dma_start3A_422, %dma_start3A_423] : memref<16x1280xf32, #tpu.memory_space<vmem>> -> memref<1x1280xf32, #tpu.memory_space<vmem>>
      %dma_start3A_425 = arith.constant 1024 : i32
      %dma_start3A_426 = arith.constant 0 : i32
      %dma_start3A_427 = tpu.memref_slice %arg2[%select_n3A, %select_n3A_30, %dma_start3A_425, %dma_start3A_426] : memref<8x4x1025x1280xf32, #tpu.memory_space<hbm>> -> memref<1x1x1x1280xf32, #tpu.memory_space<hbm>>
      %dma_start3A_428 = tpu.memref_squeeze %dma_start3A_427 : memref<1x1x1x1280xf32, #tpu.memory_space<hbm>> -> memref<1x1280xf32, #tpu.memory_space<hbm>>
      %dma_start3A_429 = arith.constant 0 : i32
      %dma_start3A_430 = arith.constant 0 : i32
      %dma_start3A_431 = tpu.memref_slice %arg11[%dma_start3A_429, %dma_start3A_430] : memref<16x1280xf32, #tpu.memory_space<vmem>> -> memref<1x1280xf32, #tpu.memory_space<vmem>>
      %dma_start3A_432 = arith.constant 1024 : i32
      %dma_start3A_433 = arith.constant 0 : i32
      %dma_start3A_434 = tpu.memref_slice %arg2[%select_n3A, %select_n3A_30, %dma_start3A_432, %dma_start3A_433] : memref<8x4x1025x1280xf32, #tpu.memory_space<hbm>> -> memref<1x1x1x1280xf32, #tpu.memory_space<hbm>>
      %dma_start3A_435 = tpu.memref_squeeze %dma_start3A_434 : memref<1x1x1x1280xf32, #tpu.memory_space<hbm>> -> memref<1x1280xf32, #tpu.memory_space<hbm>>
      tpu.enqueue_dma source(%dma_start3A_435 : memref<1x1280xf32, #tpu.memory_space<hbm>>) target(%dma_start3A_431 : memref<1x1280xf32, #tpu.memory_space<vmem>>) target_semaphore(%run_scoped3A : memref<!tpu.dma_semaphore, #tpu.memory_space<semaphore_mem>>)
      %dma_wait3A_436 = arith.constant 0 : i32
      %dma_wait3A_437 = arith.constant 0 : i32
      %dma_wait3A_438 = tpu.memref_slice %arg11[%dma_wait3A_436, %dma_wait3A_437] : memref<16x1280xf32, #tpu.memory_space<vmem>> -> memref<1x1280xf32, #tpu.memory_space<vmem>>
      %dma_wait3A_439 = arith.constant 1024 : i32
      %dma_wait3A_440 = arith.constant 0 : i32
      %dma_wait3A_441 = tpu.memref_slice %arg2[%select_n3A, %select_n3A_30, %dma_wait3A_439, %dma_wait3A_440] : memref<8x4x1025x1280xf32, #tpu.memory_space<hbm>> -> memref<1x1x1x1280xf32, #tpu.memory_space<hbm>>
      %dma_wait3A_442 = tpu.memref_squeeze %dma_wait3A_441 : memref<1x1x1x1280xf32, #tpu.memory_space<hbm>> -> memref<1x1280xf32, #tpu.memory_space<hbm>>
      %dma_wait3A_443 = arith.constant 0 : i32
      %dma_wait3A_444 = arith.constant 0 : i32
      %dma_wait3A_445 = tpu.memref_slice %arg11[%dma_wait3A_443, %dma_wait3A_444] : memref<16x1280xf32, #tpu.memory_space<vmem>> -> memref<1x1280xf32, #tpu.memory_space<vmem>>
      %dma_wait3A_446 = arith.constant 1024 : i32
      %dma_wait3A_447 = arith.constant 0 : i32
      %dma_wait3A_448 = tpu.memref_slice %arg2[%select_n3A, %select_n3A_30, %dma_wait3A_446, %dma_wait3A_447] : memref<8x4x1025x1280xf32, #tpu.memory_space<hbm>> -> memref<1x1x1x1280xf32, #tpu.memory_space<hbm>>
      %dma_wait3A_449 = tpu.memref_squeeze %dma_wait3A_448 : memref<1x1x1x1280xf32, #tpu.memory_space<hbm>> -> memref<1x1280xf32, #tpu.memory_space<hbm>>
      tpu.wait_dma2 semaphore(%run_scoped3A : memref<!tpu.dma_semaphore, #tpu.memory_space<semaphore_mem>>) src(%dma_wait3A_449 : memref<1x1280xf32, #tpu.memory_space<hbm>>) dst(%dma_wait3A_445 : memref<1x1280xf32, #tpu.memory_space<vmem>>)
      tpu.yield
    }) : () -> ()
    %scan3A_416 = arith.constant 0 : i32
    %scan3A_417 = arith.constant 0 : i32
    %scan3A_418 = arith.constant 80 : i32
    %scan3A_419 = arith.addi %scan3A_417, %scan3A_418 : i32
    %scan3A_420 = arith.constant 1 : i32
    scf.for %scan3A_422 = %scan3A_417 to %scan3A_419 step %scan3A_420  : i32 {
      %mul3A_423 = arith.constant 16 : i32
      %mul3A_424 = arith.muli %scan3A_422, %mul3A_423 : i32
      %get3A_425 = arith.constant 0 : i32
      %get3A_426 = arith.index_cast %get3A_425 : i32 to index
      %get3A_427 = arith.index_cast %mul3A_424 : i32 to index
      %get3A_428 = tpu.vector_load %arg9[%get3A_426, %get3A_427] {strides = array<i32>} : memref<1x1280xf32, #tpu.memory_space<vmem>>, vector<1x16xf32>,
      %get3A_429 = vector.shape_cast %get3A_428 : vector<1x16xf32> to vector<16xf32>
      %get3A_430 = arith.constant 0 : i32
      %get3A_431 = arith.index_cast %get3A_430 : i32 to index
      %get3A_432 = arith.index_cast %mul3A_424 : i32 to index
      %get3A_433 = tpu.vector_load %arg11[%get3A_431, %get3A_432] {strides = array<i32>} : memref<16x1280xf32, #tpu.memory_space<vmem>>, vector<1x16xf32>,
      %get3A_434 = vector.shape_cast %get3A_433 : vector<1x16xf32> to vector<16xf32>
      %add3A_435 = arith.addf %get3A_434, %get3A_429 : vector<16xf32>
      %swap3A = arith.constant 0 : i32
      %swap3A_436 = arith.index_cast %swap3A : i32 to index
      %swap3A_437 = arith.index_cast %mul3A_424 : i32 to index
      %swap3A_438 = tpu.vector_load %arg14[%swap3A_436, %swap3A_437] {strides = array<i32>} : memref<16x1280xf32, #tpu.memory_space<vmem>>, vector<1x16xf32>,
      %swap3A_439 = vector.shape_cast %swap3A_438 : vector<1x16xf32> to vector<16xf32>
      %swap3A_440 = vector.shape_cast %add3A_435 : vector<16xf32> to vector<1x16xf32>
      tpu.vector_store %arg14[%swap3A_436, %swap3A_437], %swap3A_440 {strides = array<i32>} : memref<16x1280xf32, #tpu.memory_space<vmem>>, vector<1x16xf32>,
    }
    %scan3A_421 = arith.constant 80 : i32
    "tpu.region"() ({
      %run_scoped3A = tpu.sem_alloc : memref<!tpu.dma_semaphore, #tpu.memory_space<semaphore_mem>>
      %dma_start3A_422 = arith.constant 0 : i32
      %dma_start3A_423 = arith.constant 0 : i32
      %dma_start3A_424 = tpu.memref_slice %arg14[%dma_start3A_422, %dma_start3A_423] : memref<16x1280xf32, #tpu.memory_space<vmem>> -> memref<1x1280xf32, #tpu.memory_space<vmem>>
      %dma_start3A_425 = arith.constant 1024 : i32
      %dma_start3A_426 = arith.constant 0 : i32
      %dma_start3A_427 = tpu.memref_slice %arg6[%select_n3A, %select_n3A_30, %dma_start3A_425, %dma_start3A_426] : memref<8x4x1025x1280xf32, #tpu.memory_space<hbm>> -> memref<1x1x1x1280xf32, #tpu.memory_space<hbm>>
      %dma_start3A_428 = tpu.memref_squeeze %dma_start3A_427 : memref<1x1x1x1280xf32, #tpu.memory_space<hbm>> -> memref<1x1280xf32, #tpu.memory_space<hbm>>
      %dma_start3A_429 = arith.constant 1024 : i32
      %dma_start3A_430 = arith.constant 0 : i32
      %dma_start3A_431 = tpu.memref_slice %arg6[%select_n3A, %select_n3A_30, %dma_start3A_429, %dma_start3A_430] : memref<8x4x1025x1280xf32, #tpu.memory_space<hbm>> -> memref<1x1x1x1280xf32, #tpu.memory_space<hbm>>
      %dma_start3A_432 = tpu.memref_squeeze %dma_start3A_431 : memref<1x1x1x1280xf32, #tpu.memory_space<hbm>> -> memref<1x1280xf32, #tpu.memory_space<hbm>>
      %dma_start3A_433 = arith.constant 0 : i32
      %dma_start3A_434 = arith.constant 0 : i32
      %dma_start3A_435 = tpu.memref_slice %arg14[%dma_start3A_433, %dma_start3A_434] : memref<16x1280xf32, #tpu.memory_space<vmem>> -> memref<1x1280xf32, #tpu.memory_space<vmem>>
      tpu.enqueue_dma source(%dma_start3A_435 : memref<1x1280xf32, #tpu.memory_space<vmem>>) target(%dma_start3A_432 : memref<1x1280xf32, #tpu.memory_space<hbm>>) target_semaphore(%run_scoped3A : memref<!tpu.dma_semaphore, #tpu.memory_space<semaphore_mem>>)
      %dma_wait3A_436 = arith.constant 0 : i32
      %dma_wait3A_437 = arith.constant 0 : i32
      %dma_wait3A_438 = tpu.memref_slice %arg14[%dma_wait3A_436, %dma_wait3A_437] : memref<16x1280xf32, #tpu.memory_space<vmem>> -> memref<1x1280xf32, #tpu.memory_space<vmem>>
      %dma_wait3A_439 = arith.constant 1024 : i32
      %dma_wait3A_440 = arith.constant 0 : i32
      %dma_wait3A_441 = tpu.memref_slice %arg6[%select_n3A, %select_n3A_30, %dma_wait3A_439, %dma_wait3A_440] : memref<8x4x1025x1280xf32, #tpu.memory_space<hbm>> -> memref<1x1x1x1280xf32, #tpu.memory_space<hbm>>
      %dma_wait3A_442 = tpu.memref_squeeze %dma_wait3A_441 : memref<1x1x1x1280xf32, #tpu.memory_space<hbm>> -> memref<1x1280xf32, #tpu.memory_space<hbm>>
      %dma_wait3A_443 = arith.constant 1024 : i32
      %dma_wait3A_444 = arith.constant 0 : i32
      %dma_wait3A_445 = tpu.memref_slice %arg6[%select_n3A, %select_n3A_30, %dma_wait3A_443, %dma_wait3A_444] : memref<8x4x1025x1280xf32, #tpu.memory_space<hbm>> -> memref<1x1x1x1280xf32, #tpu.memory_space<hbm>>
      %dma_wait3A_446 = tpu.memref_squeeze %dma_wait3A_445 : memref<1x1x1x1280xf32, #tpu.memory_space<hbm>> -> memref<1x1280xf32, #tpu.memory_space<hbm>>
      %dma_wait3A_447 = arith.constant 0 : i32
      %dma_wait3A_448 = arith.constant 0 : i32
      %dma_wait3A_449 = tpu.memref_slice %arg14[%dma_wait3A_447, %dma_wait3A_448] : memref<16x1280xf32, #tpu.memory_space<vmem>> -> memref<1x1280xf32, #tpu.memory_space<vmem>>
      tpu.wait_dma2 semaphore(%run_scoped3A : memref<!tpu.dma_semaphore, #tpu.memory_space<semaphore_mem>>) src(%dma_wait3A_449 : memref<1x1280xf32, #tpu.memory_space<vmem>>) dst(%dma_wait3A_446 : memref<1x1280xf32, #tpu.memory_space<hbm>>)
      tpu.yield
    }) : () -> ()
    return
  }
}

</mosaic_0001>

<sc_bundles>
// kernel: kernel.3.cloned.1.call-start
scs
__scs_entry_jumppad:
0x0: {  	(pc) =	sbr.rel $0x88, $3  }
0x1: {  	(tag) =	ssettag $0x0;
	lr =	simm.s32 $0x1  }
0x2: {  	[smem:$0x3F9D] =	sst lr;
	_ =	strace $0xD0000000  }
0x3: {  	_ = 	snop  }
0x4: {  	_ = 	snop  }
0x5: {  	_ = 	snop  }
0x6: {  	_ = 	snop  }
0x7: {  	_ = 	snop  }
__scs_overlays_trampoline_lowered:
0x8: {  	[smem:$0x3FAC] =	sst s0  }
0x9: {  	[smem:$0x3FAD] =	sst s1  }
0xa: {  	[smem:$0x3FAE] =	sst s2  }
0xb: {  	[smem:$0x3FAF] =	sst s3  }
0xc: {  	[smem:$0x3FB0] =	sst s4  }
0xd: {  	[smem:$0x3FB1] =	sst s5  }
0xe: {  	[smem:$0x3FB2] =	sst s6  }
0xf: {  	[smem:$0x3FB3] =	sst s7  }
0x10: {  	[smem:$0x3FB4] =	sst s8  }
0x11: {  	[smem:$0x3FB5] =	sst s9;
	s0 =	simm.s32 @!p0 $0x0  }
0x12: {  	s1 =	sld [smem:$0x3F9B];
	s0 =	simm.s32 @p0 $0x1  }
0x13: {  	[smem:$0x3FB6] =	sst s0;
	s0 =	simm.s32 @!p1 $0x0  }
0x14: {  	s2 =	sld [smem:$0x3F9A];
	s0 =	simm.s32 @p1 $0x1  }
0x15: {  	[smem:$0x3FB7] =	sst s0;
	s0 =	simm.s32 @!p2 $0x0  }
0x16: {  	s3 =	sld [smem:$0x3FDB];
	s0 =	simm.s32 @p2 $0x1  }
0x17: {  	s4 =	simm.s32 $0x1BF5;
	[smem:$0x3FB9] =	sst s0  }
0x18: {  	s0 =	sld [smem:$0x3F9C];
	_ =	swait.ge [sflag:s4], $0x0  }
0x19: {  	s7 =	sld [smem:$0x3F9D]  }
0x1a: {  	s8 =	sadd.s32 $0xFFFFE003, lr  }
0x1b: {  	s9 =	sadd.s32 $0xFFFFFEF7, lr;
	s5 =	simm.s32 $0xFFFFFFFF;
	p2 =	slt.u32 s8, $0xFFFFF086  }
0x1c: {  	p1 =	slt.u32 s9, $0xF7A;
	s5 =	simm.s32 @!p2 $0x0  }
0x1d: {  	s5 =	simm.s32 @p1 $0x1;
	p0 =	seq.s32 s7, s2  }
0x1e: {  	s7 =	smul.u32 @!p0 $0xF7A, s2;
	p2 =	seq.s32 @!p0 s5, $0x0  }
0x1f: {  	s9 =	smul.u32 $0xF7A, s1;
	s8 =	simm.s32 @!p0 $0x1BF5;
	p2 =	por !p2, p0  }
0x20: {  	[sflag:s8] =	ssyncset.s32 @!p0 $0xFFFFF086;
	s6 =	sadd.s32 @!p0 s3, s7;
	s7 =	simm.s32 @!p0 $0x108  }
0x21: {  	s3 =	sadd.s32 s3, s9;
	s6 =	sadd.s32 @!p0 $0x88, s6;
	s7 =	simm.s32 @p2 $0x1082  }
0x22: {  	[simem:s7], [sflag:s8] =	dma.local @!p0 [hbm:s6], $0xF7A  }
0x23: {  	s9 =	sor.u32 $0xD0000000, s2;
	s6 =	simm.s32 $0x108;
	_ =	swait.ge @!p0 [sflag:s8], $0x0  }
0x24: {  	s3 =	sadd.s32 $0x88, s3;
	s6 =	simm.s32 @!p1 $0x1082;
	[sflag:s4] =	ssyncset.s32 $0xFFFFF086  }
0x25: {  	[simem:s6], [sflag:s4] =	dma.local [hbm:s3], $0xF7A  }
0x26: {  	[smem:$0x3F9D] =	sst s1;
	(tag) =	ssettag s2;
	_ =	strace s9  }
0x27: {  	s1 =	sld [smem:$0x3FAD]  }
0x28: {  	s2 =	sld [smem:$0x3FAE]  }
0x29: {  	s4 =	sld [smem:$0x3FB0]  }
0x2a: {  	p0 =	seq.s32 s5, $0x0;
	s5 =	sld [smem:$0x3FB1]  }
0x2b: {  	s6 =	sld [smem:$0x3FB2]  }
0x2c: {  	s7 =	sld [smem:$0x3FB3]  }
0x2d: {  	s3 =	simm.s32 $0x108;
	s8 =	sld [smem:$0x3FB4]  }
0x2e: {  	s3 =	simm.s32 @!p0 $0x1082;
	s9 =	sld [smem:$0x3FB5]  }
0x2f: {  	lr =	sadd.s32 s0, s3;
	s0 =	sld [smem:$0x3FAC]  }
0x30: {  	s3 =	sld [smem:$0x3FAF]  }
0x31: {  	[smem:$0x3FB8] =	sst s10  }
0x32: {  	s10 =	sld [smem:$0x3FB6];
	_ =	sdelay $0x3  }
0x33: {  	p0 =	seq.s32 s10, $0x1;
	s10 =	sld [smem:$0x3FB8];
	_ =	sdelay $0x3  }
0x34: {  	[smem:$0x3FB8] =	sst s10  }
0x35: {  	s10 =	sld [smem:$0x3FB7];
	_ =	sdelay $0x3  }
0x36: {  	p1 =	seq.s32 s10, $0x1;
	s10 =	sld [smem:$0x3FB8];
	_ =	sdelay $0x3  }
0x37: {  	[smem:$0x3FB8] =	sst s10  }
0x38: {  	s10 =	sld [smem:$0x3FB9]  }
0x39: {  	_ = 	snop;
	(pc) =	sbr.ind lr, $3  }
0x3a: {  	_ = 	snop  }
0x3b: {  	_ = 	snop  }
0x3c: {  	p2 =	seq.s32 s10, $0x1;
	s10 =	sld [smem:$0x3FB8]  }
0x3d: {  	_ =	shalt  }
0x3e: {  	_ =	shalt  }
0x3f: {  	_ =	shalt  }
0x40: {  	_ =	shalt  }
0x41: {  	_ =	shalt  }
0x42: {  	_ =	shalt  }
0x43: {  	_ =	shalt  }
0x44: {  	_ =	shalt  }
0x45: {  	_ =	shalt  }
0x46: {  	_ =	shalt  }
0x47: {  	_ =	shalt  }
0x48: {  	_ =	shalt  }
0x49: {  	_ =	shalt  }
0x4a: {  	_ =	shalt  }
0x4b: {  	_ =	shalt  }
0x4c: {  	_ =	shalt  }
0x4d: {  	_ =	shalt  }
0x4e: {  	_ =	shalt  }
0x4f: {  	_ =	shalt  }
0x50: {  	_ =	shalt  }
0x51: {  	_ =	shalt  }
0x52: {  	_ =	shalt  }
0x53: {  	_ =	shalt  }
0x54: {  	_ =	shalt  }
0x55: {  	_ =	shalt  }
0x56: {  	_ =	shalt  }
0x57: {  	_ =	shalt  }
0x58: {  	_ =	shalt  }
0x59: {  	_ =	shalt  }
0x5a: {  	_ =	shalt  }
0x5b: {  	_ =	shalt  }
0x5c: {  	_ =	shalt  }
0x5d: {  	_ =	shalt  }
0x5e: {  	_ =	shalt  }
0x5f: {  	_ =	shalt  }
0x60: {  	_ =	shalt  }
0x61: {  	_ =	shalt  }
0x62: {  	_ =	shalt  }
0x63: {  	_ =	shalt  }
0x64: {  	_ =	shalt  }
0x65: {  	_ =	shalt  }
0x66: {  	_ =	shalt  }
0x67: {  	_ =	shalt  }
0x68: {  	_ =	shalt  }
0x69: {  	_ =	shalt  }
0x6a: {  	_ =	shalt  }
0x6b: {  	_ =	shalt  }
0x6c: {  	_ =	shalt  }
0x6d: {  	_ =	shalt  }
0x6e: {  	_ =	shalt  }
0x6f: {  	_ =	shalt  }
0x70: {  	_ =	shalt  }
0x71: {  	_ =	shalt  }
0x72: {  	_ =	shalt  }
0x73: {  	_ =	shalt  }
0x74: {  	_ =	shalt  }
0x75: {  	_ =	shalt  }
0x76: {  	_ =	shalt  }
0x77: {  	_ =	shalt  }
0x78: {  	_ =	shalt  }
0x79: {  	_ =	shalt  }
0x7a: {  	_ =	shalt  }
0x7b: {  	_ =	shalt  }
0x7c: {  	_ =	shalt  }
0x7d: {  	_ =	shalt  }
0x7e: {  	_ =	shalt  }
0x7f: {  	_ =	shalt  }
0x80: {  	_ =	shalt  }
0x81: {  	_ =	shalt  }
0x82: {  	_ =	shalt  }
0x83: {  	_ =	shalt  }
0x84: {  	_ =	shalt  }
0x85: {  	_ =	shalt  }
0x86: {  	_ =	shalt  }
0x87: {  	_ =	shalt  }
.Lfunc_end0:
.L_simem_size_0:
called_computation_lowered:
.L_overlay_start_0:
0x88: {  	s2 =	sld [smem:$0x3FD9]  }
0x89: {  	s3 =	sld [smem:$0x3FFE];
	_ =	sdelay $0x1  }
0x8a: {  	s1 =	srdreg.scid  }
0x8b: {  	s0 =	sand.u32 $0x1, s1  }
0x8c: {  	s17 =	sshll.u32 s0, $0xA;
	s2 =	sadd.s32 s3, s2  }
0x8d: {  	s2 =	sadd.s32 s2, s17  }
0x8e: {  	[smem:$0x3FC4] =	sst s2  }
0x8f: {  	_ = 	snop  }
0x90: {  	s2 =	sld [smem:$0x3FD0];
	(tm) =	ssettm $0x1  }
0x91: {  	s18 =	sld [smem:$0x3FFB];
	_ =	sdelay $0x3  }
0x92: {  	_ =	strace s18  }
0x93: {  	s3 =	sld [smem:$0x3FFC];
	_ =	sdelay $0x3  }
0x94: {  	_ =	strace s3  }
0x95: {  	s3 =	sld [smem:$0x3FFD];
	_ =	sdelay $0x3  }
0x96: {  	_ =	strace s3  }
0x97: {  	_ =	strace $0x8FFFFFFF  }
0x98: {  	s19 =	sld [smem:$0x3FDB];
	_ =	sdelay $0x1  }
0x99: {  	s4 =	simm.s32 $_scs_section_size  }
0x9a: {  	s5 =	simm.s32 $_size__tile_overlayer_lowered;
	s6 =	simm.s32 $_tile_overlayer_lowered  }
0x9b: {  	s22 =	simm.s32 $0x1BFF;
	s21 =	sshll.u32 s6, $0x1;
	s3 =	sadd.s32 s4, s19  }
0x9c: {  	s7 =	simm.s32 $0x0;
	s20 =	sshll.u32 s5, $0x1;
	s5 =	sadd.s32 s21, s3  }
0x9d: {  	[timem:s7], [sflag:s22] =	dma.local [hbm:s5], s20  }
0x9e: {  	_ =	swait.ge [sflag:s22], s20  }
0x9f: {  	s4 =	ssub.s32 $0x0, s20;
	[sflag:s22] =	ssyncset.done $0x0  }
0xa0: {  	[sflag:s22] =	ssyncadd.s32 s4;
	_ =	sdelay $0x1  }
0xa1: {  	s23 =	simm.s32 $0x1B8B  }
0xa2: {  	_ =	swait.ge [sflag:s23], $0x1  }
0xa3: {  	[sflag:s23] =	ssyncset.done $0x0  }
0xa4: {  	s25 =	simm.s32 $0x1B8E;
	s24 =	sld [smem:$0x3FFE];
	[sflag:s23] =	ssyncadd.s32 $0xFFFFFFFF  }
0xa5: {  	s26 =	simm.s32 $execute0_lowered;
	[smem:$0x3FD2] =	sst s25  }
0xa6: {  	s5 =	sshll.u32 s26, $0x1;
	_ =	strace $0x80000046;
	[dreg:$0x1] =	wrdreg $0xFFFFFFFF  }
0xa7: {  	s28 =	simm.s32 $_size_execute0_lowered;
	s3 =	sadd.s32 s3, s5;
	[dreg:$0x0] =	wrdreg $0x0  }
0xa8: {  	s5 =	sshll.u32 s28, $0x1;
	[dreg:$0x2] =	wrdreg s3  }
0xa9: {  	[dreg:$0x3] =	wrdreg s5  }
0xaa: {  	[dreg:$0x4] =	wrdreg $0xC0  }
0xab: {  	_ =	task [dreg:s7], $0x5FFFF  }
0xac: {  	[dreg:$0x1] =	wrdreg $0xFFFFFFFF  }
0xad: {  	[dreg:$0x0] =	wrdreg $0x60  }
0xae: {  	[dreg:$0x2] =	wrdreg s24  }
0xaf: {  	[dreg:$0x3] =	wrdreg s2  }
0xb0: {  	[dreg:$0x4] =	wrdreg $0x9  }
0xb1: {  	_ =	task.clear_ibuf [dreg:s7], $0x5FFFF;
	_ =	strace $0x90000046  }
0xb2: {  	s29 =	simm.s32 $0x9;
	_ =	strace $0x80000048  }
0xb3: {  	_ =	swait.ge [sflag:s29], $0x1  }
0xb4: {  	[sflag:s29] =	ssyncadd.s32 $0xFFFFFFFF  }
0xb5: {  	_ =	strace $0x90000048  }
0xb6: {  	_ =	sfence  }
0xb7: {  	s30 =	sld [smem:$0x0];
	_ =	sdelay $0x2  }
0xb8: {  	s31 =	sshll.u32 s1, $0xD;
	s1 =	sshrl.u32 s1, $0x2  }
0xb9: {  	s3 =	sand.u32 $0x4000, s31;
	s1 =	sadd.s32 s1, s30  }
0xba: {  	s0 =	sor.u32 s3, s0;
	s1 =	sshll.u32 s1, $0x11  }
0xbb: {  	s0 =	sor.u32 s1, s0  }
0xbc: {  	s0 =	sadd.s32 $0x8F2B, s0  }
0xbd: {  	[sflag:s0] =	ssyncadd.remote.s32 $0x1  }
0xbe: {  	_ =	sfence.sel $0xFFFF  }
0xbf: {  	[dreg:$0x0] =	wrdreg $0xFFFFFFFF;
	(pc) =	sbr.abs _section_cstart, $3  }
0xc0: {  	[dreg:$0x1] =	wrdreg $0xFFFFFFFF  }
0xc1: {  	_ =	task.clear_ibuf [dreg:s7], $0x2FFFF;
	_ =	strace $0x9FFFFFFF  }
0xc2: {  	(tm) =	ssettm $0x7FFFFFFF  }
0xc3: {  	_ =	shalt  }
tec
execute0_lowered:
.L_overlay_start_1:
0x0: {  	(tag) =	ssettag $0x1  }
0x1: {  	s0 =	rddreg [dreg:$0x0]  }
0x2: {  	s9 =	rddreg [dreg:$0x1];
	s3 =	simm.s32 $0x0;
	s6 =	stileid.u32  }
0x3: {  	s5 =	srdreg.scid;
	[smem:$0x7FF] =	sst s3;
	s1 =	sshrl.u32 s6, $0x1  }
0x4: {  	s4 =	sadd.s32 $0x600, s0;
	s6 =	sshll.u32 s6, $0x1;
	s7 =	sadd.s32 $0x50A800, s0  }
0x5: {  	s5 =	sand.u32 $0x1, s5;
	s10 =	sadd.s32 $0x100, s9;
	s11 =	sadd.s32 $0x200, s9  }
0x6: {  	s12 =	sadd.s32 $0x300, s9;
	_ =	strace $0x80000047;
	[dreg:$0x3] =	wrdreg s7  }
0x7: {  	s13 =	sadd.s32 $0x400, s9;
	s9 =	simm.s32 $0x1;
	[dreg:$0x5] =	wrdreg s10  }
0x8: {  	s2 =	sshll.u32 s1, $0x4;
	s6 =	sand.u32 $0x2, s6;
	[dreg:$0x6] =	wrdreg s11  }
0x9: {  	s30 =	ssub.s32 $0x2, s5;
	s1 =	smul.u32 $0x50A000, s1;
	[dreg:$0x7] =	wrdreg s12  }
0xa: {  	[dreg:$0x8] =	wrdreg s13;
	s7 =	simm.s32 $0x5600;
	s10 =	simm.s32 $0x2  }
0xb: {  	s12 =	simm.s32 $0x14600;
	s2 =	sadd.s32 s2, s0;
	s5 =	sor.u32 s5, s6  }
0xc: {  	s6 =	sadd.s32 $0x50AA00, s0;
	s31 =	sshrl.u32 s30, $0x1;
	s8 =	smul.u32 $0x142800, s5  }
0xd: {  	s0 =	ssub.s32 s30, s31;
	s2 =	sadd.s32 $0x50A600, s2;
	s14 =	sshll.u32 s5, $0x7  }
0xe: {  	s5 =	simm.s32 $0x600;
	[dreg:$0x4] =	wrdreg s2;
	s11 =	sadd.s32 s1, s8  }
0xf: {  	s13 =	sor.u32 $0xF600, s14;
	s0 =	smax.u32 s0, $0x1;
	s15 =	sshrl.u32 s11, $0x3  }
0x10: {  	[dreg:$0x12] =	wrdreg s0;
	s0 =	simm.s32 $0x8;
	s18 =	sadd.s32 s4, s15  }
0x11: {  	s16 =	sadd.s32 $0xA00, s15;
	s21 =	sadd.s32 s6, s15;
	[dreg:$0x9] =	wrdreg s18  }
0x12: {  	s17 =	sadd.s32 $0x1400, s15;
	s19 =	sadd.s32 s4, s16;
	[dreg:$0xc] =	wrdreg s21  }
0x13: {  	s8 =	simm.s32 $0xA600;
	s20 =	sadd.s32 s4, s17;
	[dreg:$0xa] =	wrdreg s19  }
0x14: {  	s24 =	sadd.s32 $0x27600, s15;
	s22 =	sadd.s32 $0x1E00, s18;
	[dreg:$0xb] =	wrdreg s20  }
0x15: {  	s2 =	sadd.s32 $0x28000, s15;
	s1 =	sadd.s32 s6, s16;
	[dreg:$0xd] =	wrdreg s22  }
0x16: {  	s15 =	simm.s32 $0x3;
	s23 =	sadd.s32 s6, s17;
	[dreg:$0xe] =	wrdreg s1  }
0x17: {  	s25 =	sadd.s32 s4, s24;
	s26 =	sadd.s32 $0x2800, s18;
	[dreg:$0xf] =	wrdreg s23  }
0x18: {  	s28 =	sadd.s32 $0x3200, s18;
	s29 =	sadd.s32 $0x25800, s21;
	[dreg:$0x10] =	wrdreg s25  }
0x19: {  	s30 =	sadd.s32 $0x26200, s21;
	s31 =	sadd.s32 $0x26C00, s21;
	[dreg:$0x13] =	wrdreg s26  }
0x1a: {  	s16 =	simm.s32 $0x19600;
	s18 =	simm.s32 $0x4;
	[dreg:$0x14] =	wrdreg s28  }
0x1b: {  	s21 =	simm.s32 $0x0;
	s1 =	sadd.s32 s6, s24;
	[dreg:$0x15] =	wrdreg s29  }
0x1c: {  	v0 =	vlaneseq.u32;
	s23 =	sadd.s32 s4, s2;
	s24 =	sadd.s32 s6, s2;
	[dreg:$0x16] =	wrdreg s30  }
0x1d: {  	v1 =	vshrl.u32 v0, $0x3;
	[dreg:$0x17] =	wrdreg s31;
	s2 =	simm.s32 $0x7;
	s19 =	simm.s32 $0x5  }
0x1e: {  	vm0 =	vmmov $0xffff;
	v0 =	vand.u32 $0x7, v0;
	v1 =	vmul.u32 $0x8, v1;
	s20 =	simm.s32 $0x6;
	[dreg:$0x11] =	wrdreg s1;
	s1 =	simm.s32 $0xF600  }
.LBB2_1:
0x1f: {  	s14 =	rddreg [dreg:$0x4]  }
0x20: {  	[tilespmem:s3], [sflag:$0x8] =	stream.linear.gather [hbm4b:s14+s3], $0x80, $0x38;
	[tilespmem:$0x1E600] =	vst v63  }
0x21: {  	_ =	swait.ge [sflag:s0], $0x80  }
0x22: {  	[sflag:s0] =	ssyncset.done $0x0  }
0x23: {  	[sflag:s0] =	ssyncadd.s32 $0xFFFFFF80  }
0x24: {  	v2 =	vld.msk [tilespmem:$0x0], $0xff;
	_ =	sdelay $0x4  }
0x25: {  	v3 =	vshrl.u32 v2, $0x3  }
0x26: {  	v3 =	vmul.u32 $0x50, v3  }
0x27: {  	v2 =	vand.u32 $0x7, v2  }
0x28: {  	v2 =	vor.u32 v2, v3  }
0x29: {  	v2 =	vperm.xlane v2, v0;
	_ =	sdelay $0x1  }
0x2a: {  	v2 =	vadd.s32 v1, v2;
	_ =	sdelay $0x3  }
0x2b: {  	s22 =	rddreg [dreg:$0x1]  }
0x2c: {  	[tilespmem:s1], [sflag:$0x7] =	stream.indirect_vreg.gather [hbm4b:s22+s3], $0x80, v2, vm0, $0xb8;
	[tilespmem:$0x1E600] =	vst v63  }
0x2d: {  	s17 =	simm.s32 $0xFE00;
	s25 =	rddreg [dreg:$0x5]  }
0x2e: {  	[tilespmem:s17], [sflag:$0x7] =	stream.indirect_vreg.gather [hbm4b:s25+s3], $0x80, v2, vm0, $0xb8;
	[tilespmem:$0x1E600] =	vst v63  }
0x2f: {  	s29 =	simm.s32 $0x10600;
	s26 =	rddreg [dreg:$0x6]  }
0x30: {  	[tilespmem:s29], [sflag:$0x7] =	stream.indirect_vreg.gather [hbm4b:s26+s3], $0x80, v2, vm0, $0xb8;
	[tilespmem:$0x1E600] =	vst v63  }
0x31: {  	s31 =	simm.s32 $0x10E00;
	s30 =	rddreg [dreg:$0x7]  }
0x32: {  	[tilespmem:s31], [sflag:$0x7] =	stream.indirect_vreg.gather [hbm4b:s30+s3], $0x80, v2, vm0, $0xb8;
	[tilespmem:$0x1E600] =	vst v63  }
0x33: {  	s22 =	rddreg [dreg:$0x8];
	s25 =	simm.s32 $0x11600  }
0x34: {  	[tilespmem:s25], [sflag:$0x7] =	stream.indirect_vreg.gather [hbm4b:s22+s3], $0x80, v2, vm0, $0xb8;
	[tilespmem:$0x1E600] =	vst v63  }
0x35: {  	_ =	swait.ge [sflag:s2], $0x2800  }
0x36: {  	[sflag:s2] =	ssyncset.done $0x0  }
0x37: {  	s29 =	simm.s32 $0x80;
	s26 =	rddreg [dreg:$0x3];
	[sflag:s2] =	ssyncadd.s32 $0xFFFFD800  }
0x38: {  	[tilespmem:s29], [sflag:$0x8] =	stream.linear.gather [hbm4b:s26+s3], $0x80, $0x38;
	[tilespmem:$0x1E600] =	vst v63  }
0x39: {  	_ =	swait.ge [sflag:s0], $0x80  }
0x3a: {  	[sflag:s0] =	ssyncset.done $0x0  }
0x3b: {  	[sflag:s0] =	ssyncadd.s32 $0xFFFFFF80  }
0x3c: {  	v2 =	vld [tilespmem:$0x80];
	_ =	sdelay $0x4  }
0x3d: {  	v2 =	vadd.f32 v2, v2;
	_ =	sdelay $0x1  }
0x3e: {  	v2 =	vmul.f32 $1.442695020e+00, v2;
	_ =	sdelay $0x1  }
0x3f: {  	(erf) = vpow2.f32 v2;
	_ =	sdelay $0x8  }
0x40: {  	v2 =	vpop (erf)  }
0x41: {  	v2 =	vadd.f32 $1.000000000e+00, v2;
	_ =	sdelay $0x1  }
0x42: {  	(erf) = vrcp.f32 v2;
	_ =	sdelay $0x4  }
0x43: {  	s30 =	sand.u32 $0xF000, s3  }
0x44: {  	s14 =	sshrl.u32 s30, $0x2  }
0x45: {  	s22 =	sand.u32 $0x70, s3;
	s14 =	sadd.s32 s14, s13  }
0x46: {  	s14 =	sadd.s32 s22, s14  }
0x47: {  	v3 =	vld [tilespmem:s14+$0x0];
	v2 =	vpop (erf)  }
0x48: {  	v2 =	vadd.f32 v2, v2;
	_ =	sdelay $0x1  }
0x49: {  	s31 =	simm.s32 $0x200;
	v2 =	vsub.f32 $1.000000000e+00, v2  }
0x4a: {  	s14 =	sand.u32 $0xF000, s31  }
0x4b: {  	s25 =	simm.s32 $0x10;
	s14 =	sshrl.u32 s14, $0x2;
	v3 =	vmul.f32 v3, v2  }
0x4c: {  	s22 =	simm.s32 $0x100;
	s25 =	sand.u32 $0x70, s25;
	s14 =	sadd.s32 s14, s13  }
0x4d: {  	s14 =	sadd.s32 s25, s14;
	[tilespmem:s22+$0x0] =	vst v3  }
0x4e: {  	v3 =	vld [tilespmem:s14+$0x0];
	_ =	sdelay $0x2  }
0x4f: {  	s25 =	simm.s32 $0x400  }
0x50: {  	s28 =	simm.s32 $0x30;
	s26 =	simm.s32 $0x20;
	s14 =	sand.u32 $0xF000, s25  }
.LBB2_2:
0x51: {  	p0 =	sne.s32 s28, $0x4F0;
	s14 =	sshrl.u32 s14, $0x2;
	v3 =	vmul.f32 v3, v2  }
0x52: {  	s26 =	sand.u32 $0x70, s26;
	s22 =	sadd.s32 $0x10, s22;
	s14 =	sadd.s32 s14, s13  }
0x53: {  	s14 =	sadd.s32 s26, s14;
	[tilespmem:s22+$0x0] =	vst v3;
	s26 =	smov.u32 s28  }
.Ltmp0:
0x54: {  	v3 =	vld [tilespmem:s14+$0x0];
	(pc) =	sbr.rel @p0 .LBB2_2-.Ltmp0, $3  }
0x55: {  	_ =	sdelay $0x1  }
0x56: {  	s25 =	sadd.s32 $0x200, s25  }
0x57: {  	s28 =	sadd.s32 $0x10, s28;
	s14 =	sand.u32 $0xF000, s25  }
0x58: {  	s14 =	sshrl.u32 s14, $0x2;
	v3 =	vmul.f32 v3, v2  }
0x59: {  	s25 =	sand.u32 $0x70, s26;
	s22 =	sadd.s32 $0x10, s22;
	s14 =	sadd.s32 s14, s13  }
0x5a: {  	s14 =	sadd.s32 s25, s14;
	[tilespmem:s22+$0x0] =	vst v3  }
0x5b: {  	v3 =	vld [tilespmem:s14+$0x0];
	_ =	sdelay $0x4  }
0x5c: {  	v2 =	vmul.f32 v3, v2  }
0x5d: {  	s25 =	sadd.s32 $0x10, s22  }
0x5e: {  	s26 =	rddreg [dreg:$0x9];
	[tilespmem:s25+$0x0] =	vst v2;
	s25 =	simm.s32 $0x0  }
0x5f: {  	[tilespmem:s5], [sflag:$0x1] =	stream.linear.gather [hbm4b:s26+s25], $0x5000, $0x38;
	[tilespmem:$0x1E600] =	vst v63  }
0x60: {  	s31 =	rddreg [dreg:$0xa]  }
0x61: {  	[tilespmem:s7], [sflag:$0x2] =	stream.linear.gather [hbm4b:s31+s25], $0x5000, $0x38;
	[tilespmem:$0x1E600] =	vst v63  }
0x62: {  	s17 =	rddreg [dreg:$0xb]  }
0x63: {  	[tilespmem:s8], [sflag:$0x3] =	stream.linear.gather [hbm4b:s17+s25], $0x5000, $0x38;
	[tilespmem:$0x1E600] =	vst v63  }
0x64: {  	_ =	swait.ge [sflag:s9], $0x5000  }
0x65: {  	s22 =	sand.u32 $0x70, s25;
	s26 =	sand.u32 $0x3C00, s25;
	[sflag:s9] =	ssyncset.done $0x0  }
0x66: {  	s22 =	sor.u32 s22, s26;
	[sflag:s9] =	ssyncadd.s32 $0xFFFFB000  }
0x67: {  	s26 =	simm.s32 $0x100;
	v3 =	vld [tilespmem:s22+$0x700]  }
0x68: {  	v2 =	vld [tilespmem:s26+$0x0]  }
0x69: {  	v4 =	vld [tilespmem:s22+$0x880]  }
0x6a: {  	v5 =	vld [tilespmem:s22+$0x900]  }
0x6b: {  	v6 =	vld [tilespmem:s22+$0x780]  }
0x6c: {  	v7 =	vld [tilespmem:s22+$0x800]  }
0x6d: {  	v8 =	vld [tilespmem:s22+$0x600];
	v3 =	vadd.f32 v3, v2  }
0x6e: {  	v9 =	vld [tilespmem:s22+$0x680];
	v4 =	vadd.f32 v4, v2  }
0x6f: {  	v5 =	vadd.f32 v5, v2;
	[tilespmem:s22+$0xF700] =	vst v3  }
0x70: {  	v3 =	vadd.f32 v6, v2;
	[tilespmem:s22+$0xF880] =	vst v4  }
0x71: {  	v4 =	vadd.f32 v7, v2;
	[tilespmem:s22+$0xF900] =	vst v5  }
0x72: {  	s31 =	sand.u32 $0x7, s25;
	v5 =	vadd.f32 v8, v2;
	[tilespmem:s22+$0xF780] =	vst v3  }
0x73: {  	s14 =	sshll.u32 s31, $0x4;
	v3 =	vadd.f32 v9, v2;
	[tilespmem:s22+$0xF800] =	vst v4  }
0x74: {  	s14 =	sadd.s32 $0x0, s14;
	[tilespmem:s22+$0xF600] =	vst v5  }
0x75: {  	s30 =	sor.u32 $0x380, s14;
	[tilespmem:s22+$0xF680] =	vst v3  }
0x76: {  	v3 =	vld [tilespmem:s30+$0x600];
	_ =	sdelay $0x4  }
0x77: {  	s28 =	simm.s32 $0x10;
	s29 =	simm.s32 $0x0;
	v3 =	vadd.f32 v3, v2  }
.LBB2_4:
0x78: {  	_ = 	snop  }
0x79: {  	s25 =	sadd.s32 $0x80, s25;
	s29 =	sadd.s32 $0x1, s29;
	s26 =	sadd.s32 $0x10, s26;
	[tilespmem:s30+$0xF600] =	vst v3  }
0x7a: {  	p0 =	sne.s32 s28, $0x4F0;
	s14 =	smov.u32 s28;
	s28 =	sadd.s32 $0x10, s28;
	v3 =	vld [tilespmem:s22+$0x3180]  }
0x7b: {  	v4 =	vld [tilespmem:s22+$0x2E80]  }
0x7c: {  	v5 =	vld [tilespmem:s22+$0x2F00]  }
0x7d: {  	v6 =	vld [tilespmem:s22+$0x2E00]  }
0x7e: {  	v7 =	vld [tilespmem:s22+$0x2F80]  }
0x7f: {  	v8 =	vld [tilespmem:s22+$0x3000];
	v3 =	vadd.f32 v3, v2  }
0x80: {  	v4 =	vadd.f32 v4, v2;
	v9 =	vld [tilespmem:s22+$0x3080]  }
0x81: {  	v5 =	vadd.f32 v5, v2;
	v10 =	vld [tilespmem:s22+$0x3100];
	[tilespmem:s22+$0x12180] =	vst v3  }
0x82: {  	v3 =	vadd.f32 v6, v2;
	[tilespmem:s22+$0x11E80] =	vst v4  }
0x83: {  	[tilespmem:s22+$0x11F00] =	vst v5;
	v4 =	vadd.f32 v7, v2  }
0x84: {  	[tilespmem:s22+$0x11E00] =	vst v3;
	v3 =	vadd.f32 v8, v2  }
0x85: {  	s14 =	sand.u32 $0x70, s14;
	s30 =	sand.u32 $0x3C00, s25;
	[tilespmem:s22+$0x11F80] =	vst v4;
	v4 =	vadd.f32 v9, v2  }
0x86: {  	s14 =	sor.u32 s14, s30;
	[tilespmem:s22+$0x12000] =	vst v3;
	v2 =	vadd.f32 v10, v2  }
0x87: {  	v3 =	vld [tilespmem:s14+$0x900];
	[tilespmem:s22+$0x12080] =	vst v4  }
0x88: {  	v4 =	vld [tilespmem:s14+$0x700];
	[tilespmem:s22+$0x12100] =	vst v2;
	s22 =	smov.u32 s14  }
0x89: {  	v2 =	vld [tilespmem:s26+$0x0]  }
0x8a: {  	v5 =	vld [tilespmem:s22+$0x880]  }
0x8b: {  	v6 =	vld [tilespmem:s22+$0x780]  }
0x8c: {  	v7 =	vld [tilespmem:s22+$0x680]  }
0x8d: {  	v8 =	vld [tilespmem:s22+$0x800]  }
0x8e: {  	v9 =	vld [tilespmem:s22+$0x600];
	v4 =	vadd.f32 v4, v2;
	v3 =	vadd.f32 v3, v2  }
0x8f: {  	v5 =	vadd.f32 v5, v2  }
0x90: {  	[tilespmem:s22+$0xF700] =	vst v4;
	v4 =	vadd.f32 v6, v2  }
0x91: {  	v6 =	vadd.f32 v7, v2;
	[tilespmem:s22+$0xF880] =	vst v5  }
0x92: {  	v5 =	vadd.f32 v8, v2;
	[tilespmem:s22+$0xF900] =	vst v3  }
0x93: {  	s14 =	sand.u32 $0x7, s29;
	v3 =	vadd.f32 v9, v2;
	[tilespmem:s22+$0xF780] =	vst v4  }
0x94: {  	s14 =	sshll.u32 s14, $0x4;
	[tilespmem:s22+$0xF800] =	vst v5  }
0x95: {  	s14 =	sadd.s32 s14, s25;
	[tilespmem:s22+$0xF600] =	vst v3  }
0x96: {  	s30 =	sor.u32 $0x380, s14;
	[tilespmem:s22+$0xF680] =	vst v6  }
0x97: {  	v3 =	vld [tilespmem:s30+$0x600]  }
.Ltmp1:
0x98: {  	(pc) =	sbr.rel @p0 .LBB2_4-.Ltmp1, $2  }
0x99: {  	_ =	sdelay $0x2  }
0x9a: {  	v3 =	vadd.f32 v3, v2  }
0x9b: {  	_ = 	snop  }
0x9c: {  	[tilespmem:s30+$0xF600] =	vst v3  }
0x9d: {  	v3 =	vld [tilespmem:s22+$0x3180]  }
0x9e: {  	v4 =	vld [tilespmem:s22+$0x2E80]  }
0x9f: {  	v5 =	vld [tilespmem:s22+$0x2F00]  }
0xa0: {  	v6 =	vld [tilespmem:s22+$0x2E00]  }
0xa1: {  	v7 =	vld [tilespmem:s22+$0x2F80]  }
0xa2: {  	v8 =	vld [tilespmem:s22+$0x3000];
	v3 =	vadd.f32 v3, v2  }
0xa3: {  	v9 =	vld [tilespmem:s22+$0x3080];
	v4 =	vadd.f32 v4, v2  }
0xa4: {  	v10 =	vld [tilespmem:s22+$0x3100];
	v5 =	vadd.f32 v5, v2;
	[tilespmem:s22+$0x12180] =	vst v3  }
0xa5: {  	v3 =	vadd.f32 v6, v2;
	[tilespmem:s22+$0x11E80] =	vst v4  }
0xa6: {  	[tilespmem:s22+$0x11F00] =	vst v5;
	v4 =	vadd.f32 v7, v2  }
0xa7: {  	[tilespmem:s22+$0x11E00] =	vst v3;
	v3 =	vadd.f32 v8, v2  }
0xa8: {  	[tilespmem:s22+$0x11F80] =	vst v4;
	v4 =	vadd.f32 v9, v2  }
0xa9: {  	v2 =	vadd.f32 v10, v2;
	[tilespmem:s22+$0x12000] =	vst v3  }
0xaa: {  	[tilespmem:s22+$0x12080] =	vst v4  }
0xab: {  	s25 =	simm.s32 $0x0;
	s14 =	rddreg [dreg:$0xc];
	[tilespmem:s22+$0x12100] =	vst v2  }
0xac: {  	[hbm4b:s14+s25] =	stream.linear.scatter [tilespmem:s1], [sflag:$0x4], $0x5000, $0x38;
	[tilespmem:$0x1E600] =	vst v63  }
0xad: {  	s17 =	rddreg [dreg:$0xd]  }
0xae: {  	[tilespmem:s5], [sflag:$0x1] =	stream.linear.gather [hbm4b:s17+s25], $0x5000, $0x38;
	[tilespmem:$0x1E600] =	vst v63  }
0xaf: {  	_ =	swait.ge [sflag:s10], $0x5000  }
0xb0: {  	s26 =	sand.u32 $0x3C00, s25;
	s22 =	sand.u32 $0x70, s25;
	[sflag:s10] =	ssyncset.done $0x0  }
0xb1: {  	s22 =	sor.u32 s22, s26;
	[sflag:s10] =	ssyncadd.s32 $0xFFFFB000  }
0xb2: {  	s26 =	simm.s32 $0x100;
	v3 =	vld [tilespmem:s22+$0x5700]  }
0xb3: {  	v2 =	vld [tilespmem:s26+$0x0]  }
0xb4: {  	v4 =	vld [tilespmem:s22+$0x5880]  }
0xb5: {  	v5 =	vld [tilespmem:s22+$0x5900]  }
0xb6: {  	v60 =	vld [tilespmem:s22+$0x5780]  }
0xb7: {  	v61 =	vld [tilespmem:s22+$0x5800]  }
0xb8: {  	v62 =	vld [tilespmem:s22+$0x5600];
	v3 =	vadd.f32 v3, v2  }
0xb9: {  	v63 =	vld [tilespmem:s22+$0x5680];
	v4 =	vadd.f32 v4, v2  }
0xba: {  	v5 =	vadd.f32 v5, v2;
	[tilespmem:s22+$0x14700] =	vst v3  }
0xbb: {  	v3 =	vadd.f32 v60, v2;
	[tilespmem:s22+$0x14880] =	vst v4  }
0xbc: {  	v4 =	vadd.f32 v61, v2;
	[tilespmem:s22+$0x14900] =	vst v5  }
0xbd: {  	s31 =	sand.u32 $0x7, s25;
	v5 =	vadd.f32 v62, v2;
	[tilespmem:s22+$0x14780] =	vst v3  }
0xbe: {  	s14 =	sshll.u32 s31, $0x4;
	v3 =	vadd.f32 v63, v2;
	[tilespmem:s22+$0x14800] =	vst v4  }
0xbf: {  	s14 =	sadd.s32 $0x0, s14;
	[tilespmem:s22+$0x14600] =	vst v5  }
0xc0: {  	s30 =	sor.u32 $0x380, s14;
	[tilespmem:s22+$0x14680] =	vst v3  }
0xc1: {  	v3 =	vld [tilespmem:s30+$0x5600];
	_ =	sdelay $0x4  }
0xc2: {  	s28 =	simm.s32 $0x10;
	s29 =	simm.s32 $0x0;
	v3 =	vadd.f32 v3, v2  }
.LBB2_6:
0xc3: {  	_ = 	snop  }
0xc4: {  	s25 =	sadd.s32 $0x80, s25;
	s29 =	sadd.s32 $0x1, s29;
	s26 =	sadd.s32 $0x10, s26;
	[tilespmem:s30+$0x14600] =	vst v3  }
0xc5: {  	p0 =	sne.s32 s28, $0x4F0;
	s14 =	smov.u32 s28;
	s28 =	sadd.s32 $0x10, s28;
	v3 =	vld [tilespmem:s22+$0x8180]  }
0xc6: {  	v4 =	vld [tilespmem:s22+$0x7E80]  }
0xc7: {  	v5 =	vld [tilespmem:s22+$0x7F00]  }
0xc8: {  	v6 =	vld [tilespmem:s22+$0x7E00]  }
0xc9: {  	v7 =	vld [tilespmem:s22+$0x7F80]  }
0xca: {  	v8 =	vld [tilespmem:s22+$0x8000];
	v3 =	vadd.f32 v3, v2  }
0xcb: {  	v4 =	vadd.f32 v4, v2;
	v9 =	vld [tilespmem:s22+$0x8080]  }
0xcc: {  	v5 =	vadd.f32 v5, v2;
	v10 =	vld [tilespmem:s22+$0x8100];
	[tilespmem:s22+$0x17180] =	vst v3  }
0xcd: {  	v3 =	vadd.f32 v6, v2;
	[tilespmem:s22+$0x16E80] =	vst v4  }
0xce: {  	[tilespmem:s22+$0x16F00] =	vst v5;
	v4 =	vadd.f32 v7, v2  }
0xcf: {  	[tilespmem:s22+$0x16E00] =	vst v3;
	v3 =	vadd.f32 v8, v2  }
0xd0: {  	s14 =	sand.u32 $0x70, s14;
	s30 =	sand.u32 $0x3C00, s25;
	[tilespmem:s22+$0x16F80] =	vst v4;
	v4 =	vadd.f32 v9, v2  }
0xd1: {  	s14 =	sor.u32 s14, s30;
	[tilespmem:s22+$0x17000] =	vst v3;
	v2 =	vadd.f32 v10, v2  }
0xd2: {  	v3 =	vld [tilespmem:s14+$0x5900];
	[tilespmem:s22+$0x17080] =	vst v4  }
0xd3: {  	v4 =	vld [tilespmem:s14+$0x5700];
	[tilespmem:s22+$0x17100] =	vst v2;
	s22 =	smov.u32 s14  }
0xd4: {  	v2 =	vld [tilespmem:s26+$0x0]  }
0xd5: {  	v5 =	vld [tilespmem:s22+$0x5880]  }
0xd6: {  	v6 =	vld [tilespmem:s22+$0x5780]  }
0xd7: {  	v7 =	vld [tilespmem:s22+$0x5680]  }
0xd8: {  	v8 =	vld [tilespmem:s22+$0x5800]  }
0xd9: {  	v9 =	vld [tilespmem:s22+$0x5600];
	v4 =	vadd.f32 v4, v2;
	v3 =	vadd.f32 v3, v2  }
0xda: {  	v5 =	vadd.f32 v5, v2  }
0xdb: {  	[tilespmem:s22+$0x14700] =	vst v4;
	v4 =	vadd.f32 v6, v2  }
0xdc: {  	v6 =	vadd.f32 v7, v2;
	[tilespmem:s22+$0x14880] =	vst v5  }
0xdd: {  	v5 =	vadd.f32 v8, v2;
	[tilespmem:s22+$0x14900] =	vst v3  }
0xde: {  	s14 =	sand.u32 $0x7, s29;
	v3 =	vadd.f32 v9, v2;
	[tilespmem:s22+$0x14780] =	vst v4  }
0xdf: {  	s14 =	sshll.u32 s14, $0x4;
	[tilespmem:s22+$0x14800] =	vst v5  }
0xe0: {  	s14 =	sadd.s32 s14, s25;
	[tilespmem:s22+$0x14600] =	vst v3  }
0xe1: {  	s30 =	sor.u32 $0x380, s14;
	[tilespmem:s22+$0x14680] =	vst v6  }
0xe2: {  	v3 =	vld [tilespmem:s30+$0x5600]  }
.Ltmp2:
0xe3: {  	(pc) =	sbr.rel @p0 .LBB2_6-.Ltmp2, $2  }
0xe4: {  	_ =	sdelay $0x2  }
0xe5: {  	v3 =	vadd.f32 v3, v2  }
0xe6: {  	_ = 	snop  }
0xe7: {  	[tilespmem:s30+$0x14600] =	vst v3  }
0xe8: {  	v3 =	vld [tilespmem:s22+$0x8180]  }
0xe9: {  	v4 =	vld [tilespmem:s22+$0x7E80]  }
0xea: {  	v5 =	vld [tilespmem:s22+$0x7F00]  }
0xeb: {  	v6 =	vld [tilespmem:s22+$0x7E00]  }
0xec: {  	v7 =	vld [tilespmem:s22+$0x7F80]  }
0xed: {  	v8 =	vld [tilespmem:s22+$0x8000];
	v3 =	vadd.f32 v3, v2  }
0xee: {  	v9 =	vld [tilespmem:s22+$0x8080];
	v4 =	vadd.f32 v4, v2  }
0xef: {  	v10 =	vld [tilespmem:s22+$0x8100];
	v5 =	vadd.f32 v5, v2;
	[tilespmem:s22+$0x17180] =	vst v3  }
0xf0: {  	v3 =	vadd.f32 v6, v2;
	[tilespmem:s22+$0x16E80] =	vst v4  }
0xf1: {  	[tilespmem:s22+$0x16F00] =	vst v5;
	v4 =	vadd.f32 v7, v2  }
0xf2: {  	[tilespmem:s22+$0x16E00] =	vst v3;
	v3 =	vadd.f32 v8, v2  }
0xf3: {  	[tilespmem:s22+$0x16F80] =	vst v4;
	v4 =	vadd.f32 v9, v2  }
0xf4: {  	v2 =	vadd.f32 v10, v2;
	[tilespmem:s22+$0x17000] =	vst v3  }
0xf5: {  	[tilespmem:s22+$0x17080] =	vst v4  }
0xf6: {  	s25 =	simm.s32 $0x0;
	s14 =	rddreg [dreg:$0xe];
	[tilespmem:s22+$0x17100] =	vst v2  }
0xf7: {  	[hbm4b:s14+s25] =	stream.linear.scatter [tilespmem:s12], [sflag:$0x5], $0x5000, $0x38;
	[tilespmem:$0x1E600] =	vst v63  }
0xf8: {  	s17 =	rddreg [dreg:$0x13]  }
0xf9: {  	[tilespmem:s7], [sflag:$0x2] =	stream.linear.gather [hbm4b:s17+s25], $0x5000, $0x38;
	[tilespmem:$0x1E600] =	vst v63  }
0xfa: {  	_ =	swait.ge [sflag:s15], $0x5000  }
0xfb: {  	s26 =	sand.u32 $0x3C00, s25;
	s22 =	sand.u32 $0x70, s25;
	[sflag:s15] =	ssyncset.done $0x0  }
0xfc: {  	s22 =	sor.u32 s22, s26;
	[sflag:s15] =	ssyncadd.s32 $0xFFFFB000  }
0xfd: {  	s26 =	simm.s32 $0x100;
	v3 =	vld [tilespmem:s22+$0xA700]  }
0xfe: {  	v2 =	vld [tilespmem:s26+$0x0]  }
0xff: {  	v4 =	vld [tilespmem:s22+$0xA880]  }
0x100: {  	v5 =	vld [tilespmem:s22+$0xA900]  }
0x101: {  	v60 =	vld [tilespmem:s22+$0xA780]  }
0x102: {  	v61 =	vld [tilespmem:s22+$0xA800]  }
0x103: {  	v62 =	vld [tilespmem:s22+$0xA600];
	v3 =	vadd.f32 v3, v2  }
0x104: {  	v63 =	vld [tilespmem:s22+$0xA680];
	v4 =	vadd.f32 v4, v2  }
0x105: {  	v5 =	vadd.f32 v5, v2;
	[tilespmem:s22+$0x19700] =	vst v3  }
0x106: {  	v3 =	vadd.f32 v60, v2;
	[tilespmem:s22+$0x19880] =	vst v4  }
0x107: {  	v4 =	vadd.f32 v61, v2;
	[tilespmem:s22+$0x19900] =	vst v5  }
0x108: {  	s31 =	sand.u32 $0x7, s25;
	v5 =	vadd.f32 v62, v2;
	[tilespmem:s22+$0x19780] =	vst v3  }
0x109: {  	s14 =	sshll.u32 s31, $0x4;
	v3 =	vadd.f32 v63, v2;
	[tilespmem:s22+$0x19800] =	vst v4  }
0x10a: {  	s14 =	sadd.s32 $0x0, s14;
	[tilespmem:s22+$0x19600] =	vst v5  }
0x10b: {  	s30 =	sor.u32 $0x380, s14;
	[tilespmem:s22+$0x19680] =	vst v3  }
0x10c: {  	v3 =	vld [tilespmem:s30+$0xA600];
	_ =	sdelay $0x4  }
0x10d: {  	s28 =	simm.s32 $0x10;
	s29 =	simm.s32 $0x0;
	v3 =	vadd.f32 v3, v2  }
.LBB2_8:
0x10e: {  	_ = 	snop  }
0x10f: {  	s25 =	sadd.s32 $0x80, s25;
	s29 =	sadd.s32 $0x1, s29;
	s26 =	sadd.s32 $0x10, s26;
	[tilespmem:s30+$0x19600] =	vst v3  }
0x110: {  	p0 =	sne.s32 s28, $0x4F0;
	s14 =	smov.u32 s28;
	s28 =	sadd.s32 $0x10, s28;
	v3 =	vld [tilespmem:s22+$0xD180]  }
0x111: {  	v4 =	vld [tilespmem:s22+$0xCE80]  }
0x112: {  	v5 =	vld [tilespmem:s22+$0xCF00]  }
0x113: {  	v6 =	vld [tilespmem:s22+$0xCE00]  }
0x114: {  	v7 =	vld [tilespmem:s22+$0xCF80]  }
0x115: {  	v8 =	vld [tilespmem:s22+$0xD000];
	v3 =	vadd.f32 v3, v2  }
0x116: {  	v4 =	vadd.f32 v4, v2;
	v9 =	vld [tilespmem:s22+$0xD080]  }
0x117: {  	v5 =	vadd.f32 v5, v2;
	v10 =	vld [tilespmem:s22+$0xD100];
	[tilespmem:s22+$0x1C180] =	vst v3  }
0x118: {  	v3 =	vadd.f32 v6, v2;
	[tilespmem:s22+$0x1BE80] =	vst v4  }
0x119: {  	[tilespmem:s22+$0x1BF00] =	vst v5;
	v4 =	vadd.f32 v7, v2  }
0x11a: {  	[tilespmem:s22+$0x1BE00] =	vst v3;
	v3 =	vadd.f32 v8, v2  }
0x11b: {  	s14 =	sand.u32 $0x70, s14;
	s30 =	sand.u32 $0x3C00, s25;
	[tilespmem:s22+$0x1BF80] =	vst v4;
	v4 =	vadd.f32 v9, v2  }
0x11c: {  	s14 =	sor.u32 s14, s30;
	[tilespmem:s22+$0x1C000] =	vst v3;
	v2 =	vadd.f32 v10, v2  }
0x11d: {  	v3 =	vld [tilespmem:s14+$0xA900];
	[tilespmem:s22+$0x1C080] =	vst v4  }
0x11e: {  	v4 =	vld [tilespmem:s14+$0xA700];
	[tilespmem:s22+$0x1C100] =	vst v2;
	s22 =	smov.u32 s14  }
0x11f: {  	v2 =	vld [tilespmem:s26+$0x0]  }
0x120: {  	v5 =	vld [tilespmem:s22+$0xA880]  }
0x121: {  	v6 =	vld [tilespmem:s22+$0xA780]  }
0x122: {  	v7 =	vld [tilespmem:s22+$0xA680]  }
0x123: {  	v8 =	vld [tilespmem:s22+$0xA800]  }
0x124: {  	v9 =	vld [tilespmem:s22+$0xA600];
	v4 =	vadd.f32 v4, v2;
	v3 =	vadd.f32 v3, v2  }
0x125: {  	v5 =	vadd.f32 v5, v2  }
0x126: {  	[tilespmem:s22+$0x19700] =	vst v4;
	v4 =	vadd.f32 v6, v2  }
0x127: {  	v6 =	vadd.f32 v7, v2;
	[tilespmem:s22+$0x19880] =	vst v5  }
0x128: {  	v5 =	vadd.f32 v8, v2;
	[tilespmem:s22+$0x19900] =	vst v3  }
0x129: {  	s14 =	sand.u32 $0x7, s29;
	v3 =	vadd.f32 v9, v2;
	[tilespmem:s22+$0x19780] =	vst v4  }
0x12a: {  	s14 =	sshll.u32 s14, $0x4;
	[tilespmem:s22+$0x19800] =	vst v5  }
0x12b: {  	s14 =	sadd.s32 s14, s25;
	[tilespmem:s22+$0x19600] =	vst v3  }
0x12c: {  	s30 =	sor.u32 $0x380, s14;
	[tilespmem:s22+$0x19680] =	vst v6  }
0x12d: {  	v3 =	vld [tilespmem:s30+$0xA600]  }
.Ltmp3:
0x12e: {  	(pc) =	sbr.rel @p0 .LBB2_8-.Ltmp3, $2  }
0x12f: {  	_ =	sdelay $0x2  }
0x130: {  	v3 =	vadd.f32 v3, v2  }
0x131: {  	_ = 	snop  }
0x132: {  	[tilespmem:s30+$0x19600] =	vst v3  }
0x133: {  	v3 =	vld [tilespmem:s22+$0xD180]  }
0x134: {  	v4 =	vld [tilespmem:s22+$0xCE80]  }
0x135: {  	v5 =	vld [tilespmem:s22+$0xCF00]  }
0x136: {  	v7 =	vld [tilespmem:s22+$0xCF80]  }
0x137: {  	v6 =	vld [tilespmem:s22+$0xCE00]  }
0x138: {  	v9 =	vld [tilespmem:s22+$0xD080];
	v3 =	vadd.f32 v3, v2  }
0x139: {  	v8 =	vld [tilespmem:s22+$0xD000];
	v4 =	vadd.f32 v4, v2  }
0x13a: {  	v10 =	vld [tilespmem:s22+$0xD100];
	v5 =	vadd.f32 v5, v2;
	[tilespmem:s22+$0x1C180] =	vst v3  }
0x13b: {  	v62 =	vadd.f32 v7, v2;
	[tilespmem:s22+$0x1BE80] =	vst v4  }
0x13c: {  	v3 =	vadd.f32 v6, v2;
	[tilespmem:s22+$0x1BF00] =	vst v5  }
0x13d: {  	v63 =	vadd.f32 v9, v2;
	[tilespmem:s22+$0x1BF80] =	vst v62  }
0x13e: {  	[tilespmem:s22+$0x1BE00] =	vst v3;
	v3 =	vadd.f32 v8, v2  }
0x13f: {  	[tilespmem:s22+$0x1C080] =	vst v63;
	v2 =	vadd.f32 v10, v2  }
0x140: {  	[tilespmem:s22+$0x1C000] =	vst v3  }
0x141: {  	s14 =	rddreg [dreg:$0xf];
	[tilespmem:s22+$0x1C100] =	vst v2  }
0x142: {  	[hbm4b:s14+s3] =	stream.linear.scatter [tilespmem:s16], [sflag:$0x6], $0x5000, $0x38;
	[tilespmem:$0x1E600] =	vst v63  }
0x143: {  	s31 =	rddreg [dreg:$0x14];
	s22 =	simm.s32 $0x1  }
0x144: {  	[tilespmem:s8], [sflag:$0x3] =	stream.linear.gather [hbm4b:s31+s3], $0x5000, $0x38;
	[tilespmem:$0x1E600] =	vst v63  }
.LBB2_10:
0x145: {  	_ =	swait.ge [sflag:s9], $0x5000  }
0x146: {  	[sflag:s9] =	ssyncset.done $0x0  }
0x147: {  	[sflag:s9] =	ssyncadd.s32 $0xFFFFB000  }
0x148: {  	s26 =	simm.s32 $0x0;
	_ =	swait.ge [sflag:s18], $0x5000  }
0x149: {  	s14 =	sand.u32 $0x70, s26;
	s25 =	sand.u32 $0x3C00, s26;
	[sflag:s18] =	ssyncset.done $0x0  }
0x14a: {  	s25 =	sor.u32 s14, s25;
	[sflag:s18] =	ssyncadd.s32 $0xFFFFB000  }
0x14b: {  	s28 =	simm.s32 $0x100;
	v3 =	vld [tilespmem:s25+$0x700]  }
0x14c: {  	v2 =	vld [tilespmem:s28+$0x0]  }
0x14d: {  	v4 =	vld [tilespmem:s25+$0x880]  }
0x14e: {  	v5 =	vld [tilespmem:s25+$0x900]  }
0x14f: {  	v6 =	vld [tilespmem:s25+$0x780]  }
0x150: {  	v7 =	vld [tilespmem:s25+$0x800]  }
0x151: {  	v8 =	vld [tilespmem:s25+$0x600];
	v3 =	vadd.f32 v3, v2  }
0x152: {  	v9 =	vld [tilespmem:s25+$0x680];
	v4 =	vadd.f32 v4, v2  }
0x153: {  	v5 =	vadd.f32 v5, v2;
	[tilespmem:s25+$0xF700] =	vst v3  }
0x154: {  	v3 =	vadd.f32 v6, v2;
	[tilespmem:s25+$0xF880] =	vst v4  }
0x155: {  	v4 =	vadd.f32 v7, v2;
	[tilespmem:s25+$0xF900] =	vst v5  }
0x156: {  	s17 =	sand.u32 $0x7, s26;
	v5 =	vadd.f32 v8, v2;
	[tilespmem:s25+$0xF780] =	vst v3  }
0x157: {  	s14 =	sshll.u32 s17, $0x4;
	v3 =	vadd.f32 v9, v2;
	[tilespmem:s25+$0xF800] =	vst v4  }
0x158: {  	s14 =	sadd.s32 $0x0, s14;
	[tilespmem:s25+$0xF600] =	vst v5  }
0x159: {  	s31 =	sor.u32 $0x380, s14;
	[tilespmem:s25+$0xF680] =	vst v3  }
0x15a: {  	v3 =	vld [tilespmem:s31+$0x600];
	_ =	sdelay $0x4  }
0x15b: {  	s29 =	simm.s32 $0x10;
	s30 =	simm.s32 $0x0;
	v3 =	vadd.f32 v3, v2  }
.LBB2_11:
0x15c: {  	_ = 	snop  }
0x15d: {  	s26 =	sadd.s32 $0x80, s26;
	s30 =	sadd.s32 $0x1, s30;
	s28 =	sadd.s32 $0x10, s28;
	[tilespmem:s31+$0xF600] =	vst v3  }
0x15e: {  	p0 =	sne.s32 s29, $0x4F0;
	s14 =	smov.u32 s29;
	s29 =	sadd.s32 $0x10, s29;
	v3 =	vld [tilespmem:s25+$0x3180]  }
0x15f: {  	v4 =	vld [tilespmem:s25+$0x2E80]  }
0x160: {  	v5 =	vld [tilespmem:s25+$0x2F00]  }
0x161: {  	v6 =	vld [tilespmem:s25+$0x2E00]  }
0x162: {  	v7 =	vld [tilespmem:s25+$0x2F80]  }
0x163: {  	v8 =	vld [tilespmem:s25+$0x3000];
	v3 =	vadd.f32 v3, v2  }
0x164: {  	v4 =	vadd.f32 v4, v2;
	v9 =	vld [tilespmem:s25+$0x3080]  }
0x165: {  	v5 =	vadd.f32 v5, v2;
	v10 =	vld [tilespmem:s25+$0x3100];
	[tilespmem:s25+$0x12180] =	vst v3  }
0x166: {  	v3 =	vadd.f32 v6, v2;
	[tilespmem:s25+$0x11E80] =	vst v4  }
0x167: {  	[tilespmem:s25+$0x11F00] =	vst v5;
	v4 =	vadd.f32 v7, v2  }
0x168: {  	[tilespmem:s25+$0x11E00] =	vst v3;
	v3 =	vadd.f32 v8, v2  }
0x169: {  	s14 =	sand.u32 $0x70, s14;
	s31 =	sand.u32 $0x3C00, s26;
	[tilespmem:s25+$0x11F80] =	vst v4;
	v4 =	vadd.f32 v9, v2  }
0x16a: {  	s14 =	sor.u32 s14, s31;
	[tilespmem:s25+$0x12000] =	vst v3;
	v2 =	vadd.f32 v10, v2  }
0x16b: {  	v3 =	vld [tilespmem:s14+$0x900];
	[tilespmem:s25+$0x12080] =	vst v4  }
0x16c: {  	v4 =	vld [tilespmem:s14+$0x700];
	[tilespmem:s25+$0x12100] =	vst v2;
	s25 =	smov.u32 s14  }
0x16d: {  	v2 =	vld [tilespmem:s28+$0x0]  }
0x16e: {  	v5 =	vld [tilespmem:s25+$0x880]  }
0x16f: {  	v6 =	vld [tilespmem:s25+$0x780]  }
0x170: {  	v7 =	vld [tilespmem:s25+$0x680]  }
0x171: {  	v8 =	vld [tilespmem:s25+$0x800]  }
0x172: {  	v9 =	vld [tilespmem:s25+$0x600];
	v4 =	vadd.f32 v4, v2;
	v3 =	vadd.f32 v3, v2  }
0x173: {  	v5 =	vadd.f32 v5, v2  }
0x174: {  	[tilespmem:s25+$0xF700] =	vst v4;
	v4 =	vadd.f32 v6, v2  }
0x175: {  	v6 =	vadd.f32 v7, v2;
	[tilespmem:s25+$0xF880] =	vst v5  }
0x176: {  	v5 =	vadd.f32 v8, v2;
	[tilespmem:s25+$0xF900] =	vst v3  }
0x177: {  	s14 =	sand.u32 $0x7, s30;
	v3 =	vadd.f32 v9, v2;
	[tilespmem:s25+$0xF780] =	vst v4  }
0x178: {  	s14 =	sshll.u32 s14, $0x4;
	[tilespmem:s25+$0xF800] =	vst v5  }
0x179: {  	s14 =	sadd.s32 s14, s26;
	[tilespmem:s25+$0xF600] =	vst v3  }
0x17a: {  	s31 =	sor.u32 $0x380, s14;
	[tilespmem:s25+$0xF680] =	vst v6  }
0x17b: {  	v3 =	vld [tilespmem:s31+$0x600]  }
.Ltmp4:
0x17c: {  	(pc) =	sbr.rel @p0 .LBB2_11-.Ltmp4, $2  }
0x17d: {  	_ =	sdelay $0x2  }
0x17e: {  	v3 =	vadd.f32 v3, v2  }
0x17f: {  	_ = 	snop  }
0x180: {  	[tilespmem:s31+$0xF600] =	vst v3  }
0x181: {  	v3 =	vld [tilespmem:s25+$0x3180]  }
0x182: {  	v4 =	vld [tilespmem:s25+$0x2E80]  }
0x183: {  	v5 =	vld [tilespmem:s25+$0x2F00]  }
0x184: {  	v6 =	vld [tilespmem:s25+$0x2E00]  }
0x185: {  	v7 =	vld [tilespmem:s25+$0x2F80]  }
0x186: {  	v8 =	vld [tilespmem:s25+$0x3000];
	v3 =	vadd.f32 v3, v2  }
0x187: {  	v9 =	vld [tilespmem:s25+$0x3080];
	v4 =	vadd.f32 v4, v2  }
0x188: {  	v10 =	vld [tilespmem:s25+$0x3100];
	v5 =	vadd.f32 v5, v2;
	[tilespmem:s25+$0x12180] =	vst v3  }
0x189: {  	v3 =	vadd.f32 v6, v2;
	[tilespmem:s25+$0x11E80] =	vst v4  }
0x18a: {  	s26 =	smul.u32 $0x30, s22;
	[tilespmem:s25+$0x11F00] =	vst v5;
	v4 =	vadd.f32 v7, v2  }
0x18b: {  	s14 =	smul.u32 $0xF000, s22;
	[tilespmem:s25+$0x11E00] =	vst v3;
	v3 =	vadd.f32 v8, v2  }
0x18c: {  	s26 =	sshrl.u32 s26, $0x3;
	[tilespmem:s25+$0x11F80] =	vst v4;
	v4 =	vadd.f32 v9, v2  }
0x18d: {  	s14 =	sadd.s32 s11, s14;
	s26 =	smul.u32 $0x2800, s26;
	v2 =	vadd.f32 v10, v2;
	[tilespmem:s25+$0x12000] =	vst v3  }
0x18e: {  	s14 =	sshrl.u32 s14, $0x3;
	[tilespmem:s25+$0x12080] =	vst v4  }
0x18f: {  	s28 =	simm.s32 $0x0;
	s14 =	sadd.s32 s6, s14;
	[tilespmem:s25+$0x12100] =	vst v2;
	s25 =	sadd.s32 s11, s26  }
0x190: {  	[hbm4b:s14+s28] =	stream.linear.scatter [tilespmem:s1], [sflag:$0x4], $0x5000, $0x38;
	[tilespmem:$0x1E600] =	vst v63  }
0x191: {  	s17 =	sadd.s32 $0xF000, s25  }
0x192: {  	s14 =	sshrl.u32 s17, $0x3  }
0x193: {  	s14 =	sadd.s32 s4, s14  }
0x194: {  	[tilespmem:s5], [sflag:$0x1] =	stream.linear.gather [hbm4b:s14+s28], $0x5000, $0x38;
	[tilespmem:$0x1E600] =	vst v63  }
0x195: {  	_ =	swait.ge [sflag:s10], $0x5000  }
0x196: {  	[sflag:s10] =	ssyncset.done $0x0  }
0x197: {  	[sflag:s10] =	ssyncadd.s32 $0xFFFFB000  }
0x198: {  	_ =	swait.ge [sflag:s19], $0x5000  }
0x199: {  	s26 =	sand.u32 $0x70, s28;
	s17 =	sand.u32 $0x3C00, s28;
	[sflag:s19] =	ssyncset.done $0x0  }
0x19a: {  	s26 =	sor.u32 s26, s17;
	[sflag:s19] =	ssyncadd.s32 $0xFFFFB000  }
0x19b: {  	s29 =	simm.s32 $0x100;
	v3 =	vld [tilespmem:s26+$0x5700]  }
0x19c: {  	v2 =	vld [tilespmem:s29+$0x0]  }
0x19d: {  	v4 =	vld [tilespmem:s26+$0x5880]  }
0x19e: {  	v5 =	vld [tilespmem:s26+$0x5900]  }
0x19f: {  	v60 =	vld [tilespmem:s26+$0x5780]  }
0x1a0: {  	v61 =	vld [tilespmem:s26+$0x5800]  }
0x1a1: {  	v62 =	vld [tilespmem:s26+$0x5600];
	v3 =	vadd.f32 v3, v2  }
0x1a2: {  	v63 =	vld [tilespmem:s26+$0x5680];
	v4 =	vadd.f32 v4, v2  }
0x1a3: {  	v5 =	vadd.f32 v5, v2;
	[tilespmem:s26+$0x14700] =	vst v3  }
0x1a4: {  	v3 =	vadd.f32 v60, v2;
	[tilespmem:s26+$0x14880] =	vst v4  }
0x1a5: {  	v4 =	vadd.f32 v61, v2;
	[tilespmem:s26+$0x14900] =	vst v5  }
0x1a6: {  	s17 =	sand.u32 $0x7, s28;
	v5 =	vadd.f32 v62, v2;
	[tilespmem:s26+$0x14780] =	vst v3  }
0x1a7: {  	s14 =	sshll.u32 s17, $0x4;
	v3 =	vadd.f32 v63, v2;
	[tilespmem:s26+$0x14800] =	vst v4  }
0x1a8: {  	s14 =	sadd.s32 $0x0, s14;
	[tilespmem:s26+$0x14600] =	vst v5  }
0x1a9: {  	s14 =	sor.u32 $0x380, s14;
	[tilespmem:s26+$0x14680] =	vst v3  }
0x1aa: {  	v3 =	vld [tilespmem:s14+$0x5600];
	_ =	sdelay $0x4  }
0x1ab: {  	s30 =	simm.s32 $0x10;
	s31 =	simm.s32 $0x0;
	v3 =	vadd.f32 v3, v2  }
.LBB2_13:
0x1ac: {  	_ = 	snop  }
0x1ad: {  	s28 =	sadd.s32 $0x80, s28;
	s31 =	sadd.s32 $0x1, s31;
	s29 =	sadd.s32 $0x10, s29;
	[tilespmem:s14+$0x14600] =	vst v3  }
0x1ae: {  	p0 =	sne.s32 s30, $0x4F0;
	s14 =	smov.u32 s30;
	s30 =	sadd.s32 $0x10, s30;
	v3 =	vld [tilespmem:s26+$0x8180]  }
0x1af: {  	v4 =	vld [tilespmem:s26+$0x7E80]  }
0x1b0: {  	v5 =	vld [tilespmem:s26+$0x7F00]  }
0x1b1: {  	v6 =	vld [tilespmem:s26+$0x7E00]  }
0x1b2: {  	v7 =	vld [tilespmem:s26+$0x7F80]  }
0x1b3: {  	v8 =	vld [tilespmem:s26+$0x8000];
	v3 =	vadd.f32 v3, v2  }
0x1b4: {  	v4 =	vadd.f32 v4, v2;
	v9 =	vld [tilespmem:s26+$0x8080]  }
0x1b5: {  	v5 =	vadd.f32 v5, v2;
	v10 =	vld [tilespmem:s26+$0x8100];
	[tilespmem:s26+$0x17180] =	vst v3  }
0x1b6: {  	v3 =	vadd.f32 v6, v2;
	[tilespmem:s26+$0x16E80] =	vst v4  }
0x1b7: {  	[tilespmem:s26+$0x16F00] =	vst v5;
	v4 =	vadd.f32 v7, v2  }
0x1b8: {  	[tilespmem:s26+$0x16E00] =	vst v3;
	v3 =	vadd.f32 v8, v2  }
0x1b9: {  	s17 =	sand.u32 $0x3C00, s28;
	s14 =	sand.u32 $0x70, s14;
	[tilespmem:s26+$0x16F80] =	vst v4;
	v4 =	vadd.f32 v9, v2  }
0x1ba: {  	s14 =	sor.u32 s14, s17;
	[tilespmem:s26+$0x17000] =	vst v3;
	v2 =	vadd.f32 v10, v2  }
0x1bb: {  	v3 =	vld [tilespmem:s14+$0x5900];
	[tilespmem:s26+$0x17080] =	vst v4  }
0x1bc: {  	v4 =	vld [tilespmem:s14+$0x5700];
	[tilespmem:s26+$0x17100] =	vst v2;
	s26 =	smov.u32 s14  }
0x1bd: {  	v2 =	vld [tilespmem:s29+$0x0]  }
0x1be: {  	v5 =	vld [tilespmem:s26+$0x5880]  }
0x1bf: {  	v6 =	vld [tilespmem:s26+$0x5780]  }
0x1c0: {  	v7 =	vld [tilespmem:s26+$0x5680]  }
0x1c1: {  	v8 =	vld [tilespmem:s26+$0x5800]  }
0x1c2: {  	v9 =	vld [tilespmem:s26+$0x5600];
	v4 =	vadd.f32 v4, v2;
	v3 =	vadd.f32 v3, v2  }
0x1c3: {  	v5 =	vadd.f32 v5, v2  }
0x1c4: {  	[tilespmem:s26+$0x14700] =	vst v4;
	v4 =	vadd.f32 v6, v2  }
0x1c5: {  	v6 =	vadd.f32 v7, v2;
	[tilespmem:s26+$0x14880] =	vst v5  }
0x1c6: {  	v5 =	vadd.f32 v8, v2;
	[tilespmem:s26+$0x14900] =	vst v3  }
0x1c7: {  	s14 =	sand.u32 $0x7, s31;
	v3 =	vadd.f32 v9, v2;
	[tilespmem:s26+$0x14780] =	vst v4  }
0x1c8: {  	s14 =	sshll.u32 s14, $0x4;
	[tilespmem:s26+$0x14800] =	vst v5  }
0x1c9: {  	s14 =	sadd.s32 s14, s28;
	[tilespmem:s26+$0x14600] =	vst v3  }
0x1ca: {  	s14 =	sor.u32 $0x380, s14;
	[tilespmem:s26+$0x14680] =	vst v6  }
0x1cb: {  	v3 =	vld [tilespmem:s14+$0x5600]  }
.Ltmp5:
0x1cc: {  	(pc) =	sbr.rel @p0 .LBB2_13-.Ltmp5, $2  }
0x1cd: {  	_ =	sdelay $0x2  }
0x1ce: {  	v3 =	vadd.f32 v3, v2  }
0x1cf: {  	_ = 	snop  }
0x1d0: {  	[tilespmem:s14+$0x14600] =	vst v3  }
0x1d1: {  	v3 =	vld [tilespmem:s26+$0x8180]  }
0x1d2: {  	v4 =	vld [tilespmem:s26+$0x7E80]  }
0x1d3: {  	v5 =	vld [tilespmem:s26+$0x7F00]  }
0x1d4: {  	v6 =	vld [tilespmem:s26+$0x7E00]  }
0x1d5: {  	v7 =	vld [tilespmem:s26+$0x7F80]  }
0x1d6: {  	v8 =	vld [tilespmem:s26+$0x8000];
	v3 =	vadd.f32 v3, v2  }
0x1d7: {  	v9 =	vld [tilespmem:s26+$0x8080];
	v4 =	vadd.f32 v4, v2  }
0x1d8: {  	v10 =	vld [tilespmem:s26+$0x8100];
	v5 =	vadd.f32 v5, v2;
	[tilespmem:s26+$0x17180] =	vst v3  }
0x1d9: {  	v3 =	vadd.f32 v6, v2;
	[tilespmem:s26+$0x16E80] =	vst v4  }
0x1da: {  	[tilespmem:s26+$0x16F00] =	vst v5;
	v4 =	vadd.f32 v7, v2  }
0x1db: {  	[tilespmem:s26+$0x16E00] =	vst v3;
	v3 =	vadd.f32 v8, v2  }
0x1dc: {  	[tilespmem:s26+$0x16F80] =	vst v4;
	v4 =	vadd.f32 v9, v2  }
0x1dd: {  	s17 =	sadd.s32 $0x5000, s25;
	v2 =	vadd.f32 v10, v2;
	[tilespmem:s26+$0x17000] =	vst v3  }
0x1de: {  	s14 =	sshrl.u32 s17, $0x3;
	[tilespmem:s26+$0x17080] =	vst v4  }
0x1df: {  	s28 =	simm.s32 $0x0;
	s17 =	sadd.s32 $0x14000, s25;
	s14 =	sadd.s32 s6, s14;
	[tilespmem:s26+$0x17100] =	vst v2  }
0x1e0: {  	[hbm4b:s14+s28] =	stream.linear.scatter [tilespmem:s12], [sflag:$0x5], $0x5000, $0x38;
	[tilespmem:$0x1E600] =	vst v63  }
0x1e1: {  	s14 =	sshrl.u32 s17, $0x3  }
0x1e2: {  	s14 =	sadd.s32 s4, s14  }
0x1e3: {  	[tilespmem:s7], [sflag:$0x2] =	stream.linear.gather [hbm4b:s14+s28], $0x5000, $0x38;
	[tilespmem:$0x1E600] =	vst v63  }
0x1e4: {  	_ =	swait.ge [sflag:s15], $0x5000  }
0x1e5: {  	[sflag:s15] =	ssyncset.done $0x0  }
0x1e6: {  	[sflag:s15] =	ssyncadd.s32 $0xFFFFB000  }
0x1e7: {  	_ =	swait.ge [sflag:s20], $0x5000  }
0x1e8: {  	s26 =	sand.u32 $0x70, s28;
	s17 =	sand.u32 $0x3C00, s28;
	[sflag:s20] =	ssyncset.done $0x0  }
0x1e9: {  	s26 =	sor.u32 s26, s17;
	[sflag:s20] =	ssyncadd.s32 $0xFFFFB000  }
0x1ea: {  	s29 =	simm.s32 $0x100;
	v3 =	vld [tilespmem:s26+$0xA700]  }
0x1eb: {  	v2 =	vld [tilespmem:s29+$0x0]  }
0x1ec: {  	v4 =	vld [tilespmem:s26+$0xA880]  }
0x1ed: {  	v5 =	vld [tilespmem:s26+$0xA900]  }
0x1ee: {  	v60 =	vld [tilespmem:s26+$0xA780]  }
0x1ef: {  	v61 =	vld [tilespmem:s26+$0xA800]  }
0x1f0: {  	v62 =	vld [tilespmem:s26+$0xA600];
	v3 =	vadd.f32 v3, v2  }
0x1f1: {  	v63 =	vld [tilespmem:s26+$0xA680];
	v4 =	vadd.f32 v4, v2  }
0x1f2: {  	v5 =	vadd.f32 v5, v2;
	[tilespmem:s26+$0x19700] =	vst v3  }
0x1f3: {  	v3 =	vadd.f32 v60, v2;
	[tilespmem:s26+$0x19880] =	vst v4  }
0x1f4: {  	v4 =	vadd.f32 v61, v2;
	[tilespmem:s26+$0x19900] =	vst v5  }
0x1f5: {  	s17 =	sand.u32 $0x7, s28;
	v5 =	vadd.f32 v62, v2;
	[tilespmem:s26+$0x19780] =	vst v3  }
0x1f6: {  	s14 =	sshll.u32 s17, $0x4;
	v3 =	vadd.f32 v63, v2;
	[tilespmem:s26+$0x19800] =	vst v4  }
0x1f7: {  	s14 =	sadd.s32 $0x0, s14;
	[tilespmem:s26+$0x19600] =	vst v5  }
0x1f8: {  	s14 =	sor.u32 $0x380, s14;
	[tilespmem:s26+$0x19680] =	vst v3  }
0x1f9: {  	v3 =	vld [tilespmem:s14+$0xA600];
	_ =	sdelay $0x4  }
0x1fa: {  	s30 =	simm.s32 $0x10;
	s31 =	simm.s32 $0x0;
	v3 =	vadd.f32 v3, v2  }
.LBB2_15:
0x1fb: {  	_ = 	snop  }
0x1fc: {  	s28 =	sadd.s32 $0x80, s28;
	s31 =	sadd.s32 $0x1, s31;
	s29 =	sadd.s32 $0x10, s29;
	[tilespmem:s14+$0x19600] =	vst v3  }
0x1fd: {  	p0 =	sne.s32 s30, $0x4F0;
	s14 =	smov.u32 s30;
	s30 =	sadd.s32 $0x10, s30;
	v3 =	vld [tilespmem:s26+$0xD180]  }
0x1fe: {  	v4 =	vld [tilespmem:s26+$0xCE80]  }
0x1ff: {  	v5 =	vld [tilespmem:s26+$0xCF00]  }
0x200: {  	v6 =	vld [tilespmem:s26+$0xCE00]  }
0x201: {  	v7 =	vld [tilespmem:s26+$0xCF80]  }
0x202: {  	v8 =	vld [tilespmem:s26+$0xD000];
	v3 =	vadd.f32 v3, v2  }
0x203: {  	v4 =	vadd.f32 v4, v2;
	v9 =	vld [tilespmem:s26+$0xD080]  }
0x204: {  	v5 =	vadd.f32 v5, v2;
	v10 =	vld [tilespmem:s26+$0xD100];
	[tilespmem:s26+$0x1C180] =	vst v3  }
0x205: {  	v3 =	vadd.f32 v6, v2;
	[tilespmem:s26+$0x1BE80] =	vst v4  }
0x206: {  	[tilespmem:s26+$0x1BF00] =	vst v5;
	v4 =	vadd.f32 v7, v2  }
0x207: {  	[tilespmem:s26+$0x1BE00] =	vst v3;
	v3 =	vadd.f32 v8, v2  }
0x208: {  	s17 =	sand.u32 $0x3C00, s28;
	s14 =	sand.u32 $0x70, s14;
	[tilespmem:s26+$0x1BF80] =	vst v4;
	v4 =	vadd.f32 v9, v2  }
0x209: {  	s14 =	sor.u32 s14, s17;
	[tilespmem:s26+$0x1C000] =	vst v3;
	v2 =	vadd.f32 v10, v2  }
0x20a: {  	v3 =	vld [tilespmem:s14+$0xA900];
	[tilespmem:s26+$0x1C080] =	vst v4  }
0x20b: {  	v4 =	vld [tilespmem:s14+$0xA700];
	[tilespmem:s26+$0x1C100] =	vst v2;
	s26 =	smov.u32 s14  }
0x20c: {  	v2 =	vld [tilespmem:s29+$0x0]  }
0x20d: {  	v5 =	vld [tilespmem:s26+$0xA880]  }
0x20e: {  	v6 =	vld [tilespmem:s26+$0xA780]  }
0x20f: {  	v7 =	vld [tilespmem:s26+$0xA680]  }
0x210: {  	v8 =	vld [tilespmem:s26+$0xA800]  }
0x211: {  	v9 =	vld [tilespmem:s26+$0xA600];
	v4 =	vadd.f32 v4, v2;
	v3 =	vadd.f32 v3, v2  }
0x212: {  	v5 =	vadd.f32 v5, v2  }
0x213: {  	[tilespmem:s26+$0x19700] =	vst v4;
	v4 =	vadd.f32 v6, v2  }
0x214: {  	v6 =	vadd.f32 v7, v2;
	[tilespmem:s26+$0x19880] =	vst v5  }
0x215: {  	v5 =	vadd.f32 v8, v2;
	[tilespmem:s26+$0x19900] =	vst v3  }
0x216: {  	s14 =	sand.u32 $0x7, s31;
	v3 =	vadd.f32 v9, v2;
	[tilespmem:s26+$0x19780] =	vst v4  }
0x217: {  	s14 =	sshll.u32 s14, $0x4;
	[tilespmem:s26+$0x19800] =	vst v5  }
0x218: {  	s14 =	sadd.s32 s14, s28;
	[tilespmem:s26+$0x19600] =	vst v3  }
0x219: {  	s14 =	sor.u32 $0x380, s14;
	[tilespmem:s26+$0x19680] =	vst v6  }
0x21a: {  	v3 =	vld [tilespmem:s14+$0xA600]  }
.Ltmp6:
0x21b: {  	(pc) =	sbr.rel @p0 .LBB2_15-.Ltmp6, $2  }
0x21c: {  	_ =	sdelay $0x2  }
0x21d: {  	v3 =	vadd.f32 v3, v2  }
0x21e: {  	_ = 	snop  }
0x21f: {  	[tilespmem:s14+$0x19600] =	vst v3  }
0x220: {  	v3 =	vld [tilespmem:s26+$0xD180]  }
0x221: {  	v4 =	vld [tilespmem:s26+$0xCE80]  }
0x222: {  	v5 =	vld [tilespmem:s26+$0xCF00]  }
0x223: {  	v7 =	vld [tilespmem:s26+$0xCF80]  }
0x224: {  	v6 =	vld [tilespmem:s26+$0xCE00]  }
0x225: {  	v9 =	vld [tilespmem:s26+$0xD080];
	v3 =	vadd.f32 v3, v2  }
0x226: {  	v8 =	vld [tilespmem:s26+$0xD000];
	v4 =	vadd.f32 v4, v2  }
0x227: {  	v10 =	vld [tilespmem:s26+$0xD100];
	v5 =	vadd.f32 v5, v2;
	[tilespmem:s26+$0x1C180] =	vst v3  }
0x228: {  	v62 =	vadd.f32 v7, v2;
	[tilespmem:s26+$0x1BE80] =	vst v4  }
0x229: {  	v3 =	vadd.f32 v6, v2;
	[tilespmem:s26+$0x1BF00] =	vst v5  }
0x22a: {  	v63 =	vadd.f32 v9, v2;
	[tilespmem:s26+$0x1BF80] =	vst v62  }
0x22b: {  	[tilespmem:s26+$0x1BE00] =	vst v3;
	v3 =	vadd.f32 v8, v2  }
0x22c: {  	s30 =	sadd.s32 $0xA000, s25;
	s22 =	sadd.s32 $0x1, s22;
	[tilespmem:s26+$0x1C080] =	vst v63;
	v2 =	vadd.f32 v10, v2  }
0x22d: {  	s14 =	sshrl.u32 s30, $0x3;
	p0 =	sne.s32 s22, $0x14;
	[tilespmem:s26+$0x1C000] =	vst v3  }
.Ltmp7:
0x22e: {  	s31 =	sadd.s32 $0x19000, s25;
	s14 =	sadd.s32 s6, s14;
	[tilespmem:s26+$0x1C100] =	vst v2;
	(pc) =	sbr.rel @p0 .LBB2_10-.Ltmp7, $4  }
0x22f: {  	[hbm4b:s14+s3] =	stream.linear.scatter [tilespmem:s16], [sflag:$0x6], $0x5000, $0x38;
	[tilespmem:$0x1E600] =	vst v63  }
0x230: {  	s14 =	sshrl.u32 s31, $0x3  }
0x231: {  	s14 =	sadd.s32 s4, s14  }
0x232: {  	[tilespmem:s8], [sflag:$0x3] =	stream.linear.gather [hbm4b:s14+s3], $0x5000, $0x38;
	[tilespmem:$0x1E600] =	vst v63  }
0x233: {  	_ =	swait.ge [sflag:s9], $0x5000  }
0x234: {  	[sflag:s9] =	ssyncset.done $0x0  }
0x235: {  	[sflag:s9] =	ssyncadd.s32 $0xFFFFB000  }
0x236: {  	s25 =	simm.s32 $0x0;
	_ =	swait.ge [sflag:s18], $0x5000  }
0x237: {  	s14 =	sand.u32 $0x70, s25;
	s17 =	sand.u32 $0x3C00, s25;
	[sflag:s18] =	ssyncset.done $0x0  }
0x238: {  	s22 =	sor.u32 s14, s17;
	[sflag:s18] =	ssyncadd.s32 $0xFFFFB000  }
0x239: {  	s26 =	simm.s32 $0x100;
	v3 =	vld [tilespmem:s22+$0x700]  }
0x23a: {  	v2 =	vld [tilespmem:s26+$0x0]  }
0x23b: {  	v4 =	vld [tilespmem:s22+$0x880]  }
0x23c: {  	v5 =	vld [tilespmem:s22+$0x900]  }
0x23d: {  	v6 =	vld [tilespmem:s22+$0x780]  }
0x23e: {  	v7 =	vld [tilespmem:s22+$0x800]  }
0x23f: {  	v8 =	vld [tilespmem:s22+$0x600];
	v3 =	vadd.f32 v3, v2  }
0x240: {  	v9 =	vld [tilespmem:s22+$0x680];
	v4 =	vadd.f32 v4, v2  }
0x241: {  	v5 =	vadd.f32 v5, v2;
	[tilespmem:s22+$0xF700] =	vst v3  }
0x242: {  	v3 =	vadd.f32 v6, v2;
	[tilespmem:s22+$0xF880] =	vst v4  }
0x243: {  	v4 =	vadd.f32 v7, v2;
	[tilespmem:s22+$0xF900] =	vst v5  }
0x244: {  	s31 =	sand.u32 $0x7, s25;
	v5 =	vadd.f32 v8, v2;
	[tilespmem:s22+$0xF780] =	vst v3  }
0x245: {  	s14 =	sshll.u32 s31, $0x4;
	v3 =	vadd.f32 v9, v2;
	[tilespmem:s22+$0xF800] =	vst v4  }
0x246: {  	s14 =	sadd.s32 $0x0, s14;
	[tilespmem:s22+$0xF600] =	vst v5  }
0x247: {  	s14 =	sor.u32 $0x380, s14;
	[tilespmem:s22+$0xF680] =	vst v3  }
0x248: {  	v3 =	vld [tilespmem:s14+$0x600];
	_ =	sdelay $0x4  }
0x249: {  	s28 =	simm.s32 $0x10;
	s29 =	simm.s32 $0x0;
	v3 =	vadd.f32 v3, v2  }
.LBB2_18:
0x24a: {  	_ = 	snop  }
0x24b: {  	s25 =	sadd.s32 $0x80, s25;
	s29 =	sadd.s32 $0x1, s29;
	s26 =	sadd.s32 $0x10, s26;
	[tilespmem:s14+$0xF600] =	vst v3  }
0x24c: {  	p0 =	sne.s32 s28, $0x4F0;
	s14 =	smov.u32 s28;
	s28 =	sadd.s32 $0x10, s28;
	v3 =	vld [tilespmem:s22+$0x3180]  }
0x24d: {  	v4 =	vld [tilespmem:s22+$0x2E80]  }
0x24e: {  	v5 =	vld [tilespmem:s22+$0x2F00]  }
0x24f: {  	v6 =	vld [tilespmem:s22+$0x2E00]  }
0x250: {  	v7 =	vld [tilespmem:s22+$0x2F80]  }
0x251: {  	v8 =	vld [tilespmem:s22+$0x3000];
	v3 =	vadd.f32 v3, v2  }
0x252: {  	v4 =	vadd.f32 v4, v2;
	v9 =	vld [tilespmem:s22+$0x3080]  }
0x253: {  	v5 =	vadd.f32 v5, v2;
	v10 =	vld [tilespmem:s22+$0x3100];
	[tilespmem:s22+$0x12180] =	vst v3  }
0x254: {  	v3 =	vadd.f32 v6, v2;
	[tilespmem:s22+$0x11E80] =	vst v4  }
0x255: {  	[tilespmem:s22+$0x11F00] =	vst v5;
	v4 =	vadd.f32 v7, v2  }
0x256: {  	[tilespmem:s22+$0x11E00] =	vst v3;
	v3 =	vadd.f32 v8, v2  }
0x257: {  	s17 =	sand.u32 $0x3C00, s25;
	s14 =	sand.u32 $0x70, s14;
	[tilespmem:s22+$0x11F80] =	vst v4;
	v4 =	vadd.f32 v9, v2  }
0x258: {  	s14 =	sor.u32 s14, s17;
	[tilespmem:s22+$0x12000] =	vst v3;
	v2 =	vadd.f32 v10, v2  }
0x259: {  	v3 =	vld [tilespmem:s14+$0x900];
	[tilespmem:s22+$0x12080] =	vst v4  }
0x25a: {  	v4 =	vld [tilespmem:s14+$0x700];
	[tilespmem:s22+$0x12100] =	vst v2;
	s22 =	smov.u32 s14  }
0x25b: {  	v2 =	vld [tilespmem:s26+$0x0]  }
0x25c: {  	v5 =	vld [tilespmem:s22+$0x880]  }
0x25d: {  	v6 =	vld [tilespmem:s22+$0x780]  }
0x25e: {  	v7 =	vld [tilespmem:s22+$0x680]  }
0x25f: {  	v8 =	vld [tilespmem:s22+$0x800]  }
0x260: {  	v9 =	vld [tilespmem:s22+$0x600];
	v4 =	vadd.f32 v4, v2;
	v3 =	vadd.f32 v3, v2  }
0x261: {  	v5 =	vadd.f32 v5, v2  }
0x262: {  	[tilespmem:s22+$0xF700] =	vst v4;
	v4 =	vadd.f32 v6, v2  }
0x263: {  	v6 =	vadd.f32 v7, v2;
	[tilespmem:s22+$0xF880] =	vst v5  }
0x264: {  	v5 =	vadd.f32 v8, v2;
	[tilespmem:s22+$0xF900] =	vst v3  }
0x265: {  	s14 =	sand.u32 $0x7, s29;
	v3 =	vadd.f32 v9, v2;
	[tilespmem:s22+$0xF780] =	vst v4  }
0x266: {  	s14 =	sshll.u32 s14, $0x4;
	[tilespmem:s22+$0xF800] =	vst v5  }
0x267: {  	s14 =	sadd.s32 s14, s25;
	[tilespmem:s22+$0xF600] =	vst v3  }
0x268: {  	s14 =	sor.u32 $0x380, s14;
	[tilespmem:s22+$0xF680] =	vst v6  }
0x269: {  	v3 =	vld [tilespmem:s14+$0x600]  }
.Ltmp8:
0x26a: {  	(pc) =	sbr.rel @p0 .LBB2_18-.Ltmp8, $2  }
0x26b: {  	_ =	sdelay $0x2  }
0x26c: {  	v3 =	vadd.f32 v3, v2  }
0x26d: {  	_ = 	snop  }
0x26e: {  	[tilespmem:s14+$0xF600] =	vst v3  }
0x26f: {  	v3 =	vld [tilespmem:s22+$0x3180]  }
0x270: {  	v4 =	vld [tilespmem:s22+$0x2E80]  }
0x271: {  	v5 =	vld [tilespmem:s22+$0x2F00]  }
0x272: {  	v6 =	vld [tilespmem:s22+$0x2E00]  }
0x273: {  	v7 =	vld [tilespmem:s22+$0x2F80]  }
0x274: {  	v8 =	vld [tilespmem:s22+$0x3000];
	v3 =	vadd.f32 v3, v2  }
0x275: {  	v9 =	vld [tilespmem:s22+$0x3080];
	v4 =	vadd.f32 v4, v2  }
0x276: {  	v10 =	vld [tilespmem:s22+$0x3100];
	v5 =	vadd.f32 v5, v2;
	[tilespmem:s22+$0x12180] =	vst v3  }
0x277: {  	v3 =	vadd.f32 v6, v2;
	[tilespmem:s22+$0x11E80] =	vst v4  }
0x278: {  	[tilespmem:s22+$0x11F00] =	vst v5;
	v4 =	vadd.f32 v7, v2  }
0x279: {  	[tilespmem:s22+$0x11E00] =	vst v3;
	v3 =	vadd.f32 v8, v2  }
0x27a: {  	[tilespmem:s22+$0x11F80] =	vst v4;
	v4 =	vadd.f32 v9, v2  }
0x27b: {  	v2 =	vadd.f32 v10, v2;
	[tilespmem:s22+$0x12000] =	vst v3  }
0x27c: {  	[tilespmem:s22+$0x12080] =	vst v4  }
0x27d: {  	s25 =	simm.s32 $0x0;
	[tilespmem:s22+$0x12100] =	vst v2;
	s22 =	rddreg [dreg:$0x15]  }
0x27e: {  	[hbm4b:s22+s25] =	stream.linear.scatter [tilespmem:s1], [sflag:$0x4], $0x5000, $0x38;
	[tilespmem:$0x1E600] =	vst v63  }
0x27f: {  	s26 =	rddreg [dreg:$0x10]  }
0x280: {  	[tilespmem:s5], [sflag:$0x1] =	stream.linear.gather [hbm4b:s26+s25], $0x5000, $0x38;
	[tilespmem:$0x1E600] =	vst v63  }
0x281: {  	_ =	swait.ge [sflag:s10], $0x5000  }
0x282: {  	[sflag:s10] =	ssyncset.done $0x0  }
0x283: {  	[sflag:s10] =	ssyncadd.s32 $0xFFFFB000  }
0x284: {  	_ =	swait.ge [sflag:s19], $0x5000  }
0x285: {  	s30 =	sand.u32 $0x70, s25;
	s17 =	sand.u32 $0x3C00, s25;
	[sflag:s19] =	ssyncset.done $0x0  }
0x286: {  	s22 =	sor.u32 s30, s17;
	[sflag:s19] =	ssyncadd.s32 $0xFFFFB000  }
0x287: {  	s26 =	simm.s32 $0x100;
	v3 =	vld [tilespmem:s22+$0x5700]  }
0x288: {  	v2 =	vld [tilespmem:s26+$0x0]  }
0x289: {  	v4 =	vld [tilespmem:s22+$0x5880]  }
0x28a: {  	v5 =	vld [tilespmem:s22+$0x5900]  }
0x28b: {  	v60 =	vld [tilespmem:s22+$0x5780]  }
0x28c: {  	v61 =	vld [tilespmem:s22+$0x5800]  }
0x28d: {  	v62 =	vld [tilespmem:s22+$0x5600];
	v3 =	vadd.f32 v3, v2  }
0x28e: {  	v63 =	vld [tilespmem:s22+$0x5680];
	v4 =	vadd.f32 v4, v2  }
0x28f: {  	v5 =	vadd.f32 v5, v2;
	[tilespmem:s22+$0x14700] =	vst v3  }
0x290: {  	v3 =	vadd.f32 v60, v2;
	[tilespmem:s22+$0x14880] =	vst v4  }
0x291: {  	v4 =	vadd.f32 v61, v2;
	[tilespmem:s22+$0x14900] =	vst v5  }
0x292: {  	s31 =	sand.u32 $0x7, s25;
	v5 =	vadd.f32 v62, v2;
	[tilespmem:s22+$0x14780] =	vst v3  }
0x293: {  	s14 =	sshll.u32 s31, $0x4;
	v3 =	vadd.f32 v63, v2;
	[tilespmem:s22+$0x14800] =	vst v4  }
0x294: {  	s14 =	sadd.s32 $0x0, s14;
	[tilespmem:s22+$0x14600] =	vst v5  }
0x295: {  	s14 =	sor.u32 $0x380, s14;
	[tilespmem:s22+$0x14680] =	vst v3  }
0x296: {  	v3 =	vld [tilespmem:s14+$0x5600];
	_ =	sdelay $0x4  }
0x297: {  	s28 =	simm.s32 $0x10;
	s29 =	simm.s32 $0x0;
	v3 =	vadd.f32 v3, v2  }
.LBB2_20:
0x298: {  	_ = 	snop  }
0x299: {  	s25 =	sadd.s32 $0x80, s25;
	s29 =	sadd.s32 $0x1, s29;
	s26 =	sadd.s32 $0x10, s26;
	[tilespmem:s14+$0x14600] =	vst v3  }
0x29a: {  	p0 =	sne.s32 s28, $0x4F0;
	s14 =	smov.u32 s28;
	s28 =	sadd.s32 $0x10, s28;
	v3 =	vld [tilespmem:s22+$0x8180]  }
0x29b: {  	v4 =	vld [tilespmem:s22+$0x7E80]  }
0x29c: {  	v5 =	vld [tilespmem:s22+$0x7F00]  }
0x29d: {  	v6 =	vld [tilespmem:s22+$0x7E00]  }
0x29e: {  	v7 =	vld [tilespmem:s22+$0x7F80]  }
0x29f: {  	v8 =	vld [tilespmem:s22+$0x8000];
	v3 =	vadd.f32 v3, v2  }
0x2a0: {  	v4 =	vadd.f32 v4, v2;
	v9 =	vld [tilespmem:s22+$0x8080]  }
0x2a1: {  	v5 =	vadd.f32 v5, v2;
	v10 =	vld [tilespmem:s22+$0x8100];
	[tilespmem:s22+$0x17180] =	vst v3  }
0x2a2: {  	v3 =	vadd.f32 v6, v2;
	[tilespmem:s22+$0x16E80] =	vst v4  }
0x2a3: {  	[tilespmem:s22+$0x16F00] =	vst v5;
	v4 =	vadd.f32 v7, v2  }
0x2a4: {  	[tilespmem:s22+$0x16E00] =	vst v3;
	v3 =	vadd.f32 v8, v2  }
0x2a5: {  	s17 =	sand.u32 $0x3C00, s25;
	s14 =	sand.u32 $0x70, s14;
	[tilespmem:s22+$0x16F80] =	vst v4;
	v4 =	vadd.f32 v9, v2  }
0x2a6: {  	s14 =	sor.u32 s14, s17;
	[tilespmem:s22+$0x17000] =	vst v3;
	v2 =	vadd.f32 v10, v2  }
0x2a7: {  	v3 =	vld [tilespmem:s14+$0x5900];
	[tilespmem:s22+$0x17080] =	vst v4  }
0x2a8: {  	v4 =	vld [tilespmem:s14+$0x5700];
	[tilespmem:s22+$0x17100] =	vst v2;
	s22 =	smov.u32 s14  }
0x2a9: {  	v2 =	vld [tilespmem:s26+$0x0]  }
0x2aa: {  	v5 =	vld [tilespmem:s22+$0x5880]  }
0x2ab: {  	v6 =	vld [tilespmem:s22+$0x5780]  }
0x2ac: {  	v7 =	vld [tilespmem:s22+$0x5680]  }
0x2ad: {  	v8 =	vld [tilespmem:s22+$0x5800]  }
0x2ae: {  	v9 =	vld [tilespmem:s22+$0x5600];
	v4 =	vadd.f32 v4, v2;
	v3 =	vadd.f32 v3, v2  }
0x2af: {  	v5 =	vadd.f32 v5, v2  }
0x2b0: {  	[tilespmem:s22+$0x14700] =	vst v4;
	v4 =	vadd.f32 v6, v2  }
0x2b1: {  	v6 =	vadd.f32 v7, v2;
	[tilespmem:s22+$0x14880] =	vst v5  }
0x2b2: {  	v5 =	vadd.f32 v8, v2;
	[tilespmem:s22+$0x14900] =	vst v3  }
0x2b3: {  	s14 =	sand.u32 $0x7, s29;
	v3 =	vadd.f32 v9, v2;
	[tilespmem:s22+$0x14780] =	vst v4  }
0x2b4: {  	s14 =	sshll.u32 s14, $0x4;
	[tilespmem:s22+$0x14800] =	vst v5  }
0x2b5: {  	s14 =	sadd.s32 s14, s25;
	[tilespmem:s22+$0x14600] =	vst v3  }
0x2b6: {  	s14 =	sor.u32 $0x380, s14;
	[tilespmem:s22+$0x14680] =	vst v6  }
0x2b7: {  	v3 =	vld [tilespmem:s14+$0x5600]  }
.Ltmp9:
0x2b8: {  	(pc) =	sbr.rel @p0 .LBB2_20-.Ltmp9, $2  }
0x2b9: {  	_ =	sdelay $0x2  }
0x2ba: {  	v3 =	vadd.f32 v3, v2  }
0x2bb: {  	_ = 	snop  }
0x2bc: {  	[tilespmem:s14+$0x14600] =	vst v3  }
0x2bd: {  	v3 =	vld [tilespmem:s22+$0x8180]  }
0x2be: {  	v4 =	vld [tilespmem:s22+$0x7E80]  }
0x2bf: {  	v5 =	vld [tilespmem:s22+$0x7F00]  }
0x2c0: {  	v6 =	vld [tilespmem:s22+$0x7E00]  }
0x2c1: {  	v7 =	vld [tilespmem:s22+$0x7F80]  }
0x2c2: {  	v8 =	vld [tilespmem:s22+$0x8000];
	v3 =	vadd.f32 v3, v2  }
0x2c3: {  	v9 =	vld [tilespmem:s22+$0x8080];
	v4 =	vadd.f32 v4, v2  }
0x2c4: {  	v10 =	vld [tilespmem:s22+$0x8100];
	v5 =	vadd.f32 v5, v2;
	[tilespmem:s22+$0x17180] =	vst v3  }
0x2c5: {  	v3 =	vadd.f32 v6, v2;
	[tilespmem:s22+$0x16E80] =	vst v4  }
0x2c6: {  	[tilespmem:s22+$0x16F00] =	vst v5;
	v4 =	vadd.f32 v7, v2  }
0x2c7: {  	[tilespmem:s22+$0x16E00] =	vst v3;
	v3 =	vadd.f32 v8, v2  }
0x2c8: {  	[tilespmem:s22+$0x16F80] =	vst v4;
	v4 =	vadd.f32 v9, v2  }
0x2c9: {  	v2 =	vadd.f32 v10, v2;
	[tilespmem:s22+$0x17000] =	vst v3  }
0x2ca: {  	[tilespmem:s22+$0x17080] =	vst v4  }
0x2cb: {  	s25 =	simm.s32 $0x0;
	s26 =	rddreg [dreg:$0x16];
	[tilespmem:s22+$0x17100] =	vst v2  }
0x2cc: {  	[hbm4b:s26+s25] =	stream.linear.scatter [tilespmem:s12], [sflag:$0x5], $0x5000, $0x38;
	[tilespmem:$0x1E600] =	vst v63  }
0x2cd: {  	_ =	swait.ge [sflag:s15], $0x5000  }
0x2ce: {  	[sflag:s15] =	ssyncset.done $0x0  }
0x2cf: {  	[sflag:s15] =	ssyncadd.s32 $0xFFFFB000  }
0x2d0: {  	_ =	swait.ge [sflag:s20], $0x5000  }
0x2d1: {  	s30 =	sand.u32 $0x70, s25;
	s17 =	sand.u32 $0x3C00, s25;
	[sflag:s20] =	ssyncset.done $0x0  }
0x2d2: {  	s22 =	sor.u32 s30, s17;
	[sflag:s20] =	ssyncadd.s32 $0xFFFFB000  }
0x2d3: {  	s26 =	simm.s32 $0x100;
	v3 =	vld [tilespmem:s22+$0xA700]  }
0x2d4: {  	v2 =	vld [tilespmem:s26+$0x0]  }
0x2d5: {  	v4 =	vld [tilespmem:s22+$0xA880]  }
0x2d6: {  	v5 =	vld [tilespmem:s22+$0xA900]  }
0x2d7: {  	v60 =	vld [tilespmem:s22+$0xA780]  }
0x2d8: {  	v61 =	vld [tilespmem:s22+$0xA800]  }
0x2d9: {  	v62 =	vld [tilespmem:s22+$0xA600];
	v3 =	vadd.f32 v3, v2  }
0x2da: {  	v63 =	vld [tilespmem:s22+$0xA680];
	v4 =	vadd.f32 v4, v2  }
0x2db: {  	v5 =	vadd.f32 v5, v2;
	[tilespmem:s22+$0x19700] =	vst v3  }
0x2dc: {  	v3 =	vadd.f32 v60, v2;
	[tilespmem:s22+$0x19880] =	vst v4  }
0x2dd: {  	v4 =	vadd.f32 v61, v2;
	[tilespmem:s22+$0x19900] =	vst v5  }
0x2de: {  	s31 =	sand.u32 $0x7, s25;
	v5 =	vadd.f32 v62, v2;
	[tilespmem:s22+$0x19780] =	vst v3  }
0x2df: {  	s14 =	sshll.u32 s31, $0x4;
	v3 =	vadd.f32 v63, v2;
	[tilespmem:s22+$0x19800] =	vst v4  }
0x2e0: {  	s14 =	sadd.s32 $0x0, s14;
	[tilespmem:s22+$0x19600] =	vst v5  }
0x2e1: {  	s14 =	sor.u32 $0x380, s14;
	[tilespmem:s22+$0x19680] =	vst v3  }
0x2e2: {  	v3 =	vld [tilespmem:s14+$0xA600];
	_ =	sdelay $0x4  }
0x2e3: {  	s28 =	simm.s32 $0x10;
	s29 =	simm.s32 $0x0;
	v3 =	vadd.f32 v3, v2  }
.LBB2_22:
0x2e4: {  	_ = 	snop  }
0x2e5: {  	s25 =	sadd.s32 $0x80, s25;
	s29 =	sadd.s32 $0x1, s29;
	s26 =	sadd.s32 $0x10, s26;
	[tilespmem:s14+$0x19600] =	vst v3  }
0x2e6: {  	p0 =	sne.s32 s28, $0x4F0;
	s14 =	smov.u32 s28;
	s28 =	sadd.s32 $0x10, s28;
	v3 =	vld [tilespmem:s22+$0xD180]  }
0x2e7: {  	v4 =	vld [tilespmem:s22+$0xCE80]  }
0x2e8: {  	v5 =	vld [tilespmem:s22+$0xCF00]  }
0x2e9: {  	v6 =	vld [tilespmem:s22+$0xCE00]  }
0x2ea: {  	v7 =	vld [tilespmem:s22+$0xCF80]  }
0x2eb: {  	v8 =	vld [tilespmem:s22+$0xD000];
	v3 =	vadd.f32 v3, v2  }
0x2ec: {  	v4 =	vadd.f32 v4, v2;
	v9 =	vld [tilespmem:s22+$0xD080]  }
0x2ed: {  	v5 =	vadd.f32 v5, v2;
	v10 =	vld [tilespmem:s22+$0xD100];
	[tilespmem:s22+$0x1C180] =	vst v3  }
0x2ee: {  	v3 =	vadd.f32 v6, v2;
	[tilespmem:s22+$0x1BE80] =	vst v4  }
0x2ef: {  	[tilespmem:s22+$0x1BF00] =	vst v5;
	v4 =	vadd.f32 v7, v2  }
0x2f0: {  	[tilespmem:s22+$0x1BE00] =	vst v3;
	v3 =	vadd.f32 v8, v2  }
0x2f1: {  	s17 =	sand.u32 $0x3C00, s25;
	s14 =	sand.u32 $0x70, s14;
	[tilespmem:s22+$0x1BF80] =	vst v4;
	v4 =	vadd.f32 v9, v2  }
0x2f2: {  	s14 =	sor.u32 s14, s17;
	[tilespmem:s22+$0x1C000] =	vst v3;
	v2 =	vadd.f32 v10, v2  }
0x2f3: {  	v3 =	vld [tilespmem:s14+$0xA900];
	[tilespmem:s22+$0x1C080] =	vst v4  }
0x2f4: {  	v4 =	vld [tilespmem:s14+$0xA700];
	[tilespmem:s22+$0x1C100] =	vst v2;
	s22 =	smov.u32 s14  }
0x2f5: {  	v2 =	vld [tilespmem:s26+$0x0]  }
0x2f6: {  	v5 =	vld [tilespmem:s22+$0xA880]  }
0x2f7: {  	v6 =	vld [tilespmem:s22+$0xA780]  }
0x2f8: {  	v7 =	vld [tilespmem:s22+$0xA680]  }
0x2f9: {  	v8 =	vld [tilespmem:s22+$0xA800]  }
0x2fa: {  	v9 =	vld [tilespmem:s22+$0xA600];
	v4 =	vadd.f32 v4, v2;
	v3 =	vadd.f32 v3, v2  }
0x2fb: {  	v5 =	vadd.f32 v5, v2  }
0x2fc: {  	[tilespmem:s22+$0x19700] =	vst v4;
	v4 =	vadd.f32 v6, v2  }
0x2fd: {  	v6 =	vadd.f32 v7, v2;
	[tilespmem:s22+$0x19880] =	vst v5  }
0x2fe: {  	v5 =	vadd.f32 v8, v2;
	[tilespmem:s22+$0x19900] =	vst v3  }
0x2ff: {  	s14 =	sand.u32 $0x7, s29;
	v3 =	vadd.f32 v9, v2;
	[tilespmem:s22+$0x19780] =	vst v4  }
0x300: {  	s14 =	sshll.u32 s14, $0x4;
	[tilespmem:s22+$0x19800] =	vst v5  }
0x301: {  	s14 =	sadd.s32 s14, s25;
	[tilespmem:s22+$0x19600] =	vst v3  }
0x302: {  	s14 =	sor.u32 $0x380, s14;
	[tilespmem:s22+$0x19680] =	vst v6  }
0x303: {  	v3 =	vld [tilespmem:s14+$0xA600]  }
.Ltmp10:
0x304: {  	(pc) =	sbr.rel @p0 .LBB2_22-.Ltmp10, $2  }
0x305: {  	_ =	sdelay $0x2  }
0x306: {  	v3 =	vadd.f32 v3, v2  }
0x307: {  	_ = 	snop  }
0x308: {  	[tilespmem:s14+$0x19600] =	vst v3  }
0x309: {  	v3 =	vld [tilespmem:s22+$0xD180]  }
0x30a: {  	v4 =	vld [tilespmem:s22+$0xCE80]  }
0x30b: {  	v5 =	vld [tilespmem:s22+$0xCF00]  }
0x30c: {  	v6 =	vld [tilespmem:s22+$0xCE00]  }
0x30d: {  	v7 =	vld [tilespmem:s22+$0xCF80]  }
0x30e: {  	v8 =	vld [tilespmem:s22+$0xD000];
	v3 =	vadd.f32 v3, v2  }
0x30f: {  	v9 =	vld [tilespmem:s22+$0xD080];
	v4 =	vadd.f32 v4, v2  }
0x310: {  	v10 =	vld [tilespmem:s22+$0xD100];
	v5 =	vadd.f32 v5, v2;
	[tilespmem:s22+$0x1C180] =	vst v3  }
0x311: {  	v3 =	vadd.f32 v6, v2;
	[tilespmem:s22+$0x1BE80] =	vst v4  }
0x312: {  	[tilespmem:s22+$0x1BF00] =	vst v5;
	v4 =	vadd.f32 v7, v2  }
0x313: {  	[tilespmem:s22+$0x1BE00] =	vst v3;
	v3 =	vadd.f32 v8, v2  }
0x314: {  	[tilespmem:s22+$0x1BF80] =	vst v4;
	v4 =	vadd.f32 v9, v2  }
0x315: {  	v2 =	vadd.f32 v10, v2;
	[tilespmem:s22+$0x1C000] =	vst v3  }
0x316: {  	[tilespmem:s22+$0x1C080] =	vst v4  }
0x317: {  	s25 =	simm.s32 $0x0;
	s26 =	rddreg [dreg:$0x17];
	[tilespmem:s22+$0x1C100] =	vst v2  }
0x318: {  	[hbm4b:s26+s25] =	stream.linear.scatter [tilespmem:s16], [sflag:$0x6], $0x5000, $0x38;
	[tilespmem:$0x1E600] =	vst v63  }
0x319: {  	_ =	swait.ge [sflag:s9], $0x5000  }
0x31a: {  	[sflag:s9] =	ssyncset.done $0x0  }
0x31b: {  	[sflag:s9] =	ssyncadd.s32 $0xFFFFB000  }
0x31c: {  	_ =	swait.ge [sflag:s18], $0x5000  }
0x31d: {  	s30 =	sand.u32 $0x70, s25;
	s17 =	sand.u32 $0x3C00, s25;
	[sflag:s18] =	ssyncset.done $0x0  }
0x31e: {  	s22 =	sor.u32 s30, s17;
	[sflag:s18] =	ssyncadd.s32 $0xFFFFB000  }
0x31f: {  	s26 =	simm.s32 $0x100;
	v3 =	vld [tilespmem:s22+$0x700]  }
0x320: {  	v2 =	vld [tilespmem:s26+$0x0]  }
0x321: {  	v4 =	vld [tilespmem:s22+$0x880]  }
0x322: {  	v5 =	vld [tilespmem:s22+$0x900]  }
0x323: {  	v60 =	vld [tilespmem:s22+$0x780]  }
0x324: {  	v61 =	vld [tilespmem:s22+$0x800]  }
0x325: {  	v62 =	vld [tilespmem:s22+$0x600];
	v3 =	vadd.f32 v3, v2  }
0x326: {  	v63 =	vld [tilespmem:s22+$0x680];
	v4 =	vadd.f32 v4, v2  }
0x327: {  	v5 =	vadd.f32 v5, v2;
	[tilespmem:s22+$0xF700] =	vst v3  }
0x328: {  	v3 =	vadd.f32 v60, v2;
	[tilespmem:s22+$0xF880] =	vst v4  }
0x329: {  	v4 =	vadd.f32 v61, v2;
	[tilespmem:s22+$0xF900] =	vst v5  }
0x32a: {  	s31 =	sand.u32 $0x7, s25;
	v5 =	vadd.f32 v62, v2;
	[tilespmem:s22+$0xF780] =	vst v3  }
0x32b: {  	s14 =	sshll.u32 s31, $0x4;
	v3 =	vadd.f32 v63, v2;
	[tilespmem:s22+$0xF800] =	vst v4  }
0x32c: {  	s14 =	sadd.s32 $0x0, s14;
	[tilespmem:s22+$0xF600] =	vst v5  }
0x32d: {  	s14 =	sor.u32 $0x380, s14;
	[tilespmem:s22+$0xF680] =	vst v3  }
0x32e: {  	v3 =	vld [tilespmem:s14+$0x600];
	_ =	sdelay $0x4  }
0x32f: {  	s28 =	simm.s32 $0x10;
	s29 =	simm.s32 $0x0;
	v3 =	vadd.f32 v3, v2  }
.LBB2_24:
0x330: {  	_ = 	snop  }
0x331: {  	s25 =	sadd.s32 $0x80, s25;
	s29 =	sadd.s32 $0x1, s29;
	s26 =	sadd.s32 $0x10, s26;
	[tilespmem:s14+$0xF600] =	vst v3  }
0x332: {  	p0 =	sne.s32 s28, $0x4F0;
	s14 =	smov.u32 s28;
	s28 =	sadd.s32 $0x10, s28;
	v3 =	vld [tilespmem:s22+$0x3180]  }
0x333: {  	v4 =	vld [tilespmem:s22+$0x2E80]  }
0x334: {  	v5 =	vld [tilespmem:s22+$0x2F00]  }
0x335: {  	v6 =	vld [tilespmem:s22+$0x2E00]  }
0x336: {  	v7 =	vld [tilespmem:s22+$0x2F80]  }
0x337: {  	v8 =	vld [tilespmem:s22+$0x3000];
	v3 =	vadd.f32 v3, v2  }
0x338: {  	v4 =	vadd.f32 v4, v2;
	v9 =	vld [tilespmem:s22+$0x3080]  }
0x339: {  	v5 =	vadd.f32 v5, v2;
	v10 =	vld [tilespmem:s22+$0x3100];
	[tilespmem:s22+$0x12180] =	vst v3  }
0x33a: {  	v3 =	vadd.f32 v6, v2;
	[tilespmem:s22+$0x11E80] =	vst v4  }
0x33b: {  	[tilespmem:s22+$0x11F00] =	vst v5;
	v4 =	vadd.f32 v7, v2  }
0x33c: {  	[tilespmem:s22+$0x11E00] =	vst v3;
	v3 =	vadd.f32 v8, v2  }
0x33d: {  	s17 =	sand.u32 $0x3C00, s25;
	s14 =	sand.u32 $0x70, s14;
	[tilespmem:s22+$0x11F80] =	vst v4;
	v4 =	vadd.f32 v9, v2  }
0x33e: {  	s14 =	sor.u32 s14, s17;
	[tilespmem:s22+$0x12000] =	vst v3;
	v2 =	vadd.f32 v10, v2  }
0x33f: {  	v3 =	vld [tilespmem:s14+$0x900];
	[tilespmem:s22+$0x12080] =	vst v4  }
0x340: {  	v4 =	vld [tilespmem:s14+$0x700];
	[tilespmem:s22+$0x12100] =	vst v2;
	s22 =	smov.u32 s14  }
0x341: {  	v2 =	vld [tilespmem:s26+$0x0]  }
0x342: {  	v5 =	vld [tilespmem:s22+$0x880]  }
0x343: {  	v6 =	vld [tilespmem:s22+$0x780]  }
0x344: {  	v7 =	vld [tilespmem:s22+$0x680]  }
0x345: {  	v8 =	vld [tilespmem:s22+$0x800]  }
0x346: {  	v9 =	vld [tilespmem:s22+$0x600];
	v4 =	vadd.f32 v4, v2;
	v3 =	vadd.f32 v3, v2  }
0x347: {  	v5 =	vadd.f32 v5, v2  }
0x348: {  	[tilespmem:s22+$0xF700] =	vst v4;
	v4 =	vadd.f32 v6, v2  }
0x349: {  	v6 =	vadd.f32 v7, v2;
	[tilespmem:s22+$0xF880] =	vst v5  }
0x34a: {  	v5 =	vadd.f32 v8, v2;
	[tilespmem:s22+$0xF900] =	vst v3  }
0x34b: {  	s14 =	sand.u32 $0x7, s29;
	v3 =	vadd.f32 v9, v2;
	[tilespmem:s22+$0xF780] =	vst v4  }
0x34c: {  	s14 =	sshll.u32 s14, $0x4;
	[tilespmem:s22+$0xF800] =	vst v5  }
0x34d: {  	s14 =	sadd.s32 s14, s25;
	[tilespmem:s22+$0xF600] =	vst v3  }
0x34e: {  	s14 =	sor.u32 $0x380, s14;
	[tilespmem:s22+$0xF680] =	vst v6  }
0x34f: {  	v3 =	vld [tilespmem:s14+$0x600]  }
.Ltmp11:
0x350: {  	(pc) =	sbr.rel @p0 .LBB2_24-.Ltmp11, $2  }
0x351: {  	_ =	sdelay $0x2  }
0x352: {  	v3 =	vadd.f32 v3, v2  }
0x353: {  	_ = 	snop  }
0x354: {  	[tilespmem:s14+$0xF600] =	vst v3  }
0x355: {  	v3 =	vld [tilespmem:s22+$0x3180]  }
0x356: {  	v4 =	vld [tilespmem:s22+$0x2E80]  }
0x357: {  	v5 =	vld [tilespmem:s22+$0x2F00]  }
0x358: {  	v7 =	vld [tilespmem:s22+$0x2F80]  }
0x359: {  	v6 =	vld [tilespmem:s22+$0x2E00]  }
0x35a: {  	v9 =	vld [tilespmem:s22+$0x3080];
	v3 =	vadd.f32 v3, v2  }
0x35b: {  	v8 =	vld [tilespmem:s22+$0x3000];
	v4 =	vadd.f32 v4, v2  }
0x35c: {  	v10 =	vld [tilespmem:s22+$0x3100];
	v5 =	vadd.f32 v5, v2;
	[tilespmem:s22+$0x12180] =	vst v3  }
0x35d: {  	v62 =	vadd.f32 v7, v2;
	[tilespmem:s22+$0x11E80] =	vst v4  }
0x35e: {  	v3 =	vadd.f32 v6, v2;
	[tilespmem:s22+$0x11F00] =	vst v5  }
0x35f: {  	v63 =	vadd.f32 v9, v2;
	[tilespmem:s22+$0x11F80] =	vst v62  }
0x360: {  	[tilespmem:s22+$0x11E00] =	vst v3;
	v3 =	vadd.f32 v8, v2  }
0x361: {  	[tilespmem:s22+$0x12080] =	vst v63;
	v2 =	vadd.f32 v10, v2  }
0x362: {  	[tilespmem:s22+$0x12000] =	vst v3  }
0x363: {  	s17 =	rddreg [dreg:$0x11];
	s14 =	simm.s32 $0x0;
	[tilespmem:s22+$0x12100] =	vst v2  }
0x364: {  	[hbm4b:s17+s14] =	stream.linear.scatter [tilespmem:s1], [sflag:$0x4], $0x5000, $0x38;
	[tilespmem:$0x1E600] =	vst v63  }
0x365: {  	_ =	swait.ge [sflag:s19], $0x5000  }
0x366: {  	[sflag:s19] =	ssyncset.done $0x0  }
0x367: {  	[sflag:s19] =	ssyncadd.s32 $0xFFFFB000  }
0x368: {  	_ =	swait.ge [sflag:s20], $0x5000  }
0x369: {  	[sflag:s20] =	ssyncset.done $0x0  }
0x36a: {  	[sflag:s20] =	ssyncadd.s32 $0xFFFFB000  }
0x36b: {  	_ =	swait.ge [sflag:s18], $0x5000  }
0x36c: {  	[sflag:s18] =	ssyncset.done $0x0  }
0x36d: {  	[sflag:s18] =	ssyncadd.s32 $0xFFFFB000  }
0x36e: {  	[tilespmem:s7], [sflag:$0x8] =	stream.linear.gather [hbm4b:s23+s14], $0x80, $0x38;
	[tilespmem:$0x1E600] =	vst v63  }
0x36f: {  	s26 =	sadd.s32 $0x80, s23;
	s29 =	simm.s32 $0x5A00  }
0x370: {  	[tilespmem:s29], [sflag:$0x8] =	stream.linear.gather [hbm4b:s26+s14], $0x80, $0x38;
	[tilespmem:$0x1E600] =	vst v63  }
0x371: {  	s30 =	sadd.s32 $0x100, s23;
	s31 =	simm.s32 $0x5E00  }
0x372: {  	[tilespmem:s31], [sflag:$0x8] =	stream.linear.gather [hbm4b:s30+s14], $0x80, $0x38;
	[tilespmem:$0x1E600] =	vst v63  }
0x373: {  	s25 =	simm.s32 $0x6200;
	s22 =	sadd.s32 $0x180, s23  }
0x374: {  	[tilespmem:s25], [sflag:$0x8] =	stream.linear.gather [hbm4b:s22+s14], $0x80, $0x38;
	[tilespmem:$0x1E600] =	vst v63  }
0x375: {  	s26 =	sadd.s32 $0x200, s23;
	s29 =	simm.s32 $0x6600  }
0x376: {  	[tilespmem:s29], [sflag:$0x8] =	stream.linear.gather [hbm4b:s26+s14], $0x80, $0x38;
	[tilespmem:$0x1E600] =	vst v63  }
0x377: {  	s30 =	sadd.s32 $0x280, s23;
	s31 =	simm.s32 $0x6A00  }
0x378: {  	[tilespmem:s31], [sflag:$0x8] =	stream.linear.gather [hbm4b:s30+s14], $0x80, $0x38;
	[tilespmem:$0x1E600] =	vst v63  }
0x379: {  	s22 =	sadd.s32 $0x300, s23;
	s25 =	simm.s32 $0x6E00  }
0x37a: {  	[tilespmem:s25], [sflag:$0x8] =	stream.linear.gather [hbm4b:s22+s14], $0x80, $0x38;
	[tilespmem:$0x1E600] =	vst v63  }
0x37b: {  	s26 =	sadd.s32 $0x380, s23;
	s29 =	simm.s32 $0x7200  }
0x37c: {  	[tilespmem:s29], [sflag:$0x8] =	stream.linear.gather [hbm4b:s26+s14], $0x80, $0x38;
	[tilespmem:$0x1E600] =	vst v63  }
0x37d: {  	s30 =	sadd.s32 $0x400, s23;
	s31 =	simm.s32 $0x7600  }
0x37e: {  	[tilespmem:s31], [sflag:$0x8] =	stream.linear.gather [hbm4b:s30+s14], $0x80, $0x38;
	[tilespmem:$0x1E600] =	vst v63  }
0x37f: {  	s25 =	sadd.s32 $0x480, s23;
	s26 =	simm.s32 $0x7A00  }
0x380: {  	[tilespmem:s26], [sflag:$0x8] =	stream.linear.gather [hbm4b:s25+s14], $0x80, $0x38;
	[tilespmem:$0x1E600] =	vst v63  }
0x381: {  	_ =	swait.ge [sflag:s0], $0x500  }
0x382: {  	s29 =	sand.u32 $0x70, s14;
	s14 =	sand.u32 $0x3C00, s14;
	[sflag:s0] =	ssyncset.done $0x0  }
0x383: {  	s25 =	sor.u32 s29, s14;
	[sflag:s0] =	ssyncadd.s32 $0xFFFFFB00  }
0x384: {  	s22 =	simm.s32 $0x100;
	v2 =	vld [tilespmem:s25+$0x5600]  }
0x385: {  	v3 =	vld [tilespmem:s22+$0x0];
	_ =	sdelay $0x3  }
0x386: {  	s30 =	simm.s32 $0x10;
	s26 =	simm.s32 $0x80  }
0x387: {  	s14 =	sand.u32 $0x70, s30;
	s31 =	sand.u32 $0x3C00, s26;
	v2 =	vadd.f32 v2, v3  }
0x388: {  	s28 =	simm.s32 $0x20;
	s14 =	sor.u32 s14, s31  }
.LBB2_26:
0x389: {  	p0 =	sne.s32 s28, $0x4F0;
	v3 =	vld [tilespmem:s14+$0x5600];
	[tilespmem:s25+$0x14600] =	vst v2;
	s22 =	sadd.s32 $0x10, s22;
	s25 =	smov.u32 s14  }
0x38a: {  	v2 =	vld [tilespmem:s22+$0x0];
	_ =	sdelay $0x1  }
.Ltmp12:
0x38b: {  	(pc) =	sbr.rel @p0 .LBB2_26-.Ltmp12, $4  }
0x38c: {  	_ = 	snop  }
0x38d: {  	s26 =	sadd.s32 $0x80, s26  }
0x38e: {  	s14 =	sand.u32 $0x70, s28;
	s17 =	sand.u32 $0x3C00, s26;
	v2 =	vadd.f32 v3, v2  }
0x38f: {  	s28 =	sadd.s32 $0x10, s28;
	s14 =	sor.u32 s14, s17  }
0x390: {  	v3 =	vld [tilespmem:s14+$0x5600];
	[tilespmem:s25+$0x14600] =	vst v2;
	s17 =	sadd.s32 $0x10, s22  }
0x391: {  	v2 =	vld [tilespmem:s17+$0x0];
	_ =	sdelay $0x4  }
0x392: {  	v2 =	vadd.f32 v3, v2;
	_ =	sdelay $0x1  }
0x393: {  	[tilespmem:s14+$0x14600] =	vst v2  }
0x394: {  	[hbm4b:s24+s3] =	stream.linear.scatter [tilespmem:s12], [sflag:$0x8], $0x80, $0x38;
	[tilespmem:$0x1E600] =	vst v63  }
0x395: {  	s28 =	sadd.s32 $0x80, s24;
	s29 =	simm.s32 $0x14A00  }
0x396: {  	[hbm4b:s28+s3] =	stream.linear.scatter [tilespmem:s29], [sflag:$0x8], $0x80, $0x38;
	[tilespmem:$0x1E600] =	vst v63  }
0x397: {  	s30 =	sadd.s32 $0x100, s24;
	s31 =	simm.s32 $0x14E00  }
0x398: {  	[hbm4b:s30+s3] =	stream.linear.scatter [tilespmem:s31], [sflag:$0x8], $0x80, $0x38;
	[tilespmem:$0x1E600] =	vst v63  }
0x399: {  	s22 =	simm.s32 $0x15200;
	s17 =	sadd.s32 $0x180, s24  }
0x39a: {  	[hbm4b:s17+s3] =	stream.linear.scatter [tilespmem:s22], [sflag:$0x8], $0x80, $0x38;
	[tilespmem:$0x1E600] =	vst v63  }
0x39b: {  	s25 =	sadd.s32 $0x200, s24;
	s26 =	simm.s32 $0x15600  }
0x39c: {  	[hbm4b:s25+s3] =	stream.linear.scatter [tilespmem:s26], [sflag:$0x8], $0x80, $0x38;
	[tilespmem:$0x1E600] =	vst v63  }
0x39d: {  	s28 =	sadd.s32 $0x280, s24;
	s29 =	simm.s32 $0x15A00  }
0x39e: {  	[hbm4b:s28+s3] =	stream.linear.scatter [tilespmem:s29], [sflag:$0x8], $0x80, $0x38;
	[tilespmem:$0x1E600] =	vst v63  }
0x39f: {  	s30 =	sadd.s32 $0x300, s24;
	s31 =	simm.s32 $0x15E00  }
0x3a0: {  	[hbm4b:s30+s3] =	stream.linear.scatter [tilespmem:s31], [sflag:$0x8], $0x80, $0x38;
	[tilespmem:$0x1E600] =	vst v63  }
0x3a1: {  	s22 =	sadd.s32 $0x380, s24;
	s25 =	simm.s32 $0x16200  }
0x3a2: {  	[hbm4b:s22+s3] =	stream.linear.scatter [tilespmem:s25], [sflag:$0x8], $0x80, $0x38;
	[tilespmem:$0x1E600] =	vst v63  }
0x3a3: {  	s26 =	sadd.s32 $0x400, s24;
	s28 =	simm.s32 $0x16600  }
0x3a4: {  	[hbm4b:s26+s3] =	stream.linear.scatter [tilespmem:s28], [sflag:$0x8], $0x80, $0x38;
	[tilespmem:$0x1E600] =	vst v63  }
0x3a5: {  	s29 =	sadd.s32 $0x480, s24;
	s30 =	simm.s32 $0x16A00  }
0x3a6: {  	[hbm4b:s29+s3] =	stream.linear.scatter [tilespmem:s30], [sflag:$0x8], $0x80, $0x38;
	[tilespmem:$0x1E600] =	vst v63  }
0x3a7: {  	_ =	swait.ge [sflag:s0], $0x500  }
0x3a8: {  	s21 =	sadd.s32 $0x1, s21;
	s31 =	rddreg [dreg:$0x12]  }
0x3a9: {  	p0 =	sne.s32 s21, s31  }
.Ltmp13:
0x3aa: {  	_ = 	snop;
	(pc) =	sbr.rel @p0 .LBB2_1-.Ltmp13, $3  }
0x3ab: {  	_ =	sdelay $0x1  }
0x3ac: {  	[sflag:s0] =	ssyncset.done $0x0  }
0x3ad: {  	[sflag:s0] =	ssyncadd.s32 $0xFFFFFB00  }
0x3ae: {  	_ =	sfence.sel $0x180000  }
0x3af: {  	[bflag:$0x0] =	sbarrier.arrive $0xFFFF  }
0x3b0: {  	_ =	strace $0x90000047  }
0x3b1: {  	s0 =	stileid.u32;
	[bflag:$0x2] =	sbarrier.arrive $0xFFFF  }
0x3b2: {  	p0 =	sne.s32 s0, $0x0;
	s0 =	rddreg [dreg:$0x2]  }
0x3b3: {  	s0 =	sadd.s32 @!p0 $0x100000, s0  }
0x3b4: {  	[sflag:s0] =	ssyncadd.tile.s32 @!p0 $0x1;
	_ =	shalt  }
.Lfunc_end2:
_tile_overlayer_lowered:
.L_overlay_start_2:
0x3b5: {  	(tag) =	ssettag $0x2  }
0x3b6: {  	s0 =	rddreg [dreg:$0x0];
	s2 =	stileid.u32  }
0x3b7: {  	s1 =	rddreg [dreg:$0x1];
	p0 =	sne.s32 s2, $0x0  }
0x3b8: {  	s3 =	rddreg [dreg:$0x2];
	[bflag:$0x3] =	sbarrier.arrive $0xFFFF;
	s2 =	simm.s32 @!p0 $0x1C08  }
0x3b9: {  	[timem:s3], [sflag:s2] =	dma.local @!p0 [hbm:s0], s1  }
0x3ba: {  	s0 =	simm.s32 @!p0 $0x8  }
0x3bb: {  	_ =	swait.ge @!p0 [sflag:s0], s1  }
0x3bc: {  	s1 =	ssub.s32 @!p0 $0x0, s1;
	[sflag:s0] =	ssyncset.done @!p0 $0x0  }
0x3bd: {  	[sflag:s0] =	ssyncadd.s32 @!p0 s1  }
0x3be: {  	[bflag:$0x3] =	sbarrier.arrive $0xFFFF  }
0x3bf: {  	_ =	shalt  }

</sc_bundles>
